<compile_context>
chip_gen: v7x
topology: tpu7x:2x2x1
jax: 0.10.2.dev20260603
libtpu: 0.0.44.dev20260713+nightly
codegen_flags: <defaults>
</compile_context>

<pallas_src>
import jax
import jax.numpy as jnp
from jax import lax
from jax.experimental import pallas as pl
from jax.experimental.pallas import tpu as pltpu
from jax.experimental.pallas import tpu_sc as plsc

B, S, C = 4, 4096, 2048
NC, NS, L = 2, 16, 16
NW = NC * NS
C_PER_W = C // (NW // B)
NGRP = C_PER_W // L
S_CHUNK = 64
N_CHUNK = S // S_CHUNK
NBUF = 4
PREF = 1
NGROUPS = N_CHUNK // NBUF


def _body(x_hbm, out_hbm, buf, *sems):
    load_sems, store_sems = sems[:NBUF], sems[NBUF:]
    cid = lax.axis_index("c")
    sid = lax.axis_index("s")
    wid = sid * NC + cid
    b = wid // (NW // B)
    c0 = (wid % (NW // B)) * C_PER_W

    def in_copy(k, i):
        return pltpu.make_async_copy(
            x_hbm.at[b, pl.ds(k * S_CHUNK, S_CHUNK), pl.ds(c0, C_PER_W)],
            buf.at[i], load_sems[i])

    def out_copy(k, i):
        return pltpu.make_async_copy(
            buf.at[i],
            out_hbm.at[b, pl.ds(k * S_CHUNK, S_CHUNK), pl.ds(c0, C_PER_W)],
            store_sems[i])

    def compute(i, accs):
        def row_body(s, accs):
            new = []
            for j in range(NGRP):
                v = accs[j] + buf[i, s, pl.ds(j * L, L)]
                buf[i, s, pl.ds(j * L, L)] = v
                new.append(v)
            return tuple(new)
        return lax.fori_loop(0, S_CHUNK, row_body, accs, unroll=False)

    def chunk(k, i, accs, *, wait_store, prefetch):
        ip = (i + PREF) % NBUF
        if wait_store:
            out_copy(k + PREF - NBUF, ip).wait()
        if prefetch:
            in_copy(k + PREF, ip).start()
        in_copy(k, i).wait()
        accs = compute(i, accs)
        out_copy(k, i).start()
        return accs

    zero = jnp.zeros((L,), jnp.float32)
    accs = (zero,) * NGRP

    for k in range(PREF):
        in_copy(k, k % NBUF).start()
    for i in range(NBUF):
        accs = chunk(i, i, accs,
                     wait_store=(i >= NBUF - PREF), prefetch=True)

    def group(g, accs):
        for i in range(NBUF):
            k = g * NBUF + i
            accs = chunk(k, i, accs, wait_store=True, prefetch=True)
        return accs

    accs = lax.fori_loop(1, NGROUPS - 1, group, accs, unroll=False)

    for i in range(NBUF):
        k = (NGROUPS - 1) * NBUF + i
        accs = chunk(k, i, accs,
                     wait_store=True, prefetch=(k + PREF < N_CHUNK))

    for k in range(N_CHUNK - NBUF + PREF, N_CHUNK):
        out_copy(k, k % NBUF).wait()


@jax.jit
def kernel(x):
    mesh = plsc.VectorSubcoreMesh(
        core_axis_name="c", subcore_axis_name="s",
        num_cores=NC, num_subcores=NS)
    f = pl.kernel(
        _body,
        out_type=jax.ShapeDtypeStruct((B, S, C), jnp.float32),
        mesh=mesh,
        scratch_types=(
            [pltpu.VMEM((NBUF, S_CHUNK, C_PER_W), jnp.float32)]
            + [pltpu.SemaphoreType.DMA] * (2 * NBUF)
        ),
    )
    return f(x)

# --- scband reference (transcript-rebuilt; emitter-appended) ---
"""Pipeline reference for scband-model-new-4810363371722 (READ-ONLY COPY).

The authoritative reference and input builder live on the scoring server;
editing this copy changes nothing except your own understanding.
"""

import jax, jax.numpy as jnp
import numpy as np

DIM = 1

def setup_inputs(seed: int = 0) -> dict:
    key = jax.random.key(seed)
    x = jax.random.normal(key, (4, 4096, 2048), dtype=jnp.float32)
    return {"x": x}

def reference(x):
    # Inclusive scan (cumulative sum) along dim=1, matching the CUDA kernel's semantics
    return jnp.cumsum(x, axis=DIM)

if __name__ == "__main__":
    import jax
    _d = setup_inputs()
    print(jax.jit(kernel)(*tuple(_d.values())))

</pallas_src>

<mosaic_0001>
#map = affine_map<(d0, d1) -> (0, 0, 0)>
module attributes {stable_mosaic.version = 14 : i64} {
  func.func @_body(%arg0: i32, %arg1: i32, %arg2: memref<4x4096x2048xf32, #tpu.memory_space<hbm>>, %arg3: memref<4x4096x2048xf32, #tpu.memory_space<hbm>>, %arg4: memref<4x64x256xf32, #tpu.memory_space<vmem>>, %arg5: memref<!tpu.dma_semaphore, #tpu.memory_space<semaphore_mem>>, %arg6: memref<!tpu.dma_semaphore, #tpu.memory_space<semaphore_mem>>, %arg7: memref<!tpu.dma_semaphore, #tpu.memory_space<semaphore_mem>>, %arg8: memref<!tpu.dma_semaphore, #tpu.memory_space<semaphore_mem>>, %arg9: memref<!tpu.dma_semaphore, #tpu.memory_space<semaphore_mem>>, %arg10: memref<!tpu.dma_semaphore, #tpu.memory_space<semaphore_mem>>, %arg11: memref<!tpu.dma_semaphore, #tpu.memory_space<semaphore_mem>>, %arg12: memref<!tpu.dma_semaphore, #tpu.memory_space<semaphore_mem>>) attributes {dimension_semantics = [#tpu.dimension_semantics<core_parallel>, #tpu.dimension_semantics<subcore_parallel>], iteration_bounds = array<i64: 2, 16>, scalar_prefetch = 0 : i64, scratch_operands = 9 : i64, tpu.core_type = #tpu.core_type<sc_vector_subcore>, window_params = [{transform_indices = #map}, {transform_indices = #map}]} {
    %mul3A = arith.constant 2 : i32
    %mul3A_0 = arith.muli %arg1, %mul3A : i32
    %add3A = arith.addi %mul3A_0, %arg0 : i32
    %jit3A = arith.constant 8 : i32
    %div3A = arith.divsi %add3A, %jit3A : i32
    %sign3A = arith.constant 0 : i32
    %sign3A_1 = arith.cmpi sgt, %add3A, %sign3A : i32
    %sign3A_2 = arith.extui %sign3A_1 : i1 to i32
    %sign3A_3 = arith.constant 0 : i32
    %sign3A_4 = arith.cmpi slt, %add3A, %sign3A_3 : i32
    %sign3A_5 = arith.extui %sign3A_4 : i1 to i32
    %sign3A_6 = arith.subi %sign3A_2, %sign3A_5 : i32
    %sign3A_7 = arith.constant 0 : i32
    %sign3A_8 = arith.cmpi sgt, %jit3A, %sign3A_7 : i32
    %sign3A_9 = arith.extui %sign3A_8 : i1 to i32
    %sign3A_10 = arith.constant 0 : i32
    %sign3A_11 = arith.cmpi slt, %jit3A, %sign3A_10 : i32
    %sign3A_12 = arith.extui %sign3A_11 : i1 to i32
    %sign3A_13 = arith.subi %sign3A_9, %sign3A_12 : i32
    %ne3A = arith.cmpi ne, %sign3A_6, %sign3A_13 : i32
    %rem3A = arith.remsi %add3A, %jit3A : i32
    %ne3A_14 = arith.constant 0 : i32
    %ne3A_15 = arith.cmpi ne, %rem3A, %ne3A_14 : i32
    %and3A = arith.andi %ne3A, %ne3A_15 : i1
    %sub3A = arith.constant 1 : i32
    %sub3A_16 = arith.subi %div3A, %sub3A : i32
    %select_n3A = arith.select %and3A, %sub3A_16, %div3A : i32
    %jit3A_17 = arith.constant 8 : i32
    %eq3A = arith.constant 0 : i32
    %eq3A_18 = arith.cmpi eq, %jit3A_17, %eq3A : i32
    %jit3A_19 = arith.constant 1 : i32
    %select_n3A_20 = arith.select %eq3A_18, %jit3A_19, %jit3A_17 : i32
    %rem3A_21 = arith.remsi %add3A, %select_n3A_20 : i32
    %ne3A_22 = arith.constant 0 : i32
    %ne3A_23 = arith.cmpi ne, %rem3A_21, %ne3A_22 : i32
    %lt3A = arith.constant 0 : i32
    %lt3A_24 = arith.cmpi slt, %rem3A_21, %lt3A : i32
    %lt3A_25 = arith.constant 0 : i32
    %lt3A_26 = arith.cmpi slt, %select_n3A_20, %lt3A_25 : i32
    %ne3A_27 = arith.xori %lt3A_24, %lt3A_26 : i1
    %and3A_28 = arith.andi %ne3A_27, %ne3A_23 : i1
    %add3A_29 = arith.addi %rem3A_21, %select_n3A_20 : i32
    %select_n3A_30 = arith.select %and3A_28, %add3A_29, %rem3A_21 : i32
    %mul3A_31 = arith.constant 256 : i32
    %mul3A_32 = arith.muli %select_n3A_30, %mul3A_31 : i32
    %broadcast_in_dim3A = arith.constant 0.000000e+00 : f32
    %broadcast_in_dim3A_33 = vector.broadcast %broadcast_in_dim3A : f32 to vector<16xf32>
    %dma_start3A = arith.constant 0 : i32
    %dma_start3A_34 = arith.constant 0 : i32
    %dma_start3A_35 = arith.constant 0 : i32
    %dma_start3A_36 = tpu.memref_slice %arg4[%dma_start3A, %dma_start3A_34, %dma_start3A_35] : memref<4x64x256xf32, #tpu.memory_space<vmem>> -> memref<1x64x256xf32, #tpu.memory_space<vmem>>
    %dma_start3A_37 = tpu.memref_squeeze %dma_start3A_36 : memref<1x64x256xf32, #tpu.memory_space<vmem>> -> memref<64x256xf32, #tpu.memory_space<vmem>>
    %dma_start3A_38 = arith.constant 0 : i32
    %dma_start3A_39 = tpu.memref_slice %arg2[%select_n3A, %dma_start3A_38, %mul3A_32] : memref<4x4096x2048xf32, #tpu.memory_space<hbm>> -> memref<1x64x256xf32, #tpu.memory_space<hbm>>
    %dma_start3A_40 = tpu.memref_squeeze %dma_start3A_39 : memref<1x64x256xf32, #tpu.memory_space<hbm>> -> memref<64x256xf32, #tpu.memory_space<hbm>>
    %dma_start3A_41 = arith.constant 0 : i32
    %dma_start3A_42 = arith.constant 0 : i32
    %dma_start3A_43 = tpu.memref_slice %arg4[%dma_start3A, %dma_start3A_41, %dma_start3A_42] : memref<4x64x256xf32, #tpu.memory_space<vmem>> -> memref<1x64x256xf32, #tpu.memory_space<vmem>>
    %dma_start3A_44 = tpu.memref_squeeze %dma_start3A_43 : memref<1x64x256xf32, #tpu.memory_space<vmem>> -> memref<64x256xf32, #tpu.memory_space<vmem>>
    %dma_start3A_45 = arith.constant 0 : i32
    %dma_start3A_46 = tpu.memref_slice %arg2[%select_n3A, %dma_start3A_45, %mul3A_32] : memref<4x4096x2048xf32, #tpu.memory_space<hbm>> -> memref<1x64x256xf32, #tpu.memory_space<hbm>>
    %dma_start3A_47 = tpu.memref_squeeze %dma_start3A_46 : memref<1x64x256xf32, #tpu.memory_space<hbm>> -> memref<64x256xf32, #tpu.memory_space<hbm>>
    tpu.enqueue_dma source(%dma_start3A_47 : memref<64x256xf32, #tpu.memory_space<hbm>>) target(%dma_start3A_44 : memref<64x256xf32, #tpu.memory_space<vmem>>) target_semaphore(%arg5 : memref<!tpu.dma_semaphore, #tpu.memory_space<semaphore_mem>>)
    %dma_start3A_48 = arith.constant 1 : i32
    %dma_start3A_49 = arith.constant 0 : i32
    %dma_start3A_50 = arith.constant 0 : i32
    %dma_start3A_51 = tpu.memref_slice %arg4[%dma_start3A_48, %dma_start3A_49, %dma_start3A_50] : memref<4x64x256xf32, #tpu.memory_space<vmem>> -> memref<1x64x256xf32, #tpu.memory_space<vmem>>
    %dma_start3A_52 = tpu.memref_squeeze %dma_start3A_51 : memref<1x64x256xf32, #tpu.memory_space<vmem>> -> memref<64x256xf32, #tpu.memory_space<vmem>>
    %dma_start3A_53 = arith.constant 64 : i32
    %dma_start3A_54 = tpu.memref_slice %arg2[%select_n3A, %dma_start3A_53, %mul3A_32] : memref<4x4096x2048xf32, #tpu.memory_space<hbm>> -> memref<1x64x256xf32, #tpu.memory_space<hbm>>
    %dma_start3A_55 = tpu.memref_squeeze %dma_start3A_54 : memref<1x64x256xf32, #tpu.memory_space<hbm>> -> memref<64x256xf32, #tpu.memory_space<hbm>>
    %dma_start3A_56 = arith.constant 0 : i32
    %dma_start3A_57 = arith.constant 0 : i32
    %dma_start3A_58 = tpu.memref_slice %arg4[%dma_start3A_48, %dma_start3A_56, %dma_start3A_57] : memref<4x64x256xf32, #tpu.memory_space<vmem>> -> memref<1x64x256xf32, #tpu.memory_space<vmem>>
    %dma_start3A_59 = tpu.memref_squeeze %dma_start3A_58 : memref<1x64x256xf32, #tpu.memory_space<vmem>> -> memref<64x256xf32, #tpu.memory_space<vmem>>
    %dma_start3A_60 = arith.constant 64 : i32
    %dma_start3A_61 = tpu.memref_slice %arg2[%select_n3A, %dma_start3A_60, %mul3A_32] : memref<4x4096x2048xf32, #tpu.memory_space<hbm>> -> memref<1x64x256xf32, #tpu.memory_space<hbm>>
    %dma_start3A_62 = tpu.memref_squeeze %dma_start3A_61 : memref<1x64x256xf32, #tpu.memory_space<hbm>> -> memref<64x256xf32, #tpu.memory_space<hbm>>
    tpu.enqueue_dma source(%dma_start3A_62 : memref<64x256xf32, #tpu.memory_space<hbm>>) target(%dma_start3A_59 : memref<64x256xf32, #tpu.memory_space<vmem>>) target_semaphore(%arg6 : memref<!tpu.dma_semaphore, #tpu.memory_space<semaphore_mem>>)
    %dma_wait3A = arith.constant 0 : i32
    %dma_wait3A_63 = arith.constant 0 : i32
    %dma_wait3A_64 = arith.constant 0 : i32
    %dma_wait3A_65 = tpu.memref_slice %arg4[%dma_wait3A, %dma_wait3A_63, %dma_wait3A_64] : memref<4x64x256xf32, #tpu.memory_space<vmem>> -> memref<1x64x256xf32, #tpu.memory_space<vmem>>
    %dma_wait3A_66 = tpu.memref_squeeze %dma_wait3A_65 : memref<1x64x256xf32, #tpu.memory_space<vmem>> -> memref<64x256xf32, #tpu.memory_space<vmem>>
    %dma_wait3A_67 = arith.constant 0 : i32
    %dma_wait3A_68 = tpu.memref_slice %arg2[%select_n3A, %dma_wait3A_67, %mul3A_32] : memref<4x4096x2048xf32, #tpu.memory_space<hbm>> -> memref<1x64x256xf32, #tpu.memory_space<hbm>>
    %dma_wait3A_69 = tpu.memref_squeeze %dma_wait3A_68 : memref<1x64x256xf32, #tpu.memory_space<hbm>> -> memref<64x256xf32, #tpu.memory_space<hbm>>
    %dma_wait3A_70 = arith.constant 0 : i32
    %dma_wait3A_71 = arith.constant 0 : i32
    %dma_wait3A_72 = tpu.memref_slice %arg4[%dma_wait3A, %dma_wait3A_70, %dma_wait3A_71] : memref<4x64x256xf32, #tpu.memory_space<vmem>> -> memref<1x64x256xf32, #tpu.memory_space<vmem>>
    %dma_wait3A_73 = tpu.memref_squeeze %dma_wait3A_72 : memref<1x64x256xf32, #tpu.memory_space<vmem>> -> memref<64x256xf32, #tpu.memory_space<vmem>>
    %dma_wait3A_74 = arith.constant 0 : i32
    %dma_wait3A_75 = tpu.memref_slice %arg2[%select_n3A, %dma_wait3A_74, %mul3A_32] : memref<4x4096x2048xf32, #tpu.memory_space<hbm>> -> memref<1x64x256xf32, #tpu.memory_space<hbm>>
    %dma_wait3A_76 = tpu.memref_squeeze %dma_wait3A_75 : memref<1x64x256xf32, #tpu.memory_space<hbm>> -> memref<64x256xf32, #tpu.memory_space<hbm>>
    tpu.wait_dma2 semaphore(%arg5 : memref<!tpu.dma_semaphore, #tpu.memory_space<semaphore_mem>>) src(%dma_wait3A_76 : memref<64x256xf32, #tpu.memory_space<hbm>>) dst(%dma_wait3A_73 : memref<64x256xf32, #tpu.memory_space<vmem>>)
    %scan3A = arith.constant 0 : i32
    %scan3A_77 = arith.constant 64 : i32
    %scan3A_78 = arith.addi %scan3A, %scan3A_77 : i32
    %scan3A_79 = arith.constant 1 : i32
    %scan3A_80:16 = scf.for %scan3A_565 = %scan3A to %scan3A_78 step %scan3A_79 iter_args(%scan3A_566 = %broadcast_in_dim3A_33, %scan3A_567 = %broadcast_in_dim3A_33, %scan3A_568 = %broadcast_in_dim3A_33, %scan3A_569 = %broadcast_in_dim3A_33, %scan3A_570 = %broadcast_in_dim3A_33, %scan3A_571 = %broadcast_in_dim3A_33, %scan3A_572 = %broadcast_in_dim3A_33, %scan3A_573 = %broadcast_in_dim3A_33, %scan3A_574 = %broadcast_in_dim3A_33, %scan3A_575 = %broadcast_in_dim3A_33, %scan3A_576 = %broadcast_in_dim3A_33, %scan3A_577 = %broadcast_in_dim3A_33, %scan3A_578 = %broadcast_in_dim3A_33, %scan3A_579 = %broadcast_in_dim3A_33, %scan3A_580 = %broadcast_in_dim3A_33, %scan3A_581 = %broadcast_in_dim3A_33) -> (vector<16xf32>, vector<16xf32>, vector<16xf32>, vector<16xf32>, vector<16xf32>, vector<16xf32>, vector<16xf32>, vector<16xf32>, vector<16xf32>, vector<16xf32>, vector<16xf32>, vector<16xf32>, vector<16xf32>, vector<16xf32>, vector<16xf32>, vector<16xf32>)  : i32 {
      %get3A = arith.constant 0 : i32
      %get3A_582 = arith.index_cast %get3A : i32 to index
      %get3A_583 = arith.index_cast %scan3A_565 : i32 to index
      %get3A_584 = arith.constant 0 : index
      %get3A_585 = tpu.vector_load %arg4[%get3A_582, %get3A_583, %get3A_584] {strides = array<i32>} : memref<4x64x256xf32, #tpu.memory_space<vmem>>, vector<1x1x16xf32>,
      %get3A_586 = vector.shape_cast %get3A_585 : vector<1x1x16xf32> to vector<16xf32>
      %add3A_587 = arith.addf %scan3A_566, %get3A_586 : vector<16xf32>
      %swap3A = arith.constant 0 : i32
      %swap3A_588 = arith.index_cast %swap3A : i32 to index
      %swap3A_589 = arith.index_cast %scan3A_565 : i32 to index
      %swap3A_590 = arith.constant 0 : index
      %swap3A_591 = tpu.vector_load %arg4[%swap3A_588, %swap3A_589, %swap3A_590] {strides = array<i32>} : memref<4x64x256xf32, #tpu.memory_space<vmem>>, vector<1x1x16xf32>,
      %swap3A_592 = vector.shape_cast %swap3A_591 : vector<1x1x16xf32> to vector<16xf32>
      %swap3A_593 = vector.shape_cast %add3A_587 : vector<16xf32> to vector<1x1x16xf32>
      tpu.vector_store %arg4[%swap3A_588, %swap3A_589, %swap3A_590], %swap3A_593 {strides = array<i32>} : memref<4x64x256xf32, #tpu.memory_space<vmem>>, vector<1x1x16xf32>,
      %get3A_594 = arith.constant 0 : i32
      %get3A_595 = arith.index_cast %get3A_594 : i32 to index
      %get3A_596 = arith.index_cast %scan3A_565 : i32 to index
      %get3A_597 = arith.constant 16 : index
      %get3A_598 = tpu.vector_load %arg4[%get3A_595, %get3A_596, %get3A_597] {strides = array<i32>} : memref<4x64x256xf32, #tpu.memory_space<vmem>>, vector<1x1x16xf32>,
      %get3A_599 = vector.shape_cast %get3A_598 : vector<1x1x16xf32> to vector<16xf32>
      %add3A_600 = arith.addf %scan3A_567, %get3A_599 : vector<16xf32>
      %swap3A_601 = arith.constant 0 : i32
      %swap3A_602 = arith.index_cast %swap3A_601 : i32 to index
      %swap3A_603 = arith.index_cast %scan3A_565 : i32 to index
      %swap3A_604 = arith.constant 16 : index
      %swap3A_605 = tpu.vector_load %arg4[%swap3A_602, %swap3A_603, %swap3A_604] {strides = array<i32>} : memref<4x64x256xf32, #tpu.memory_space<vmem>>, vector<1x1x16xf32>,
      %swap3A_606 = vector.shape_cast %swap3A_605 : vector<1x1x16xf32> to vector<16xf32>
      %swap3A_607 = vector.shape_cast %add3A_600 : vector<16xf32> to vector<1x1x16xf32>
      tpu.vector_store %arg4[%swap3A_602, %swap3A_603, %swap3A_604], %swap3A_607 {strides = array<i32>} : memref<4x64x256xf32, #tpu.memory_space<vmem>>, vector<1x1x16xf32>,
      %get3A_608 = arith.constant 0 : i32
      %get3A_609 = arith.index_cast %get3A_608 : i32 to index
      %get3A_610 = arith.index_cast %scan3A_565 : i32 to index
      %get3A_611 = arith.constant 32 : index
      %get3A_612 = tpu.vector_load %arg4[%get3A_609, %get3A_610, %get3A_611] {strides = array<i32>} : memref<4x64x256xf32, #tpu.memory_space<vmem>>, vector<1x1x16xf32>,
      %get3A_613 = vector.shape_cast %get3A_612 : vector<1x1x16xf32> to vector<16xf32>
      %add3A_614 = arith.addf %scan3A_568, %get3A_613 : vector<16xf32>
      %swap3A_615 = arith.constant 0 : i32
      %swap3A_616 = arith.index_cast %swap3A_615 : i32 to index
      %swap3A_617 = arith.index_cast %scan3A_565 : i32 to index
      %swap3A_618 = arith.constant 32 : index
      %swap3A_619 = tpu.vector_load %arg4[%swap3A_616, %swap3A_617, %swap3A_618] {strides = array<i32>} : memref<4x64x256xf32, #tpu.memory_space<vmem>>, vector<1x1x16xf32>,
      %swap3A_620 = vector.shape_cast %swap3A_619 : vector<1x1x16xf32> to vector<16xf32>
      %swap3A_621 = vector.shape_cast %add3A_614 : vector<16xf32> to vector<1x1x16xf32>
      tpu.vector_store %arg4[%swap3A_616, %swap3A_617, %swap3A_618], %swap3A_621 {strides = array<i32>} : memref<4x64x256xf32, #tpu.memory_space<vmem>>, vector<1x1x16xf32>,
      %get3A_622 = arith.constant 0 : i32
      %get3A_623 = arith.index_cast %get3A_622 : i32 to index
      %get3A_624 = arith.index_cast %scan3A_565 : i32 to index
      %get3A_625 = arith.constant 48 : index
      %get3A_626 = tpu.vector_load %arg4[%get3A_623, %get3A_624, %get3A_625] {strides = array<i32>} : memref<4x64x256xf32, #tpu.memory_space<vmem>>, vector<1x1x16xf32>,
      %get3A_627 = vector.shape_cast %get3A_626 : vector<1x1x16xf32> to vector<16xf32>
      %add3A_628 = arith.addf %scan3A_569, %get3A_627 : vector<16xf32>
      %swap3A_629 = arith.constant 0 : i32
      %swap3A_630 = arith.index_cast %swap3A_629 : i32 to index
      %swap3A_631 = arith.index_cast %scan3A_565 : i32 to index
      %swap3A_632 = arith.constant 48 : index
      %swap3A_633 = tpu.vector_load %arg4[%swap3A_630, %swap3A_631, %swap3A_632] {strides = array<i32>} : memref<4x64x256xf32, #tpu.memory_space<vmem>>, vector<1x1x16xf32>,
      %swap3A_634 = vector.shape_cast %swap3A_633 : vector<1x1x16xf32> to vector<16xf32>
      %swap3A_635 = vector.shape_cast %add3A_628 : vector<16xf32> to vector<1x1x16xf32>
      tpu.vector_store %arg4[%swap3A_630, %swap3A_631, %swap3A_632], %swap3A_635 {strides = array<i32>} : memref<4x64x256xf32, #tpu.memory_space<vmem>>, vector<1x1x16xf32>,
      %get3A_636 = arith.constant 0 : i32
      %get3A_637 = arith.index_cast %get3A_636 : i32 to index
      %get3A_638 = arith.index_cast %scan3A_565 : i32 to index
      %get3A_639 = arith.constant 64 : index
      %get3A_640 = tpu.vector_load %arg4[%get3A_637, %get3A_638, %get3A_639] {strides = array<i32>} : memref<4x64x256xf32, #tpu.memory_space<vmem>>, vector<1x1x16xf32>,
      %get3A_641 = vector.shape_cast %get3A_640 : vector<1x1x16xf32> to vector<16xf32>
      %add3A_642 = arith.addf %scan3A_570, %get3A_641 : vector<16xf32>
      %swap3A_643 = arith.constant 0 : i32
      %swap3A_644 = arith.index_cast %swap3A_643 : i32 to index
      %swap3A_645 = arith.index_cast %scan3A_565 : i32 to index
      %swap3A_646 = arith.constant 64 : index
      %swap3A_647 = tpu.vector_load %arg4[%swap3A_644, %swap3A_645, %swap3A_646] {strides = array<i32>} : memref<4x64x256xf32, #tpu.memory_space<vmem>>, vector<1x1x16xf32>,
      %swap3A_648 = vector.shape_cast %swap3A_647 : vector<1x1x16xf32> to vector<16xf32>
      %swap3A_649 = vector.shape_cast %add3A_642 : vector<16xf32> to vector<1x1x16xf32>
      tpu.vector_store %arg4[%swap3A_644, %swap3A_645, %swap3A_646], %swap3A_649 {strides = array<i32>} : memref<4x64x256xf32, #tpu.memory_space<vmem>>, vector<1x1x16xf32>,
      %get3A_650 = arith.constant 0 : i32
      %get3A_651 = arith.index_cast %get3A_650 : i32 to index
      %get3A_652 = arith.index_cast %scan3A_565 : i32 to index
      %get3A_653 = arith.constant 80 : index
      %get3A_654 = tpu.vector_load %arg4[%get3A_651, %get3A_652, %get3A_653] {strides = array<i32>} : memref<4x64x256xf32, #tpu.memory_space<vmem>>, vector<1x1x16xf32>,
      %get3A_655 = vector.shape_cast %get3A_654 : vector<1x1x16xf32> to vector<16xf32>
      %add3A_656 = arith.addf %scan3A_571, %get3A_655 : vector<16xf32>
      %swap3A_657 = arith.constant 0 : i32
      %swap3A_658 = arith.index_cast %swap3A_657 : i32 to index
      %swap3A_659 = arith.index_cast %scan3A_565 : i32 to index
      %swap3A_660 = arith.constant 80 : index
      %swap3A_661 = tpu.vector_load %arg4[%swap3A_658, %swap3A_659, %swap3A_660] {strides = array<i32>} : memref<4x64x256xf32, #tpu.memory_space<vmem>>, vector<1x1x16xf32>,
      %swap3A_662 = vector.shape_cast %swap3A_661 : vector<1x1x16xf32> to vector<16xf32>
      %swap3A_663 = vector.shape_cast %add3A_656 : vector<16xf32> to vector<1x1x16xf32>
      tpu.vector_store %arg4[%swap3A_658, %swap3A_659, %swap3A_660], %swap3A_663 {strides = array<i32>} : memref<4x64x256xf32, #tpu.memory_space<vmem>>, vector<1x1x16xf32>,
      %get3A_664 = arith.constant 0 : i32
      %get3A_665 = arith.index_cast %get3A_664 : i32 to index
      %get3A_666 = arith.index_cast %scan3A_565 : i32 to index
      %get3A_667 = arith.constant 96 : index
      %get3A_668 = tpu.vector_load %arg4[%get3A_665, %get3A_666, %get3A_667] {strides = array<i32>} : memref<4x64x256xf32, #tpu.memory_space<vmem>>, vector<1x1x16xf32>,
      %get3A_669 = vector.shape_cast %get3A_668 : vector<1x1x16xf32> to vector<16xf32>
      %add3A_670 = arith.addf %scan3A_572, %get3A_669 : vector<16xf32>
      %swap3A_671 = arith.constant 0 : i32
      %swap3A_672 = arith.index_cast %swap3A_671 : i32 to index
      %swap3A_673 = arith.index_cast %scan3A_565 : i32 to index
      %swap3A_674 = arith.constant 96 : index
      %swap3A_675 = tpu.vector_load %arg4[%swap3A_672, %swap3A_673, %swap3A_674] {strides = array<i32>} : memref<4x64x256xf32, #tpu.memory_space<vmem>>, vector<1x1x16xf32>,
      %swap3A_676 = vector.shape_cast %swap3A_675 : vector<1x1x16xf32> to vector<16xf32>
      %swap3A_677 = vector.shape_cast %add3A_670 : vector<16xf32> to vector<1x1x16xf32>
      tpu.vector_store %arg4[%swap3A_672, %swap3A_673, %swap3A_674], %swap3A_677 {strides = array<i32>} : memref<4x64x256xf32, #tpu.memory_space<vmem>>, vector<1x1x16xf32>,
      %get3A_678 = arith.constant 0 : i32
      %get3A_679 = arith.index_cast %get3A_678 : i32 to index
      %get3A_680 = arith.index_cast %scan3A_565 : i32 to index
      %get3A_681 = arith.constant 112 : index
      %get3A_682 = tpu.vector_load %arg4[%get3A_679, %get3A_680, %get3A_681] {strides = array<i32>} : memref<4x64x256xf32, #tpu.memory_space<vmem>>, vector<1x1x16xf32>,
      %get3A_683 = vector.shape_cast %get3A_682 : vector<1x1x16xf32> to vector<16xf32>
      %add3A_684 = arith.addf %scan3A_573, %get3A_683 : vector<16xf32>
      %swap3A_685 = arith.constant 0 : i32
      %swap3A_686 = arith.index_cast %swap3A_685 : i32 to index
      %swap3A_687 = arith.index_cast %scan3A_565 : i32 to index
      %swap3A_688 = arith.constant 112 : index
      %swap3A_689 = tpu.vector_load %arg4[%swap3A_686, %swap3A_687, %swap3A_688] {strides = array<i32>} : memref<4x64x256xf32, #tpu.memory_space<vmem>>, vector<1x1x16xf32>,
      %swap3A_690 = vector.shape_cast %swap3A_689 : vector<1x1x16xf32> to vector<16xf32>
      %swap3A_691 = vector.shape_cast %add3A_684 : vector<16xf32> to vector<1x1x16xf32>
      tpu.vector_store %arg4[%swap3A_686, %swap3A_687, %swap3A_688], %swap3A_691 {strides = array<i32>} : memref<4x64x256xf32, #tpu.memory_space<vmem>>, vector<1x1x16xf32>,
      %get3A_692 = arith.constant 0 : i32
      %get3A_693 = arith.index_cast %get3A_692 : i32 to index
      %get3A_694 = arith.index_cast %scan3A_565 : i32 to index
      %get3A_695 = arith.constant 128 : index
      %get3A_696 = tpu.vector_load %arg4[%get3A_693, %get3A_694, %get3A_695] {strides = array<i32>} : memref<4x64x256xf32, #tpu.memory_space<vmem>>, vector<1x1x16xf32>,
      %get3A_697 = vector.shape_cast %get3A_696 : vector<1x1x16xf32> to vector<16xf32>
      %add3A_698 = arith.addf %scan3A_574, %get3A_697 : vector<16xf32>
      %swap3A_699 = arith.constant 0 : i32
      %swap3A_700 = arith.index_cast %swap3A_699 : i32 to index
      %swap3A_701 = arith.index_cast %scan3A_565 : i32 to index
      %swap3A_702 = arith.constant 128 : index
      %swap3A_703 = tpu.vector_load %arg4[%swap3A_700, %swap3A_701, %swap3A_702] {strides = array<i32>} : memref<4x64x256xf32, #tpu.memory_space<vmem>>, vector<1x1x16xf32>,
      %swap3A_704 = vector.shape_cast %swap3A_703 : vector<1x1x16xf32> to vector<16xf32>
      %swap3A_705 = vector.shape_cast %add3A_698 : vector<16xf32> to vector<1x1x16xf32>
      tpu.vector_store %arg4[%swap3A_700, %swap3A_701, %swap3A_702], %swap3A_705 {strides = array<i32>} : memref<4x64x256xf32, #tpu.memory_space<vmem>>, vector<1x1x16xf32>,
      %get3A_706 = arith.constant 0 : i32
      %get3A_707 = arith.index_cast %get3A_706 : i32 to index
      %get3A_708 = arith.index_cast %scan3A_565 : i32 to index
      %get3A_709 = arith.constant 144 : index
      %get3A_710 = tpu.vector_load %arg4[%get3A_707, %get3A_708, %get3A_709] {strides = array<i32>} : memref<4x64x256xf32, #tpu.memory_space<vmem>>, vector<1x1x16xf32>,
      %get3A_711 = vector.shape_cast %get3A_710 : vector<1x1x16xf32> to vector<16xf32>
      %add3A_712 = arith.addf %scan3A_575, %get3A_711 : vector<16xf32>
      %swap3A_713 = arith.constant 0 : i32
      %swap3A_714 = arith.index_cast %swap3A_713 : i32 to index
      %swap3A_715 = arith.index_cast %scan3A_565 : i32 to index
      %swap3A_716 = arith.constant 144 : index
      %swap3A_717 = tpu.vector_load %arg4[%swap3A_714, %swap3A_715, %swap3A_716] {strides = array<i32>} : memref<4x64x256xf32, #tpu.memory_space<vmem>>, vector<1x1x16xf32>,
      %swap3A_718 = vector.shape_cast %swap3A_717 : vector<1x1x16xf32> to vector<16xf32>
      %swap3A_719 = vector.shape_cast %add3A_712 : vector<16xf32> to vector<1x1x16xf32>
      tpu.vector_store %arg4[%swap3A_714, %swap3A_715, %swap3A_716], %swap3A_719 {strides = array<i32>} : memref<4x64x256xf32, #tpu.memory_space<vmem>>, vector<1x1x16xf32>,
      %get3A_720 = arith.constant 0 : i32
      %get3A_721 = arith.index_cast %get3A_720 : i32 to index
      %get3A_722 = arith.index_cast %scan3A_565 : i32 to index
      %get3A_723 = arith.constant 160 : index
      %get3A_724 = tpu.vector_load %arg4[%get3A_721, %get3A_722, %get3A_723] {strides = array<i32>} : memref<4x64x256xf32, #tpu.memory_space<vmem>>, vector<1x1x16xf32>,
      %get3A_725 = vector.shape_cast %get3A_724 : vector<1x1x16xf32> to vector<16xf32>
      %add3A_726 = arith.addf %scan3A_576, %get3A_725 : vector<16xf32>
      %swap3A_727 = arith.constant 0 : i32
      %swap3A_728 = arith.index_cast %swap3A_727 : i32 to index
      %swap3A_729 = arith.index_cast %scan3A_565 : i32 to index
      %swap3A_730 = arith.constant 160 : index
      %swap3A_731 = tpu.vector_load %arg4[%swap3A_728, %swap3A_729, %swap3A_730] {strides = array<i32>} : memref<4x64x256xf32, #tpu.memory_space<vmem>>, vector<1x1x16xf32>,
      %swap3A_732 = vector.shape_cast %swap3A_731 : vector<1x1x16xf32> to vector<16xf32>
      %swap3A_733 = vector.shape_cast %add3A_726 : vector<16xf32> to vector<1x1x16xf32>
      tpu.vector_store %arg4[%swap3A_728, %swap3A_729, %swap3A_730], %swap3A_733 {strides = array<i32>} : memref<4x64x256xf32, #tpu.memory_space<vmem>>, vector<1x1x16xf32>,
      %get3A_734 = arith.constant 0 : i32
      %get3A_735 = arith.index_cast %get3A_734 : i32 to index
      %get3A_736 = arith.index_cast %scan3A_565 : i32 to index
      %get3A_737 = arith.constant 176 : index
      %get3A_738 = tpu.vector_load %arg4[%get3A_735, %get3A_736, %get3A_737] {strides = array<i32>} : memref<4x64x256xf32, #tpu.memory_space<vmem>>, vector<1x1x16xf32>,
      %get3A_739 = vector.shape_cast %get3A_738 : vector<1x1x16xf32> to vector<16xf32>
      %add3A_740 = arith.addf %scan3A_577, %get3A_739 : vector<16xf32>
      %swap3A_741 = arith.constant 0 : i32
      %swap3A_742 = arith.index_cast %swap3A_741 : i32 to index
      %swap3A_743 = arith.index_cast %scan3A_565 : i32 to index
      %swap3A_744 = arith.constant 176 : index
      %swap3A_745 = tpu.vector_load %arg4[%swap3A_742, %swap3A_743, %swap3A_744] {strides = array<i32>} : memref<4x64x256xf32, #tpu.memory_space<vmem>>, vector<1x1x16xf32>,
      %swap3A_746 = vector.shape_cast %swap3A_745 : vector<1x1x16xf32> to vector<16xf32>
      %swap3A_747 = vector.shape_cast %add3A_740 : vector<16xf32> to vector<1x1x16xf32>
      tpu.vector_store %arg4[%swap3A_742, %swap3A_743, %swap3A_744], %swap3A_747 {strides = array<i32>} : memref<4x64x256xf32, #tpu.memory_space<vmem>>, vector<1x1x16xf32>,
      %get3A_748 = arith.constant 0 : i32
      %get3A_749 = arith.index_cast %get3A_748 : i32 to index
      %get3A_750 = arith.index_cast %scan3A_565 : i32 to index
      %get3A_751 = arith.constant 192 : index
      %get3A_752 = tpu.vector_load %arg4[%get3A_749, %get3A_750, %get3A_751] {strides = array<i32>} : memref<4x64x256xf32, #tpu.memory_space<vmem>>, vector<1x1x16xf32>,
      %get3A_753 = vector.shape_cast %get3A_752 : vector<1x1x16xf32> to vector<16xf32>
      %add3A_754 = arith.addf %scan3A_578, %get3A_753 : vector<16xf32>
      %swap3A_755 = arith.constant 0 : i32
      %swap3A_756 = arith.index_cast %swap3A_755 : i32 to index
      %swap3A_757 = arith.index_cast %scan3A_565 : i32 to index
      %swap3A_758 = arith.constant 192 : index
      %swap3A_759 = tpu.vector_load %arg4[%swap3A_756, %swap3A_757, %swap3A_758] {strides = array<i32>} : memref<4x64x256xf32, #tpu.memory_space<vmem>>, vector<1x1x16xf32>,
      %swap3A_760 = vector.shape_cast %swap3A_759 : vector<1x1x16xf32> to vector<16xf32>
      %swap3A_761 = vector.shape_cast %add3A_754 : vector<16xf32> to vector<1x1x16xf32>
      tpu.vector_store %arg4[%swap3A_756, %swap3A_757, %swap3A_758], %swap3A_761 {strides = array<i32>} : memref<4x64x256xf32, #tpu.memory_space<vmem>>, vector<1x1x16xf32>,
      %get3A_762 = arith.constant 0 : i32
      %get3A_763 = arith.index_cast %get3A_762 : i32 to index
      %get3A_764 = arith.index_cast %scan3A_565 : i32 to index
      %get3A_765 = arith.constant 208 : index
      %get3A_766 = tpu.vector_load %arg4[%get3A_763, %get3A_764, %get3A_765] {strides = array<i32>} : memref<4x64x256xf32, #tpu.memory_space<vmem>>, vector<1x1x16xf32>,
      %get3A_767 = vector.shape_cast %get3A_766 : vector<1x1x16xf32> to vector<16xf32>
      %add3A_768 = arith.addf %scan3A_579, %get3A_767 : vector<16xf32>
      %swap3A_769 = arith.constant 0 : i32
      %swap3A_770 = arith.index_cast %swap3A_769 : i32 to index
      %swap3A_771 = arith.index_cast %scan3A_565 : i32 to index
      %swap3A_772 = arith.constant 208 : index
      %swap3A_773 = tpu.vector_load %arg4[%swap3A_770, %swap3A_771, %swap3A_772] {strides = array<i32>} : memref<4x64x256xf32, #tpu.memory_space<vmem>>, vector<1x1x16xf32>,
      %swap3A_774 = vector.shape_cast %swap3A_773 : vector<1x1x16xf32> to vector<16xf32>
      %swap3A_775 = vector.shape_cast %add3A_768 : vector<16xf32> to vector<1x1x16xf32>
      tpu.vector_store %arg4[%swap3A_770, %swap3A_771, %swap3A_772], %swap3A_775 {strides = array<i32>} : memref<4x64x256xf32, #tpu.memory_space<vmem>>, vector<1x1x16xf32>,
      %get3A_776 = arith.constant 0 : i32
      %get3A_777 = arith.index_cast %get3A_776 : i32 to index
      %get3A_778 = arith.index_cast %scan3A_565 : i32 to index
      %get3A_779 = arith.constant 224 : index
      %get3A_780 = tpu.vector_load %arg4[%get3A_777, %get3A_778, %get3A_779] {strides = array<i32>} : memref<4x64x256xf32, #tpu.memory_space<vmem>>, vector<1x1x16xf32>,
      %get3A_781 = vector.shape_cast %get3A_780 : vector<1x1x16xf32> to vector<16xf32>
      %add3A_782 = arith.addf %scan3A_580, %get3A_781 : vector<16xf32>
      %swap3A_783 = arith.constant 0 : i32
      %swap3A_784 = arith.index_cast %swap3A_783 : i32 to index
      %swap3A_785 = arith.index_cast %scan3A_565 : i32 to index
      %swap3A_786 = arith.constant 224 : index
      %swap3A_787 = tpu.vector_load %arg4[%swap3A_784, %swap3A_785, %swap3A_786] {strides = array<i32>} : memref<4x64x256xf32, #tpu.memory_space<vmem>>, vector<1x1x16xf32>,
      %swap3A_788 = vector.shape_cast %swap3A_787 : vector<1x1x16xf32> to vector<16xf32>
      %swap3A_789 = vector.shape_cast %add3A_782 : vector<16xf32> to vector<1x1x16xf32>
      tpu.vector_store %arg4[%swap3A_784, %swap3A_785, %swap3A_786], %swap3A_789 {strides = array<i32>} : memref<4x64x256xf32, #tpu.memory_space<vmem>>, vector<1x1x16xf32>,
      %get3A_790 = arith.constant 0 : i32
      %get3A_791 = arith.index_cast %get3A_790 : i32 to index
      %get3A_792 = arith.index_cast %scan3A_565 : i32 to index
      %get3A_793 = arith.constant 240 : index
      %get3A_794 = tpu.vector_load %arg4[%get3A_791, %get3A_792, %get3A_793] {strides = array<i32>} : memref<4x64x256xf32, #tpu.memory_space<vmem>>, vector<1x1x16xf32>,
      %get3A_795 = vector.shape_cast %get3A_794 : vector<1x1x16xf32> to vector<16xf32>
      %add3A_796 = arith.addf %scan3A_581, %get3A_795 : vector<16xf32>
      %swap3A_797 = arith.constant 0 : i32
      %swap3A_798 = arith.index_cast %swap3A_797 : i32 to index
      %swap3A_799 = arith.index_cast %scan3A_565 : i32 to index
      %swap3A_800 = arith.constant 240 : index
      %swap3A_801 = tpu.vector_load %arg4[%swap3A_798, %swap3A_799, %swap3A_800] {strides = array<i32>} : memref<4x64x256xf32, #tpu.memory_space<vmem>>, vector<1x1x16xf32>,
      %swap3A_802 = vector.shape_cast %swap3A_801 : vector<1x1x16xf32> to vector<16xf32>
      %swap3A_803 = vector.shape_cast %add3A_796 : vector<16xf32> to vector<1x1x16xf32>
      tpu.vector_store %arg4[%swap3A_798, %swap3A_799, %swap3A_800], %swap3A_803 {strides = array<i32>} : memref<4x64x256xf32, #tpu.memory_space<vmem>>, vector<1x1x16xf32>,
      scf.yield %add3A_587, %add3A_600, %add3A_614, %add3A_628, %add3A_642, %add3A_656, %add3A_670, %add3A_684, %add3A_698, %add3A_712, %add3A_726, %add3A_740, %add3A_754, %add3A_768, %add3A_782, %add3A_796 : vector<16xf32>, vector<16xf32>, vector<16xf32>, vector<16xf32>, vector<16xf32>, vector<16xf32>, vector<16xf32>, vector<16xf32>, vector<16xf32>, vector<16xf32>, vector<16xf32>, vector<16xf32>, vector<16xf32>, vector<16xf32>, vector<16xf32>, vector<16xf32>
    }
    %scan3A_81 = arith.constant 64 : i32
    %dma_start3A_82 = arith.constant 0 : i32
    %dma_start3A_83 = arith.constant 0 : i32
    %dma_start3A_84 = arith.constant 0 : i32
    %dma_start3A_85 = tpu.memref_slice %arg4[%dma_start3A_82, %dma_start3A_83, %dma_start3A_84] : memref<4x64x256xf32, #tpu.memory_space<vmem>> -> memref<1x64x256xf32, #tpu.memory_space<vmem>>
    %dma_start3A_86 = tpu.memref_squeeze %dma_start3A_85 : memref<1x64x256xf32, #tpu.memory_space<vmem>> -> memref<64x256xf32, #tpu.memory_space<vmem>>
    %dma_start3A_87 = arith.constant 0 : i32
    %dma_start3A_88 = tpu.memref_slice %arg3[%select_n3A, %dma_start3A_87, %mul3A_32] : memref<4x4096x2048xf32, #tpu.memory_space<hbm>> -> memref<1x64x256xf32, #tpu.memory_space<hbm>>
    %dma_start3A_89 = tpu.memref_squeeze %dma_start3A_88 : memref<1x64x256xf32, #tpu.memory_space<hbm>> -> memref<64x256xf32, #tpu.memory_space<hbm>>
    %dma_start3A_90 = arith.constant 0 : i32
    %dma_start3A_91 = tpu.memref_slice %arg3[%select_n3A, %dma_start3A_90, %mul3A_32] : memref<4x4096x2048xf32, #tpu.memory_space<hbm>> -> memref<1x64x256xf32, #tpu.memory_space<hbm>>
    %dma_start3A_92 = tpu.memref_squeeze %dma_start3A_91 : memref<1x64x256xf32, #tpu.memory_space<hbm>> -> memref<64x256xf32, #tpu.memory_space<hbm>>
    %dma_start3A_93 = arith.constant 0 : i32
    %dma_start3A_94 = arith.constant 0 : i32
    %dma_start3A_95 = tpu.memref_slice %arg4[%dma_start3A_82, %dma_start3A_93, %dma_start3A_94] : memref<4x64x256xf32, #tpu.memory_space<vmem>> -> memref<1x64x256xf32, #tpu.memory_space<vmem>>
    %dma_start3A_96 = tpu.memref_squeeze %dma_start3A_95 : memref<1x64x256xf32, #tpu.memory_space<vmem>> -> memref<64x256xf32, #tpu.memory_space<vmem>>
    tpu.enqueue_dma source(%dma_start3A_96 : memref<64x256xf32, #tpu.memory_space<vmem>>) target(%dma_start3A_92 : memref<64x256xf32, #tpu.memory_space<hbm>>) target_semaphore(%arg9 : memref<!tpu.dma_semaphore, #tpu.memory_space<semaphore_mem>>)
    %dma_start3A_97 = arith.constant 2 : i32
    %dma_start3A_98 = arith.constant 0 : i32
    %dma_start3A_99 = arith.constant 0 : i32
    %dma_start3A_100 = tpu.memref_slice %arg4[%dma_start3A_97, %dma_start3A_98, %dma_start3A_99] : memref<4x64x256xf32, #tpu.memory_space<vmem>> -> memref<1x64x256xf32, #tpu.memory_space<vmem>>
    %dma_start3A_101 = tpu.memref_squeeze %dma_start3A_100 : memref<1x64x256xf32, #tpu.memory_space<vmem>> -> memref<64x256xf32, #tpu.memory_space<vmem>>
    %dma_start3A_102 = arith.constant 128 : i32
    %dma_start3A_103 = tpu.memref_slice %arg2[%select_n3A, %dma_start3A_102, %mul3A_32] : memref<4x4096x2048xf32, #tpu.memory_space<hbm>> -> memref<1x64x256xf32, #tpu.memory_space<hbm>>
    %dma_start3A_104 = tpu.memref_squeeze %dma_start3A_103 : memref<1x64x256xf32, #tpu.memory_space<hbm>> -> memref<64x256xf32, #tpu.memory_space<hbm>>
    %dma_start3A_105 = arith.constant 0 : i32
    %dma_start3A_106 = arith.constant 0 : i32
    %dma_start3A_107 = tpu.memref_slice %arg4[%dma_start3A_97, %dma_start3A_105, %dma_start3A_106] : memref<4x64x256xf32, #tpu.memory_space<vmem>> -> memref<1x64x256xf32, #tpu.memory_space<vmem>>
    %dma_start3A_108 = tpu.memref_squeeze %dma_start3A_107 : memref<1x64x256xf32, #tpu.memory_space<vmem>> -> memref<64x256xf32, #tpu.memory_space<vmem>>
    %dma_start3A_109 = arith.constant 128 : i32
    %dma_start3A_110 = tpu.memref_slice %arg2[%select_n3A, %dma_start3A_109, %mul3A_32] : memref<4x4096x2048xf32, #tpu.memory_space<hbm>> -> memref<1x64x256xf32, #tpu.memory_space<hbm>>
    %dma_start3A_111 = tpu.memref_squeeze %dma_start3A_110 : memref<1x64x256xf32, #tpu.memory_space<hbm>> -> memref<64x256xf32, #tpu.memory_space<hbm>>
    tpu.enqueue_dma source(%dma_start3A_111 : memref<64x256xf32, #tpu.memory_space<hbm>>) target(%dma_start3A_108 : memref<64x256xf32, #tpu.memory_space<vmem>>) target_semaphore(%arg7 : memref<!tpu.dma_semaphore, #tpu.memory_space<semaphore_mem>>)
    %dma_wait3A_112 = arith.constant 1 : i32
    %dma_wait3A_113 = arith.constant 0 : i32
    %dma_wait3A_114 = arith.constant 0 : i32
    %dma_wait3A_115 = tpu.memref_slice %arg4[%dma_wait3A_112, %dma_wait3A_113, %dma_wait3A_114] : memref<4x64x256xf32, #tpu.memory_space<vmem>> -> memref<1x64x256xf32, #tpu.memory_space<vmem>>
    %dma_wait3A_116 = tpu.memref_squeeze %dma_wait3A_115 : memref<1x64x256xf32, #tpu.memory_space<vmem>> -> memref<64x256xf32, #tpu.memory_space<vmem>>
    %dma_wait3A_117 = arith.constant 64 : i32
    %dma_wait3A_118 = tpu.memref_slice %arg2[%select_n3A, %dma_wait3A_117, %mul3A_32] : memref<4x4096x2048xf32, #tpu.memory_space<hbm>> -> memref<1x64x256xf32, #tpu.memory_space<hbm>>
    %dma_wait3A_119 = tpu.memref_squeeze %dma_wait3A_118 : memref<1x64x256xf32, #tpu.memory_space<hbm>> -> memref<64x256xf32, #tpu.memory_space<hbm>>
    %dma_wait3A_120 = arith.constant 0 : i32
    %dma_wait3A_121 = arith.constant 0 : i32
    %dma_wait3A_122 = tpu.memref_slice %arg4[%dma_wait3A_112, %dma_wait3A_120, %dma_wait3A_121] : memref<4x64x256xf32, #tpu.memory_space<vmem>> -> memref<1x64x256xf32, #tpu.memory_space<vmem>>
    %dma_wait3A_123 = tpu.memref_squeeze %dma_wait3A_122 : memref<1x64x256xf32, #tpu.memory_space<vmem>> -> memref<64x256xf32, #tpu.memory_space<vmem>>
    %dma_wait3A_124 = arith.constant 64 : i32
    %dma_wait3A_125 = tpu.memref_slice %arg2[%select_n3A, %dma_wait3A_124, %mul3A_32] : memref<4x4096x2048xf32, #tpu.memory_space<hbm>> -> memref<1x64x256xf32, #tpu.memory_space<hbm>>
    %dma_wait3A_126 = tpu.memref_squeeze %dma_wait3A_125 : memref<1x64x256xf32, #tpu.memory_space<hbm>> -> memref<64x256xf32, #tpu.memory_space<hbm>>
    tpu.wait_dma2 semaphore(%arg6 : memref<!tpu.dma_semaphore, #tpu.memory_space<semaphore_mem>>) src(%dma_wait3A_126 : memref<64x256xf32, #tpu.memory_space<hbm>>) dst(%dma_wait3A_123 : memref<64x256xf32, #tpu.memory_space<vmem>>)
    %scan3A_127 = arith.constant 0 : i32
    %scan3A_128 = arith.constant 64 : i32
    %scan3A_129 = arith.addi %scan3A_127, %scan3A_128 : i32
    %scan3A_130 = arith.constant 1 : i32
    %scan3A_131:16 = scf.for %scan3A_565 = %scan3A_127 to %scan3A_129 step %scan3A_130 iter_args(%scan3A_566 = %scan3A_80#0, %scan3A_567 = %scan3A_80#1, %scan3A_568 = %scan3A_80#2, %scan3A_569 = %scan3A_80#3, %scan3A_570 = %scan3A_80#4, %scan3A_571 = %scan3A_80#5, %scan3A_572 = %scan3A_80#6, %scan3A_573 = %scan3A_80#7, %scan3A_574 = %scan3A_80#8, %scan3A_575 = %scan3A_80#9, %scan3A_576 = %scan3A_80#10, %scan3A_577 = %scan3A_80#11, %scan3A_578 = %scan3A_80#12, %scan3A_579 = %scan3A_80#13, %scan3A_580 = %scan3A_80#14, %scan3A_581 = %scan3A_80#15) -> (vector<16xf32>, vector<16xf32>, vector<16xf32>, vector<16xf32>, vector<16xf32>, vector<16xf32>, vector<16xf32>, vector<16xf32>, vector<16xf32>, vector<16xf32>, vector<16xf32>, vector<16xf32>, vector<16xf32>, vector<16xf32>, vector<16xf32>, vector<16xf32>)  : i32 {
      %get3A = arith.constant 1 : i32
      %get3A_582 = arith.index_cast %get3A : i32 to index
      %get3A_583 = arith.index_cast %scan3A_565 : i32 to index
      %get3A_584 = arith.constant 0 : index
      %get3A_585 = tpu.vector_load %arg4[%get3A_582, %get3A_583, %get3A_584] {strides = array<i32>} : memref<4x64x256xf32, #tpu.memory_space<vmem>>, vector<1x1x16xf32>,
      %get3A_586 = vector.shape_cast %get3A_585 : vector<1x1x16xf32> to vector<16xf32>
      %add3A_587 = arith.addf %scan3A_566, %get3A_586 : vector<16xf32>
      %swap3A = arith.constant 1 : i32
      %swap3A_588 = arith.index_cast %swap3A : i32 to index
      %swap3A_589 = arith.index_cast %scan3A_565 : i32 to index
      %swap3A_590 = arith.constant 0 : index
      %swap3A_591 = tpu.vector_load %arg4[%swap3A_588, %swap3A_589, %swap3A_590] {strides = array<i32>} : memref<4x64x256xf32, #tpu.memory_space<vmem>>, vector<1x1x16xf32>,
      %swap3A_592 = vector.shape_cast %swap3A_591 : vector<1x1x16xf32> to vector<16xf32>
      %swap3A_593 = vector.shape_cast %add3A_587 : vector<16xf32> to vector<1x1x16xf32>
      tpu.vector_store %arg4[%swap3A_588, %swap3A_589, %swap3A_590], %swap3A_593 {strides = array<i32>} : memref<4x64x256xf32, #tpu.memory_space<vmem>>, vector<1x1x16xf32>,
      %get3A_594 = arith.constant 1 : i32
      %get3A_595 = arith.index_cast %get3A_594 : i32 to index
      %get3A_596 = arith.index_cast %scan3A_565 : i32 to index
      %get3A_597 = arith.constant 16 : index
      %get3A_598 = tpu.vector_load %arg4[%get3A_595, %get3A_596, %get3A_597] {strides = array<i32>} : memref<4x64x256xf32, #tpu.memory_space<vmem>>, vector<1x1x16xf32>,
      %get3A_599 = vector.shape_cast %get3A_598 : vector<1x1x16xf32> to vector<16xf32>
      %add3A_600 = arith.addf %scan3A_567, %get3A_599 : vector<16xf32>
      %swap3A_601 = arith.constant 1 : i32
      %swap3A_602 = arith.index_cast %swap3A_601 : i32 to index
      %swap3A_603 = arith.index_cast %scan3A_565 : i32 to index
      %swap3A_604 = arith.constant 16 : index
      %swap3A_605 = tpu.vector_load %arg4[%swap3A_602, %swap3A_603, %swap3A_604] {strides = array<i32>} : memref<4x64x256xf32, #tpu.memory_space<vmem>>, vector<1x1x16xf32>,
      %swap3A_606 = vector.shape_cast %swap3A_605 : vector<1x1x16xf32> to vector<16xf32>
      %swap3A_607 = vector.shape_cast %add3A_600 : vector<16xf32> to vector<1x1x16xf32>
      tpu.vector_store %arg4[%swap3A_602, %swap3A_603, %swap3A_604], %swap3A_607 {strides = array<i32>} : memref<4x64x256xf32, #tpu.memory_space<vmem>>, vector<1x1x16xf32>,
      %get3A_608 = arith.constant 1 : i32
      %get3A_609 = arith.index_cast %get3A_608 : i32 to index
      %get3A_610 = arith.index_cast %scan3A_565 : i32 to index
      %get3A_611 = arith.constant 32 : index
      %get3A_612 = tpu.vector_load %arg4[%get3A_609, %get3A_610, %get3A_611] {strides = array<i32>} : memref<4x64x256xf32, #tpu.memory_space<vmem>>, vector<1x1x16xf32>,
      %get3A_613 = vector.shape_cast %get3A_612 : vector<1x1x16xf32> to vector<16xf32>
      %add3A_614 = arith.addf %scan3A_568, %get3A_613 : vector<16xf32>
      %swap3A_615 = arith.constant 1 : i32
      %swap3A_616 = arith.index_cast %swap3A_615 : i32 to index
      %swap3A_617 = arith.index_cast %scan3A_565 : i32 to index
      %swap3A_618 = arith.constant 32 : index
      %swap3A_619 = tpu.vector_load %arg4[%swap3A_616, %swap3A_617, %swap3A_618] {strides = array<i32>} : memref<4x64x256xf32, #tpu.memory_space<vmem>>, vector<1x1x16xf32>,
      %swap3A_620 = vector.shape_cast %swap3A_619 : vector<1x1x16xf32> to vector<16xf32>
      %swap3A_621 = vector.shape_cast %add3A_614 : vector<16xf32> to vector<1x1x16xf32>
      tpu.vector_store %arg4[%swap3A_616, %swap3A_617, %swap3A_618], %swap3A_621 {strides = array<i32>} : memref<4x64x256xf32, #tpu.memory_space<vmem>>, vector<1x1x16xf32>,
      %get3A_622 = arith.constant 1 : i32
      %get3A_623 = arith.index_cast %get3A_622 : i32 to index
      %get3A_624 = arith.index_cast %scan3A_565 : i32 to index
      %get3A_625 = arith.constant 48 : index
      %get3A_626 = tpu.vector_load %arg4[%get3A_623, %get3A_624, %get3A_625] {strides = array<i32>} : memref<4x64x256xf32, #tpu.memory_space<vmem>>, vector<1x1x16xf32>,
      %get3A_627 = vector.shape_cast %get3A_626 : vector<1x1x16xf32> to vector<16xf32>
      %add3A_628 = arith.addf %scan3A_569, %get3A_627 : vector<16xf32>
      %swap3A_629 = arith.constant 1 : i32
      %swap3A_630 = arith.index_cast %swap3A_629 : i32 to index
      %swap3A_631 = arith.index_cast %scan3A_565 : i32 to index
      %swap3A_632 = arith.constant 48 : index
      %swap3A_633 = tpu.vector_load %arg4[%swap3A_630, %swap3A_631, %swap3A_632] {strides = array<i32>} : memref<4x64x256xf32, #tpu.memory_space<vmem>>, vector<1x1x16xf32>,
      %swap3A_634 = vector.shape_cast %swap3A_633 : vector<1x1x16xf32> to vector<16xf32>
      %swap3A_635 = vector.shape_cast %add3A_628 : vector<16xf32> to vector<1x1x16xf32>
      tpu.vector_store %arg4[%swap3A_630, %swap3A_631, %swap3A_632], %swap3A_635 {strides = array<i32>} : memref<4x64x256xf32, #tpu.memory_space<vmem>>, vector<1x1x16xf32>,
      %get3A_636 = arith.constant 1 : i32
      %get3A_637 = arith.index_cast %get3A_636 : i32 to index
      %get3A_638 = arith.index_cast %scan3A_565 : i32 to index
      %get3A_639 = arith.constant 64 : index
      %get3A_640 = tpu.vector_load %arg4[%get3A_637, %get3A_638, %get3A_639] {strides = array<i32>} : memref<4x64x256xf32, #tpu.memory_space<vmem>>, vector<1x1x16xf32>,
      %get3A_641 = vector.shape_cast %get3A_640 : vector<1x1x16xf32> to vector<16xf32>
      %add3A_642 = arith.addf %scan3A_570, %get3A_641 : vector<16xf32>
      %swap3A_643 = arith.constant 1 : i32
      %swap3A_644 = arith.index_cast %swap3A_643 : i32 to index
      %swap3A_645 = arith.index_cast %scan3A_565 : i32 to index
      %swap3A_646 = arith.constant 64 : index
      %swap3A_647 = tpu.vector_load %arg4[%swap3A_644, %swap3A_645, %swap3A_646] {strides = array<i32>} : memref<4x64x256xf32, #tpu.memory_space<vmem>>, vector<1x1x16xf32>,
      %swap3A_648 = vector.shape_cast %swap3A_647 : vector<1x1x16xf32> to vector<16xf32>
      %swap3A_649 = vector.shape_cast %add3A_642 : vector<16xf32> to vector<1x1x16xf32>
      tpu.vector_store %arg4[%swap3A_644, %swap3A_645, %swap3A_646], %swap3A_649 {strides = array<i32>} : memref<4x64x256xf32, #tpu.memory_space<vmem>>, vector<1x1x16xf32>,
      %get3A_650 = arith.constant 1 : i32
      %get3A_651 = arith.index_cast %get3A_650 : i32 to index
      %get3A_652 = arith.index_cast %scan3A_565 : i32 to index
      %get3A_653 = arith.constant 80 : index
      %get3A_654 = tpu.vector_load %arg4[%get3A_651, %get3A_652, %get3A_653] {strides = array<i32>} : memref<4x64x256xf32, #tpu.memory_space<vmem>>, vector<1x1x16xf32>,
      %get3A_655 = vector.shape_cast %get3A_654 : vector<1x1x16xf32> to vector<16xf32>
      %add3A_656 = arith.addf %scan3A_571, %get3A_655 : vector<16xf32>
      %swap3A_657 = arith.constant 1 : i32
      %swap3A_658 = arith.index_cast %swap3A_657 : i32 to index
      %swap3A_659 = arith.index_cast %scan3A_565 : i32 to index
      %swap3A_660 = arith.constant 80 : index
      %swap3A_661 = tpu.vector_load %arg4[%swap3A_658, %swap3A_659, %swap3A_660] {strides = array<i32>} : memref<4x64x256xf32, #tpu.memory_space<vmem>>, vector<1x1x16xf32>,
      %swap3A_662 = vector.shape_cast %swap3A_661 : vector<1x1x16xf32> to vector<16xf32>
      %swap3A_663 = vector.shape_cast %add3A_656 : vector<16xf32> to vector<1x1x16xf32>
      tpu.vector_store %arg4[%swap3A_658, %swap3A_659, %swap3A_660], %swap3A_663 {strides = array<i32>} : memref<4x64x256xf32, #tpu.memory_space<vmem>>, vector<1x1x16xf32>,
      %get3A_664 = arith.constant 1 : i32
      %get3A_665 = arith.index_cast %get3A_664 : i32 to index
      %get3A_666 = arith.index_cast %scan3A_565 : i32 to index
      %get3A_667 = arith.constant 96 : index
      %get3A_668 = tpu.vector_load %arg4[%get3A_665, %get3A_666, %get3A_667] {strides = array<i32>} : memref<4x64x256xf32, #tpu.memory_space<vmem>>, vector<1x1x16xf32>,
      %get3A_669 = vector.shape_cast %get3A_668 : vector<1x1x16xf32> to vector<16xf32>
      %add3A_670 = arith.addf %scan3A_572, %get3A_669 : vector<16xf32>
      %swap3A_671 = arith.constant 1 : i32
      %swap3A_672 = arith.index_cast %swap3A_671 : i32 to index
      %swap3A_673 = arith.index_cast %scan3A_565 : i32 to index
      %swap3A_674 = arith.constant 96 : index
      %swap3A_675 = tpu.vector_load %arg4[%swap3A_672, %swap3A_673, %swap3A_674] {strides = array<i32>} : memref<4x64x256xf32, #tpu.memory_space<vmem>>, vector<1x1x16xf32>,
      %swap3A_676 = vector.shape_cast %swap3A_675 : vector<1x1x16xf32> to vector<16xf32>
      %swap3A_677 = vector.shape_cast %add3A_670 : vector<16xf32> to vector<1x1x16xf32>
      tpu.vector_store %arg4[%swap3A_672, %swap3A_673, %swap3A_674], %swap3A_677 {strides = array<i32>} : memref<4x64x256xf32, #tpu.memory_space<vmem>>, vector<1x1x16xf32>,
      %get3A_678 = arith.constant 1 : i32
      %get3A_679 = arith.index_cast %get3A_678 : i32 to index
      %get3A_680 = arith.index_cast %scan3A_565 : i32 to index
      %get3A_681 = arith.constant 112 : index
      %get3A_682 = tpu.vector_load %arg4[%get3A_679, %get3A_680, %get3A_681] {strides = array<i32>} : memref<4x64x256xf32, #tpu.memory_space<vmem>>, vector<1x1x16xf32>,
      %get3A_683 = vector.shape_cast %get3A_682 : vector<1x1x16xf32> to vector<16xf32>
      %add3A_684 = arith.addf %scan3A_573, %get3A_683 : vector<16xf32>
      %swap3A_685 = arith.constant 1 : i32
      %swap3A_686 = arith.index_cast %swap3A_685 : i32 to index
      %swap3A_687 = arith.index_cast %scan3A_565 : i32 to index
      %swap3A_688 = arith.constant 112 : index
      %swap3A_689 = tpu.vector_load %arg4[%swap3A_686, %swap3A_687, %swap3A_688] {strides = array<i32>} : memref<4x64x256xf32, #tpu.memory_space<vmem>>, vector<1x1x16xf32>,
      %swap3A_690 = vector.shape_cast %swap3A_689 : vector<1x1x16xf32> to vector<16xf32>
      %swap3A_691 = vector.shape_cast %add3A_684 : vector<16xf32> to vector<1x1x16xf32>
      tpu.vector_store %arg4[%swap3A_686, %swap3A_687, %swap3A_688], %swap3A_691 {strides = array<i32>} : memref<4x64x256xf32, #tpu.memory_space<vmem>>, vector<1x1x16xf32>,
      %get3A_692 = arith.constant 1 : i32
      %get3A_693 = arith.index_cast %get3A_692 : i32 to index
      %get3A_694 = arith.index_cast %scan3A_565 : i32 to index
      %get3A_695 = arith.constant 128 : index
      %get3A_696 = tpu.vector_load %arg4[%get3A_693, %get3A_694, %get3A_695] {strides = array<i32>} : memref<4x64x256xf32, #tpu.memory_space<vmem>>, vector<1x1x16xf32>,
      %get3A_697 = vector.shape_cast %get3A_696 : vector<1x1x16xf32> to vector<16xf32>
      %add3A_698 = arith.addf %scan3A_574, %get3A_697 : vector<16xf32>
      %swap3A_699 = arith.constant 1 : i32
      %swap3A_700 = arith.index_cast %swap3A_699 : i32 to index
      %swap3A_701 = arith.index_cast %scan3A_565 : i32 to index
      %swap3A_702 = arith.constant 128 : index
      %swap3A_703 = tpu.vector_load %arg4[%swap3A_700, %swap3A_701, %swap3A_702] {strides = array<i32>} : memref<4x64x256xf32, #tpu.memory_space<vmem>>, vector<1x1x16xf32>,
      %swap3A_704 = vector.shape_cast %swap3A_703 : vector<1x1x16xf32> to vector<16xf32>
      %swap3A_705 = vector.shape_cast %add3A_698 : vector<16xf32> to vector<1x1x16xf32>
      tpu.vector_store %arg4[%swap3A_700, %swap3A_701, %swap3A_702], %swap3A_705 {strides = array<i32>} : memref<4x64x256xf32, #tpu.memory_space<vmem>>, vector<1x1x16xf32>,
      %get3A_706 = arith.constant 1 : i32
      %get3A_707 = arith.index_cast %get3A_706 : i32 to index
      %get3A_708 = arith.index_cast %scan3A_565 : i32 to index
      %get3A_709 = arith.constant 144 : index
      %get3A_710 = tpu.vector_load %arg4[%get3A_707, %get3A_708, %get3A_709] {strides = array<i32>} : memref<4x64x256xf32, #tpu.memory_space<vmem>>, vector<1x1x16xf32>,
      %get3A_711 = vector.shape_cast %get3A_710 : vector<1x1x16xf32> to vector<16xf32>
      %add3A_712 = arith.addf %scan3A_575, %get3A_711 : vector<16xf32>
      %swap3A_713 = arith.constant 1 : i32
      %swap3A_714 = arith.index_cast %swap3A_713 : i32 to index
      %swap3A_715 = arith.index_cast %scan3A_565 : i32 to index
      %swap3A_716 = arith.constant 144 : index
      %swap3A_717 = tpu.vector_load %arg4[%swap3A_714, %swap3A_715, %swap3A_716] {strides = array<i32>} : memref<4x64x256xf32, #tpu.memory_space<vmem>>, vector<1x1x16xf32>,
      %swap3A_718 = vector.shape_cast %swap3A_717 : vector<1x1x16xf32> to vector<16xf32>
      %swap3A_719 = vector.shape_cast %add3A_712 : vector<16xf32> to vector<1x1x16xf32>
      tpu.vector_store %arg4[%swap3A_714, %swap3A_715, %swap3A_716], %swap3A_719 {strides = array<i32>} : memref<4x64x256xf32, #tpu.memory_space<vmem>>, vector<1x1x16xf32>,
      %get3A_720 = arith.constant 1 : i32
      %get3A_721 = arith.index_cast %get3A_720 : i32 to index
      %get3A_722 = arith.index_cast %scan3A_565 : i32 to index
      %get3A_723 = arith.constant 160 : index
      %get3A_724 = tpu.vector_load %arg4[%get3A_721, %get3A_722, %get3A_723] {strides = array<i32>} : memref<4x64x256xf32, #tpu.memory_space<vmem>>, vector<1x1x16xf32>,
      %get3A_725 = vector.shape_cast %get3A_724 : vector<1x1x16xf32> to vector<16xf32>
      %add3A_726 = arith.addf %scan3A_576, %get3A_725 : vector<16xf32>
      %swap3A_727 = arith.constant 1 : i32
      %swap3A_728 = arith.index_cast %swap3A_727 : i32 to index
      %swap3A_729 = arith.index_cast %scan3A_565 : i32 to index
      %swap3A_730 = arith.constant 160 : index
      %swap3A_731 = tpu.vector_load %arg4[%swap3A_728, %swap3A_729, %swap3A_730] {strides = array<i32>} : memref<4x64x256xf32, #tpu.memory_space<vmem>>, vector<1x1x16xf32>,
      %swap3A_732 = vector.shape_cast %swap3A_731 : vector<1x1x16xf32> to vector<16xf32>
      %swap3A_733 = vector.shape_cast %add3A_726 : vector<16xf32> to vector<1x1x16xf32>
      tpu.vector_store %arg4[%swap3A_728, %swap3A_729, %swap3A_730], %swap3A_733 {strides = array<i32>} : memref<4x64x256xf32, #tpu.memory_space<vmem>>, vector<1x1x16xf32>,
      %get3A_734 = arith.constant 1 : i32
      %get3A_735 = arith.index_cast %get3A_734 : i32 to index
      %get3A_736 = arith.index_cast %scan3A_565 : i32 to index
      %get3A_737 = arith.constant 176 : index
      %get3A_738 = tpu.vector_load %arg4[%get3A_735, %get3A_736, %get3A_737] {strides = array<i32>} : memref<4x64x256xf32, #tpu.memory_space<vmem>>, vector<1x1x16xf32>,
      %get3A_739 = vector.shape_cast %get3A_738 : vector<1x1x16xf32> to vector<16xf32>
      %add3A_740 = arith.addf %scan3A_577, %get3A_739 : vector<16xf32>
      %swap3A_741 = arith.constant 1 : i32
      %swap3A_742 = arith.index_cast %swap3A_741 : i32 to index
      %swap3A_743 = arith.index_cast %scan3A_565 : i32 to index
      %swap3A_744 = arith.constant 176 : index
      %swap3A_745 = tpu.vector_load %arg4[%swap3A_742, %swap3A_743, %swap3A_744] {strides = array<i32>} : memref<4x64x256xf32, #tpu.memory_space<vmem>>, vector<1x1x16xf32>,
      %swap3A_746 = vector.shape_cast %swap3A_745 : vector<1x1x16xf32> to vector<16xf32>
      %swap3A_747 = vector.shape_cast %add3A_740 : vector<16xf32> to vector<1x1x16xf32>
      tpu.vector_store %arg4[%swap3A_742, %swap3A_743, %swap3A_744], %swap3A_747 {strides = array<i32>} : memref<4x64x256xf32, #tpu.memory_space<vmem>>, vector<1x1x16xf32>,
      %get3A_748 = arith.constant 1 : i32
      %get3A_749 = arith.index_cast %get3A_748 : i32 to index
      %get3A_750 = arith.index_cast %scan3A_565 : i32 to index
      %get3A_751 = arith.constant 192 : index
      %get3A_752 = tpu.vector_load %arg4[%get3A_749, %get3A_750, %get3A_751] {strides = array<i32>} : memref<4x64x256xf32, #tpu.memory_space<vmem>>, vector<1x1x16xf32>,
      %get3A_753 = vector.shape_cast %get3A_752 : vector<1x1x16xf32> to vector<16xf32>
      %add3A_754 = arith.addf %scan3A_578, %get3A_753 : vector<16xf32>
      %swap3A_755 = arith.constant 1 : i32
      %swap3A_756 = arith.index_cast %swap3A_755 : i32 to index
      %swap3A_757 = arith.index_cast %scan3A_565 : i32 to index
      %swap3A_758 = arith.constant 192 : index
      %swap3A_759 = tpu.vector_load %arg4[%swap3A_756, %swap3A_757, %swap3A_758] {strides = array<i32>} : memref<4x64x256xf32, #tpu.memory_space<vmem>>, vector<1x1x16xf32>,
      %swap3A_760 = vector.shape_cast %swap3A_759 : vector<1x1x16xf32> to vector<16xf32>
      %swap3A_761 = vector.shape_cast %add3A_754 : vector<16xf32> to vector<1x1x16xf32>
      tpu.vector_store %arg4[%swap3A_756, %swap3A_757, %swap3A_758], %swap3A_761 {strides = array<i32>} : memref<4x64x256xf32, #tpu.memory_space<vmem>>, vector<1x1x16xf32>,
      %get3A_762 = arith.constant 1 : i32
      %get3A_763 = arith.index_cast %get3A_762 : i32 to index
      %get3A_764 = arith.index_cast %scan3A_565 : i32 to index
      %get3A_765 = arith.constant 208 : index
      %get3A_766 = tpu.vector_load %arg4[%get3A_763, %get3A_764, %get3A_765] {strides = array<i32>} : memref<4x64x256xf32, #tpu.memory_space<vmem>>, vector<1x1x16xf32>,
      %get3A_767 = vector.shape_cast %get3A_766 : vector<1x1x16xf32> to vector<16xf32>
      %add3A_768 = arith.addf %scan3A_579, %get3A_767 : vector<16xf32>
      %swap3A_769 = arith.constant 1 : i32
      %swap3A_770 = arith.index_cast %swap3A_769 : i32 to index
      %swap3A_771 = arith.index_cast %scan3A_565 : i32 to index
      %swap3A_772 = arith.constant 208 : index
      %swap3A_773 = tpu.vector_load %arg4[%swap3A_770, %swap3A_771, %swap3A_772] {strides = array<i32>} : memref<4x64x256xf32, #tpu.memory_space<vmem>>, vector<1x1x16xf32>,
      %swap3A_774 = vector.shape_cast %swap3A_773 : vector<1x1x16xf32> to vector<16xf32>
      %swap3A_775 = vector.shape_cast %add3A_768 : vector<16xf32> to vector<1x1x16xf32>
      tpu.vector_store %arg4[%swap3A_770, %swap3A_771, %swap3A_772], %swap3A_775 {strides = array<i32>} : memref<4x64x256xf32, #tpu.memory_space<vmem>>, vector<1x1x16xf32>,
      %get3A_776 = arith.constant 1 : i32
      %get3A_777 = arith.index_cast %get3A_776 : i32 to index
      %get3A_778 = arith.index_cast %scan3A_565 : i32 to index
      %get3A_779 = arith.constant 224 : index
      %get3A_780 = tpu.vector_load %arg4[%get3A_777, %get3A_778, %get3A_779] {strides = array<i32>} : memref<4x64x256xf32, #tpu.memory_space<vmem>>, vector<1x1x16xf32>,
      %get3A_781 = vector.shape_cast %get3A_780 : vector<1x1x16xf32> to vector<16xf32>
      %add3A_782 = arith.addf %scan3A_580, %get3A_781 : vector<16xf32>
      %swap3A_783 = arith.constant 1 : i32
      %swap3A_784 = arith.index_cast %swap3A_783 : i32 to index
      %swap3A_785 = arith.index_cast %scan3A_565 : i32 to index
      %swap3A_786 = arith.constant 224 : index
      %swap3A_787 = tpu.vector_load %arg4[%swap3A_784, %swap3A_785, %swap3A_786] {strides = array<i32>} : memref<4x64x256xf32, #tpu.memory_space<vmem>>, vector<1x1x16xf32>,
      %swap3A_788 = vector.shape_cast %swap3A_787 : vector<1x1x16xf32> to vector<16xf32>
      %swap3A_789 = vector.shape_cast %add3A_782 : vector<16xf32> to vector<1x1x16xf32>
      tpu.vector_store %arg4[%swap3A_784, %swap3A_785, %swap3A_786], %swap3A_789 {strides = array<i32>} : memref<4x64x256xf32, #tpu.memory_space<vmem>>, vector<1x1x16xf32>,
      %get3A_790 = arith.constant 1 : i32
      %get3A_791 = arith.index_cast %get3A_790 : i32 to index
      %get3A_792 = arith.index_cast %scan3A_565 : i32 to index
      %get3A_793 = arith.constant 240 : index
      %get3A_794 = tpu.vector_load %arg4[%get3A_791, %get3A_792, %get3A_793] {strides = array<i32>} : memref<4x64x256xf32, #tpu.memory_space<vmem>>, vector<1x1x16xf32>,
      %get3A_795 = vector.shape_cast %get3A_794 : vector<1x1x16xf32> to vector<16xf32>
      %add3A_796 = arith.addf %scan3A_581, %get3A_795 : vector<16xf32>
      %swap3A_797 = arith.constant 1 : i32
      %swap3A_798 = arith.index_cast %swap3A_797 : i32 to index
      %swap3A_799 = arith.index_cast %scan3A_565 : i32 to index
      %swap3A_800 = arith.constant 240 : index
      %swap3A_801 = tpu.vector_load %arg4[%swap3A_798, %swap3A_799, %swap3A_800] {strides = array<i32>} : memref<4x64x256xf32, #tpu.memory_space<vmem>>, vector<1x1x16xf32>,
      %swap3A_802 = vector.shape_cast %swap3A_801 : vector<1x1x16xf32> to vector<16xf32>
      %swap3A_803 = vector.shape_cast %add3A_796 : vector<16xf32> to vector<1x1x16xf32>
      tpu.vector_store %arg4[%swap3A_798, %swap3A_799, %swap3A_800], %swap3A_803 {strides = array<i32>} : memref<4x64x256xf32, #tpu.memory_space<vmem>>, vector<1x1x16xf32>,
      scf.yield %add3A_587, %add3A_600, %add3A_614, %add3A_628, %add3A_642, %add3A_656, %add3A_670, %add3A_684, %add3A_698, %add3A_712, %add3A_726, %add3A_740, %add3A_754, %add3A_768, %add3A_782, %add3A_796 : vector<16xf32>, vector<16xf32>, vector<16xf32>, vector<16xf32>, vector<16xf32>, vector<16xf32>, vector<16xf32>, vector<16xf32>, vector<16xf32>, vector<16xf32>, vector<16xf32>, vector<16xf32>, vector<16xf32>, vector<16xf32>, vector<16xf32>, vector<16xf32>
    }
    %scan3A_132 = arith.constant 64 : i32
    %dma_start3A_133 = arith.constant 1 : i32
    %dma_start3A_134 = arith.constant 0 : i32
    %dma_start3A_135 = arith.constant 0 : i32
    %dma_start3A_136 = tpu.memref_slice %arg4[%dma_start3A_133, %dma_start3A_134, %dma_start3A_135] : memref<4x64x256xf32, #tpu.memory_space<vmem>> -> memref<1x64x256xf32, #tpu.memory_space<vmem>>
    %dma_start3A_137 = tpu.memref_squeeze %dma_start3A_136 : memref<1x64x256xf32, #tpu.memory_space<vmem>> -> memref<64x256xf32, #tpu.memory_space<vmem>>
    %dma_start3A_138 = arith.constant 64 : i32
    %dma_start3A_139 = tpu.memref_slice %arg3[%select_n3A, %dma_start3A_138, %mul3A_32] : memref<4x4096x2048xf32, #tpu.memory_space<hbm>> -> memref<1x64x256xf32, #tpu.memory_space<hbm>>
    %dma_start3A_140 = tpu.memref_squeeze %dma_start3A_139 : memref<1x64x256xf32, #tpu.memory_space<hbm>> -> memref<64x256xf32, #tpu.memory_space<hbm>>
    %dma_start3A_141 = arith.constant 64 : i32
    %dma_start3A_142 = tpu.memref_slice %arg3[%select_n3A, %dma_start3A_141, %mul3A_32] : memref<4x4096x2048xf32, #tpu.memory_space<hbm>> -> memref<1x64x256xf32, #tpu.memory_space<hbm>>
    %dma_start3A_143 = tpu.memref_squeeze %dma_start3A_142 : memref<1x64x256xf32, #tpu.memory_space<hbm>> -> memref<64x256xf32, #tpu.memory_space<hbm>>
    %dma_start3A_144 = arith.constant 0 : i32
    %dma_start3A_145 = arith.constant 0 : i32
    %dma_start3A_146 = tpu.memref_slice %arg4[%dma_start3A_133, %dma_start3A_144, %dma_start3A_145] : memref<4x64x256xf32, #tpu.memory_space<vmem>> -> memref<1x64x256xf32, #tpu.memory_space<vmem>>
    %dma_start3A_147 = tpu.memref_squeeze %dma_start3A_146 : memref<1x64x256xf32, #tpu.memory_space<vmem>> -> memref<64x256xf32, #tpu.memory_space<vmem>>
    tpu.enqueue_dma source(%dma_start3A_147 : memref<64x256xf32, #tpu.memory_space<vmem>>) target(%dma_start3A_143 : memref<64x256xf32, #tpu.memory_space<hbm>>) target_semaphore(%arg10 : memref<!tpu.dma_semaphore, #tpu.memory_space<semaphore_mem>>)
    %dma_start3A_148 = arith.constant 3 : i32
    %dma_start3A_149 = arith.constant 0 : i32
    %dma_start3A_150 = arith.constant 0 : i32
    %dma_start3A_151 = tpu.memref_slice %arg4[%dma_start3A_148, %dma_start3A_149, %dma_start3A_150] : memref<4x64x256xf32, #tpu.memory_space<vmem>> -> memref<1x64x256xf32, #tpu.memory_space<vmem>>
    %dma_start3A_152 = tpu.memref_squeeze %dma_start3A_151 : memref<1x64x256xf32, #tpu.memory_space<vmem>> -> memref<64x256xf32, #tpu.memory_space<vmem>>
    %dma_start3A_153 = arith.constant 192 : i32
    %dma_start3A_154 = tpu.memref_slice %arg2[%select_n3A, %dma_start3A_153, %mul3A_32] : memref<4x4096x2048xf32, #tpu.memory_space<hbm>> -> memref<1x64x256xf32, #tpu.memory_space<hbm>>
    %dma_start3A_155 = tpu.memref_squeeze %dma_start3A_154 : memref<1x64x256xf32, #tpu.memory_space<hbm>> -> memref<64x256xf32, #tpu.memory_space<hbm>>
    %dma_start3A_156 = arith.constant 0 : i32
    %dma_start3A_157 = arith.constant 0 : i32
    %dma_start3A_158 = tpu.memref_slice %arg4[%dma_start3A_148, %dma_start3A_156, %dma_start3A_157] : memref<4x64x256xf32, #tpu.memory_space<vmem>> -> memref<1x64x256xf32, #tpu.memory_space<vmem>>
    %dma_start3A_159 = tpu.memref_squeeze %dma_start3A_158 : memref<1x64x256xf32, #tpu.memory_space<vmem>> -> memref<64x256xf32, #tpu.memory_space<vmem>>
    %dma_start3A_160 = arith.constant 192 : i32
    %dma_start3A_161 = tpu.memref_slice %arg2[%select_n3A, %dma_start3A_160, %mul3A_32] : memref<4x4096x2048xf32, #tpu.memory_space<hbm>> -> memref<1x64x256xf32, #tpu.memory_space<hbm>>
    %dma_start3A_162 = tpu.memref_squeeze %dma_start3A_161 : memref<1x64x256xf32, #tpu.memory_space<hbm>> -> memref<64x256xf32, #tpu.memory_space<hbm>>
    tpu.enqueue_dma source(%dma_start3A_162 : memref<64x256xf32, #tpu.memory_space<hbm>>) target(%dma_start3A_159 : memref<64x256xf32, #tpu.memory_space<vmem>>) target_semaphore(%arg8 : memref<!tpu.dma_semaphore, #tpu.memory_space<semaphore_mem>>)
    %dma_wait3A_163 = arith.constant 2 : i32
    %dma_wait3A_164 = arith.constant 0 : i32
    %dma_wait3A_165 = arith.constant 0 : i32
    %dma_wait3A_166 = tpu.memref_slice %arg4[%dma_wait3A_163, %dma_wait3A_164, %dma_wait3A_165] : memref<4x64x256xf32, #tpu.memory_space<vmem>> -> memref<1x64x256xf32, #tpu.memory_space<vmem>>
    %dma_wait3A_167 = tpu.memref_squeeze %dma_wait3A_166 : memref<1x64x256xf32, #tpu.memory_space<vmem>> -> memref<64x256xf32, #tpu.memory_space<vmem>>
    %dma_wait3A_168 = arith.constant 128 : i32
    %dma_wait3A_169 = tpu.memref_slice %arg2[%select_n3A, %dma_wait3A_168, %mul3A_32] : memref<4x4096x2048xf32, #tpu.memory_space<hbm>> -> memref<1x64x256xf32, #tpu.memory_space<hbm>>
    %dma_wait3A_170 = tpu.memref_squeeze %dma_wait3A_169 : memref<1x64x256xf32, #tpu.memory_space<hbm>> -> memref<64x256xf32, #tpu.memory_space<hbm>>
    %dma_wait3A_171 = arith.constant 0 : i32
    %dma_wait3A_172 = arith.constant 0 : i32
    %dma_wait3A_173 = tpu.memref_slice %arg4[%dma_wait3A_163, %dma_wait3A_171, %dma_wait3A_172] : memref<4x64x256xf32, #tpu.memory_space<vmem>> -> memref<1x64x256xf32, #tpu.memory_space<vmem>>
    %dma_wait3A_174 = tpu.memref_squeeze %dma_wait3A_173 : memref<1x64x256xf32, #tpu.memory_space<vmem>> -> memref<64x256xf32, #tpu.memory_space<vmem>>
    %dma_wait3A_175 = arith.constant 128 : i32
    %dma_wait3A_176 = tpu.memref_slice %arg2[%select_n3A, %dma_wait3A_175, %mul3A_32] : memref<4x4096x2048xf32, #tpu.memory_space<hbm>> -> memref<1x64x256xf32, #tpu.memory_space<hbm>>
    %dma_wait3A_177 = tpu.memref_squeeze %dma_wait3A_176 : memref<1x64x256xf32, #tpu.memory_space<hbm>> -> memref<64x256xf32, #tpu.memory_space<hbm>>
    tpu.wait_dma2 semaphore(%arg7 : memref<!tpu.dma_semaphore, #tpu.memory_space<semaphore_mem>>) src(%dma_wait3A_177 : memref<64x256xf32, #tpu.memory_space<hbm>>) dst(%dma_wait3A_174 : memref<64x256xf32, #tpu.memory_space<vmem>>)
    %scan3A_178 = arith.constant 0 : i32
    %scan3A_179 = arith.constant 64 : i32
    %scan3A_180 = arith.addi %scan3A_178, %scan3A_179 : i32
    %scan3A_181 = arith.constant 1 : i32
    %scan3A_182:16 = scf.for %scan3A_565 = %scan3A_178 to %scan3A_180 step %scan3A_181 iter_args(%scan3A_566 = %scan3A_131#0, %scan3A_567 = %scan3A_131#1, %scan3A_568 = %scan3A_131#2, %scan3A_569 = %scan3A_131#3, %scan3A_570 = %scan3A_131#4, %scan3A_571 = %scan3A_131#5, %scan3A_572 = %scan3A_131#6, %scan3A_573 = %scan3A_131#7, %scan3A_574 = %scan3A_131#8, %scan3A_575 = %scan3A_131#9, %scan3A_576 = %scan3A_131#10, %scan3A_577 = %scan3A_131#11, %scan3A_578 = %scan3A_131#12, %scan3A_579 = %scan3A_131#13, %scan3A_580 = %scan3A_131#14, %scan3A_581 = %scan3A_131#15) -> (vector<16xf32>, vector<16xf32>, vector<16xf32>, vector<16xf32>, vector<16xf32>, vector<16xf32>, vector<16xf32>, vector<16xf32>, vector<16xf32>, vector<16xf32>, vector<16xf32>, vector<16xf32>, vector<16xf32>, vector<16xf32>, vector<16xf32>, vector<16xf32>)  : i32 {
      %get3A = arith.constant 2 : i32
      %get3A_582 = arith.index_cast %get3A : i32 to index
      %get3A_583 = arith.index_cast %scan3A_565 : i32 to index
      %get3A_584 = arith.constant 0 : index
      %get3A_585 = tpu.vector_load %arg4[%get3A_582, %get3A_583, %get3A_584] {strides = array<i32>} : memref<4x64x256xf32, #tpu.memory_space<vmem>>, vector<1x1x16xf32>,
      %get3A_586 = vector.shape_cast %get3A_585 : vector<1x1x16xf32> to vector<16xf32>
      %add3A_587 = arith.addf %scan3A_566, %get3A_586 : vector<16xf32>
      %swap3A = arith.constant 2 : i32
      %swap3A_588 = arith.index_cast %swap3A : i32 to index
      %swap3A_589 = arith.index_cast %scan3A_565 : i32 to index
      %swap3A_590 = arith.constant 0 : index
      %swap3A_591 = tpu.vector_load %arg4[%swap3A_588, %swap3A_589, %swap3A_590] {strides = array<i32>} : memref<4x64x256xf32, #tpu.memory_space<vmem>>, vector<1x1x16xf32>,
      %swap3A_592 = vector.shape_cast %swap3A_591 : vector<1x1x16xf32> to vector<16xf32>
      %swap3A_593 = vector.shape_cast %add3A_587 : vector<16xf32> to vector<1x1x16xf32>
      tpu.vector_store %arg4[%swap3A_588, %swap3A_589, %swap3A_590], %swap3A_593 {strides = array<i32>} : memref<4x64x256xf32, #tpu.memory_space<vmem>>, vector<1x1x16xf32>,
      %get3A_594 = arith.constant 2 : i32
      %get3A_595 = arith.index_cast %get3A_594 : i32 to index
      %get3A_596 = arith.index_cast %scan3A_565 : i32 to index
      %get3A_597 = arith.constant 16 : index
      %get3A_598 = tpu.vector_load %arg4[%get3A_595, %get3A_596, %get3A_597] {strides = array<i32>} : memref<4x64x256xf32, #tpu.memory_space<vmem>>, vector<1x1x16xf32>,
      %get3A_599 = vector.shape_cast %get3A_598 : vector<1x1x16xf32> to vector<16xf32>
      %add3A_600 = arith.addf %scan3A_567, %get3A_599 : vector<16xf32>
      %swap3A_601 = arith.constant 2 : i32
      %swap3A_602 = arith.index_cast %swap3A_601 : i32 to index
      %swap3A_603 = arith.index_cast %scan3A_565 : i32 to index
      %swap3A_604 = arith.constant 16 : index
      %swap3A_605 = tpu.vector_load %arg4[%swap3A_602, %swap3A_603, %swap3A_604] {strides = array<i32>} : memref<4x64x256xf32, #tpu.memory_space<vmem>>, vector<1x1x16xf32>,
      %swap3A_606 = vector.shape_cast %swap3A_605 : vector<1x1x16xf32> to vector<16xf32>
      %swap3A_607 = vector.shape_cast %add3A_600 : vector<16xf32> to vector<1x1x16xf32>
      tpu.vector_store %arg4[%swap3A_602, %swap3A_603, %swap3A_604], %swap3A_607 {strides = array<i32>} : memref<4x64x256xf32, #tpu.memory_space<vmem>>, vector<1x1x16xf32>,
      %get3A_608 = arith.constant 2 : i32
      %get3A_609 = arith.index_cast %get3A_608 : i32 to index
      %get3A_610 = arith.index_cast %scan3A_565 : i32 to index
      %get3A_611 = arith.constant 32 : index
      %get3A_612 = tpu.vector_load %arg4[%get3A_609, %get3A_610, %get3A_611] {strides = array<i32>} : memref<4x64x256xf32, #tpu.memory_space<vmem>>, vector<1x1x16xf32>,
      %get3A_613 = vector.shape_cast %get3A_612 : vector<1x1x16xf32> to vector<16xf32>
      %add3A_614 = arith.addf %scan3A_568, %get3A_613 : vector<16xf32>
      %swap3A_615 = arith.constant 2 : i32
      %swap3A_616 = arith.index_cast %swap3A_615 : i32 to index
      %swap3A_617 = arith.index_cast %scan3A_565 : i32 to index
      %swap3A_618 = arith.constant 32 : index
      %swap3A_619 = tpu.vector_load %arg4[%swap3A_616, %swap3A_617, %swap3A_618] {strides = array<i32>} : memref<4x64x256xf32, #tpu.memory_space<vmem>>, vector<1x1x16xf32>,
      %swap3A_620 = vector.shape_cast %swap3A_619 : vector<1x1x16xf32> to vector<16xf32>
      %swap3A_621 = vector.shape_cast %add3A_614 : vector<16xf32> to vector<1x1x16xf32>
      tpu.vector_store %arg4[%swap3A_616, %swap3A_617, %swap3A_618], %swap3A_621 {strides = array<i32>} : memref<4x64x256xf32, #tpu.memory_space<vmem>>, vector<1x1x16xf32>,
      %get3A_622 = arith.constant 2 : i32
      %get3A_623 = arith.index_cast %get3A_622 : i32 to index
      %get3A_624 = arith.index_cast %scan3A_565 : i32 to index
      %get3A_625 = arith.constant 48 : index
      %get3A_626 = tpu.vector_load %arg4[%get3A_623, %get3A_624, %get3A_625] {strides = array<i32>} : memref<4x64x256xf32, #tpu.memory_space<vmem>>, vector<1x1x16xf32>,
      %get3A_627 = vector.shape_cast %get3A_626 : vector<1x1x16xf32> to vector<16xf32>
      %add3A_628 = arith.addf %scan3A_569, %get3A_627 : vector<16xf32>
      %swap3A_629 = arith.constant 2 : i32
      %swap3A_630 = arith.index_cast %swap3A_629 : i32 to index
      %swap3A_631 = arith.index_cast %scan3A_565 : i32 to index
      %swap3A_632 = arith.constant 48 : index
      %swap3A_633 = tpu.vector_load %arg4[%swap3A_630, %swap3A_631, %swap3A_632] {strides = array<i32>} : memref<4x64x256xf32, #tpu.memory_space<vmem>>, vector<1x1x16xf32>,
      %swap3A_634 = vector.shape_cast %swap3A_633 : vector<1x1x16xf32> to vector<16xf32>
      %swap3A_635 = vector.shape_cast %add3A_628 : vector<16xf32> to vector<1x1x16xf32>
      tpu.vector_store %arg4[%swap3A_630, %swap3A_631, %swap3A_632], %swap3A_635 {strides = array<i32>} : memref<4x64x256xf32, #tpu.memory_space<vmem>>, vector<1x1x16xf32>,
      %get3A_636 = arith.constant 2 : i32
      %get3A_637 = arith.index_cast %get3A_636 : i32 to index
      %get3A_638 = arith.index_cast %scan3A_565 : i32 to index
      %get3A_639 = arith.constant 64 : index
      %get3A_640 = tpu.vector_load %arg4[%get3A_637, %get3A_638, %get3A_639] {strides = array<i32>} : memref<4x64x256xf32, #tpu.memory_space<vmem>>, vector<1x1x16xf32>,
      %get3A_641 = vector.shape_cast %get3A_640 : vector<1x1x16xf32> to vector<16xf32>
      %add3A_642 = arith.addf %scan3A_570, %get3A_641 : vector<16xf32>
      %swap3A_643 = arith.constant 2 : i32
      %swap3A_644 = arith.index_cast %swap3A_643 : i32 to index
      %swap3A_645 = arith.index_cast %scan3A_565 : i32 to index
      %swap3A_646 = arith.constant 64 : index
      %swap3A_647 = tpu.vector_load %arg4[%swap3A_644, %swap3A_645, %swap3A_646] {strides = array<i32>} : memref<4x64x256xf32, #tpu.memory_space<vmem>>, vector<1x1x16xf32>,
      %swap3A_648 = vector.shape_cast %swap3A_647 : vector<1x1x16xf32> to vector<16xf32>
      %swap3A_649 = vector.shape_cast %add3A_642 : vector<16xf32> to vector<1x1x16xf32>
      tpu.vector_store %arg4[%swap3A_644, %swap3A_645, %swap3A_646], %swap3A_649 {strides = array<i32>} : memref<4x64x256xf32, #tpu.memory_space<vmem>>, vector<1x1x16xf32>,
      %get3A_650 = arith.constant 2 : i32
      %get3A_651 = arith.index_cast %get3A_650 : i32 to index
      %get3A_652 = arith.index_cast %scan3A_565 : i32 to index
      %get3A_653 = arith.constant 80 : index
      %get3A_654 = tpu.vector_load %arg4[%get3A_651, %get3A_652, %get3A_653] {strides = array<i32>} : memref<4x64x256xf32, #tpu.memory_space<vmem>>, vector<1x1x16xf32>,
      %get3A_655 = vector.shape_cast %get3A_654 : vector<1x1x16xf32> to vector<16xf32>
      %add3A_656 = arith.addf %scan3A_571, %get3A_655 : vector<16xf32>
      %swap3A_657 = arith.constant 2 : i32
      %swap3A_658 = arith.index_cast %swap3A_657 : i32 to index
      %swap3A_659 = arith.index_cast %scan3A_565 : i32 to index
      %swap3A_660 = arith.constant 80 : index
      %swap3A_661 = tpu.vector_load %arg4[%swap3A_658, %swap3A_659, %swap3A_660] {strides = array<i32>} : memref<4x64x256xf32, #tpu.memory_space<vmem>>, vector<1x1x16xf32>,
      %swap3A_662 = vector.shape_cast %swap3A_661 : vector<1x1x16xf32> to vector<16xf32>
      %swap3A_663 = vector.shape_cast %add3A_656 : vector<16xf32> to vector<1x1x16xf32>
      tpu.vector_store %arg4[%swap3A_658, %swap3A_659, %swap3A_660], %swap3A_663 {strides = array<i32>} : memref<4x64x256xf32, #tpu.memory_space<vmem>>, vector<1x1x16xf32>,
      %get3A_664 = arith.constant 2 : i32
      %get3A_665 = arith.index_cast %get3A_664 : i32 to index
      %get3A_666 = arith.index_cast %scan3A_565 : i32 to index
      %get3A_667 = arith.constant 96 : index
      %get3A_668 = tpu.vector_load %arg4[%get3A_665, %get3A_666, %get3A_667] {strides = array<i32>} : memref<4x64x256xf32, #tpu.memory_space<vmem>>, vector<1x1x16xf32>,
      %get3A_669 = vector.shape_cast %get3A_668 : vector<1x1x16xf32> to vector<16xf32>
      %add3A_670 = arith.addf %scan3A_572, %get3A_669 : vector<16xf32>
      %swap3A_671 = arith.constant 2 : i32
      %swap3A_672 = arith.index_cast %swap3A_671 : i32 to index
      %swap3A_673 = arith.index_cast %scan3A_565 : i32 to index
      %swap3A_674 = arith.constant 96 : index
      %swap3A_675 = tpu.vector_load %arg4[%swap3A_672, %swap3A_673, %swap3A_674] {strides = array<i32>} : memref<4x64x256xf32, #tpu.memory_space<vmem>>, vector<1x1x16xf32>,
      %swap3A_676 = vector.shape_cast %swap3A_675 : vector<1x1x16xf32> to vector<16xf32>
      %swap3A_677 = vector.shape_cast %add3A_670 : vector<16xf32> to vector<1x1x16xf32>
      tpu.vector_store %arg4[%swap3A_672, %swap3A_673, %swap3A_674], %swap3A_677 {strides = array<i32>} : memref<4x64x256xf32, #tpu.memory_space<vmem>>, vector<1x1x16xf32>,
      %get3A_678 = arith.constant 2 : i32
      %get3A_679 = arith.index_cast %get3A_678 : i32 to index
      %get3A_680 = arith.index_cast %scan3A_565 : i32 to index
      %get3A_681 = arith.constant 112 : index
      %get3A_682 = tpu.vector_load %arg4[%get3A_679, %get3A_680, %get3A_681] {strides = array<i32>} : memref<4x64x256xf32, #tpu.memory_space<vmem>>, vector<1x1x16xf32>,
      %get3A_683 = vector.shape_cast %get3A_682 : vector<1x1x16xf32> to vector<16xf32>
      %add3A_684 = arith.addf %scan3A_573, %get3A_683 : vector<16xf32>
      %swap3A_685 = arith.constant 2 : i32
      %swap3A_686 = arith.index_cast %swap3A_685 : i32 to index
      %swap3A_687 = arith.index_cast %scan3A_565 : i32 to index
      %swap3A_688 = arith.constant 112 : index
      %swap3A_689 = tpu.vector_load %arg4[%swap3A_686, %swap3A_687, %swap3A_688] {strides = array<i32>} : memref<4x64x256xf32, #tpu.memory_space<vmem>>, vector<1x1x16xf32>,
      %swap3A_690 = vector.shape_cast %swap3A_689 : vector<1x1x16xf32> to vector<16xf32>
      %swap3A_691 = vector.shape_cast %add3A_684 : vector<16xf32> to vector<1x1x16xf32>
      tpu.vector_store %arg4[%swap3A_686, %swap3A_687, %swap3A_688], %swap3A_691 {strides = array<i32>} : memref<4x64x256xf32, #tpu.memory_space<vmem>>, vector<1x1x16xf32>,
      %get3A_692 = arith.constant 2 : i32
      %get3A_693 = arith.index_cast %get3A_692 : i32 to index
      %get3A_694 = arith.index_cast %scan3A_565 : i32 to index
      %get3A_695 = arith.constant 128 : index
      %get3A_696 = tpu.vector_load %arg4[%get3A_693, %get3A_694, %get3A_695] {strides = array<i32>} : memref<4x64x256xf32, #tpu.memory_space<vmem>>, vector<1x1x16xf32>,
      %get3A_697 = vector.shape_cast %get3A_696 : vector<1x1x16xf32> to vector<16xf32>
      %add3A_698 = arith.addf %scan3A_574, %get3A_697 : vector<16xf32>
      %swap3A_699 = arith.constant 2 : i32
      %swap3A_700 = arith.index_cast %swap3A_699 : i32 to index
      %swap3A_701 = arith.index_cast %scan3A_565 : i32 to index
      %swap3A_702 = arith.constant 128 : index
      %swap3A_703 = tpu.vector_load %arg4[%swap3A_700, %swap3A_701, %swap3A_702] {strides = array<i32>} : memref<4x64x256xf32, #tpu.memory_space<vmem>>, vector<1x1x16xf32>,
      %swap3A_704 = vector.shape_cast %swap3A_703 : vector<1x1x16xf32> to vector<16xf32>
      %swap3A_705 = vector.shape_cast %add3A_698 : vector<16xf32> to vector<1x1x16xf32>
      tpu.vector_store %arg4[%swap3A_700, %swap3A_701, %swap3A_702], %swap3A_705 {strides = array<i32>} : memref<4x64x256xf32, #tpu.memory_space<vmem>>, vector<1x1x16xf32>,
      %get3A_706 = arith.constant 2 : i32
      %get3A_707 = arith.index_cast %get3A_706 : i32 to index
      %get3A_708 = arith.index_cast %scan3A_565 : i32 to index
      %get3A_709 = arith.constant 144 : index
      %get3A_710 = tpu.vector_load %arg4[%get3A_707, %get3A_708, %get3A_709] {strides = array<i32>} : memref<4x64x256xf32, #tpu.memory_space<vmem>>, vector<1x1x16xf32>,
      %get3A_711 = vector.shape_cast %get3A_710 : vector<1x1x16xf32> to vector<16xf32>
      %add3A_712 = arith.addf %scan3A_575, %get3A_711 : vector<16xf32>
      %swap3A_713 = arith.constant 2 : i32
      %swap3A_714 = arith.index_cast %swap3A_713 : i32 to index
      %swap3A_715 = arith.index_cast %scan3A_565 : i32 to index
      %swap3A_716 = arith.constant 144 : index
      %swap3A_717 = tpu.vector_load %arg4[%swap3A_714, %swap3A_715, %swap3A_716] {strides = array<i32>} : memref<4x64x256xf32, #tpu.memory_space<vmem>>, vector<1x1x16xf32>,
      %swap3A_718 = vector.shape_cast %swap3A_717 : vector<1x1x16xf32> to vector<16xf32>
      %swap3A_719 = vector.shape_cast %add3A_712 : vector<16xf32> to vector<1x1x16xf32>
      tpu.vector_store %arg4[%swap3A_714, %swap3A_715, %swap3A_716], %swap3A_719 {strides = array<i32>} : memref<4x64x256xf32, #tpu.memory_space<vmem>>, vector<1x1x16xf32>,
      %get3A_720 = arith.constant 2 : i32
      %get3A_721 = arith.index_cast %get3A_720 : i32 to index
      %get3A_722 = arith.index_cast %scan3A_565 : i32 to index
      %get3A_723 = arith.constant 160 : index
      %get3A_724 = tpu.vector_load %arg4[%get3A_721, %get3A_722, %get3A_723] {strides = array<i32>} : memref<4x64x256xf32, #tpu.memory_space<vmem>>, vector<1x1x16xf32>,
      %get3A_725 = vector.shape_cast %get3A_724 : vector<1x1x16xf32> to vector<16xf32>
      %add3A_726 = arith.addf %scan3A_576, %get3A_725 : vector<16xf32>
      %swap3A_727 = arith.constant 2 : i32
      %swap3A_728 = arith.index_cast %swap3A_727 : i32 to index
      %swap3A_729 = arith.index_cast %scan3A_565 : i32 to index
      %swap3A_730 = arith.constant 160 : index
      %swap3A_731 = tpu.vector_load %arg4[%swap3A_728, %swap3A_729, %swap3A_730] {strides = array<i32>} : memref<4x64x256xf32, #tpu.memory_space<vmem>>, vector<1x1x16xf32>,
      %swap3A_732 = vector.shape_cast %swap3A_731 : vector<1x1x16xf32> to vector<16xf32>
      %swap3A_733 = vector.shape_cast %add3A_726 : vector<16xf32> to vector<1x1x16xf32>
      tpu.vector_store %arg4[%swap3A_728, %swap3A_729, %swap3A_730], %swap3A_733 {strides = array<i32>} : memref<4x64x256xf32, #tpu.memory_space<vmem>>, vector<1x1x16xf32>,
      %get3A_734 = arith.constant 2 : i32
      %get3A_735 = arith.index_cast %get3A_734 : i32 to index
      %get3A_736 = arith.index_cast %scan3A_565 : i32 to index
      %get3A_737 = arith.constant 176 : index
      %get3A_738 = tpu.vector_load %arg4[%get3A_735, %get3A_736, %get3A_737] {strides = array<i32>} : memref<4x64x256xf32, #tpu.memory_space<vmem>>, vector<1x1x16xf32>,
      %get3A_739 = vector.shape_cast %get3A_738 : vector<1x1x16xf32> to vector<16xf32>
      %add3A_740 = arith.addf %scan3A_577, %get3A_739 : vector<16xf32>
      %swap3A_741 = arith.constant 2 : i32
      %swap3A_742 = arith.index_cast %swap3A_741 : i32 to index
      %swap3A_743 = arith.index_cast %scan3A_565 : i32 to index
      %swap3A_744 = arith.constant 176 : index
      %swap3A_745 = tpu.vector_load %arg4[%swap3A_742, %swap3A_743, %swap3A_744] {strides = array<i32>} : memref<4x64x256xf32, #tpu.memory_space<vmem>>, vector<1x1x16xf32>,
      %swap3A_746 = vector.shape_cast %swap3A_745 : vector<1x1x16xf32> to vector<16xf32>
      %swap3A_747 = vector.shape_cast %add3A_740 : vector<16xf32> to vector<1x1x16xf32>
      tpu.vector_store %arg4[%swap3A_742, %swap3A_743, %swap3A_744], %swap3A_747 {strides = array<i32>} : memref<4x64x256xf32, #tpu.memory_space<vmem>>, vector<1x1x16xf32>,
      %get3A_748 = arith.constant 2 : i32
      %get3A_749 = arith.index_cast %get3A_748 : i32 to index
      %get3A_750 = arith.index_cast %scan3A_565 : i32 to index
      %get3A_751 = arith.constant 192 : index
      %get3A_752 = tpu.vector_load %arg4[%get3A_749, %get3A_750, %get3A_751] {strides = array<i32>} : memref<4x64x256xf32, #tpu.memory_space<vmem>>, vector<1x1x16xf32>,
      %get3A_753 = vector.shape_cast %get3A_752 : vector<1x1x16xf32> to vector<16xf32>
      %add3A_754 = arith.addf %scan3A_578, %get3A_753 : vector<16xf32>
      %swap3A_755 = arith.constant 2 : i32
      %swap3A_756 = arith.index_cast %swap3A_755 : i32 to index
      %swap3A_757 = arith.index_cast %scan3A_565 : i32 to index
      %swap3A_758 = arith.constant 192 : index
      %swap3A_759 = tpu.vector_load %arg4[%swap3A_756, %swap3A_757, %swap3A_758] {strides = array<i32>} : memref<4x64x256xf32, #tpu.memory_space<vmem>>, vector<1x1x16xf32>,
      %swap3A_760 = vector.shape_cast %swap3A_759 : vector<1x1x16xf32> to vector<16xf32>
      %swap3A_761 = vector.shape_cast %add3A_754 : vector<16xf32> to vector<1x1x16xf32>
      tpu.vector_store %arg4[%swap3A_756, %swap3A_757, %swap3A_758], %swap3A_761 {strides = array<i32>} : memref<4x64x256xf32, #tpu.memory_space<vmem>>, vector<1x1x16xf32>,
      %get3A_762 = arith.constant 2 : i32
      %get3A_763 = arith.index_cast %get3A_762 : i32 to index
      %get3A_764 = arith.index_cast %scan3A_565 : i32 to index
      %get3A_765 = arith.constant 208 : index
      %get3A_766 = tpu.vector_load %arg4[%get3A_763, %get3A_764, %get3A_765] {strides = array<i32>} : memref<4x64x256xf32, #tpu.memory_space<vmem>>, vector<1x1x16xf32>,
      %get3A_767 = vector.shape_cast %get3A_766 : vector<1x1x16xf32> to vector<16xf32>
      %add3A_768 = arith.addf %scan3A_579, %get3A_767 : vector<16xf32>
      %swap3A_769 = arith.constant 2 : i32
      %swap3A_770 = arith.index_cast %swap3A_769 : i32 to index
      %swap3A_771 = arith.index_cast %scan3A_565 : i32 to index
      %swap3A_772 = arith.constant 208 : index
      %swap3A_773 = tpu.vector_load %arg4[%swap3A_770, %swap3A_771, %swap3A_772] {strides = array<i32>} : memref<4x64x256xf32, #tpu.memory_space<vmem>>, vector<1x1x16xf32>,
      %swap3A_774 = vector.shape_cast %swap3A_773 : vector<1x1x16xf32> to vector<16xf32>
      %swap3A_775 = vector.shape_cast %add3A_768 : vector<16xf32> to vector<1x1x16xf32>
      tpu.vector_store %arg4[%swap3A_770, %swap3A_771, %swap3A_772], %swap3A_775 {strides = array<i32>} : memref<4x64x256xf32, #tpu.memory_space<vmem>>, vector<1x1x16xf32>,
      %get3A_776 = arith.constant 2 : i32
      %get3A_777 = arith.index_cast %get3A_776 : i32 to index
      %get3A_778 = arith.index_cast %scan3A_565 : i32 to index
      %get3A_779 = arith.constant 224 : index
      %get3A_780 = tpu.vector_load %arg4[%get3A_777, %get3A_778, %get3A_779] {strides = array<i32>} : memref<4x64x256xf32, #tpu.memory_space<vmem>>, vector<1x1x16xf32>,
      %get3A_781 = vector.shape_cast %get3A_780 : vector<1x1x16xf32> to vector<16xf32>
      %add3A_782 = arith.addf %scan3A_580, %get3A_781 : vector<16xf32>
      %swap3A_783 = arith.constant 2 : i32
      %swap3A_784 = arith.index_cast %swap3A_783 : i32 to index
      %swap3A_785 = arith.index_cast %scan3A_565 : i32 to index
      %swap3A_786 = arith.constant 224 : index
      %swap3A_787 = tpu.vector_load %arg4[%swap3A_784, %swap3A_785, %swap3A_786] {strides = array<i32>} : memref<4x64x256xf32, #tpu.memory_space<vmem>>, vector<1x1x16xf32>,
      %swap3A_788 = vector.shape_cast %swap3A_787 : vector<1x1x16xf32> to vector<16xf32>
      %swap3A_789 = vector.shape_cast %add3A_782 : vector<16xf32> to vector<1x1x16xf32>
      tpu.vector_store %arg4[%swap3A_784, %swap3A_785, %swap3A_786], %swap3A_789 {strides = array<i32>} : memref<4x64x256xf32, #tpu.memory_space<vmem>>, vector<1x1x16xf32>,
      %get3A_790 = arith.constant 2 : i32
      %get3A_791 = arith.index_cast %get3A_790 : i32 to index
      %get3A_792 = arith.index_cast %scan3A_565 : i32 to index
      %get3A_793 = arith.constant 240 : index
      %get3A_794 = tpu.vector_load %arg4[%get3A_791, %get3A_792, %get3A_793] {strides = array<i32>} : memref<4x64x256xf32, #tpu.memory_space<vmem>>, vector<1x1x16xf32>,
      %get3A_795 = vector.shape_cast %get3A_794 : vector<1x1x16xf32> to vector<16xf32>
      %add3A_796 = arith.addf %scan3A_581, %get3A_795 : vector<16xf32>
      %swap3A_797 = arith.constant 2 : i32
      %swap3A_798 = arith.index_cast %swap3A_797 : i32 to index
      %swap3A_799 = arith.index_cast %scan3A_565 : i32 to index
      %swap3A_800 = arith.constant 240 : index
      %swap3A_801 = tpu.vector_load %arg4[%swap3A_798, %swap3A_799, %swap3A_800] {strides = array<i32>} : memref<4x64x256xf32, #tpu.memory_space<vmem>>, vector<1x1x16xf32>,
      %swap3A_802 = vector.shape_cast %swap3A_801 : vector<1x1x16xf32> to vector<16xf32>
      %swap3A_803 = vector.shape_cast %add3A_796 : vector<16xf32> to vector<1x1x16xf32>
      tpu.vector_store %arg4[%swap3A_798, %swap3A_799, %swap3A_800], %swap3A_803 {strides = array<i32>} : memref<4x64x256xf32, #tpu.memory_space<vmem>>, vector<1x1x16xf32>,
      scf.yield %add3A_587, %add3A_600, %add3A_614, %add3A_628, %add3A_642, %add3A_656, %add3A_670, %add3A_684, %add3A_698, %add3A_712, %add3A_726, %add3A_740, %add3A_754, %add3A_768, %add3A_782, %add3A_796 : vector<16xf32>, vector<16xf32>, vector<16xf32>, vector<16xf32>, vector<16xf32>, vector<16xf32>, vector<16xf32>, vector<16xf32>, vector<16xf32>, vector<16xf32>, vector<16xf32>, vector<16xf32>, vector<16xf32>, vector<16xf32>, vector<16xf32>, vector<16xf32>
    }
    %scan3A_183 = arith.constant 64 : i32
    %dma_start3A_184 = arith.constant 2 : i32
    %dma_start3A_185 = arith.constant 0 : i32
    %dma_start3A_186 = arith.constant 0 : i32
    %dma_start3A_187 = tpu.memref_slice %arg4[%dma_start3A_184, %dma_start3A_185, %dma_start3A_186] : memref<4x64x256xf32, #tpu.memory_space<vmem>> -> memref<1x64x256xf32, #tpu.memory_space<vmem>>
    %dma_start3A_188 = tpu.memref_squeeze %dma_start3A_187 : memref<1x64x256xf32, #tpu.memory_space<vmem>> -> memref<64x256xf32, #tpu.memory_space<vmem>>
    %dma_start3A_189 = arith.constant 128 : i32
    %dma_start3A_190 = tpu.memref_slice %arg3[%select_n3A, %dma_start3A_189, %mul3A_32] : memref<4x4096x2048xf32, #tpu.memory_space<hbm>> -> memref<1x64x256xf32, #tpu.memory_space<hbm>>
    %dma_start3A_191 = tpu.memref_squeeze %dma_start3A_190 : memref<1x64x256xf32, #tpu.memory_space<hbm>> -> memref<64x256xf32, #tpu.memory_space<hbm>>
    %dma_start3A_192 = arith.constant 128 : i32
    %dma_start3A_193 = tpu.memref_slice %arg3[%select_n3A, %dma_start3A_192, %mul3A_32] : memref<4x4096x2048xf32, #tpu.memory_space<hbm>> -> memref<1x64x256xf32, #tpu.memory_space<hbm>>
    %dma_start3A_194 = tpu.memref_squeeze %dma_start3A_193 : memref<1x64x256xf32, #tpu.memory_space<hbm>> -> memref<64x256xf32, #tpu.memory_space<hbm>>
    %dma_start3A_195 = arith.constant 0 : i32
    %dma_start3A_196 = arith.constant 0 : i32
    %dma_start3A_197 = tpu.memref_slice %arg4[%dma_start3A_184, %dma_start3A_195, %dma_start3A_196] : memref<4x64x256xf32, #tpu.memory_space<vmem>> -> memref<1x64x256xf32, #tpu.memory_space<vmem>>
    %dma_start3A_198 = tpu.memref_squeeze %dma_start3A_197 : memref<1x64x256xf32, #tpu.memory_space<vmem>> -> memref<64x256xf32, #tpu.memory_space<vmem>>
    tpu.enqueue_dma source(%dma_start3A_198 : memref<64x256xf32, #tpu.memory_space<vmem>>) target(%dma_start3A_194 : memref<64x256xf32, #tpu.memory_space<hbm>>) target_semaphore(%arg11 : memref<!tpu.dma_semaphore, #tpu.memory_space<semaphore_mem>>)
    %dma_wait3A_199 = arith.constant 0 : i32
    %dma_wait3A_200 = arith.constant 0 : i32
    %dma_wait3A_201 = arith.constant 0 : i32
    %dma_wait3A_202 = tpu.memref_slice %arg4[%dma_wait3A_199, %dma_wait3A_200, %dma_wait3A_201] : memref<4x64x256xf32, #tpu.memory_space<vmem>> -> memref<1x64x256xf32, #tpu.memory_space<vmem>>
    %dma_wait3A_203 = tpu.memref_squeeze %dma_wait3A_202 : memref<1x64x256xf32, #tpu.memory_space<vmem>> -> memref<64x256xf32, #tpu.memory_space<vmem>>
    %dma_wait3A_204 = arith.constant 0 : i32
    %dma_wait3A_205 = tpu.memref_slice %arg3[%select_n3A, %dma_wait3A_204, %mul3A_32] : memref<4x4096x2048xf32, #tpu.memory_space<hbm>> -> memref<1x64x256xf32, #tpu.memory_space<hbm>>
    %dma_wait3A_206 = tpu.memref_squeeze %dma_wait3A_205 : memref<1x64x256xf32, #tpu.memory_space<hbm>> -> memref<64x256xf32, #tpu.memory_space<hbm>>
    %dma_wait3A_207 = arith.constant 0 : i32
    %dma_wait3A_208 = tpu.memref_slice %arg3[%select_n3A, %dma_wait3A_207, %mul3A_32] : memref<4x4096x2048xf32, #tpu.memory_space<hbm>> -> memref<1x64x256xf32, #tpu.memory_space<hbm>>
    %dma_wait3A_209 = tpu.memref_squeeze %dma_wait3A_208 : memref<1x64x256xf32, #tpu.memory_space<hbm>> -> memref<64x256xf32, #tpu.memory_space<hbm>>
    %dma_wait3A_210 = arith.constant 0 : i32
    %dma_wait3A_211 = arith.constant 0 : i32
    %dma_wait3A_212 = tpu.memref_slice %arg4[%dma_wait3A_199, %dma_wait3A_210, %dma_wait3A_211] : memref<4x64x256xf32, #tpu.memory_space<vmem>> -> memref<1x64x256xf32, #tpu.memory_space<vmem>>
    %dma_wait3A_213 = tpu.memref_squeeze %dma_wait3A_212 : memref<1x64x256xf32, #tpu.memory_space<vmem>> -> memref<64x256xf32, #tpu.memory_space<vmem>>
    tpu.wait_dma2 semaphore(%arg9 : memref<!tpu.dma_semaphore, #tpu.memory_space<semaphore_mem>>) src(%dma_wait3A_213 : memref<64x256xf32, #tpu.memory_space<vmem>>) dst(%dma_wait3A_209 : memref<64x256xf32, #tpu.memory_space<hbm>>)
    %dma_start3A_214 = arith.constant 0 : i32
    %dma_start3A_215 = arith.constant 0 : i32
    %dma_start3A_216 = arith.constant 0 : i32
    %dma_start3A_217 = tpu.memref_slice %arg4[%dma_start3A_214, %dma_start3A_215, %dma_start3A_216] : memref<4x64x256xf32, #tpu.memory_space<vmem>> -> memref<1x64x256xf32, #tpu.memory_space<vmem>>
    %dma_start3A_218 = tpu.memref_squeeze %dma_start3A_217 : memref<1x64x256xf32, #tpu.memory_space<vmem>> -> memref<64x256xf32, #tpu.memory_space<vmem>>
    %dma_start3A_219 = arith.constant 256 : i32
    %dma_start3A_220 = tpu.memref_slice %arg2[%select_n3A, %dma_start3A_219, %mul3A_32] : memref<4x4096x2048xf32, #tpu.memory_space<hbm>> -> memref<1x64x256xf32, #tpu.memory_space<hbm>>
    %dma_start3A_221 = tpu.memref_squeeze %dma_start3A_220 : memref<1x64x256xf32, #tpu.memory_space<hbm>> -> memref<64x256xf32, #tpu.memory_space<hbm>>
    %dma_start3A_222 = arith.constant 0 : i32
    %dma_start3A_223 = arith.constant 0 : i32
    %dma_start3A_224 = tpu.memref_slice %arg4[%dma_start3A_214, %dma_start3A_222, %dma_start3A_223] : memref<4x64x256xf32, #tpu.memory_space<vmem>> -> memref<1x64x256xf32, #tpu.memory_space<vmem>>
    %dma_start3A_225 = tpu.memref_squeeze %dma_start3A_224 : memref<1x64x256xf32, #tpu.memory_space<vmem>> -> memref<64x256xf32, #tpu.memory_space<vmem>>
    %dma_start3A_226 = arith.constant 256 : i32
    %dma_start3A_227 = tpu.memref_slice %arg2[%select_n3A, %dma_start3A_226, %mul3A_32] : memref<4x4096x2048xf32, #tpu.memory_space<hbm>> -> memref<1x64x256xf32, #tpu.memory_space<hbm>>
    %dma_start3A_228 = tpu.memref_squeeze %dma_start3A_227 : memref<1x64x256xf32, #tpu.memory_space<hbm>> -> memref<64x256xf32, #tpu.memory_space<hbm>>
    tpu.enqueue_dma source(%dma_start3A_228 : memref<64x256xf32, #tpu.memory_space<hbm>>) target(%dma_start3A_225 : memref<64x256xf32, #tpu.memory_space<vmem>>) target_semaphore(%arg5 : memref<!tpu.dma_semaphore, #tpu.memory_space<semaphore_mem>>)
    %dma_wait3A_229 = arith.constant 3 : i32
    %dma_wait3A_230 = arith.constant 0 : i32
    %dma_wait3A_231 = arith.constant 0 : i32
    %dma_wait3A_232 = tpu.memref_slice %arg4[%dma_wait3A_229, %dma_wait3A_230, %dma_wait3A_231] : memref<4x64x256xf32, #tpu.memory_space<vmem>> -> memref<1x64x256xf32, #tpu.memory_space<vmem>>
    %dma_wait3A_233 = tpu.memref_squeeze %dma_wait3A_232 : memref<1x64x256xf32, #tpu.memory_space<vmem>> -> memref<64x256xf32, #tpu.memory_space<vmem>>
    %dma_wait3A_234 = arith.constant 192 : i32
    %dma_wait3A_235 = tpu.memref_slice %arg2[%select_n3A, %dma_wait3A_234, %mul3A_32] : memref<4x4096x2048xf32, #tpu.memory_space<hbm>> -> memref<1x64x256xf32, #tpu.memory_space<hbm>>
    %dma_wait3A_236 = tpu.memref_squeeze %dma_wait3A_235 : memref<1x64x256xf32, #tpu.memory_space<hbm>> -> memref<64x256xf32, #tpu.memory_space<hbm>>
    %dma_wait3A_237 = arith.constant 0 : i32
    %dma_wait3A_238 = arith.constant 0 : i32
    %dma_wait3A_239 = tpu.memref_slice %arg4[%dma_wait3A_229, %dma_wait3A_237, %dma_wait3A_238] : memref<4x64x256xf32, #tpu.memory_space<vmem>> -> memref<1x64x256xf32, #tpu.memory_space<vmem>>
    %dma_wait3A_240 = tpu.memref_squeeze %dma_wait3A_239 : memref<1x64x256xf32, #tpu.memory_space<vmem>> -> memref<64x256xf32, #tpu.memory_space<vmem>>
    %dma_wait3A_241 = arith.constant 192 : i32
    %dma_wait3A_242 = tpu.memref_slice %arg2[%select_n3A, %dma_wait3A_241, %mul3A_32] : memref<4x4096x2048xf32, #tpu.memory_space<hbm>> -> memref<1x64x256xf32, #tpu.memory_space<hbm>>
    %dma_wait3A_243 = tpu.memref_squeeze %dma_wait3A_242 : memref<1x64x256xf32, #tpu.memory_space<hbm>> -> memref<64x256xf32, #tpu.memory_space<hbm>>
    tpu.wait_dma2 semaphore(%arg8 : memref<!tpu.dma_semaphore, #tpu.memory_space<semaphore_mem>>) src(%dma_wait3A_243 : memref<64x256xf32, #tpu.memory_space<hbm>>) dst(%dma_wait3A_240 : memref<64x256xf32, #tpu.memory_space<vmem>>)
    %scan3A_244 = arith.constant 0 : i32
    %scan3A_245 = arith.constant 64 : i32
    %scan3A_246 = arith.addi %scan3A_244, %scan3A_245 : i32
    %scan3A_247 = arith.constant 1 : i32
    %scan3A_248:16 = scf.for %scan3A_565 = %scan3A_244 to %scan3A_246 step %scan3A_247 iter_args(%scan3A_566 = %scan3A_182#0, %scan3A_567 = %scan3A_182#1, %scan3A_568 = %scan3A_182#2, %scan3A_569 = %scan3A_182#3, %scan3A_570 = %scan3A_182#4, %scan3A_571 = %scan3A_182#5, %scan3A_572 = %scan3A_182#6, %scan3A_573 = %scan3A_182#7, %scan3A_574 = %scan3A_182#8, %scan3A_575 = %scan3A_182#9, %scan3A_576 = %scan3A_182#10, %scan3A_577 = %scan3A_182#11, %scan3A_578 = %scan3A_182#12, %scan3A_579 = %scan3A_182#13, %scan3A_580 = %scan3A_182#14, %scan3A_581 = %scan3A_182#15) -> (vector<16xf32>, vector<16xf32>, vector<16xf32>, vector<16xf32>, vector<16xf32>, vector<16xf32>, vector<16xf32>, vector<16xf32>, vector<16xf32>, vector<16xf32>, vector<16xf32>, vector<16xf32>, vector<16xf32>, vector<16xf32>, vector<16xf32>, vector<16xf32>)  : i32 {
      %get3A = arith.constant 3 : i32
      %get3A_582 = arith.index_cast %get3A : i32 to index
      %get3A_583 = arith.index_cast %scan3A_565 : i32 to index
      %get3A_584 = arith.constant 0 : index
      %get3A_585 = tpu.vector_load %arg4[%get3A_582, %get3A_583, %get3A_584] {strides = array<i32>} : memref<4x64x256xf32, #tpu.memory_space<vmem>>, vector<1x1x16xf32>,
      %get3A_586 = vector.shape_cast %get3A_585 : vector<1x1x16xf32> to vector<16xf32>
      %add3A_587 = arith.addf %scan3A_566, %get3A_586 : vector<16xf32>
      %swap3A = arith.constant 3 : i32
      %swap3A_588 = arith.index_cast %swap3A : i32 to index
      %swap3A_589 = arith.index_cast %scan3A_565 : i32 to index
      %swap3A_590 = arith.constant 0 : index
      %swap3A_591 = tpu.vector_load %arg4[%swap3A_588, %swap3A_589, %swap3A_590] {strides = array<i32>} : memref<4x64x256xf32, #tpu.memory_space<vmem>>, vector<1x1x16xf32>,
      %swap3A_592 = vector.shape_cast %swap3A_591 : vector<1x1x16xf32> to vector<16xf32>
      %swap3A_593 = vector.shape_cast %add3A_587 : vector<16xf32> to vector<1x1x16xf32>
      tpu.vector_store %arg4[%swap3A_588, %swap3A_589, %swap3A_590], %swap3A_593 {strides = array<i32>} : memref<4x64x256xf32, #tpu.memory_space<vmem>>, vector<1x1x16xf32>,
      %get3A_594 = arith.constant 3 : i32
      %get3A_595 = arith.index_cast %get3A_594 : i32 to index
      %get3A_596 = arith.index_cast %scan3A_565 : i32 to index
      %get3A_597 = arith.constant 16 : index
      %get3A_598 = tpu.vector_load %arg4[%get3A_595, %get3A_596, %get3A_597] {strides = array<i32>} : memref<4x64x256xf32, #tpu.memory_space<vmem>>, vector<1x1x16xf32>,
      %get3A_599 = vector.shape_cast %get3A_598 : vector<1x1x16xf32> to vector<16xf32>
      %add3A_600 = arith.addf %scan3A_567, %get3A_599 : vector<16xf32>
      %swap3A_601 = arith.constant 3 : i32
      %swap3A_602 = arith.index_cast %swap3A_601 : i32 to index
      %swap3A_603 = arith.index_cast %scan3A_565 : i32 to index
      %swap3A_604 = arith.constant 16 : index
      %swap3A_605 = tpu.vector_load %arg4[%swap3A_602, %swap3A_603, %swap3A_604] {strides = array<i32>} : memref<4x64x256xf32, #tpu.memory_space<vmem>>, vector<1x1x16xf32>,
      %swap3A_606 = vector.shape_cast %swap3A_605 : vector<1x1x16xf32> to vector<16xf32>
      %swap3A_607 = vector.shape_cast %add3A_600 : vector<16xf32> to vector<1x1x16xf32>
      tpu.vector_store %arg4[%swap3A_602, %swap3A_603, %swap3A_604], %swap3A_607 {strides = array<i32>} : memref<4x64x256xf32, #tpu.memory_space<vmem>>, vector<1x1x16xf32>,
      %get3A_608 = arith.constant 3 : i32
      %get3A_609 = arith.index_cast %get3A_608 : i32 to index
      %get3A_610 = arith.index_cast %scan3A_565 : i32 to index
      %get3A_611 = arith.constant 32 : index
      %get3A_612 = tpu.vector_load %arg4[%get3A_609, %get3A_610, %get3A_611] {strides = array<i32>} : memref<4x64x256xf32, #tpu.memory_space<vmem>>, vector<1x1x16xf32>,
      %get3A_613 = vector.shape_cast %get3A_612 : vector<1x1x16xf32> to vector<16xf32>
      %add3A_614 = arith.addf %scan3A_568, %get3A_613 : vector<16xf32>
      %swap3A_615 = arith.constant 3 : i32
      %swap3A_616 = arith.index_cast %swap3A_615 : i32 to index
      %swap3A_617 = arith.index_cast %scan3A_565 : i32 to index
      %swap3A_618 = arith.constant 32 : index
      %swap3A_619 = tpu.vector_load %arg4[%swap3A_616, %swap3A_617, %swap3A_618] {strides = array<i32>} : memref<4x64x256xf32, #tpu.memory_space<vmem>>, vector<1x1x16xf32>,
      %swap3A_620 = vector.shape_cast %swap3A_619 : vector<1x1x16xf32> to vector<16xf32>
      %swap3A_621 = vector.shape_cast %add3A_614 : vector<16xf32> to vector<1x1x16xf32>
      tpu.vector_store %arg4[%swap3A_616, %swap3A_617, %swap3A_618], %swap3A_621 {strides = array<i32>} : memref<4x64x256xf32, #tpu.memory_space<vmem>>, vector<1x1x16xf32>,
      %get3A_622 = arith.constant 3 : i32
      %get3A_623 = arith.index_cast %get3A_622 : i32 to index
      %get3A_624 = arith.index_cast %scan3A_565 : i32 to index
      %get3A_625 = arith.constant 48 : index
      %get3A_626 = tpu.vector_load %arg4[%get3A_623, %get3A_624, %get3A_625] {strides = array<i32>} : memref<4x64x256xf32, #tpu.memory_space<vmem>>, vector<1x1x16xf32>,
      %get3A_627 = vector.shape_cast %get3A_626 : vector<1x1x16xf32> to vector<16xf32>
      %add3A_628 = arith.addf %scan3A_569, %get3A_627 : vector<16xf32>
      %swap3A_629 = arith.constant 3 : i32
      %swap3A_630 = arith.index_cast %swap3A_629 : i32 to index
      %swap3A_631 = arith.index_cast %scan3A_565 : i32 to index
      %swap3A_632 = arith.constant 48 : index
      %swap3A_633 = tpu.vector_load %arg4[%swap3A_630, %swap3A_631, %swap3A_632] {strides = array<i32>} : memref<4x64x256xf32, #tpu.memory_space<vmem>>, vector<1x1x16xf32>,
      %swap3A_634 = vector.shape_cast %swap3A_633 : vector<1x1x16xf32> to vector<16xf32>
      %swap3A_635 = vector.shape_cast %add3A_628 : vector<16xf32> to vector<1x1x16xf32>
      tpu.vector_store %arg4[%swap3A_630, %swap3A_631, %swap3A_632], %swap3A_635 {strides = array<i32>} : memref<4x64x256xf32, #tpu.memory_space<vmem>>, vector<1x1x16xf32>,
      %get3A_636 = arith.constant 3 : i32
      %get3A_637 = arith.index_cast %get3A_636 : i32 to index
      %get3A_638 = arith.index_cast %scan3A_565 : i32 to index
      %get3A_639 = arith.constant 64 : index
      %get3A_640 = tpu.vector_load %arg4[%get3A_637, %get3A_638, %get3A_639] {strides = array<i32>} : memref<4x64x256xf32, #tpu.memory_space<vmem>>, vector<1x1x16xf32>,
      %get3A_641 = vector.shape_cast %get3A_640 : vector<1x1x16xf32> to vector<16xf32>
      %add3A_642 = arith.addf %scan3A_570, %get3A_641 : vector<16xf32>
      %swap3A_643 = arith.constant 3 : i32
      %swap3A_644 = arith.index_cast %swap3A_643 : i32 to index
      %swap3A_645 = arith.index_cast %scan3A_565 : i32 to index
      %swap3A_646 = arith.constant 64 : index
      %swap3A_647 = tpu.vector_load %arg4[%swap3A_644, %swap3A_645, %swap3A_646] {strides = array<i32>} : memref<4x64x256xf32, #tpu.memory_space<vmem>>, vector<1x1x16xf32>,
      %swap3A_648 = vector.shape_cast %swap3A_647 : vector<1x1x16xf32> to vector<16xf32>
      %swap3A_649 = vector.shape_cast %add3A_642 : vector<16xf32> to vector<1x1x16xf32>
      tpu.vector_store %arg4[%swap3A_644, %swap3A_645, %swap3A_646], %swap3A_649 {strides = array<i32>} : memref<4x64x256xf32, #tpu.memory_space<vmem>>, vector<1x1x16xf32>,
      %get3A_650 = arith.constant 3 : i32
      %get3A_651 = arith.index_cast %get3A_650 : i32 to index
      %get3A_652 = arith.index_cast %scan3A_565 : i32 to index
      %get3A_653 = arith.constant 80 : index
      %get3A_654 = tpu.vector_load %arg4[%get3A_651, %get3A_652, %get3A_653] {strides = array<i32>} : memref<4x64x256xf32, #tpu.memory_space<vmem>>, vector<1x1x16xf32>,
      %get3A_655 = vector.shape_cast %get3A_654 : vector<1x1x16xf32> to vector<16xf32>
      %add3A_656 = arith.addf %scan3A_571, %get3A_655 : vector<16xf32>
      %swap3A_657 = arith.constant 3 : i32
      %swap3A_658 = arith.index_cast %swap3A_657 : i32 to index
      %swap3A_659 = arith.index_cast %scan3A_565 : i32 to index
      %swap3A_660 = arith.constant 80 : index
      %swap3A_661 = tpu.vector_load %arg4[%swap3A_658, %swap3A_659, %swap3A_660] {strides = array<i32>} : memref<4x64x256xf32, #tpu.memory_space<vmem>>, vector<1x1x16xf32>,
      %swap3A_662 = vector.shape_cast %swap3A_661 : vector<1x1x16xf32> to vector<16xf32>
      %swap3A_663 = vector.shape_cast %add3A_656 : vector<16xf32> to vector<1x1x16xf32>
      tpu.vector_store %arg4[%swap3A_658, %swap3A_659, %swap3A_660], %swap3A_663 {strides = array<i32>} : memref<4x64x256xf32, #tpu.memory_space<vmem>>, vector<1x1x16xf32>,
      %get3A_664 = arith.constant 3 : i32
      %get3A_665 = arith.index_cast %get3A_664 : i32 to index
      %get3A_666 = arith.index_cast %scan3A_565 : i32 to index
      %get3A_667 = arith.constant 96 : index
      %get3A_668 = tpu.vector_load %arg4[%get3A_665, %get3A_666, %get3A_667] {strides = array<i32>} : memref<4x64x256xf32, #tpu.memory_space<vmem>>, vector<1x1x16xf32>,
      %get3A_669 = vector.shape_cast %get3A_668 : vector<1x1x16xf32> to vector<16xf32>
      %add3A_670 = arith.addf %scan3A_572, %get3A_669 : vector<16xf32>
      %swap3A_671 = arith.constant 3 : i32
      %swap3A_672 = arith.index_cast %swap3A_671 : i32 to index
      %swap3A_673 = arith.index_cast %scan3A_565 : i32 to index
      %swap3A_674 = arith.constant 96 : index
      %swap3A_675 = tpu.vector_load %arg4[%swap3A_672, %swap3A_673, %swap3A_674] {strides = array<i32>} : memref<4x64x256xf32, #tpu.memory_space<vmem>>, vector<1x1x16xf32>,
      %swap3A_676 = vector.shape_cast %swap3A_675 : vector<1x1x16xf32> to vector<16xf32>
      %swap3A_677 = vector.shape_cast %add3A_670 : vector<16xf32> to vector<1x1x16xf32>
      tpu.vector_store %arg4[%swap3A_672, %swap3A_673, %swap3A_674], %swap3A_677 {strides = array<i32>} : memref<4x64x256xf32, #tpu.memory_space<vmem>>, vector<1x1x16xf32>,
      %get3A_678 = arith.constant 3 : i32
      %get3A_679 = arith.index_cast %get3A_678 : i32 to index
      %get3A_680 = arith.index_cast %scan3A_565 : i32 to index
      %get3A_681 = arith.constant 112 : index
      %get3A_682 = tpu.vector_load %arg4[%get3A_679, %get3A_680, %get3A_681] {strides = array<i32>} : memref<4x64x256xf32, #tpu.memory_space<vmem>>, vector<1x1x16xf32>,
      %get3A_683 = vector.shape_cast %get3A_682 : vector<1x1x16xf32> to vector<16xf32>
      %add3A_684 = arith.addf %scan3A_573, %get3A_683 : vector<16xf32>
      %swap3A_685 = arith.constant 3 : i32
      %swap3A_686 = arith.index_cast %swap3A_685 : i32 to index
      %swap3A_687 = arith.index_cast %scan3A_565 : i32 to index
      %swap3A_688 = arith.constant 112 : index
      %swap3A_689 = tpu.vector_load %arg4[%swap3A_686, %swap3A_687, %swap3A_688] {strides = array<i32>} : memref<4x64x256xf32, #tpu.memory_space<vmem>>, vector<1x1x16xf32>,
      %swap3A_690 = vector.shape_cast %swap3A_689 : vector<1x1x16xf32> to vector<16xf32>
      %swap3A_691 = vector.shape_cast %add3A_684 : vector<16xf32> to vector<1x1x16xf32>
      tpu.vector_store %arg4[%swap3A_686, %swap3A_687, %swap3A_688], %swap3A_691 {strides = array<i32>} : memref<4x64x256xf32, #tpu.memory_space<vmem>>, vector<1x1x16xf32>,
      %get3A_692 = arith.constant 3 : i32
      %get3A_693 = arith.index_cast %get3A_692 : i32 to index
      %get3A_694 = arith.index_cast %scan3A_565 : i32 to index
      %get3A_695 = arith.constant 128 : index
      %get3A_696 = tpu.vector_load %arg4[%get3A_693, %get3A_694, %get3A_695] {strides = array<i32>} : memref<4x64x256xf32, #tpu.memory_space<vmem>>, vector<1x1x16xf32>,
      %get3A_697 = vector.shape_cast %get3A_696 : vector<1x1x16xf32> to vector<16xf32>
      %add3A_698 = arith.addf %scan3A_574, %get3A_697 : vector<16xf32>
      %swap3A_699 = arith.constant 3 : i32
      %swap3A_700 = arith.index_cast %swap3A_699 : i32 to index
      %swap3A_701 = arith.index_cast %scan3A_565 : i32 to index
      %swap3A_702 = arith.constant 128 : index
      %swap3A_703 = tpu.vector_load %arg4[%swap3A_700, %swap3A_701, %swap3A_702] {strides = array<i32>} : memref<4x64x256xf32, #tpu.memory_space<vmem>>, vector<1x1x16xf32>,
      %swap3A_704 = vector.shape_cast %swap3A_703 : vector<1x1x16xf32> to vector<16xf32>
      %swap3A_705 = vector.shape_cast %add3A_698 : vector<16xf32> to vector<1x1x16xf32>
      tpu.vector_store %arg4[%swap3A_700, %swap3A_701, %swap3A_702], %swap3A_705 {strides = array<i32>} : memref<4x64x256xf32, #tpu.memory_space<vmem>>, vector<1x1x16xf32>,
      %get3A_706 = arith.constant 3 : i32
      %get3A_707 = arith.index_cast %get3A_706 : i32 to index
      %get3A_708 = arith.index_cast %scan3A_565 : i32 to index
      %get3A_709 = arith.constant 144 : index
      %get3A_710 = tpu.vector_load %arg4[%get3A_707, %get3A_708, %get3A_709] {strides = array<i32>} : memref<4x64x256xf32, #tpu.memory_space<vmem>>, vector<1x1x16xf32>,
      %get3A_711 = vector.shape_cast %get3A_710 : vector<1x1x16xf32> to vector<16xf32>
      %add3A_712 = arith.addf %scan3A_575, %get3A_711 : vector<16xf32>
      %swap3A_713 = arith.constant 3 : i32
      %swap3A_714 = arith.index_cast %swap3A_713 : i32 to index
      %swap3A_715 = arith.index_cast %scan3A_565 : i32 to index
      %swap3A_716 = arith.constant 144 : index
      %swap3A_717 = tpu.vector_load %arg4[%swap3A_714, %swap3A_715, %swap3A_716] {strides = array<i32>} : memref<4x64x256xf32, #tpu.memory_space<vmem>>, vector<1x1x16xf32>,
      %swap3A_718 = vector.shape_cast %swap3A_717 : vector<1x1x16xf32> to vector<16xf32>
      %swap3A_719 = vector.shape_cast %add3A_712 : vector<16xf32> to vector<1x1x16xf32>
      tpu.vector_store %arg4[%swap3A_714, %swap3A_715, %swap3A_716], %swap3A_719 {strides = array<i32>} : memref<4x64x256xf32, #tpu.memory_space<vmem>>, vector<1x1x16xf32>,
      %get3A_720 = arith.constant 3 : i32
      %get3A_721 = arith.index_cast %get3A_720 : i32 to index
      %get3A_722 = arith.index_cast %scan3A_565 : i32 to index
      %get3A_723 = arith.constant 160 : index
      %get3A_724 = tpu.vector_load %arg4[%get3A_721, %get3A_722, %get3A_723] {strides = array<i32>} : memref<4x64x256xf32, #tpu.memory_space<vmem>>, vector<1x1x16xf32>,
      %get3A_725 = vector.shape_cast %get3A_724 : vector<1x1x16xf32> to vector<16xf32>
      %add3A_726 = arith.addf %scan3A_576, %get3A_725 : vector<16xf32>
      %swap3A_727 = arith.constant 3 : i32
      %swap3A_728 = arith.index_cast %swap3A_727 : i32 to index
      %swap3A_729 = arith.index_cast %scan3A_565 : i32 to index
      %swap3A_730 = arith.constant 160 : index
      %swap3A_731 = tpu.vector_load %arg4[%swap3A_728, %swap3A_729, %swap3A_730] {strides = array<i32>} : memref<4x64x256xf32, #tpu.memory_space<vmem>>, vector<1x1x16xf32>,
      %swap3A_732 = vector.shape_cast %swap3A_731 : vector<1x1x16xf32> to vector<16xf32>
      %swap3A_733 = vector.shape_cast %add3A_726 : vector<16xf32> to vector<1x1x16xf32>
      tpu.vector_store %arg4[%swap3A_728, %swap3A_729, %swap3A_730], %swap3A_733 {strides = array<i32>} : memref<4x64x256xf32, #tpu.memory_space<vmem>>, vector<1x1x16xf32>,
      %get3A_734 = arith.constant 3 : i32
      %get3A_735 = arith.index_cast %get3A_734 : i32 to index
      %get3A_736 = arith.index_cast %scan3A_565 : i32 to index
      %get3A_737 = arith.constant 176 : index
      %get3A_738 = tpu.vector_load %arg4[%get3A_735, %get3A_736, %get3A_737] {strides = array<i32>} : memref<4x64x256xf32, #tpu.memory_space<vmem>>, vector<1x1x16xf32>,
      %get3A_739 = vector.shape_cast %get3A_738 : vector<1x1x16xf32> to vector<16xf32>
      %add3A_740 = arith.addf %scan3A_577, %get3A_739 : vector<16xf32>
      %swap3A_741 = arith.constant 3 : i32
      %swap3A_742 = arith.index_cast %swap3A_741 : i32 to index
      %swap3A_743 = arith.index_cast %scan3A_565 : i32 to index
      %swap3A_744 = arith.constant 176 : index
      %swap3A_745 = tpu.vector_load %arg4[%swap3A_742, %swap3A_743, %swap3A_744] {strides = array<i32>} : memref<4x64x256xf32, #tpu.memory_space<vmem>>, vector<1x1x16xf32>,
      %swap3A_746 = vector.shape_cast %swap3A_745 : vector<1x1x16xf32> to vector<16xf32>
      %swap3A_747 = vector.shape_cast %add3A_740 : vector<16xf32> to vector<1x1x16xf32>
      tpu.vector_store %arg4[%swap3A_742, %swap3A_743, %swap3A_744], %swap3A_747 {strides = array<i32>} : memref<4x64x256xf32, #tpu.memory_space<vmem>>, vector<1x1x16xf32>,
      %get3A_748 = arith.constant 3 : i32
      %get3A_749 = arith.index_cast %get3A_748 : i32 to index
      %get3A_750 = arith.index_cast %scan3A_565 : i32 to index
      %get3A_751 = arith.constant 192 : index
      %get3A_752 = tpu.vector_load %arg4[%get3A_749, %get3A_750, %get3A_751] {strides = array<i32>} : memref<4x64x256xf32, #tpu.memory_space<vmem>>, vector<1x1x16xf32>,
      %get3A_753 = vector.shape_cast %get3A_752 : vector<1x1x16xf32> to vector<16xf32>
      %add3A_754 = arith.addf %scan3A_578, %get3A_753 : vector<16xf32>
      %swap3A_755 = arith.constant 3 : i32
      %swap3A_756 = arith.index_cast %swap3A_755 : i32 to index
      %swap3A_757 = arith.index_cast %scan3A_565 : i32 to index
      %swap3A_758 = arith.constant 192 : index
      %swap3A_759 = tpu.vector_load %arg4[%swap3A_756, %swap3A_757, %swap3A_758] {strides = array<i32>} : memref<4x64x256xf32, #tpu.memory_space<vmem>>, vector<1x1x16xf32>,
      %swap3A_760 = vector.shape_cast %swap3A_759 : vector<1x1x16xf32> to vector<16xf32>
      %swap3A_761 = vector.shape_cast %add3A_754 : vector<16xf32> to vector<1x1x16xf32>
      tpu.vector_store %arg4[%swap3A_756, %swap3A_757, %swap3A_758], %swap3A_761 {strides = array<i32>} : memref<4x64x256xf32, #tpu.memory_space<vmem>>, vector<1x1x16xf32>,
      %get3A_762 = arith.constant 3 : i32
      %get3A_763 = arith.index_cast %get3A_762 : i32 to index
      %get3A_764 = arith.index_cast %scan3A_565 : i32 to index
      %get3A_765 = arith.constant 208 : index
      %get3A_766 = tpu.vector_load %arg4[%get3A_763, %get3A_764, %get3A_765] {strides = array<i32>} : memref<4x64x256xf32, #tpu.memory_space<vmem>>, vector<1x1x16xf32>,
      %get3A_767 = vector.shape_cast %get3A_766 : vector<1x1x16xf32> to vector<16xf32>
      %add3A_768 = arith.addf %scan3A_579, %get3A_767 : vector<16xf32>
      %swap3A_769 = arith.constant 3 : i32
      %swap3A_770 = arith.index_cast %swap3A_769 : i32 to index
      %swap3A_771 = arith.index_cast %scan3A_565 : i32 to index
      %swap3A_772 = arith.constant 208 : index
      %swap3A_773 = tpu.vector_load %arg4[%swap3A_770, %swap3A_771, %swap3A_772] {strides = array<i32>} : memref<4x64x256xf32, #tpu.memory_space<vmem>>, vector<1x1x16xf32>,
      %swap3A_774 = vector.shape_cast %swap3A_773 : vector<1x1x16xf32> to vector<16xf32>
      %swap3A_775 = vector.shape_cast %add3A_768 : vector<16xf32> to vector<1x1x16xf32>
      tpu.vector_store %arg4[%swap3A_770, %swap3A_771, %swap3A_772], %swap3A_775 {strides = array<i32>} : memref<4x64x256xf32, #tpu.memory_space<vmem>>, vector<1x1x16xf32>,
      %get3A_776 = arith.constant 3 : i32
      %get3A_777 = arith.index_cast %get3A_776 : i32 to index
      %get3A_778 = arith.index_cast %scan3A_565 : i32 to index
      %get3A_779 = arith.constant 224 : index
      %get3A_780 = tpu.vector_load %arg4[%get3A_777, %get3A_778, %get3A_779] {strides = array<i32>} : memref<4x64x256xf32, #tpu.memory_space<vmem>>, vector<1x1x16xf32>,
      %get3A_781 = vector.shape_cast %get3A_780 : vector<1x1x16xf32> to vector<16xf32>
      %add3A_782 = arith.addf %scan3A_580, %get3A_781 : vector<16xf32>
      %swap3A_783 = arith.constant 3 : i32
      %swap3A_784 = arith.index_cast %swap3A_783 : i32 to index
      %swap3A_785 = arith.index_cast %scan3A_565 : i32 to index
      %swap3A_786 = arith.constant 224 : index
      %swap3A_787 = tpu.vector_load %arg4[%swap3A_784, %swap3A_785, %swap3A_786] {strides = array<i32>} : memref<4x64x256xf32, #tpu.memory_space<vmem>>, vector<1x1x16xf32>,
      %swap3A_788 = vector.shape_cast %swap3A_787 : vector<1x1x16xf32> to vector<16xf32>
      %swap3A_789 = vector.shape_cast %add3A_782 : vector<16xf32> to vector<1x1x16xf32>
      tpu.vector_store %arg4[%swap3A_784, %swap3A_785, %swap3A_786], %swap3A_789 {strides = array<i32>} : memref<4x64x256xf32, #tpu.memory_space<vmem>>, vector<1x1x16xf32>,
      %get3A_790 = arith.constant 3 : i32
      %get3A_791 = arith.index_cast %get3A_790 : i32 to index
      %get3A_792 = arith.index_cast %scan3A_565 : i32 to index
      %get3A_793 = arith.constant 240 : index
      %get3A_794 = tpu.vector_load %arg4[%get3A_791, %get3A_792, %get3A_793] {strides = array<i32>} : memref<4x64x256xf32, #tpu.memory_space<vmem>>, vector<1x1x16xf32>,
      %get3A_795 = vector.shape_cast %get3A_794 : vector<1x1x16xf32> to vector<16xf32>
      %add3A_796 = arith.addf %scan3A_581, %get3A_795 : vector<16xf32>
      %swap3A_797 = arith.constant 3 : i32
      %swap3A_798 = arith.index_cast %swap3A_797 : i32 to index
      %swap3A_799 = arith.index_cast %scan3A_565 : i32 to index
      %swap3A_800 = arith.constant 240 : index
      %swap3A_801 = tpu.vector_load %arg4[%swap3A_798, %swap3A_799, %swap3A_800] {strides = array<i32>} : memref<4x64x256xf32, #tpu.memory_space<vmem>>, vector<1x1x16xf32>,
      %swap3A_802 = vector.shape_cast %swap3A_801 : vector<1x1x16xf32> to vector<16xf32>
      %swap3A_803 = vector.shape_cast %add3A_796 : vector<16xf32> to vector<1x1x16xf32>
      tpu.vector_store %arg4[%swap3A_798, %swap3A_799, %swap3A_800], %swap3A_803 {strides = array<i32>} : memref<4x64x256xf32, #tpu.memory_space<vmem>>, vector<1x1x16xf32>,
      scf.yield %add3A_587, %add3A_600, %add3A_614, %add3A_628, %add3A_642, %add3A_656, %add3A_670, %add3A_684, %add3A_698, %add3A_712, %add3A_726, %add3A_740, %add3A_754, %add3A_768, %add3A_782, %add3A_796 : vector<16xf32>, vector<16xf32>, vector<16xf32>, vector<16xf32>, vector<16xf32>, vector<16xf32>, vector<16xf32>, vector<16xf32>, vector<16xf32>, vector<16xf32>, vector<16xf32>, vector<16xf32>, vector<16xf32>, vector<16xf32>, vector<16xf32>, vector<16xf32>
    }
    %scan3A_249 = arith.constant 64 : i32
    %dma_start3A_250 = arith.constant 3 : i32
    %dma_start3A_251 = arith.constant 0 : i32
    %dma_start3A_252 = arith.constant 0 : i32
    %dma_start3A_253 = tpu.memref_slice %arg4[%dma_start3A_250, %dma_start3A_251, %dma_start3A_252] : memref<4x64x256xf32, #tpu.memory_space<vmem>> -> memref<1x64x256xf32, #tpu.memory_space<vmem>>
    %dma_start3A_254 = tpu.memref_squeeze %dma_start3A_253 : memref<1x64x256xf32, #tpu.memory_space<vmem>> -> memref<64x256xf32, #tpu.memory_space<vmem>>
    %dma_start3A_255 = arith.constant 192 : i32
    %dma_start3A_256 = tpu.memref_slice %arg3[%select_n3A, %dma_start3A_255, %mul3A_32] : memref<4x4096x2048xf32, #tpu.memory_space<hbm>> -> memref<1x64x256xf32, #tpu.memory_space<hbm>>
    %dma_start3A_257 = tpu.memref_squeeze %dma_start3A_256 : memref<1x64x256xf32, #tpu.memory_space<hbm>> -> memref<64x256xf32, #tpu.memory_space<hbm>>
    %dma_start3A_258 = arith.constant 192 : i32
    %dma_start3A_259 = tpu.memref_slice %arg3[%select_n3A, %dma_start3A_258, %mul3A_32] : memref<4x4096x2048xf32, #tpu.memory_space<hbm>> -> memref<1x64x256xf32, #tpu.memory_space<hbm>>
    %dma_start3A_260 = tpu.memref_squeeze %dma_start3A_259 : memref<1x64x256xf32, #tpu.memory_space<hbm>> -> memref<64x256xf32, #tpu.memory_space<hbm>>
    %dma_start3A_261 = arith.constant 0 : i32
    %dma_start3A_262 = arith.constant 0 : i32
    %dma_start3A_263 = tpu.memref_slice %arg4[%dma_start3A_250, %dma_start3A_261, %dma_start3A_262] : memref<4x64x256xf32, #tpu.memory_space<vmem>> -> memref<1x64x256xf32, #tpu.memory_space<vmem>>
    %dma_start3A_264 = tpu.memref_squeeze %dma_start3A_263 : memref<1x64x256xf32, #tpu.memory_space<vmem>> -> memref<64x256xf32, #tpu.memory_space<vmem>>
    tpu.enqueue_dma source(%dma_start3A_264 : memref<64x256xf32, #tpu.memory_space<vmem>>) target(%dma_start3A_260 : memref<64x256xf32, #tpu.memory_space<hbm>>) target_semaphore(%arg12 : memref<!tpu.dma_semaphore, #tpu.memory_space<semaphore_mem>>)
    %scan3A_265 = arith.constant 1 : i32
    %scan3A_266 = arith.constant 14 : i32
    %scan3A_267 = arith.addi %scan3A_265, %scan3A_266 : i32
    %scan3A_268 = arith.constant 1 : i32
    %scan3A_269:16 = scf.for %scan3A_565 = %scan3A_265 to %scan3A_267 step %scan3A_268 iter_args(%scan3A_566 = %scan3A_248#0, %scan3A_567 = %scan3A_248#1, %scan3A_568 = %scan3A_248#2, %scan3A_569 = %scan3A_248#3, %scan3A_570 = %scan3A_248#4, %scan3A_571 = %scan3A_248#5, %scan3A_572 = %scan3A_248#6, %scan3A_573 = %scan3A_248#7, %scan3A_574 = %scan3A_248#8, %scan3A_575 = %scan3A_248#9, %scan3A_576 = %scan3A_248#10, %scan3A_577 = %scan3A_248#11, %scan3A_578 = %scan3A_248#12, %scan3A_579 = %scan3A_248#13, %scan3A_580 = %scan3A_248#14, %scan3A_581 = %scan3A_248#15) -> (vector<16xf32>, vector<16xf32>, vector<16xf32>, vector<16xf32>, vector<16xf32>, vector<16xf32>, vector<16xf32>, vector<16xf32>, vector<16xf32>, vector<16xf32>, vector<16xf32>, vector<16xf32>, vector<16xf32>, vector<16xf32>, vector<16xf32>, vector<16xf32>)  : i32 {
      %mul3A_582 = arith.constant 4 : i32
      %mul3A_583 = arith.muli %scan3A_565, %mul3A_582 : i32
      %add3A_584 = arith.constant 0 : i32
      %add3A_585 = arith.addi %mul3A_583, %add3A_584 : i32
      %add3A_586 = arith.constant 1 : i32
      %add3A_587 = arith.addi %add3A_585, %add3A_586 : i32
      %sub3A_588 = arith.constant 4 : i32
      %sub3A_589 = arith.subi %add3A_587, %sub3A_588 : i32
      %mul3A_590 = arith.constant 64 : i32
      %mul3A_591 = arith.muli %sub3A_589, %mul3A_590 : i32
      %dma_wait3A_592 = arith.constant 1 : i32
      %dma_wait3A_593 = arith.constant 0 : i32
      %dma_wait3A_594 = arith.constant 0 : i32
      %dma_wait3A_595 = tpu.memref_slice %arg4[%dma_wait3A_592, %dma_wait3A_593, %dma_wait3A_594] : memref<4x64x256xf32, #tpu.memory_space<vmem>> -> memref<1x64x256xf32, #tpu.memory_space<vmem>>
      %dma_wait3A_596 = tpu.memref_squeeze %dma_wait3A_595 : memref<1x64x256xf32, #tpu.memory_space<vmem>> -> memref<64x256xf32, #tpu.memory_space<vmem>>
      %dma_wait3A_597 = tpu.memref_slice %arg3[%select_n3A, %mul3A_591, %mul3A_32] : memref<4x4096x2048xf32, #tpu.memory_space<hbm>> -> memref<1x64x256xf32, #tpu.memory_space<hbm>>
      %dma_wait3A_598 = tpu.memref_squeeze %dma_wait3A_597 : memref<1x64x256xf32, #tpu.memory_space<hbm>> -> memref<64x256xf32, #tpu.memory_space<hbm>>
      %dma_wait3A_599 = tpu.memref_slice %arg3[%select_n3A, %mul3A_591, %mul3A_32] : memref<4x4096x2048xf32, #tpu.memory_space<hbm>> -> memref<1x64x256xf32, #tpu.memory_space<hbm>>
      %dma_wait3A_600 = tpu.memref_squeeze %dma_wait3A_599 : memref<1x64x256xf32, #tpu.memory_space<hbm>> -> memref<64x256xf32, #tpu.memory_space<hbm>>
      %dma_wait3A_601 = arith.constant 0 : i32
      %dma_wait3A_602 = arith.constant 0 : i32
      %dma_wait3A_603 = tpu.memref_slice %arg4[%dma_wait3A_592, %dma_wait3A_601, %dma_wait3A_602] : memref<4x64x256xf32, #tpu.memory_space<vmem>> -> memref<1x64x256xf32, #tpu.memory_space<vmem>>
      %dma_wait3A_604 = tpu.memref_squeeze %dma_wait3A_603 : memref<1x64x256xf32, #tpu.memory_space<vmem>> -> memref<64x256xf32, #tpu.memory_space<vmem>>
      tpu.wait_dma2 semaphore(%arg10 : memref<!tpu.dma_semaphore, #tpu.memory_space<semaphore_mem>>) src(%dma_wait3A_604 : memref<64x256xf32, #tpu.memory_space<vmem>>) dst(%dma_wait3A_600 : memref<64x256xf32, #tpu.memory_space<hbm>>)
      %add3A_605 = arith.constant 1 : i32
      %add3A_606 = arith.addi %add3A_585, %add3A_605 : i32
      %mul3A_607 = arith.constant 64 : i32
      %mul3A_608 = arith.muli %add3A_606, %mul3A_607 : i32
      %dma_start3A_609 = arith.constant 1 : i32
      %dma_start3A_610 = arith.constant 0 : i32
      %dma_start3A_611 = arith.constant 0 : i32
      %dma_start3A_612 = tpu.memref_slice %arg4[%dma_start3A_609, %dma_start3A_610, %dma_start3A_611] : memref<4x64x256xf32, #tpu.memory_space<vmem>> -> memref<1x64x256xf32, #tpu.memory_space<vmem>>
      %dma_start3A_613 = tpu.memref_squeeze %dma_start3A_612 : memref<1x64x256xf32, #tpu.memory_space<vmem>> -> memref<64x256xf32, #tpu.memory_space<vmem>>
      %dma_start3A_614 = tpu.memref_slice %arg2[%select_n3A, %mul3A_608, %mul3A_32] : memref<4x4096x2048xf32, #tpu.memory_space<hbm>> -> memref<1x64x256xf32, #tpu.memory_space<hbm>>
      %dma_start3A_615 = tpu.memref_squeeze %dma_start3A_614 : memref<1x64x256xf32, #tpu.memory_space<hbm>> -> memref<64x256xf32, #tpu.memory_space<hbm>>
      %dma_start3A_616 = arith.constant 0 : i32
      %dma_start3A_617 = arith.constant 0 : i32
      %dma_start3A_618 = tpu.memref_slice %arg4[%dma_start3A_609, %dma_start3A_616, %dma_start3A_617] : memref<4x64x256xf32, #tpu.memory_space<vmem>> -> memref<1x64x256xf32, #tpu.memory_space<vmem>>
      %dma_start3A_619 = tpu.memref_squeeze %dma_start3A_618 : memref<1x64x256xf32, #tpu.memory_space<vmem>> -> memref<64x256xf32, #tpu.memory_space<vmem>>
      %dma_start3A_620 = tpu.memref_slice %arg2[%select_n3A, %mul3A_608, %mul3A_32] : memref<4x4096x2048xf32, #tpu.memory_space<hbm>> -> memref<1x64x256xf32, #tpu.memory_space<hbm>>
      %dma_start3A_621 = tpu.memref_squeeze %dma_start3A_620 : memref<1x64x256xf32, #tpu.memory_space<hbm>> -> memref<64x256xf32, #tpu.memory_space<hbm>>
      tpu.enqueue_dma source(%dma_start3A_621 : memref<64x256xf32, #tpu.memory_space<hbm>>) target(%dma_start3A_619 : memref<64x256xf32, #tpu.memory_space<vmem>>) target_semaphore(%arg6 : memref<!tpu.dma_semaphore, #tpu.memory_space<semaphore_mem>>)
      %mul3A_622 = arith.constant 64 : i32
      %mul3A_623 = arith.muli %add3A_585, %mul3A_622 : i32
      %dma_wait3A_624 = arith.constant 0 : i32
      %dma_wait3A_625 = arith.constant 0 : i32
      %dma_wait3A_626 = arith.constant 0 : i32
      %dma_wait3A_627 = tpu.memref_slice %arg4[%dma_wait3A_624, %dma_wait3A_625, %dma_wait3A_626] : memref<4x64x256xf32, #tpu.memory_space<vmem>> -> memref<1x64x256xf32, #tpu.memory_space<vmem>>
      %dma_wait3A_628 = tpu.memref_squeeze %dma_wait3A_627 : memref<1x64x256xf32, #tpu.memory_space<vmem>> -> memref<64x256xf32, #tpu.memory_space<vmem>>
      %dma_wait3A_629 = tpu.memref_slice %arg2[%select_n3A, %mul3A_623, %mul3A_32] : memref<4x4096x2048xf32, #tpu.memory_space<hbm>> -> memref<1x64x256xf32, #tpu.memory_space<hbm>>
      %dma_wait3A_630 = tpu.memref_squeeze %dma_wait3A_629 : memref<1x64x256xf32, #tpu.memory_space<hbm>> -> memref<64x256xf32, #tpu.memory_space<hbm>>
      %dma_wait3A_631 = arith.constant 0 : i32
      %dma_wait3A_632 = arith.constant 0 : i32
      %dma_wait3A_633 = tpu.memref_slice %arg4[%dma_wait3A_624, %dma_wait3A_631, %dma_wait3A_632] : memref<4x64x256xf32, #tpu.memory_space<vmem>> -> memref<1x64x256xf32, #tpu.memory_space<vmem>>
      %dma_wait3A_634 = tpu.memref_squeeze %dma_wait3A_633 : memref<1x64x256xf32, #tpu.memory_space<vmem>> -> memref<64x256xf32, #tpu.memory_space<vmem>>
      %dma_wait3A_635 = tpu.memref_slice %arg2[%select_n3A, %mul3A_623, %mul3A_32] : memref<4x4096x2048xf32, #tpu.memory_space<hbm>> -> memref<1x64x256xf32, #tpu.memory_space<hbm>>
      %dma_wait3A_636 = tpu.memref_squeeze %dma_wait3A_635 : memref<1x64x256xf32, #tpu.memory_space<hbm>> -> memref<64x256xf32, #tpu.memory_space<hbm>>
      tpu.wait_dma2 semaphore(%arg5 : memref<!tpu.dma_semaphore, #tpu.memory_space<semaphore_mem>>) src(%dma_wait3A_636 : memref<64x256xf32, #tpu.memory_space<hbm>>) dst(%dma_wait3A_634 : memref<64x256xf32, #tpu.memory_space<vmem>>)
      %scan3A_637 = arith.constant 0 : i32
      %scan3A_638 = arith.constant 64 : i32
      %scan3A_639 = arith.addi %scan3A_637, %scan3A_638 : i32
      %scan3A_640 = arith.constant 1 : i32
      %scan3A_641:16 = scf.for %scan3A_886 = %scan3A_637 to %scan3A_639 step %scan3A_640 iter_args(%scan3A_887 = %scan3A_566, %scan3A_888 = %scan3A_567, %scan3A_889 = %scan3A_568, %scan3A_890 = %scan3A_569, %scan3A_891 = %scan3A_570, %scan3A_892 = %scan3A_571, %scan3A_893 = %scan3A_572, %scan3A_894 = %scan3A_573, %scan3A_895 = %scan3A_574, %scan3A_896 = %scan3A_575, %scan3A_897 = %scan3A_576, %scan3A_898 = %scan3A_577, %scan3A_899 = %scan3A_578, %scan3A_900 = %scan3A_579, %scan3A_901 = %scan3A_580, %scan3A_902 = %scan3A_581) -> (vector<16xf32>, vector<16xf32>, vector<16xf32>, vector<16xf32>, vector<16xf32>, vector<16xf32>, vector<16xf32>, vector<16xf32>, vector<16xf32>, vector<16xf32>, vector<16xf32>, vector<16xf32>, vector<16xf32>, vector<16xf32>, vector<16xf32>, vector<16xf32>)  : i32 {
        %get3A = arith.constant 0 : i32
        %get3A_903 = arith.index_cast %get3A : i32 to index
        %get3A_904 = arith.index_cast %scan3A_886 : i32 to index
        %get3A_905 = arith.constant 0 : index
        %get3A_906 = tpu.vector_load %arg4[%get3A_903, %get3A_904, %get3A_905] {strides = array<i32>} : memref<4x64x256xf32, #tpu.memory_space<vmem>>, vector<1x1x16xf32>,
        %get3A_907 = vector.shape_cast %get3A_906 : vector<1x1x16xf32> to vector<16xf32>
        %add3A_908 = arith.addf %scan3A_887, %get3A_907 : vector<16xf32>
        %swap3A = arith.constant 0 : i32
        %swap3A_909 = arith.index_cast %swap3A : i32 to index
        %swap3A_910 = arith.index_cast %scan3A_886 : i32 to index
        %swap3A_911 = arith.constant 0 : index
        %swap3A_912 = tpu.vector_load %arg4[%swap3A_909, %swap3A_910, %swap3A_911] {strides = array<i32>} : memref<4x64x256xf32, #tpu.memory_space<vmem>>, vector<1x1x16xf32>,
        %swap3A_913 = vector.shape_cast %swap3A_912 : vector<1x1x16xf32> to vector<16xf32>
        %swap3A_914 = vector.shape_cast %add3A_908 : vector<16xf32> to vector<1x1x16xf32>
        tpu.vector_store %arg4[%swap3A_909, %swap3A_910, %swap3A_911], %swap3A_914 {strides = array<i32>} : memref<4x64x256xf32, #tpu.memory_space<vmem>>, vector<1x1x16xf32>,
        %get3A_915 = arith.constant 0 : i32
        %get3A_916 = arith.index_cast %get3A_915 : i32 to index
        %get3A_917 = arith.index_cast %scan3A_886 : i32 to index
        %get3A_918 = arith.constant 16 : index
        %get3A_919 = tpu.vector_load %arg4[%get3A_916, %get3A_917, %get3A_918] {strides = array<i32>} : memref<4x64x256xf32, #tpu.memory_space<vmem>>, vector<1x1x16xf32>,
        %get3A_920 = vector.shape_cast %get3A_919 : vector<1x1x16xf32> to vector<16xf32>
        %add3A_921 = arith.addf %scan3A_888, %get3A_920 : vector<16xf32>
        %swap3A_922 = arith.constant 0 : i32
        %swap3A_923 = arith.index_cast %swap3A_922 : i32 to index
        %swap3A_924 = arith.index_cast %scan3A_886 : i32 to index
        %swap3A_925 = arith.constant 16 : index
        %swap3A_926 = tpu.vector_load %arg4[%swap3A_923, %swap3A_924, %swap3A_925] {strides = array<i32>} : memref<4x64x256xf32, #tpu.memory_space<vmem>>, vector<1x1x16xf32>,
        %swap3A_927 = vector.shape_cast %swap3A_926 : vector<1x1x16xf32> to vector<16xf32>
        %swap3A_928 = vector.shape_cast %add3A_921 : vector<16xf32> to vector<1x1x16xf32>
        tpu.vector_store %arg4[%swap3A_923, %swap3A_924, %swap3A_925], %swap3A_928 {strides = array<i32>} : memref<4x64x256xf32, #tpu.memory_space<vmem>>, vector<1x1x16xf32>,
        %get3A_929 = arith.constant 0 : i32
        %get3A_930 = arith.index_cast %get3A_929 : i32 to index
        %get3A_931 = arith.index_cast %scan3A_886 : i32 to index
        %get3A_932 = arith.constant 32 : index
        %get3A_933 = tpu.vector_load %arg4[%get3A_930, %get3A_931, %get3A_932] {strides = array<i32>} : memref<4x64x256xf32, #tpu.memory_space<vmem>>, vector<1x1x16xf32>,
        %get3A_934 = vector.shape_cast %get3A_933 : vector<1x1x16xf32> to vector<16xf32>
        %add3A_935 = arith.addf %scan3A_889, %get3A_934 : vector<16xf32>
        %swap3A_936 = arith.constant 0 : i32
        %swap3A_937 = arith.index_cast %swap3A_936 : i32 to index
        %swap3A_938 = arith.index_cast %scan3A_886 : i32 to index
        %swap3A_939 = arith.constant 32 : index
        %swap3A_940 = tpu.vector_load %arg4[%swap3A_937, %swap3A_938, %swap3A_939] {strides = array<i32>} : memref<4x64x256xf32, #tpu.memory_space<vmem>>, vector<1x1x16xf32>,
        %swap3A_941 = vector.shape_cast %swap3A_940 : vector<1x1x16xf32> to vector<16xf32>
        %swap3A_942 = vector.shape_cast %add3A_935 : vector<16xf32> to vector<1x1x16xf32>
        tpu.vector_store %arg4[%swap3A_937, %swap3A_938, %swap3A_939], %swap3A_942 {strides = array<i32>} : memref<4x64x256xf32, #tpu.memory_space<vmem>>, vector<1x1x16xf32>,
        %get3A_943 = arith.constant 0 : i32
        %get3A_944 = arith.index_cast %get3A_943 : i32 to index
        %get3A_945 = arith.index_cast %scan3A_886 : i32 to index
        %get3A_946 = arith.constant 48 : index
        %get3A_947 = tpu.vector_load %arg4[%get3A_944, %get3A_945, %get3A_946] {strides = array<i32>} : memref<4x64x256xf32, #tpu.memory_space<vmem>>, vector<1x1x16xf32>,
        %get3A_948 = vector.shape_cast %get3A_947 : vector<1x1x16xf32> to vector<16xf32>
        %add3A_949 = arith.addf %scan3A_890, %get3A_948 : vector<16xf32>
        %swap3A_950 = arith.constant 0 : i32
        %swap3A_951 = arith.index_cast %swap3A_950 : i32 to index
        %swap3A_952 = arith.index_cast %scan3A_886 : i32 to index
        %swap3A_953 = arith.constant 48 : index
        %swap3A_954 = tpu.vector_load %arg4[%swap3A_951, %swap3A_952, %swap3A_953] {strides = array<i32>} : memref<4x64x256xf32, #tpu.memory_space<vmem>>, vector<1x1x16xf32>,
        %swap3A_955 = vector.shape_cast %swap3A_954 : vector<1x1x16xf32> to vector<16xf32>
        %swap3A_956 = vector.shape_cast %add3A_949 : vector<16xf32> to vector<1x1x16xf32>
        tpu.vector_store %arg4[%swap3A_951, %swap3A_952, %swap3A_953], %swap3A_956 {strides = array<i32>} : memref<4x64x256xf32, #tpu.memory_space<vmem>>, vector<1x1x16xf32>,
        %get3A_957 = arith.constant 0 : i32
        %get3A_958 = arith.index_cast %get3A_957 : i32 to index
        %get3A_959 = arith.index_cast %scan3A_886 : i32 to index
        %get3A_960 = arith.constant 64 : index
        %get3A_961 = tpu.vector_load %arg4[%get3A_958, %get3A_959, %get3A_960] {strides = array<i32>} : memref<4x64x256xf32, #tpu.memory_space<vmem>>, vector<1x1x16xf32>,
        %get3A_962 = vector.shape_cast %get3A_961 : vector<1x1x16xf32> to vector<16xf32>
        %add3A_963 = arith.addf %scan3A_891, %get3A_962 : vector<16xf32>
        %swap3A_964 = arith.constant 0 : i32
        %swap3A_965 = arith.index_cast %swap3A_964 : i32 to index
        %swap3A_966 = arith.index_cast %scan3A_886 : i32 to index
        %swap3A_967 = arith.constant 64 : index
        %swap3A_968 = tpu.vector_load %arg4[%swap3A_965, %swap3A_966, %swap3A_967] {strides = array<i32>} : memref<4x64x256xf32, #tpu.memory_space<vmem>>, vector<1x1x16xf32>,
        %swap3A_969 = vector.shape_cast %swap3A_968 : vector<1x1x16xf32> to vector<16xf32>
        %swap3A_970 = vector.shape_cast %add3A_963 : vector<16xf32> to vector<1x1x16xf32>
        tpu.vector_store %arg4[%swap3A_965, %swap3A_966, %swap3A_967], %swap3A_970 {strides = array<i32>} : memref<4x64x256xf32, #tpu.memory_space<vmem>>, vector<1x1x16xf32>,
        %get3A_971 = arith.constant 0 : i32
        %get3A_972 = arith.index_cast %get3A_971 : i32 to index
        %get3A_973 = arith.index_cast %scan3A_886 : i32 to index
        %get3A_974 = arith.constant 80 : index
        %get3A_975 = tpu.vector_load %arg4[%get3A_972, %get3A_973, %get3A_974] {strides = array<i32>} : memref<4x64x256xf32, #tpu.memory_space<vmem>>, vector<1x1x16xf32>,
        %get3A_976 = vector.shape_cast %get3A_975 : vector<1x1x16xf32> to vector<16xf32>
        %add3A_977 = arith.addf %scan3A_892, %get3A_976 : vector<16xf32>
        %swap3A_978 = arith.constant 0 : i32
        %swap3A_979 = arith.index_cast %swap3A_978 : i32 to index
        %swap3A_980 = arith.index_cast %scan3A_886 : i32 to index
        %swap3A_981 = arith.constant 80 : index
        %swap3A_982 = tpu.vector_load %arg4[%swap3A_979, %swap3A_980, %swap3A_981] {strides = array<i32>} : memref<4x64x256xf32, #tpu.memory_space<vmem>>, vector<1x1x16xf32>,
        %swap3A_983 = vector.shape_cast %swap3A_982 : vector<1x1x16xf32> to vector<16xf32>
        %swap3A_984 = vector.shape_cast %add3A_977 : vector<16xf32> to vector<1x1x16xf32>
        tpu.vector_store %arg4[%swap3A_979, %swap3A_980, %swap3A_981], %swap3A_984 {strides = array<i32>} : memref<4x64x256xf32, #tpu.memory_space<vmem>>, vector<1x1x16xf32>,
        %get3A_985 = arith.constant 0 : i32
        %get3A_986 = arith.index_cast %get3A_985 : i32 to index
        %get3A_987 = arith.index_cast %scan3A_886 : i32 to index
        %get3A_988 = arith.constant 96 : index
        %get3A_989 = tpu.vector_load %arg4[%get3A_986, %get3A_987, %get3A_988] {strides = array<i32>} : memref<4x64x256xf32, #tpu.memory_space<vmem>>, vector<1x1x16xf32>,
        %get3A_990 = vector.shape_cast %get3A_989 : vector<1x1x16xf32> to vector<16xf32>
        %add3A_991 = arith.addf %scan3A_893, %get3A_990 : vector<16xf32>
        %swap3A_992 = arith.constant 0 : i32
        %swap3A_993 = arith.index_cast %swap3A_992 : i32 to index
        %swap3A_994 = arith.index_cast %scan3A_886 : i32 to index
        %swap3A_995 = arith.constant 96 : index
        %swap3A_996 = tpu.vector_load %arg4[%swap3A_993, %swap3A_994, %swap3A_995] {strides = array<i32>} : memref<4x64x256xf32, #tpu.memory_space<vmem>>, vector<1x1x16xf32>,
        %swap3A_997 = vector.shape_cast %swap3A_996 : vector<1x1x16xf32> to vector<16xf32>
        %swap3A_998 = vector.shape_cast %add3A_991 : vector<16xf32> to vector<1x1x16xf32>
        tpu.vector_store %arg4[%swap3A_993, %swap3A_994, %swap3A_995], %swap3A_998 {strides = array<i32>} : memref<4x64x256xf32, #tpu.memory_space<vmem>>, vector<1x1x16xf32>,
        %get3A_999 = arith.constant 0 : i32
        %get3A_1000 = arith.index_cast %get3A_999 : i32 to index
        %get3A_1001 = arith.index_cast %scan3A_886 : i32 to index
        %get3A_1002 = arith.constant 112 : index
        %get3A_1003 = tpu.vector_load %arg4[%get3A_1000, %get3A_1001, %get3A_1002] {strides = array<i32>} : memref<4x64x256xf32, #tpu.memory_space<vmem>>, vector<1x1x16xf32>,
        %get3A_1004 = vector.shape_cast %get3A_1003 : vector<1x1x16xf32> to vector<16xf32>
        %add3A_1005 = arith.addf %scan3A_894, %get3A_1004 : vector<16xf32>
        %swap3A_1006 = arith.constant 0 : i32
        %swap3A_1007 = arith.index_cast %swap3A_1006 : i32 to index
        %swap3A_1008 = arith.index_cast %scan3A_886 : i32 to index
        %swap3A_1009 = arith.constant 112 : index
        %swap3A_1010 = tpu.vector_load %arg4[%swap3A_1007, %swap3A_1008, %swap3A_1009] {strides = array<i32>} : memref<4x64x256xf32, #tpu.memory_space<vmem>>, vector<1x1x16xf32>,
        %swap3A_1011 = vector.shape_cast %swap3A_1010 : vector<1x1x16xf32> to vector<16xf32>
        %swap3A_1012 = vector.shape_cast %add3A_1005 : vector<16xf32> to vector<1x1x16xf32>
        tpu.vector_store %arg4[%swap3A_1007, %swap3A_1008, %swap3A_1009], %swap3A_1012 {strides = array<i32>} : memref<4x64x256xf32, #tpu.memory_space<vmem>>, vector<1x1x16xf32>,
        %get3A_1013 = arith.constant 0 : i32
        %get3A_1014 = arith.index_cast %get3A_1013 : i32 to index
        %get3A_1015 = arith.index_cast %scan3A_886 : i32 to index
        %get3A_1016 = arith.constant 128 : index
        %get3A_1017 = tpu.vector_load %arg4[%get3A_1014, %get3A_1015, %get3A_1016] {strides = array<i32>} : memref<4x64x256xf32, #tpu.memory_space<vmem>>, vector<1x1x16xf32>,
        %get3A_1018 = vector.shape_cast %get3A_1017 : vector<1x1x16xf32> to vector<16xf32>
        %add3A_1019 = arith.addf %scan3A_895, %get3A_1018 : vector<16xf32>
        %swap3A_1020 = arith.constant 0 : i32
        %swap3A_1021 = arith.index_cast %swap3A_1020 : i32 to index
        %swap3A_1022 = arith.index_cast %scan3A_886 : i32 to index
        %swap3A_1023 = arith.constant 128 : index
        %swap3A_1024 = tpu.vector_load %arg4[%swap3A_1021, %swap3A_1022, %swap3A_1023] {strides = array<i32>} : memref<4x64x256xf32, #tpu.memory_space<vmem>>, vector<1x1x16xf32>,
        %swap3A_1025 = vector.shape_cast %swap3A_1024 : vector<1x1x16xf32> to vector<16xf32>
        %swap3A_1026 = vector.shape_cast %add3A_1019 : vector<16xf32> to vector<1x1x16xf32>
        tpu.vector_store %arg4[%swap3A_1021, %swap3A_1022, %swap3A_1023], %swap3A_1026 {strides = array<i32>} : memref<4x64x256xf32, #tpu.memory_space<vmem>>, vector<1x1x16xf32>,
        %get3A_1027 = arith.constant 0 : i32
        %get3A_1028 = arith.index_cast %get3A_1027 : i32 to index
        %get3A_1029 = arith.index_cast %scan3A_886 : i32 to index
        %get3A_1030 = arith.constant 144 : index
        %get3A_1031 = tpu.vector_load %arg4[%get3A_1028, %get3A_1029, %get3A_1030] {strides = array<i32>} : memref<4x64x256xf32, #tpu.memory_space<vmem>>, vector<1x1x16xf32>,
        %get3A_1032 = vector.shape_cast %get3A_1031 : vector<1x1x16xf32> to vector<16xf32>
        %add3A_1033 = arith.addf %scan3A_896, %get3A_1032 : vector<16xf32>
        %swap3A_1034 = arith.constant 0 : i32
        %swap3A_1035 = arith.index_cast %swap3A_1034 : i32 to index
        %swap3A_1036 = arith.index_cast %scan3A_886 : i32 to index
        %swap3A_1037 = arith.constant 144 : index
        %swap3A_1038 = tpu.vector_load %arg4[%swap3A_1035, %swap3A_1036, %swap3A_1037] {strides = array<i32>} : memref<4x64x256xf32, #tpu.memory_space<vmem>>, vector<1x1x16xf32>,
        %swap3A_1039 = vector.shape_cast %swap3A_1038 : vector<1x1x16xf32> to vector<16xf32>
        %swap3A_1040 = vector.shape_cast %add3A_1033 : vector<16xf32> to vector<1x1x16xf32>
        tpu.vector_store %arg4[%swap3A_1035, %swap3A_1036, %swap3A_1037], %swap3A_1040 {strides = array<i32>} : memref<4x64x256xf32, #tpu.memory_space<vmem>>, vector<1x1x16xf32>,
        %get3A_1041 = arith.constant 0 : i32
        %get3A_1042 = arith.index_cast %get3A_1041 : i32 to index
        %get3A_1043 = arith.index_cast %scan3A_886 : i32 to index
        %get3A_1044 = arith.constant 160 : index
        %get3A_1045 = tpu.vector_load %arg4[%get3A_1042, %get3A_1043, %get3A_1044] {strides = array<i32>} : memref<4x64x256xf32, #tpu.memory_space<vmem>>, vector<1x1x16xf32>,
        %get3A_1046 = vector.shape_cast %get3A_1045 : vector<1x1x16xf32> to vector<16xf32>
        %add3A_1047 = arith.addf %scan3A_897, %get3A_1046 : vector<16xf32>
        %swap3A_1048 = arith.constant 0 : i32
        %swap3A_1049 = arith.index_cast %swap3A_1048 : i32 to index
        %swap3A_1050 = arith.index_cast %scan3A_886 : i32 to index
        %swap3A_1051 = arith.constant 160 : index
        %swap3A_1052 = tpu.vector_load %arg4[%swap3A_1049, %swap3A_1050, %swap3A_1051] {strides = array<i32>} : memref<4x64x256xf32, #tpu.memory_space<vmem>>, vector<1x1x16xf32>,
        %swap3A_1053 = vector.shape_cast %swap3A_1052 : vector<1x1x16xf32> to vector<16xf32>
        %swap3A_1054 = vector.shape_cast %add3A_1047 : vector<16xf32> to vector<1x1x16xf32>
        tpu.vector_store %arg4[%swap3A_1049, %swap3A_1050, %swap3A_1051], %swap3A_1054 {strides = array<i32>} : memref<4x64x256xf32, #tpu.memory_space<vmem>>, vector<1x1x16xf32>,
        %get3A_1055 = arith.constant 0 : i32
        %get3A_1056 = arith.index_cast %get3A_1055 : i32 to index
        %get3A_1057 = arith.index_cast %scan3A_886 : i32 to index
        %get3A_1058 = arith.constant 176 : index
        %get3A_1059 = tpu.vector_load %arg4[%get3A_1056, %get3A_1057, %get3A_1058] {strides = array<i32>} : memref<4x64x256xf32, #tpu.memory_space<vmem>>, vector<1x1x16xf32>,
        %get3A_1060 = vector.shape_cast %get3A_1059 : vector<1x1x16xf32> to vector<16xf32>
        %add3A_1061 = arith.addf %scan3A_898, %get3A_1060 : vector<16xf32>
        %swap3A_1062 = arith.constant 0 : i32
        %swap3A_1063 = arith.index_cast %swap3A_1062 : i32 to index
        %swap3A_1064 = arith.index_cast %scan3A_886 : i32 to index
        %swap3A_1065 = arith.constant 176 : index
        %swap3A_1066 = tpu.vector_load %arg4[%swap3A_1063, %swap3A_1064, %swap3A_1065] {strides = array<i32>} : memref<4x64x256xf32, #tpu.memory_space<vmem>>, vector<1x1x16xf32>,
        %swap3A_1067 = vector.shape_cast %swap3A_1066 : vector<1x1x16xf32> to vector<16xf32>
        %swap3A_1068 = vector.shape_cast %add3A_1061 : vector<16xf32> to vector<1x1x16xf32>
        tpu.vector_store %arg4[%swap3A_1063, %swap3A_1064, %swap3A_1065], %swap3A_1068 {strides = array<i32>} : memref<4x64x256xf32, #tpu.memory_space<vmem>>, vector<1x1x16xf32>,
        %get3A_1069 = arith.constant 0 : i32
        %get3A_1070 = arith.index_cast %get3A_1069 : i32 to index
        %get3A_1071 = arith.index_cast %scan3A_886 : i32 to index
        %get3A_1072 = arith.constant 192 : index
        %get3A_1073 = tpu.vector_load %arg4[%get3A_1070, %get3A_1071, %get3A_1072] {strides = array<i32>} : memref<4x64x256xf32, #tpu.memory_space<vmem>>, vector<1x1x16xf32>,
        %get3A_1074 = vector.shape_cast %get3A_1073 : vector<1x1x16xf32> to vector<16xf32>
        %add3A_1075 = arith.addf %scan3A_899, %get3A_1074 : vector<16xf32>
        %swap3A_1076 = arith.constant 0 : i32
        %swap3A_1077 = arith.index_cast %swap3A_1076 : i32 to index
        %swap3A_1078 = arith.index_cast %scan3A_886 : i32 to index
        %swap3A_1079 = arith.constant 192 : index
        %swap3A_1080 = tpu.vector_load %arg4[%swap3A_1077, %swap3A_1078, %swap3A_1079] {strides = array<i32>} : memref<4x64x256xf32, #tpu.memory_space<vmem>>, vector<1x1x16xf32>,
        %swap3A_1081 = vector.shape_cast %swap3A_1080 : vector<1x1x16xf32> to vector<16xf32>
        %swap3A_1082 = vector.shape_cast %add3A_1075 : vector<16xf32> to vector<1x1x16xf32>
        tpu.vector_store %arg4[%swap3A_1077, %swap3A_1078, %swap3A_1079], %swap3A_1082 {strides = array<i32>} : memref<4x64x256xf32, #tpu.memory_space<vmem>>, vector<1x1x16xf32>,
        %get3A_1083 = arith.constant 0 : i32
        %get3A_1084 = arith.index_cast %get3A_1083 : i32 to index
        %get3A_1085 = arith.index_cast %scan3A_886 : i32 to index
        %get3A_1086 = arith.constant 208 : index
        %get3A_1087 = tpu.vector_load %arg4[%get3A_1084, %get3A_1085, %get3A_1086] {strides = array<i32>} : memref<4x64x256xf32, #tpu.memory_space<vmem>>, vector<1x1x16xf32>,
        %get3A_1088 = vector.shape_cast %get3A_1087 : vector<1x1x16xf32> to vector<16xf32>
        %add3A_1089 = arith.addf %scan3A_900, %get3A_1088 : vector<16xf32>
        %swap3A_1090 = arith.constant 0 : i32
        %swap3A_1091 = arith.index_cast %swap3A_1090 : i32 to index
        %swap3A_1092 = arith.index_cast %scan3A_886 : i32 to index
        %swap3A_1093 = arith.constant 208 : index
        %swap3A_1094 = tpu.vector_load %arg4[%swap3A_1091, %swap3A_1092, %swap3A_1093] {strides = array<i32>} : memref<4x64x256xf32, #tpu.memory_space<vmem>>, vector<1x1x16xf32>,
        %swap3A_1095 = vector.shape_cast %swap3A_1094 : vector<1x1x16xf32> to vector<16xf32>
        %swap3A_1096 = vector.shape_cast %add3A_1089 : vector<16xf32> to vector<1x1x16xf32>
        tpu.vector_store %arg4[%swap3A_1091, %swap3A_1092, %swap3A_1093], %swap3A_1096 {strides = array<i32>} : memref<4x64x256xf32, #tpu.memory_space<vmem>>, vector<1x1x16xf32>,
        %get3A_1097 = arith.constant 0 : i32
        %get3A_1098 = arith.index_cast %get3A_1097 : i32 to index
        %get3A_1099 = arith.index_cast %scan3A_886 : i32 to index
        %get3A_1100 = arith.constant 224 : index
        %get3A_1101 = tpu.vector_load %arg4[%get3A_1098, %get3A_1099, %get3A_1100] {strides = array<i32>} : memref<4x64x256xf32, #tpu.memory_space<vmem>>, vector<1x1x16xf32>,
        %get3A_1102 = vector.shape_cast %get3A_1101 : vector<1x1x16xf32> to vector<16xf32>
        %add3A_1103 = arith.addf %scan3A_901, %get3A_1102 : vector<16xf32>
        %swap3A_1104 = arith.constant 0 : i32
        %swap3A_1105 = arith.index_cast %swap3A_1104 : i32 to index
        %swap3A_1106 = arith.index_cast %scan3A_886 : i32 to index
        %swap3A_1107 = arith.constant 224 : index
        %swap3A_1108 = tpu.vector_load %arg4[%swap3A_1105, %swap3A_1106, %swap3A_1107] {strides = array<i32>} : memref<4x64x256xf32, #tpu.memory_space<vmem>>, vector<1x1x16xf32>,
        %swap3A_1109 = vector.shape_cast %swap3A_1108 : vector<1x1x16xf32> to vector<16xf32>
        %swap3A_1110 = vector.shape_cast %add3A_1103 : vector<16xf32> to vector<1x1x16xf32>
        tpu.vector_store %arg4[%swap3A_1105, %swap3A_1106, %swap3A_1107], %swap3A_1110 {strides = array<i32>} : memref<4x64x256xf32, #tpu.memory_space<vmem>>, vector<1x1x16xf32>,
        %get3A_1111 = arith.constant 0 : i32
        %get3A_1112 = arith.index_cast %get3A_1111 : i32 to index
        %get3A_1113 = arith.index_cast %scan3A_886 : i32 to index
        %get3A_1114 = arith.constant 240 : index
        %get3A_1115 = tpu.vector_load %arg4[%get3A_1112, %get3A_1113, %get3A_1114] {strides = array<i32>} : memref<4x64x256xf32, #tpu.memory_space<vmem>>, vector<1x1x16xf32>,
        %get3A_1116 = vector.shape_cast %get3A_1115 : vector<1x1x16xf32> to vector<16xf32>
        %add3A_1117 = arith.addf %scan3A_902, %get3A_1116 : vector<16xf32>
        %swap3A_1118 = arith.constant 0 : i32
        %swap3A_1119 = arith.index_cast %swap3A_1118 : i32 to index
        %swap3A_1120 = arith.index_cast %scan3A_886 : i32 to index
        %swap3A_1121 = arith.constant 240 : index
        %swap3A_1122 = tpu.vector_load %arg4[%swap3A_1119, %swap3A_1120, %swap3A_1121] {strides = array<i32>} : memref<4x64x256xf32, #tpu.memory_space<vmem>>, vector<1x1x16xf32>,
        %swap3A_1123 = vector.shape_cast %swap3A_1122 : vector<1x1x16xf32> to vector<16xf32>
        %swap3A_1124 = vector.shape_cast %add3A_1117 : vector<16xf32> to vector<1x1x16xf32>
        tpu.vector_store %arg4[%swap3A_1119, %swap3A_1120, %swap3A_1121], %swap3A_1124 {strides = array<i32>} : memref<4x64x256xf32, #tpu.memory_space<vmem>>, vector<1x1x16xf32>,
        scf.yield %add3A_908, %add3A_921, %add3A_935, %add3A_949, %add3A_963, %add3A_977, %add3A_991, %add3A_1005, %add3A_1019, %add3A_1033, %add3A_1047, %add3A_1061, %add3A_1075, %add3A_1089, %add3A_1103, %add3A_1117 : vector<16xf32>, vector<16xf32>, vector<16xf32>, vector<16xf32>, vector<16xf32>, vector<16xf32>, vector<16xf32>, vector<16xf32>, vector<16xf32>, vector<16xf32>, vector<16xf32>, vector<16xf32>, vector<16xf32>, vector<16xf32>, vector<16xf32>, vector<16xf32>
      }
      %scan3A_642 = arith.constant 64 : i32
      %mul3A_643 = arith.constant 64 : i32
      %mul3A_644 = arith.muli %add3A_585, %mul3A_643 : i32
      %dma_start3A_645 = arith.constant 0 : i32
      %dma_start3A_646 = arith.constant 0 : i32
      %dma_start3A_647 = arith.constant 0 : i32
      %dma_start3A_648 = tpu.memref_slice %arg4[%dma_start3A_645, %dma_start3A_646, %dma_start3A_647] : memref<4x64x256xf32, #tpu.memory_space<vmem>> -> memref<1x64x256xf32, #tpu.memory_space<vmem>>
      %dma_start3A_649 = tpu.memref_squeeze %dma_start3A_648 : memref<1x64x256xf32, #tpu.memory_space<vmem>> -> memref<64x256xf32, #tpu.memory_space<vmem>>
      %dma_start3A_650 = tpu.memref_slice %arg3[%select_n3A, %mul3A_644, %mul3A_32] : memref<4x4096x2048xf32, #tpu.memory_space<hbm>> -> memref<1x64x256xf32, #tpu.memory_space<hbm>>
      %dma_start3A_651 = tpu.memref_squeeze %dma_start3A_650 : memref<1x64x256xf32, #tpu.memory_space<hbm>> -> memref<64x256xf32, #tpu.memory_space<hbm>>
      %dma_start3A_652 = tpu.memref_slice %arg3[%select_n3A, %mul3A_644, %mul3A_32] : memref<4x4096x2048xf32, #tpu.memory_space<hbm>> -> memref<1x64x256xf32, #tpu.memory_space<hbm>>
      %dma_start3A_653 = tpu.memref_squeeze %dma_start3A_652 : memref<1x64x256xf32, #tpu.memory_space<hbm>> -> memref<64x256xf32, #tpu.memory_space<hbm>>
      %dma_start3A_654 = arith.constant 0 : i32
      %dma_start3A_655 = arith.constant 0 : i32
      %dma_start3A_656 = tpu.memref_slice %arg4[%dma_start3A_645, %dma_start3A_654, %dma_start3A_655] : memref<4x64x256xf32, #tpu.memory_space<vmem>> -> memref<1x64x256xf32, #tpu.memory_space<vmem>>
      %dma_start3A_657 = tpu.memref_squeeze %dma_start3A_656 : memref<1x64x256xf32, #tpu.memory_space<vmem>> -> memref<64x256xf32, #tpu.memory_space<vmem>>
      tpu.enqueue_dma source(%dma_start3A_657 : memref<64x256xf32, #tpu.memory_space<vmem>>) target(%dma_start3A_653 : memref<64x256xf32, #tpu.memory_space<hbm>>) target_semaphore(%arg9 : memref<!tpu.dma_semaphore, #tpu.memory_space<semaphore_mem>>)
      %mul3A_658 = arith.constant 4 : i32
      %mul3A_659 = arith.muli %scan3A_565, %mul3A_658 : i32
      %add3A_660 = arith.constant 1 : i32
      %add3A_661 = arith.addi %mul3A_659, %add3A_660 : i32
      %add3A_662 = arith.constant 1 : i32
      %add3A_663 = arith.addi %add3A_661, %add3A_662 : i32
      %sub3A_664 = arith.constant 4 : i32
      %sub3A_665 = arith.subi %add3A_663, %sub3A_664 : i32
      %mul3A_666 = arith.constant 64 : i32
      %mul3A_667 = arith.muli %sub3A_665, %mul3A_666 : i32
      %dma_wait3A_668 = arith.constant 2 : i32
      %dma_wait3A_669 = arith.constant 0 : i32
      %dma_wait3A_670 = arith.constant 0 : i32
      %dma_wait3A_671 = tpu.memref_slice %arg4[%dma_wait3A_668, %dma_wait3A_669, %dma_wait3A_670] : memref<4x64x256xf32, #tpu.memory_space<vmem>> -> memref<1x64x256xf32, #tpu.memory_space<vmem>>
      %dma_wait3A_672 = tpu.memref_squeeze %dma_wait3A_671 : memref<1x64x256xf32, #tpu.memory_space<vmem>> -> memref<64x256xf32, #tpu.memory_space<vmem>>
      %dma_wait3A_673 = tpu.memref_slice %arg3[%select_n3A, %mul3A_667, %mul3A_32] : memref<4x4096x2048xf32, #tpu.memory_space<hbm>> -> memref<1x64x256xf32, #tpu.memory_space<hbm>>
      %dma_wait3A_674 = tpu.memref_squeeze %dma_wait3A_673 : memref<1x64x256xf32, #tpu.memory_space<hbm>> -> memref<64x256xf32, #tpu.memory_space<hbm>>
      %dma_wait3A_675 = tpu.memref_slice %arg3[%select_n3A, %mul3A_667, %mul3A_32] : memref<4x4096x2048xf32, #tpu.memory_space<hbm>> -> memref<1x64x256xf32, #tpu.memory_space<hbm>>
      %dma_wait3A_676 = tpu.memref_squeeze %dma_wait3A_675 : memref<1x64x256xf32, #tpu.memory_space<hbm>> -> memref<64x256xf32, #tpu.memory_space<hbm>>
      %dma_wait3A_677 = arith.constant 0 : i32
      %dma_wait3A_678 = arith.constant 0 : i32
      %dma_wait3A_679 = tpu.memref_slice %arg4[%dma_wait3A_668, %dma_wait3A_677, %dma_wait3A_678] : memref<4x64x256xf32, #tpu.memory_space<vmem>> -> memref<1x64x256xf32, #tpu.memory_space<vmem>>
      %dma_wait3A_680 = tpu.memref_squeeze %dma_wait3A_679 : memref<1x64x256xf32, #tpu.memory_space<vmem>> -> memref<64x256xf32, #tpu.memory_space<vmem>>
      tpu.wait_dma2 semaphore(%arg11 : memref<!tpu.dma_semaphore, #tpu.memory_space<semaphore_mem>>) src(%dma_wait3A_680 : memref<64x256xf32, #tpu.memory_space<vmem>>) dst(%dma_wait3A_676 : memref<64x256xf32, #tpu.memory_space<hbm>>)
      %add3A_681 = arith.constant 1 : i32
      %add3A_682 = arith.addi %add3A_661, %add3A_681 : i32
      %mul3A_683 = arith.constant 64 : i32
      %mul3A_684 = arith.muli %add3A_682, %mul3A_683 : i32
      %dma_start3A_685 = arith.constant 2 : i32
      %dma_start3A_686 = arith.constant 0 : i32
      %dma_start3A_687 = arith.constant 0 : i32
      %dma_start3A_688 = tpu.memref_slice %arg4[%dma_start3A_685, %dma_start3A_686, %dma_start3A_687] : memref<4x64x256xf32, #tpu.memory_space<vmem>> -> memref<1x64x256xf32, #tpu.memory_space<vmem>>
      %dma_start3A_689 = tpu.memref_squeeze %dma_start3A_688 : memref<1x64x256xf32, #tpu.memory_space<vmem>> -> memref<64x256xf32, #tpu.memory_space<vmem>>
      %dma_start3A_690 = tpu.memref_slice %arg2[%select_n3A, %mul3A_684, %mul3A_32] : memref<4x4096x2048xf32, #tpu.memory_space<hbm>> -> memref<1x64x256xf32, #tpu.memory_space<hbm>>
      %dma_start3A_691 = tpu.memref_squeeze %dma_start3A_690 : memref<1x64x256xf32, #tpu.memory_space<hbm>> -> memref<64x256xf32, #tpu.memory_space<hbm>>
      %dma_start3A_692 = arith.constant 0 : i32
      %dma_start3A_693 = arith.constant 0 : i32
      %dma_start3A_694 = tpu.memref_slice %arg4[%dma_start3A_685, %dma_start3A_692, %dma_start3A_693] : memref<4x64x256xf32, #tpu.memory_space<vmem>> -> memref<1x64x256xf32, #tpu.memory_space<vmem>>
      %dma_start3A_695 = tpu.memref_squeeze %dma_start3A_694 : memref<1x64x256xf32, #tpu.memory_space<vmem>> -> memref<64x256xf32, #tpu.memory_space<vmem>>
      %dma_start3A_696 = tpu.memref_slice %arg2[%select_n3A, %mul3A_684, %mul3A_32] : memref<4x4096x2048xf32, #tpu.memory_space<hbm>> -> memref<1x64x256xf32, #tpu.memory_space<hbm>>
      %dma_start3A_697 = tpu.memref_squeeze %dma_start3A_696 : memref<1x64x256xf32, #tpu.memory_space<hbm>> -> memref<64x256xf32, #tpu.memory_space<hbm>>
      tpu.enqueue_dma source(%dma_start3A_697 : memref<64x256xf32, #tpu.memory_space<hbm>>) target(%dma_start3A_695 : memref<64x256xf32, #tpu.memory_space<vmem>>) target_semaphore(%arg7 : memref<!tpu.dma_semaphore, #tpu.memory_space<semaphore_mem>>)
      %mul3A_698 = arith.constant 64 : i32
      %mul3A_699 = arith.muli %add3A_661, %mul3A_698 : i32
      %dma_wait3A_700 = arith.constant 1 : i32
      %dma_wait3A_701 = arith.constant 0 : i32
      %dma_wait3A_702 = arith.constant 0 : i32
      %dma_wait3A_703 = tpu.memref_slice %arg4[%dma_wait3A_700, %dma_wait3A_701, %dma_wait3A_702] : memref<4x64x256xf32, #tpu.memory_space<vmem>> -> memref<1x64x256xf32, #tpu.memory_space<vmem>>
      %dma_wait3A_704 = tpu.memref_squeeze %dma_wait3A_703 : memref<1x64x256xf32, #tpu.memory_space<vmem>> -> memref<64x256xf32, #tpu.memory_space<vmem>>
      %dma_wait3A_705 = tpu.memref_slice %arg2[%select_n3A, %mul3A_699, %mul3A_32] : memref<4x4096x2048xf32, #tpu.memory_space<hbm>> -> memref<1x64x256xf32, #tpu.memory_space<hbm>>
      %dma_wait3A_706 = tpu.memref_squeeze %dma_wait3A_705 : memref<1x64x256xf32, #tpu.memory_space<hbm>> -> memref<64x256xf32, #tpu.memory_space<hbm>>
      %dma_wait3A_707 = arith.constant 0 : i32
      %dma_wait3A_708 = arith.constant 0 : i32
      %dma_wait3A_709 = tpu.memref_slice %arg4[%dma_wait3A_700, %dma_wait3A_707, %dma_wait3A_708] : memref<4x64x256xf32, #tpu.memory_space<vmem>> -> memref<1x64x256xf32, #tpu.memory_space<vmem>>
      %dma_wait3A_710 = tpu.memref_squeeze %dma_wait3A_709 : memref<1x64x256xf32, #tpu.memory_space<vmem>> -> memref<64x256xf32, #tpu.memory_space<vmem>>
      %dma_wait3A_711 = tpu.memref_slice %arg2[%select_n3A, %mul3A_699, %mul3A_32] : memref<4x4096x2048xf32, #tpu.memory_space<hbm>> -> memref<1x64x256xf32, #tpu.memory_space<hbm>>
      %dma_wait3A_712 = tpu.memref_squeeze %dma_wait3A_711 : memref<1x64x256xf32, #tpu.memory_space<hbm>> -> memref<64x256xf32, #tpu.memory_space<hbm>>
      tpu.wait_dma2 semaphore(%arg6 : memref<!tpu.dma_semaphore, #tpu.memory_space<semaphore_mem>>) src(%dma_wait3A_712 : memref<64x256xf32, #tpu.memory_space<hbm>>) dst(%dma_wait3A_710 : memref<64x256xf32, #tpu.memory_space<vmem>>)
      %scan3A_713 = arith.constant 0 : i32
      %scan3A_714 = arith.constant 64 : i32
      %scan3A_715 = arith.addi %scan3A_713, %scan3A_714 : i32
      %scan3A_716 = arith.constant 1 : i32
      %scan3A_717:16 = scf.for %scan3A_886 = %scan3A_713 to %scan3A_715 step %scan3A_716 iter_args(%scan3A_887 = %scan3A_641#0, %scan3A_888 = %scan3A_641#1, %scan3A_889 = %scan3A_641#2, %scan3A_890 = %scan3A_641#3, %scan3A_891 = %scan3A_641#4, %scan3A_892 = %scan3A_641#5, %scan3A_893 = %scan3A_641#6, %scan3A_894 = %scan3A_641#7, %scan3A_895 = %scan3A_641#8, %scan3A_896 = %scan3A_641#9, %scan3A_897 = %scan3A_641#10, %scan3A_898 = %scan3A_641#11, %scan3A_899 = %scan3A_641#12, %scan3A_900 = %scan3A_641#13, %scan3A_901 = %scan3A_641#14, %scan3A_902 = %scan3A_641#15) -> (vector<16xf32>, vector<16xf32>, vector<16xf32>, vector<16xf32>, vector<16xf32>, vector<16xf32>, vector<16xf32>, vector<16xf32>, vector<16xf32>, vector<16xf32>, vector<16xf32>, vector<16xf32>, vector<16xf32>, vector<16xf32>, vector<16xf32>, vector<16xf32>)  : i32 {
        %get3A = arith.constant 1 : i32
        %get3A_903 = arith.index_cast %get3A : i32 to index
        %get3A_904 = arith.index_cast %scan3A_886 : i32 to index
        %get3A_905 = arith.constant 0 : index
        %get3A_906 = tpu.vector_load %arg4[%get3A_903, %get3A_904, %get3A_905] {strides = array<i32>} : memref<4x64x256xf32, #tpu.memory_space<vmem>>, vector<1x1x16xf32>,
        %get3A_907 = vector.shape_cast %get3A_906 : vector<1x1x16xf32> to vector<16xf32>
        %add3A_908 = arith.addf %scan3A_887, %get3A_907 : vector<16xf32>
        %swap3A = arith.constant 1 : i32
        %swap3A_909 = arith.index_cast %swap3A : i32 to index
        %swap3A_910 = arith.index_cast %scan3A_886 : i32 to index
        %swap3A_911 = arith.constant 0 : index
        %swap3A_912 = tpu.vector_load %arg4[%swap3A_909, %swap3A_910, %swap3A_911] {strides = array<i32>} : memref<4x64x256xf32, #tpu.memory_space<vmem>>, vector<1x1x16xf32>,
        %swap3A_913 = vector.shape_cast %swap3A_912 : vector<1x1x16xf32> to vector<16xf32>
        %swap3A_914 = vector.shape_cast %add3A_908 : vector<16xf32> to vector<1x1x16xf32>
        tpu.vector_store %arg4[%swap3A_909, %swap3A_910, %swap3A_911], %swap3A_914 {strides = array<i32>} : memref<4x64x256xf32, #tpu.memory_space<vmem>>, vector<1x1x16xf32>,
        %get3A_915 = arith.constant 1 : i32
        %get3A_916 = arith.index_cast %get3A_915 : i32 to index
        %get3A_917 = arith.index_cast %scan3A_886 : i32 to index
        %get3A_918 = arith.constant 16 : index
        %get3A_919 = tpu.vector_load %arg4[%get3A_916, %get3A_917, %get3A_918] {strides = array<i32>} : memref<4x64x256xf32, #tpu.memory_space<vmem>>, vector<1x1x16xf32>,
        %get3A_920 = vector.shape_cast %get3A_919 : vector<1x1x16xf32> to vector<16xf32>
        %add3A_921 = arith.addf %scan3A_888, %get3A_920 : vector<16xf32>
        %swap3A_922 = arith.constant 1 : i32
        %swap3A_923 = arith.index_cast %swap3A_922 : i32 to index
        %swap3A_924 = arith.index_cast %scan3A_886 : i32 to index
        %swap3A_925 = arith.constant 16 : index
        %swap3A_926 = tpu.vector_load %arg4[%swap3A_923, %swap3A_924, %swap3A_925] {strides = array<i32>} : memref<4x64x256xf32, #tpu.memory_space<vmem>>, vector<1x1x16xf32>,
        %swap3A_927 = vector.shape_cast %swap3A_926 : vector<1x1x16xf32> to vector<16xf32>
        %swap3A_928 = vector.shape_cast %add3A_921 : vector<16xf32> to vector<1x1x16xf32>
        tpu.vector_store %arg4[%swap3A_923, %swap3A_924, %swap3A_925], %swap3A_928 {strides = array<i32>} : memref<4x64x256xf32, #tpu.memory_space<vmem>>, vector<1x1x16xf32>,
        %get3A_929 = arith.constant 1 : i32
        %get3A_930 = arith.index_cast %get3A_929 : i32 to index
        %get3A_931 = arith.index_cast %scan3A_886 : i32 to index
        %get3A_932 = arith.constant 32 : index
        %get3A_933 = tpu.vector_load %arg4[%get3A_930, %get3A_931, %get3A_932] {strides = array<i32>} : memref<4x64x256xf32, #tpu.memory_space<vmem>>, vector<1x1x16xf32>,
        %get3A_934 = vector.shape_cast %get3A_933 : vector<1x1x16xf32> to vector<16xf32>
        %add3A_935 = arith.addf %scan3A_889, %get3A_934 : vector<16xf32>
        %swap3A_936 = arith.constant 1 : i32
        %swap3A_937 = arith.index_cast %swap3A_936 : i32 to index
        %swap3A_938 = arith.index_cast %scan3A_886 : i32 to index
        %swap3A_939 = arith.constant 32 : index
        %swap3A_940 = tpu.vector_load %arg4[%swap3A_937, %swap3A_938, %swap3A_939] {strides = array<i32>} : memref<4x64x256xf32, #tpu.memory_space<vmem>>, vector<1x1x16xf32>,
        %swap3A_941 = vector.shape_cast %swap3A_940 : vector<1x1x16xf32> to vector<16xf32>
        %swap3A_942 = vector.shape_cast %add3A_935 : vector<16xf32> to vector<1x1x16xf32>
        tpu.vector_store %arg4[%swap3A_937, %swap3A_938, %swap3A_939], %swap3A_942 {strides = array<i32>} : memref<4x64x256xf32, #tpu.memory_space<vmem>>, vector<1x1x16xf32>,
        %get3A_943 = arith.constant 1 : i32
        %get3A_944 = arith.index_cast %get3A_943 : i32 to index
        %get3A_945 = arith.index_cast %scan3A_886 : i32 to index
        %get3A_946 = arith.constant 48 : index
        %get3A_947 = tpu.vector_load %arg4[%get3A_944, %get3A_945, %get3A_946] {strides = array<i32>} : memref<4x64x256xf32, #tpu.memory_space<vmem>>, vector<1x1x16xf32>,
        %get3A_948 = vector.shape_cast %get3A_947 : vector<1x1x16xf32> to vector<16xf32>
        %add3A_949 = arith.addf %scan3A_890, %get3A_948 : vector<16xf32>
        %swap3A_950 = arith.constant 1 : i32
        %swap3A_951 = arith.index_cast %swap3A_950 : i32 to index
        %swap3A_952 = arith.index_cast %scan3A_886 : i32 to index
        %swap3A_953 = arith.constant 48 : index
        %swap3A_954 = tpu.vector_load %arg4[%swap3A_951, %swap3A_952, %swap3A_953] {strides = array<i32>} : memref<4x64x256xf32, #tpu.memory_space<vmem>>, vector<1x1x16xf32>,
        %swap3A_955 = vector.shape_cast %swap3A_954 : vector<1x1x16xf32> to vector<16xf32>
        %swap3A_956 = vector.shape_cast %add3A_949 : vector<16xf32> to vector<1x1x16xf32>
        tpu.vector_store %arg4[%swap3A_951, %swap3A_952, %swap3A_953], %swap3A_956 {strides = array<i32>} : memref<4x64x256xf32, #tpu.memory_space<vmem>>, vector<1x1x16xf32>,
        %get3A_957 = arith.constant 1 : i32
        %get3A_958 = arith.index_cast %get3A_957 : i32 to index
        %get3A_959 = arith.index_cast %scan3A_886 : i32 to index
        %get3A_960 = arith.constant 64 : index
        %get3A_961 = tpu.vector_load %arg4[%get3A_958, %get3A_959, %get3A_960] {strides = array<i32>} : memref<4x64x256xf32, #tpu.memory_space<vmem>>, vector<1x1x16xf32>,
        %get3A_962 = vector.shape_cast %get3A_961 : vector<1x1x16xf32> to vector<16xf32>
        %add3A_963 = arith.addf %scan3A_891, %get3A_962 : vector<16xf32>
        %swap3A_964 = arith.constant 1 : i32
        %swap3A_965 = arith.index_cast %swap3A_964 : i32 to index
        %swap3A_966 = arith.index_cast %scan3A_886 : i32 to index
        %swap3A_967 = arith.constant 64 : index
        %swap3A_968 = tpu.vector_load %arg4[%swap3A_965, %swap3A_966, %swap3A_967] {strides = array<i32>} : memref<4x64x256xf32, #tpu.memory_space<vmem>>, vector<1x1x16xf32>,
        %swap3A_969 = vector.shape_cast %swap3A_968 : vector<1x1x16xf32> to vector<16xf32>
        %swap3A_970 = vector.shape_cast %add3A_963 : vector<16xf32> to vector<1x1x16xf32>
        tpu.vector_store %arg4[%swap3A_965, %swap3A_966, %swap3A_967], %swap3A_970 {strides = array<i32>} : memref<4x64x256xf32, #tpu.memory_space<vmem>>, vector<1x1x16xf32>,
        %get3A_971 = arith.constant 1 : i32
        %get3A_972 = arith.index_cast %get3A_971 : i32 to index
        %get3A_973 = arith.index_cast %scan3A_886 : i32 to index
        %get3A_974 = arith.constant 80 : index
        %get3A_975 = tpu.vector_load %arg4[%get3A_972, %get3A_973, %get3A_974] {strides = array<i32>} : memref<4x64x256xf32, #tpu.memory_space<vmem>>, vector<1x1x16xf32>,
        %get3A_976 = vector.shape_cast %get3A_975 : vector<1x1x16xf32> to vector<16xf32>
        %add3A_977 = arith.addf %scan3A_892, %get3A_976 : vector<16xf32>
        %swap3A_978 = arith.constant 1 : i32
        %swap3A_979 = arith.index_cast %swap3A_978 : i32 to index
        %swap3A_980 = arith.index_cast %scan3A_886 : i32 to index
        %swap3A_981 = arith.constant 80 : index
        %swap3A_982 = tpu.vector_load %arg4[%swap3A_979, %swap3A_980, %swap3A_981] {strides = array<i32>} : memref<4x64x256xf32, #tpu.memory_space<vmem>>, vector<1x1x16xf32>,
        %swap3A_983 = vector.shape_cast %swap3A_982 : vector<1x1x16xf32> to vector<16xf32>
        %swap3A_984 = vector.shape_cast %add3A_977 : vector<16xf32> to vector<1x1x16xf32>
        tpu.vector_store %arg4[%swap3A_979, %swap3A_980, %swap3A_981], %swap3A_984 {strides = array<i32>} : memref<4x64x256xf32, #tpu.memory_space<vmem>>, vector<1x1x16xf32>,
        %get3A_985 = arith.constant 1 : i32
        %get3A_986 = arith.index_cast %get3A_985 : i32 to index
        %get3A_987 = arith.index_cast %scan3A_886 : i32 to index
        %get3A_988 = arith.constant 96 : index
        %get3A_989 = tpu.vector_load %arg4[%get3A_986, %get3A_987, %get3A_988] {strides = array<i32>} : memref<4x64x256xf32, #tpu.memory_space<vmem>>, vector<1x1x16xf32>,
        %get3A_990 = vector.shape_cast %get3A_989 : vector<1x1x16xf32> to vector<16xf32>
        %add3A_991 = arith.addf %scan3A_893, %get3A_990 : vector<16xf32>
        %swap3A_992 = arith.constant 1 : i32
        %swap3A_993 = arith.index_cast %swap3A_992 : i32 to index
        %swap3A_994 = arith.index_cast %scan3A_886 : i32 to index
        %swap3A_995 = arith.constant 96 : index
        %swap3A_996 = tpu.vector_load %arg4[%swap3A_993, %swap3A_994, %swap3A_995] {strides = array<i32>} : memref<4x64x256xf32, #tpu.memory_space<vmem>>, vector<1x1x16xf32>,
        %swap3A_997 = vector.shape_cast %swap3A_996 : vector<1x1x16xf32> to vector<16xf32>
        %swap3A_998 = vector.shape_cast %add3A_991 : vector<16xf32> to vector<1x1x16xf32>
        tpu.vector_store %arg4[%swap3A_993, %swap3A_994, %swap3A_995], %swap3A_998 {strides = array<i32>} : memref<4x64x256xf32, #tpu.memory_space<vmem>>, vector<1x1x16xf32>,
        %get3A_999 = arith.constant 1 : i32
        %get3A_1000 = arith.index_cast %get3A_999 : i32 to index
        %get3A_1001 = arith.index_cast %scan3A_886 : i32 to index
        %get3A_1002 = arith.constant 112 : index
        %get3A_1003 = tpu.vector_load %arg4[%get3A_1000, %get3A_1001, %get3A_1002] {strides = array<i32>} : memref<4x64x256xf32, #tpu.memory_space<vmem>>, vector<1x1x16xf32>,
        %get3A_1004 = vector.shape_cast %get3A_1003 : vector<1x1x16xf32> to vector<16xf32>
        %add3A_1005 = arith.addf %scan3A_894, %get3A_1004 : vector<16xf32>
        %swap3A_1006 = arith.constant 1 : i32
        %swap3A_1007 = arith.index_cast %swap3A_1006 : i32 to index
        %swap3A_1008 = arith.index_cast %scan3A_886 : i32 to index
        %swap3A_1009 = arith.constant 112 : index
        %swap3A_1010 = tpu.vector_load %arg4[%swap3A_1007, %swap3A_1008, %swap3A_1009] {strides = array<i32>} : memref<4x64x256xf32, #tpu.memory_space<vmem>>, vector<1x1x16xf32>,
        %swap3A_1011 = vector.shape_cast %swap3A_1010 : vector<1x1x16xf32> to vector<16xf32>
        %swap3A_1012 = vector.shape_cast %add3A_1005 : vector<16xf32> to vector<1x1x16xf32>
        tpu.vector_store %arg4[%swap3A_1007, %swap3A_1008, %swap3A_1009], %swap3A_1012 {strides = array<i32>} : memref<4x64x256xf32, #tpu.memory_space<vmem>>, vector<1x1x16xf32>,
        %get3A_1013 = arith.constant 1 : i32
        %get3A_1014 = arith.index_cast %get3A_1013 : i32 to index
        %get3A_1015 = arith.index_cast %scan3A_886 : i32 to index
        %get3A_1016 = arith.constant 128 : index
        %get3A_1017 = tpu.vector_load %arg4[%get3A_1014, %get3A_1015, %get3A_1016] {strides = array<i32>} : memref<4x64x256xf32, #tpu.memory_space<vmem>>, vector<1x1x16xf32>,
        %get3A_1018 = vector.shape_cast %get3A_1017 : vector<1x1x16xf32> to vector<16xf32>
        %add3A_1019 = arith.addf %scan3A_895, %get3A_1018 : vector<16xf32>
        %swap3A_1020 = arith.constant 1 : i32
        %swap3A_1021 = arith.index_cast %swap3A_1020 : i32 to index
        %swap3A_1022 = arith.index_cast %scan3A_886 : i32 to index
        %swap3A_1023 = arith.constant 128 : index
        %swap3A_1024 = tpu.vector_load %arg4[%swap3A_1021, %swap3A_1022, %swap3A_1023] {strides = array<i32>} : memref<4x64x256xf32, #tpu.memory_space<vmem>>, vector<1x1x16xf32>,
        %swap3A_1025 = vector.shape_cast %swap3A_1024 : vector<1x1x16xf32> to vector<16xf32>
        %swap3A_1026 = vector.shape_cast %add3A_1019 : vector<16xf32> to vector<1x1x16xf32>
        tpu.vector_store %arg4[%swap3A_1021, %swap3A_1022, %swap3A_1023], %swap3A_1026 {strides = array<i32>} : memref<4x64x256xf32, #tpu.memory_space<vmem>>, vector<1x1x16xf32>,
        %get3A_1027 = arith.constant 1 : i32
        %get3A_1028 = arith.index_cast %get3A_1027 : i32 to index
        %get3A_1029 = arith.index_cast %scan3A_886 : i32 to index
        %get3A_1030 = arith.constant 144 : index
        %get3A_1031 = tpu.vector_load %arg4[%get3A_1028, %get3A_1029, %get3A_1030] {strides = array<i32>} : memref<4x64x256xf32, #tpu.memory_space<vmem>>, vector<1x1x16xf32>,
        %get3A_1032 = vector.shape_cast %get3A_1031 : vector<1x1x16xf32> to vector<16xf32>
        %add3A_1033 = arith.addf %scan3A_896, %get3A_1032 : vector<16xf32>
        %swap3A_1034 = arith.constant 1 : i32
        %swap3A_1035 = arith.index_cast %swap3A_1034 : i32 to index
        %swap3A_1036 = arith.index_cast %scan3A_886 : i32 to index
        %swap3A_1037 = arith.constant 144 : index
        %swap3A_1038 = tpu.vector_load %arg4[%swap3A_1035, %swap3A_1036, %swap3A_1037] {strides = array<i32>} : memref<4x64x256xf32, #tpu.memory_space<vmem>>, vector<1x1x16xf32>,
        %swap3A_1039 = vector.shape_cast %swap3A_1038 : vector<1x1x16xf32> to vector<16xf32>
        %swap3A_1040 = vector.shape_cast %add3A_1033 : vector<16xf32> to vector<1x1x16xf32>
        tpu.vector_store %arg4[%swap3A_1035, %swap3A_1036, %swap3A_1037], %swap3A_1040 {strides = array<i32>} : memref<4x64x256xf32, #tpu.memory_space<vmem>>, vector<1x1x16xf32>,
        %get3A_1041 = arith.constant 1 : i32
        %get3A_1042 = arith.index_cast %get3A_1041 : i32 to index
        %get3A_1043 = arith.index_cast %scan3A_886 : i32 to index
        %get3A_1044 = arith.constant 160 : index
        %get3A_1045 = tpu.vector_load %arg4[%get3A_1042, %get3A_1043, %get3A_1044] {strides = array<i32>} : memref<4x64x256xf32, #tpu.memory_space<vmem>>, vector<1x1x16xf32>,
        %get3A_1046 = vector.shape_cast %get3A_1045 : vector<1x1x16xf32> to vector<16xf32>
        %add3A_1047 = arith.addf %scan3A_897, %get3A_1046 : vector<16xf32>
        %swap3A_1048 = arith.constant 1 : i32
        %swap3A_1049 = arith.index_cast %swap3A_1048 : i32 to index
        %swap3A_1050 = arith.index_cast %scan3A_886 : i32 to index
        %swap3A_1051 = arith.constant 160 : index
        %swap3A_1052 = tpu.vector_load %arg4[%swap3A_1049, %swap3A_1050, %swap3A_1051] {strides = array<i32>} : memref<4x64x256xf32, #tpu.memory_space<vmem>>, vector<1x1x16xf32>,
        %swap3A_1053 = vector.shape_cast %swap3A_1052 : vector<1x1x16xf32> to vector<16xf32>
        %swap3A_1054 = vector.shape_cast %add3A_1047 : vector<16xf32> to vector<1x1x16xf32>
        tpu.vector_store %arg4[%swap3A_1049, %swap3A_1050, %swap3A_1051], %swap3A_1054 {strides = array<i32>} : memref<4x64x256xf32, #tpu.memory_space<vmem>>, vector<1x1x16xf32>,
        %get3A_1055 = arith.constant 1 : i32
        %get3A_1056 = arith.index_cast %get3A_1055 : i32 to index
        %get3A_1057 = arith.index_cast %scan3A_886 : i32 to index
        %get3A_1058 = arith.constant 176 : index
        %get3A_1059 = tpu.vector_load %arg4[%get3A_1056, %get3A_1057, %get3A_1058] {strides = array<i32>} : memref<4x64x256xf32, #tpu.memory_space<vmem>>, vector<1x1x16xf32>,
        %get3A_1060 = vector.shape_cast %get3A_1059 : vector<1x1x16xf32> to vector<16xf32>
        %add3A_1061 = arith.addf %scan3A_898, %get3A_1060 : vector<16xf32>
        %swap3A_1062 = arith.constant 1 : i32
        %swap3A_1063 = arith.index_cast %swap3A_1062 : i32 to index
        %swap3A_1064 = arith.index_cast %scan3A_886 : i32 to index
        %swap3A_1065 = arith.constant 176 : index
        %swap3A_1066 = tpu.vector_load %arg4[%swap3A_1063, %swap3A_1064, %swap3A_1065] {strides = array<i32>} : memref<4x64x256xf32, #tpu.memory_space<vmem>>, vector<1x1x16xf32>,
        %swap3A_1067 = vector.shape_cast %swap3A_1066 : vector<1x1x16xf32> to vector<16xf32>
        %swap3A_1068 = vector.shape_cast %add3A_1061 : vector<16xf32> to vector<1x1x16xf32>
        tpu.vector_store %arg4[%swap3A_1063, %swap3A_1064, %swap3A_1065], %swap3A_1068 {strides = array<i32>} : memref<4x64x256xf32, #tpu.memory_space<vmem>>, vector<1x1x16xf32>,
        %get3A_1069 = arith.constant 1 : i32
        %get3A_1070 = arith.index_cast %get3A_1069 : i32 to index
        %get3A_1071 = arith.index_cast %scan3A_886 : i32 to index
        %get3A_1072 = arith.constant 192 : index
        %get3A_1073 = tpu.vector_load %arg4[%get3A_1070, %get3A_1071, %get3A_1072] {strides = array<i32>} : memref<4x64x256xf32, #tpu.memory_space<vmem>>, vector<1x1x16xf32>,
        %get3A_1074 = vector.shape_cast %get3A_1073 : vector<1x1x16xf32> to vector<16xf32>
        %add3A_1075 = arith.addf %scan3A_899, %get3A_1074 : vector<16xf32>
        %swap3A_1076 = arith.constant 1 : i32
        %swap3A_1077 = arith.index_cast %swap3A_1076 : i32 to index
        %swap3A_1078 = arith.index_cast %scan3A_886 : i32 to index
        %swap3A_1079 = arith.constant 192 : index
        %swap3A_1080 = tpu.vector_load %arg4[%swap3A_1077, %swap3A_1078, %swap3A_1079] {strides = array<i32>} : memref<4x64x256xf32, #tpu.memory_space<vmem>>, vector<1x1x16xf32>,
        %swap3A_1081 = vector.shape_cast %swap3A_1080 : vector<1x1x16xf32> to vector<16xf32>
        %swap3A_1082 = vector.shape_cast %add3A_1075 : vector<16xf32> to vector<1x1x16xf32>
        tpu.vector_store %arg4[%swap3A_1077, %swap3A_1078, %swap3A_1079], %swap3A_1082 {strides = array<i32>} : memref<4x64x256xf32, #tpu.memory_space<vmem>>, vector<1x1x16xf32>,
        %get3A_1083 = arith.constant 1 : i32
        %get3A_1084 = arith.index_cast %get3A_1083 : i32 to index
        %get3A_1085 = arith.index_cast %scan3A_886 : i32 to index
        %get3A_1086 = arith.constant 208 : index
        %get3A_1087 = tpu.vector_load %arg4[%get3A_1084, %get3A_1085, %get3A_1086] {strides = array<i32>} : memref<4x64x256xf32, #tpu.memory_space<vmem>>, vector<1x1x16xf32>,
        %get3A_1088 = vector.shape_cast %get3A_1087 : vector<1x1x16xf32> to vector<16xf32>
        %add3A_1089 = arith.addf %scan3A_900, %get3A_1088 : vector<16xf32>
        %swap3A_1090 = arith.constant 1 : i32
        %swap3A_1091 = arith.index_cast %swap3A_1090 : i32 to index
        %swap3A_1092 = arith.index_cast %scan3A_886 : i32 to index
        %swap3A_1093 = arith.constant 208 : index
        %swap3A_1094 = tpu.vector_load %arg4[%swap3A_1091, %swap3A_1092, %swap3A_1093] {strides = array<i32>} : memref<4x64x256xf32, #tpu.memory_space<vmem>>, vector<1x1x16xf32>,
        %swap3A_1095 = vector.shape_cast %swap3A_1094 : vector<1x1x16xf32> to vector<16xf32>
        %swap3A_1096 = vector.shape_cast %add3A_1089 : vector<16xf32> to vector<1x1x16xf32>
        tpu.vector_store %arg4[%swap3A_1091, %swap3A_1092, %swap3A_1093], %swap3A_1096 {strides = array<i32>} : memref<4x64x256xf32, #tpu.memory_space<vmem>>, vector<1x1x16xf32>,
        %get3A_1097 = arith.constant 1 : i32
        %get3A_1098 = arith.index_cast %get3A_1097 : i32 to index
        %get3A_1099 = arith.index_cast %scan3A_886 : i32 to index
        %get3A_1100 = arith.constant 224 : index
        %get3A_1101 = tpu.vector_load %arg4[%get3A_1098, %get3A_1099, %get3A_1100] {strides = array<i32>} : memref<4x64x256xf32, #tpu.memory_space<vmem>>, vector<1x1x16xf32>,
        %get3A_1102 = vector.shape_cast %get3A_1101 : vector<1x1x16xf32> to vector<16xf32>
        %add3A_1103 = arith.addf %scan3A_901, %get3A_1102 : vector<16xf32>
        %swap3A_1104 = arith.constant 1 : i32
        %swap3A_1105 = arith.index_cast %swap3A_1104 : i32 to index
        %swap3A_1106 = arith.index_cast %scan3A_886 : i32 to index
        %swap3A_1107 = arith.constant 224 : index
        %swap3A_1108 = tpu.vector_load %arg4[%swap3A_1105, %swap3A_1106, %swap3A_1107] {strides = array<i32>} : memref<4x64x256xf32, #tpu.memory_space<vmem>>, vector<1x1x16xf32>,
        %swap3A_1109 = vector.shape_cast %swap3A_1108 : vector<1x1x16xf32> to vector<16xf32>
        %swap3A_1110 = vector.shape_cast %add3A_1103 : vector<16xf32> to vector<1x1x16xf32>
        tpu.vector_store %arg4[%swap3A_1105, %swap3A_1106, %swap3A_1107], %swap3A_1110 {strides = array<i32>} : memref<4x64x256xf32, #tpu.memory_space<vmem>>, vector<1x1x16xf32>,
        %get3A_1111 = arith.constant 1 : i32
        %get3A_1112 = arith.index_cast %get3A_1111 : i32 to index
        %get3A_1113 = arith.index_cast %scan3A_886 : i32 to index
        %get3A_1114 = arith.constant 240 : index
        %get3A_1115 = tpu.vector_load %arg4[%get3A_1112, %get3A_1113, %get3A_1114] {strides = array<i32>} : memref<4x64x256xf32, #tpu.memory_space<vmem>>, vector<1x1x16xf32>,
        %get3A_1116 = vector.shape_cast %get3A_1115 : vector<1x1x16xf32> to vector<16xf32>
        %add3A_1117 = arith.addf %scan3A_902, %get3A_1116 : vector<16xf32>
        %swap3A_1118 = arith.constant 1 : i32
        %swap3A_1119 = arith.index_cast %swap3A_1118 : i32 to index
        %swap3A_1120 = arith.index_cast %scan3A_886 : i32 to index
        %swap3A_1121 = arith.constant 240 : index
        %swap3A_1122 = tpu.vector_load %arg4[%swap3A_1119, %swap3A_1120, %swap3A_1121] {strides = array<i32>} : memref<4x64x256xf32, #tpu.memory_space<vmem>>, vector<1x1x16xf32>,
        %swap3A_1123 = vector.shape_cast %swap3A_1122 : vector<1x1x16xf32> to vector<16xf32>
        %swap3A_1124 = vector.shape_cast %add3A_1117 : vector<16xf32> to vector<1x1x16xf32>
        tpu.vector_store %arg4[%swap3A_1119, %swap3A_1120, %swap3A_1121], %swap3A_1124 {strides = array<i32>} : memref<4x64x256xf32, #tpu.memory_space<vmem>>, vector<1x1x16xf32>,
        scf.yield %add3A_908, %add3A_921, %add3A_935, %add3A_949, %add3A_963, %add3A_977, %add3A_991, %add3A_1005, %add3A_1019, %add3A_1033, %add3A_1047, %add3A_1061, %add3A_1075, %add3A_1089, %add3A_1103, %add3A_1117 : vector<16xf32>, vector<16xf32>, vector<16xf32>, vector<16xf32>, vector<16xf32>, vector<16xf32>, vector<16xf32>, vector<16xf32>, vector<16xf32>, vector<16xf32>, vector<16xf32>, vector<16xf32>, vector<16xf32>, vector<16xf32>, vector<16xf32>, vector<16xf32>
      }
      %scan3A_718 = arith.constant 64 : i32
      %mul3A_719 = arith.constant 64 : i32
      %mul3A_720 = arith.muli %add3A_661, %mul3A_719 : i32
      %dma_start3A_721 = arith.constant 1 : i32
      %dma_start3A_722 = arith.constant 0 : i32
      %dma_start3A_723 = arith.constant 0 : i32
      %dma_start3A_724 = tpu.memref_slice %arg4[%dma_start3A_721, %dma_start3A_722, %dma_start3A_723] : memref<4x64x256xf32, #tpu.memory_space<vmem>> -> memref<1x64x256xf32, #tpu.memory_space<vmem>>
      %dma_start3A_725 = tpu.memref_squeeze %dma_start3A_724 : memref<1x64x256xf32, #tpu.memory_space<vmem>> -> memref<64x256xf32, #tpu.memory_space<vmem>>
      %dma_start3A_726 = tpu.memref_slice %arg3[%select_n3A, %mul3A_720, %mul3A_32] : memref<4x4096x2048xf32, #tpu.memory_space<hbm>> -> memref<1x64x256xf32, #tpu.memory_space<hbm>>
      %dma_start3A_727 = tpu.memref_squeeze %dma_start3A_726 : memref<1x64x256xf32, #tpu.memory_space<hbm>> -> memref<64x256xf32, #tpu.memory_space<hbm>>
      %dma_start3A_728 = tpu.memref_slice %arg3[%select_n3A, %mul3A_720, %mul3A_32] : memref<4x4096x2048xf32, #tpu.memory_space<hbm>> -> memref<1x64x256xf32, #tpu.memory_space<hbm>>
      %dma_start3A_729 = tpu.memref_squeeze %dma_start3A_728 : memref<1x64x256xf32, #tpu.memory_space<hbm>> -> memref<64x256xf32, #tpu.memory_space<hbm>>
      %dma_start3A_730 = arith.constant 0 : i32
      %dma_start3A_731 = arith.constant 0 : i32
      %dma_start3A_732 = tpu.memref_slice %arg4[%dma_start3A_721, %dma_start3A_730, %dma_start3A_731] : memref<4x64x256xf32, #tpu.memory_space<vmem>> -> memref<1x64x256xf32, #tpu.memory_space<vmem>>
      %dma_start3A_733 = tpu.memref_squeeze %dma_start3A_732 : memref<1x64x256xf32, #tpu.memory_space<vmem>> -> memref<64x256xf32, #tpu.memory_space<vmem>>
      tpu.enqueue_dma source(%dma_start3A_733 : memref<64x256xf32, #tpu.memory_space<vmem>>) target(%dma_start3A_729 : memref<64x256xf32, #tpu.memory_space<hbm>>) target_semaphore(%arg10 : memref<!tpu.dma_semaphore, #tpu.memory_space<semaphore_mem>>)
      %mul3A_734 = arith.constant 4 : i32
      %mul3A_735 = arith.muli %scan3A_565, %mul3A_734 : i32
      %add3A_736 = arith.constant 2 : i32
      %add3A_737 = arith.addi %mul3A_735, %add3A_736 : i32
      %add3A_738 = arith.constant 1 : i32
      %add3A_739 = arith.addi %add3A_737, %add3A_738 : i32
      %sub3A_740 = arith.constant 4 : i32
      %sub3A_741 = arith.subi %add3A_739, %sub3A_740 : i32
      %mul3A_742 = arith.constant 64 : i32
      %mul3A_743 = arith.muli %sub3A_741, %mul3A_742 : i32
      %dma_wait3A_744 = arith.constant 3 : i32
      %dma_wait3A_745 = arith.constant 0 : i32
      %dma_wait3A_746 = arith.constant 0 : i32
      %dma_wait3A_747 = tpu.memref_slice %arg4[%dma_wait3A_744, %dma_wait3A_745, %dma_wait3A_746] : memref<4x64x256xf32, #tpu.memory_space<vmem>> -> memref<1x64x256xf32, #tpu.memory_space<vmem>>
      %dma_wait3A_748 = tpu.memref_squeeze %dma_wait3A_747 : memref<1x64x256xf32, #tpu.memory_space<vmem>> -> memref<64x256xf32, #tpu.memory_space<vmem>>
      %dma_wait3A_749 = tpu.memref_slice %arg3[%select_n3A, %mul3A_743, %mul3A_32] : memref<4x4096x2048xf32, #tpu.memory_space<hbm>> -> memref<1x64x256xf32, #tpu.memory_space<hbm>>
      %dma_wait3A_750 = tpu.memref_squeeze %dma_wait3A_749 : memref<1x64x256xf32, #tpu.memory_space<hbm>> -> memref<64x256xf32, #tpu.memory_space<hbm>>
      %dma_wait3A_751 = tpu.memref_slice %arg3[%select_n3A, %mul3A_743, %mul3A_32] : memref<4x4096x2048xf32, #tpu.memory_space<hbm>> -> memref<1x64x256xf32, #tpu.memory_space<hbm>>
      %dma_wait3A_752 = tpu.memref_squeeze %dma_wait3A_751 : memref<1x64x256xf32, #tpu.memory_space<hbm>> -> memref<64x256xf32, #tpu.memory_space<hbm>>
      %dma_wait3A_753 = arith.constant 0 : i32
      %dma_wait3A_754 = arith.constant 0 : i32
      %dma_wait3A_755 = tpu.memref_slice %arg4[%dma_wait3A_744, %dma_wait3A_753, %dma_wait3A_754] : memref<4x64x256xf32, #tpu.memory_space<vmem>> -> memref<1x64x256xf32, #tpu.memory_space<vmem>>
      %dma_wait3A_756 = tpu.memref_squeeze %dma_wait3A_755 : memref<1x64x256xf32, #tpu.memory_space<vmem>> -> memref<64x256xf32, #tpu.memory_space<vmem>>
      tpu.wait_dma2 semaphore(%arg12 : memref<!tpu.dma_semaphore, #tpu.memory_space<semaphore_mem>>) src(%dma_wait3A_756 : memref<64x256xf32, #tpu.memory_space<vmem>>) dst(%dma_wait3A_752 : memref<64x256xf32, #tpu.memory_space<hbm>>)
      %add3A_757 = arith.constant 1 : i32
      %add3A_758 = arith.addi %add3A_737, %add3A_757 : i32
      %mul3A_759 = arith.constant 64 : i32
      %mul3A_760 = arith.muli %add3A_758, %mul3A_759 : i32
      %dma_start3A_761 = arith.constant 3 : i32
      %dma_start3A_762 = arith.constant 0 : i32
      %dma_start3A_763 = arith.constant 0 : i32
      %dma_start3A_764 = tpu.memref_slice %arg4[%dma_start3A_761, %dma_start3A_762, %dma_start3A_763] : memref<4x64x256xf32, #tpu.memory_space<vmem>> -> memref<1x64x256xf32, #tpu.memory_space<vmem>>
      %dma_start3A_765 = tpu.memref_squeeze %dma_start3A_764 : memref<1x64x256xf32, #tpu.memory_space<vmem>> -> memref<64x256xf32, #tpu.memory_space<vmem>>
      %dma_start3A_766 = tpu.memref_slice %arg2[%select_n3A, %mul3A_760, %mul3A_32] : memref<4x4096x2048xf32, #tpu.memory_space<hbm>> -> memref<1x64x256xf32, #tpu.memory_space<hbm>>
      %dma_start3A_767 = tpu.memref_squeeze %dma_start3A_766 : memref<1x64x256xf32, #tpu.memory_space<hbm>> -> memref<64x256xf32, #tpu.memory_space<hbm>>
      %dma_start3A_768 = arith.constant 0 : i32
      %dma_start3A_769 = arith.constant 0 : i32
      %dma_start3A_770 = tpu.memref_slice %arg4[%dma_start3A_761, %dma_start3A_768, %dma_start3A_769] : memref<4x64x256xf32, #tpu.memory_space<vmem>> -> memref<1x64x256xf32, #tpu.memory_space<vmem>>
      %dma_start3A_771 = tpu.memref_squeeze %dma_start3A_770 : memref<1x64x256xf32, #tpu.memory_space<vmem>> -> memref<64x256xf32, #tpu.memory_space<vmem>>
      %dma_start3A_772 = tpu.memref_slice %arg2[%select_n3A, %mul3A_760, %mul3A_32] : memref<4x4096x2048xf32, #tpu.memory_space<hbm>> -> memref<1x64x256xf32, #tpu.memory_space<hbm>>
      %dma_start3A_773 = tpu.memref_squeeze %dma_start3A_772 : memref<1x64x256xf32, #tpu.memory_space<hbm>> -> memref<64x256xf32, #tpu.memory_space<hbm>>
      tpu.enqueue_dma source(%dma_start3A_773 : memref<64x256xf32, #tpu.memory_space<hbm>>) target(%dma_start3A_771 : memref<64x256xf32, #tpu.memory_space<vmem>>) target_semaphore(%arg8 : memref<!tpu.dma_semaphore, #tpu.memory_space<semaphore_mem>>)
      %mul3A_774 = arith.constant 64 : i32
      %mul3A_775 = arith.muli %add3A_737, %mul3A_774 : i32
      %dma_wait3A_776 = arith.constant 2 : i32
      %dma_wait3A_777 = arith.constant 0 : i32
      %dma_wait3A_778 = arith.constant 0 : i32
      %dma_wait3A_779 = tpu.memref_slice %arg4[%dma_wait3A_776, %dma_wait3A_777, %dma_wait3A_778] : memref<4x64x256xf32, #tpu.memory_space<vmem>> -> memref<1x64x256xf32, #tpu.memory_space<vmem>>
      %dma_wait3A_780 = tpu.memref_squeeze %dma_wait3A_779 : memref<1x64x256xf32, #tpu.memory_space<vmem>> -> memref<64x256xf32, #tpu.memory_space<vmem>>
      %dma_wait3A_781 = tpu.memref_slice %arg2[%select_n3A, %mul3A_775, %mul3A_32] : memref<4x4096x2048xf32, #tpu.memory_space<hbm>> -> memref<1x64x256xf32, #tpu.memory_space<hbm>>
      %dma_wait3A_782 = tpu.memref_squeeze %dma_wait3A_781 : memref<1x64x256xf32, #tpu.memory_space<hbm>> -> memref<64x256xf32, #tpu.memory_space<hbm>>
      %dma_wait3A_783 = arith.constant 0 : i32
      %dma_wait3A_784 = arith.constant 0 : i32
      %dma_wait3A_785 = tpu.memref_slice %arg4[%dma_wait3A_776, %dma_wait3A_783, %dma_wait3A_784] : memref<4x64x256xf32, #tpu.memory_space<vmem>> -> memref<1x64x256xf32, #tpu.memory_space<vmem>>
      %dma_wait3A_786 = tpu.memref_squeeze %dma_wait3A_785 : memref<1x64x256xf32, #tpu.memory_space<vmem>> -> memref<64x256xf32, #tpu.memory_space<vmem>>
      %dma_wait3A_787 = tpu.memref_slice %arg2[%select_n3A, %mul3A_775, %mul3A_32] : memref<4x4096x2048xf32, #tpu.memory_space<hbm>> -> memref<1x64x256xf32, #tpu.memory_space<hbm>>
      %dma_wait3A_788 = tpu.memref_squeeze %dma_wait3A_787 : memref<1x64x256xf32, #tpu.memory_space<hbm>> -> memref<64x256xf32, #tpu.memory_space<hbm>>
      tpu.wait_dma2 semaphore(%arg7 : memref<!tpu.dma_semaphore, #tpu.memory_space<semaphore_mem>>) src(%dma_wait3A_788 : memref<64x256xf32, #tpu.memory_space<hbm>>) dst(%dma_wait3A_786 : memref<64x256xf32, #tpu.memory_space<vmem>>)
      %scan3A_789 = arith.constant 0 : i32
      %scan3A_790 = arith.constant 64 : i32
      %scan3A_791 = arith.addi %scan3A_789, %scan3A_790 : i32
      %scan3A_792 = arith.constant 1 : i32
      %scan3A_793:16 = scf.for %scan3A_886 = %scan3A_789 to %scan3A_791 step %scan3A_792 iter_args(%scan3A_887 = %scan3A_717#0, %scan3A_888 = %scan3A_717#1, %scan3A_889 = %scan3A_717#2, %scan3A_890 = %scan3A_717#3, %scan3A_891 = %scan3A_717#4, %scan3A_892 = %scan3A_717#5, %scan3A_893 = %scan3A_717#6, %scan3A_894 = %scan3A_717#7, %scan3A_895 = %scan3A_717#8, %scan3A_896 = %scan3A_717#9, %scan3A_897 = %scan3A_717#10, %scan3A_898 = %scan3A_717#11, %scan3A_899 = %scan3A_717#12, %scan3A_900 = %scan3A_717#13, %scan3A_901 = %scan3A_717#14, %scan3A_902 = %scan3A_717#15) -> (vector<16xf32>, vector<16xf32>, vector<16xf32>, vector<16xf32>, vector<16xf32>, vector<16xf32>, vector<16xf32>, vector<16xf32>, vector<16xf32>, vector<16xf32>, vector<16xf32>, vector<16xf32>, vector<16xf32>, vector<16xf32>, vector<16xf32>, vector<16xf32>)  : i32 {
        %get3A = arith.constant 2 : i32
        %get3A_903 = arith.index_cast %get3A : i32 to index
        %get3A_904 = arith.index_cast %scan3A_886 : i32 to index
        %get3A_905 = arith.constant 0 : index
        %get3A_906 = tpu.vector_load %arg4[%get3A_903, %get3A_904, %get3A_905] {strides = array<i32>} : memref<4x64x256xf32, #tpu.memory_space<vmem>>, vector<1x1x16xf32>,
        %get3A_907 = vector.shape_cast %get3A_906 : vector<1x1x16xf32> to vector<16xf32>
        %add3A_908 = arith.addf %scan3A_887, %get3A_907 : vector<16xf32>
        %swap3A = arith.constant 2 : i32
        %swap3A_909 = arith.index_cast %swap3A : i32 to index
        %swap3A_910 = arith.index_cast %scan3A_886 : i32 to index
        %swap3A_911 = arith.constant 0 : index
        %swap3A_912 = tpu.vector_load %arg4[%swap3A_909, %swap3A_910, %swap3A_911] {strides = array<i32>} : memref<4x64x256xf32, #tpu.memory_space<vmem>>, vector<1x1x16xf32>,
        %swap3A_913 = vector.shape_cast %swap3A_912 : vector<1x1x16xf32> to vector<16xf32>
        %swap3A_914 = vector.shape_cast %add3A_908 : vector<16xf32> to vector<1x1x16xf32>
        tpu.vector_store %arg4[%swap3A_909, %swap3A_910, %swap3A_911], %swap3A_914 {strides = array<i32>} : memref<4x64x256xf32, #tpu.memory_space<vmem>>, vector<1x1x16xf32>,
        %get3A_915 = arith.constant 2 : i32
        %get3A_916 = arith.index_cast %get3A_915 : i32 to index
        %get3A_917 = arith.index_cast %scan3A_886 : i32 to index
        %get3A_918 = arith.constant 16 : index
        %get3A_919 = tpu.vector_load %arg4[%get3A_916, %get3A_917, %get3A_918] {strides = array<i32>} : memref<4x64x256xf32, #tpu.memory_space<vmem>>, vector<1x1x16xf32>,
        %get3A_920 = vector.shape_cast %get3A_919 : vector<1x1x16xf32> to vector<16xf32>
        %add3A_921 = arith.addf %scan3A_888, %get3A_920 : vector<16xf32>
        %swap3A_922 = arith.constant 2 : i32
        %swap3A_923 = arith.index_cast %swap3A_922 : i32 to index
        %swap3A_924 = arith.index_cast %scan3A_886 : i32 to index
        %swap3A_925 = arith.constant 16 : index
        %swap3A_926 = tpu.vector_load %arg4[%swap3A_923, %swap3A_924, %swap3A_925] {strides = array<i32>} : memref<4x64x256xf32, #tpu.memory_space<vmem>>, vector<1x1x16xf32>,
        %swap3A_927 = vector.shape_cast %swap3A_926 : vector<1x1x16xf32> to vector<16xf32>
        %swap3A_928 = vector.shape_cast %add3A_921 : vector<16xf32> to vector<1x1x16xf32>
        tpu.vector_store %arg4[%swap3A_923, %swap3A_924, %swap3A_925], %swap3A_928 {strides = array<i32>} : memref<4x64x256xf32, #tpu.memory_space<vmem>>, vector<1x1x16xf32>,
        %get3A_929 = arith.constant 2 : i32
        %get3A_930 = arith.index_cast %get3A_929 : i32 to index
        %get3A_931 = arith.index_cast %scan3A_886 : i32 to index
        %get3A_932 = arith.constant 32 : index
        %get3A_933 = tpu.vector_load %arg4[%get3A_930, %get3A_931, %get3A_932] {strides = array<i32>} : memref<4x64x256xf32, #tpu.memory_space<vmem>>, vector<1x1x16xf32>,
        %get3A_934 = vector.shape_cast %get3A_933 : vector<1x1x16xf32> to vector<16xf32>
        %add3A_935 = arith.addf %scan3A_889, %get3A_934 : vector<16xf32>
        %swap3A_936 = arith.constant 2 : i32
        %swap3A_937 = arith.index_cast %swap3A_936 : i32 to index
        %swap3A_938 = arith.index_cast %scan3A_886 : i32 to index
        %swap3A_939 = arith.constant 32 : index
        %swap3A_940 = tpu.vector_load %arg4[%swap3A_937, %swap3A_938, %swap3A_939] {strides = array<i32>} : memref<4x64x256xf32, #tpu.memory_space<vmem>>, vector<1x1x16xf32>,
        %swap3A_941 = vector.shape_cast %swap3A_940 : vector<1x1x16xf32> to vector<16xf32>
        %swap3A_942 = vector.shape_cast %add3A_935 : vector<16xf32> to vector<1x1x16xf32>
        tpu.vector_store %arg4[%swap3A_937, %swap3A_938, %swap3A_939], %swap3A_942 {strides = array<i32>} : memref<4x64x256xf32, #tpu.memory_space<vmem>>, vector<1x1x16xf32>,
        %get3A_943 = arith.constant 2 : i32
        %get3A_944 = arith.index_cast %get3A_943 : i32 to index
        %get3A_945 = arith.index_cast %scan3A_886 : i32 to index
        %get3A_946 = arith.constant 48 : index
        %get3A_947 = tpu.vector_load %arg4[%get3A_944, %get3A_945, %get3A_946] {strides = array<i32>} : memref<4x64x256xf32, #tpu.memory_space<vmem>>, vector<1x1x16xf32>,
        %get3A_948 = vector.shape_cast %get3A_947 : vector<1x1x16xf32> to vector<16xf32>
        %add3A_949 = arith.addf %scan3A_890, %get3A_948 : vector<16xf32>
        %swap3A_950 = arith.constant 2 : i32
        %swap3A_951 = arith.index_cast %swap3A_950 : i32 to index
        %swap3A_952 = arith.index_cast %scan3A_886 : i32 to index
        %swap3A_953 = arith.constant 48 : index
        %swap3A_954 = tpu.vector_load %arg4[%swap3A_951, %swap3A_952, %swap3A_953] {strides = array<i32>} : memref<4x64x256xf32, #tpu.memory_space<vmem>>, vector<1x1x16xf32>,
        %swap3A_955 = vector.shape_cast %swap3A_954 : vector<1x1x16xf32> to vector<16xf32>
        %swap3A_956 = vector.shape_cast %add3A_949 : vector<16xf32> to vector<1x1x16xf32>
        tpu.vector_store %arg4[%swap3A_951, %swap3A_952, %swap3A_953], %swap3A_956 {strides = array<i32>} : memref<4x64x256xf32, #tpu.memory_space<vmem>>, vector<1x1x16xf32>,
        %get3A_957 = arith.constant 2 : i32
        %get3A_958 = arith.index_cast %get3A_957 : i32 to index
        %get3A_959 = arith.index_cast %scan3A_886 : i32 to index
        %get3A_960 = arith.constant 64 : index
        %get3A_961 = tpu.vector_load %arg4[%get3A_958, %get3A_959, %get3A_960] {strides = array<i32>} : memref<4x64x256xf32, #tpu.memory_space<vmem>>, vector<1x1x16xf32>,
        %get3A_962 = vector.shape_cast %get3A_961 : vector<1x1x16xf32> to vector<16xf32>
        %add3A_963 = arith.addf %scan3A_891, %get3A_962 : vector<16xf32>
        %swap3A_964 = arith.constant 2 : i32
        %swap3A_965 = arith.index_cast %swap3A_964 : i32 to index
        %swap3A_966 = arith.index_cast %scan3A_886 : i32 to index
        %swap3A_967 = arith.constant 64 : index
        %swap3A_968 = tpu.vector_load %arg4[%swap3A_965, %swap3A_966, %swap3A_967] {strides = array<i32>} : memref<4x64x256xf32, #tpu.memory_space<vmem>>, vector<1x1x16xf32>,
        %swap3A_969 = vector.shape_cast %swap3A_968 : vector<1x1x16xf32> to vector<16xf32>
        %swap3A_970 = vector.shape_cast %add3A_963 : vector<16xf32> to vector<1x1x16xf32>
        tpu.vector_store %arg4[%swap3A_965, %swap3A_966, %swap3A_967], %swap3A_970 {strides = array<i32>} : memref<4x64x256xf32, #tpu.memory_space<vmem>>, vector<1x1x16xf32>,
        %get3A_971 = arith.constant 2 : i32
        %get3A_972 = arith.index_cast %get3A_971 : i32 to index
        %get3A_973 = arith.index_cast %scan3A_886 : i32 to index
        %get3A_974 = arith.constant 80 : index
        %get3A_975 = tpu.vector_load %arg4[%get3A_972, %get3A_973, %get3A_974] {strides = array<i32>} : memref<4x64x256xf32, #tpu.memory_space<vmem>>, vector<1x1x16xf32>,
        %get3A_976 = vector.shape_cast %get3A_975 : vector<1x1x16xf32> to vector<16xf32>
        %add3A_977 = arith.addf %scan3A_892, %get3A_976 : vector<16xf32>
        %swap3A_978 = arith.constant 2 : i32
        %swap3A_979 = arith.index_cast %swap3A_978 : i32 to index
        %swap3A_980 = arith.index_cast %scan3A_886 : i32 to index
        %swap3A_981 = arith.constant 80 : index
        %swap3A_982 = tpu.vector_load %arg4[%swap3A_979, %swap3A_980, %swap3A_981] {strides = array<i32>} : memref<4x64x256xf32, #tpu.memory_space<vmem>>, vector<1x1x16xf32>,
        %swap3A_983 = vector.shape_cast %swap3A_982 : vector<1x1x16xf32> to vector<16xf32>
        %swap3A_984 = vector.shape_cast %add3A_977 : vector<16xf32> to vector<1x1x16xf32>
        tpu.vector_store %arg4[%swap3A_979, %swap3A_980, %swap3A_981], %swap3A_984 {strides = array<i32>} : memref<4x64x256xf32, #tpu.memory_space<vmem>>, vector<1x1x16xf32>,
        %get3A_985 = arith.constant 2 : i32
        %get3A_986 = arith.index_cast %get3A_985 : i32 to index
        %get3A_987 = arith.index_cast %scan3A_886 : i32 to index
        %get3A_988 = arith.constant 96 : index
        %get3A_989 = tpu.vector_load %arg4[%get3A_986, %get3A_987, %get3A_988] {strides = array<i32>} : memref<4x64x256xf32, #tpu.memory_space<vmem>>, vector<1x1x16xf32>,
        %get3A_990 = vector.shape_cast %get3A_989 : vector<1x1x16xf32> to vector<16xf32>
        %add3A_991 = arith.addf %scan3A_893, %get3A_990 : vector<16xf32>
        %swap3A_992 = arith.constant 2 : i32
        %swap3A_993 = arith.index_cast %swap3A_992 : i32 to index
        %swap3A_994 = arith.index_cast %scan3A_886 : i32 to index
        %swap3A_995 = arith.constant 96 : index
        %swap3A_996 = tpu.vector_load %arg4[%swap3A_993, %swap3A_994, %swap3A_995] {strides = array<i32>} : memref<4x64x256xf32, #tpu.memory_space<vmem>>, vector<1x1x16xf32>,
        %swap3A_997 = vector.shape_cast %swap3A_996 : vector<1x1x16xf32> to vector<16xf32>
        %swap3A_998 = vector.shape_cast %add3A_991 : vector<16xf32> to vector<1x1x16xf32>
        tpu.vector_store %arg4[%swap3A_993, %swap3A_994, %swap3A_995], %swap3A_998 {strides = array<i32>} : memref<4x64x256xf32, #tpu.memory_space<vmem>>, vector<1x1x16xf32>,
        %get3A_999 = arith.constant 2 : i32
        %get3A_1000 = arith.index_cast %get3A_999 : i32 to index
        %get3A_1001 = arith.index_cast %scan3A_886 : i32 to index
        %get3A_1002 = arith.constant 112 : index
        %get3A_1003 = tpu.vector_load %arg4[%get3A_1000, %get3A_1001, %get3A_1002] {strides = array<i32>} : memref<4x64x256xf32, #tpu.memory_space<vmem>>, vector<1x1x16xf32>,
        %get3A_1004 = vector.shape_cast %get3A_1003 : vector<1x1x16xf32> to vector<16xf32>
        %add3A_1005 = arith.addf %scan3A_894, %get3A_1004 : vector<16xf32>
        %swap3A_1006 = arith.constant 2 : i32
        %swap3A_1007 = arith.index_cast %swap3A_1006 : i32 to index
        %swap3A_1008 = arith.index_cast %scan3A_886 : i32 to index
        %swap3A_1009 = arith.constant 112 : index
        %swap3A_1010 = tpu.vector_load %arg4[%swap3A_1007, %swap3A_1008, %swap3A_1009] {strides = array<i32>} : memref<4x64x256xf32, #tpu.memory_space<vmem>>, vector<1x1x16xf32>,
        %swap3A_1011 = vector.shape_cast %swap3A_1010 : vector<1x1x16xf32> to vector<16xf32>
        %swap3A_1012 = vector.shape_cast %add3A_1005 : vector<16xf32> to vector<1x1x16xf32>
        tpu.vector_store %arg4[%swap3A_1007, %swap3A_1008, %swap3A_1009], %swap3A_1012 {strides = array<i32>} : memref<4x64x256xf32, #tpu.memory_space<vmem>>, vector<1x1x16xf32>,
        %get3A_1013 = arith.constant 2 : i32
        %get3A_1014 = arith.index_cast %get3A_1013 : i32 to index
        %get3A_1015 = arith.index_cast %scan3A_886 : i32 to index
        %get3A_1016 = arith.constant 128 : index
        %get3A_1017 = tpu.vector_load %arg4[%get3A_1014, %get3A_1015, %get3A_1016] {strides = array<i32>} : memref<4x64x256xf32, #tpu.memory_space<vmem>>, vector<1x1x16xf32>,
        %get3A_1018 = vector.shape_cast %get3A_1017 : vector<1x1x16xf32> to vector<16xf32>
        %add3A_1019 = arith.addf %scan3A_895, %get3A_1018 : vector<16xf32>
        %swap3A_1020 = arith.constant 2 : i32
        %swap3A_1021 = arith.index_cast %swap3A_1020 : i32 to index
        %swap3A_1022 = arith.index_cast %scan3A_886 : i32 to index
        %swap3A_1023 = arith.constant 128 : index
        %swap3A_1024 = tpu.vector_load %arg4[%swap3A_1021, %swap3A_1022, %swap3A_1023] {strides = array<i32>} : memref<4x64x256xf32, #tpu.memory_space<vmem>>, vector<1x1x16xf32>,
        %swap3A_1025 = vector.shape_cast %swap3A_1024 : vector<1x1x16xf32> to vector<16xf32>
        %swap3A_1026 = vector.shape_cast %add3A_1019 : vector<16xf32> to vector<1x1x16xf32>
        tpu.vector_store %arg4[%swap3A_1021, %swap3A_1022, %swap3A_1023], %swap3A_1026 {strides = array<i32>} : memref<4x64x256xf32, #tpu.memory_space<vmem>>, vector<1x1x16xf32>,
        %get3A_1027 = arith.constant 2 : i32
        %get3A_1028 = arith.index_cast %get3A_1027 : i32 to index
        %get3A_1029 = arith.index_cast %scan3A_886 : i32 to index
        %get3A_1030 = arith.constant 144 : index
        %get3A_1031 = tpu.vector_load %arg4[%get3A_1028, %get3A_1029, %get3A_1030] {strides = array<i32>} : memref<4x64x256xf32, #tpu.memory_space<vmem>>, vector<1x1x16xf32>,
        %get3A_1032 = vector.shape_cast %get3A_1031 : vector<1x1x16xf32> to vector<16xf32>
        %add3A_1033 = arith.addf %scan3A_896, %get3A_1032 : vector<16xf32>
        %swap3A_1034 = arith.constant 2 : i32
        %swap3A_1035 = arith.index_cast %swap3A_1034 : i32 to index
        %swap3A_1036 = arith.index_cast %scan3A_886 : i32 to index
        %swap3A_1037 = arith.constant 144 : index
        %swap3A_1038 = tpu.vector_load %arg4[%swap3A_1035, %swap3A_1036, %swap3A_1037] {strides = array<i32>} : memref<4x64x256xf32, #tpu.memory_space<vmem>>, vector<1x1x16xf32>,
        %swap3A_1039 = vector.shape_cast %swap3A_1038 : vector<1x1x16xf32> to vector<16xf32>
        %swap3A_1040 = vector.shape_cast %add3A_1033 : vector<16xf32> to vector<1x1x16xf32>
        tpu.vector_store %arg4[%swap3A_1035, %swap3A_1036, %swap3A_1037], %swap3A_1040 {strides = array<i32>} : memref<4x64x256xf32, #tpu.memory_space<vmem>>, vector<1x1x16xf32>,
        %get3A_1041 = arith.constant 2 : i32
        %get3A_1042 = arith.index_cast %get3A_1041 : i32 to index
        %get3A_1043 = arith.index_cast %scan3A_886 : i32 to index
        %get3A_1044 = arith.constant 160 : index
        %get3A_1045 = tpu.vector_load %arg4[%get3A_1042, %get3A_1043, %get3A_1044] {strides = array<i32>} : memref<4x64x256xf32, #tpu.memory_space<vmem>>, vector<1x1x16xf32>,
        %get3A_1046 = vector.shape_cast %get3A_1045 : vector<1x1x16xf32> to vector<16xf32>
        %add3A_1047 = arith.addf %scan3A_897, %get3A_1046 : vector<16xf32>
        %swap3A_1048 = arith.constant 2 : i32
        %swap3A_1049 = arith.index_cast %swap3A_1048 : i32 to index
        %swap3A_1050 = arith.index_cast %scan3A_886 : i32 to index
        %swap3A_1051 = arith.constant 160 : index
        %swap3A_1052 = tpu.vector_load %arg4[%swap3A_1049, %swap3A_1050, %swap3A_1051] {strides = array<i32>} : memref<4x64x256xf32, #tpu.memory_space<vmem>>, vector<1x1x16xf32>,
        %swap3A_1053 = vector.shape_cast %swap3A_1052 : vector<1x1x16xf32> to vector<16xf32>
        %swap3A_1054 = vector.shape_cast %add3A_1047 : vector<16xf32> to vector<1x1x16xf32>
        tpu.vector_store %arg4[%swap3A_1049, %swap3A_1050, %swap3A_1051], %swap3A_1054 {strides = array<i32>} : memref<4x64x256xf32, #tpu.memory_space<vmem>>, vector<1x1x16xf32>,
        %get3A_1055 = arith.constant 2 : i32
        %get3A_1056 = arith.index_cast %get3A_1055 : i32 to index
        %get3A_1057 = arith.index_cast %scan3A_886 : i32 to index
        %get3A_1058 = arith.constant 176 : index
        %get3A_1059 = tpu.vector_load %arg4[%get3A_1056, %get3A_1057, %get3A_1058] {strides = array<i32>} : memref<4x64x256xf32, #tpu.memory_space<vmem>>, vector<1x1x16xf32>,
        %get3A_1060 = vector.shape_cast %get3A_1059 : vector<1x1x16xf32> to vector<16xf32>
        %add3A_1061 = arith.addf %scan3A_898, %get3A_1060 : vector<16xf32>
        %swap3A_1062 = arith.constant 2 : i32
        %swap3A_1063 = arith.index_cast %swap3A_1062 : i32 to index
        %swap3A_1064 = arith.index_cast %scan3A_886 : i32 to index
        %swap3A_1065 = arith.constant 176 : index
        %swap3A_1066 = tpu.vector_load %arg4[%swap3A_1063, %swap3A_1064, %swap3A_1065] {strides = array<i32>} : memref<4x64x256xf32, #tpu.memory_space<vmem>>, vector<1x1x16xf32>,
        %swap3A_1067 = vector.shape_cast %swap3A_1066 : vector<1x1x16xf32> to vector<16xf32>
        %swap3A_1068 = vector.shape_cast %add3A_1061 : vector<16xf32> to vector<1x1x16xf32>
        tpu.vector_store %arg4[%swap3A_1063, %swap3A_1064, %swap3A_1065], %swap3A_1068 {strides = array<i32>} : memref<4x64x256xf32, #tpu.memory_space<vmem>>, vector<1x1x16xf32>,
        %get3A_1069 = arith.constant 2 : i32
        %get3A_1070 = arith.index_cast %get3A_1069 : i32 to index
        %get3A_1071 = arith.index_cast %scan3A_886 : i32 to index
        %get3A_1072 = arith.constant 192 : index
        %get3A_1073 = tpu.vector_load %arg4[%get3A_1070, %get3A_1071, %get3A_1072] {strides = array<i32>} : memref<4x64x256xf32, #tpu.memory_space<vmem>>, vector<1x1x16xf32>,
        %get3A_1074 = vector.shape_cast %get3A_1073 : vector<1x1x16xf32> to vector<16xf32>
        %add3A_1075 = arith.addf %scan3A_899, %get3A_1074 : vector<16xf32>
        %swap3A_1076 = arith.constant 2 : i32
        %swap3A_1077 = arith.index_cast %swap3A_1076 : i32 to index
        %swap3A_1078 = arith.index_cast %scan3A_886 : i32 to index
        %swap3A_1079 = arith.constant 192 : index
        %swap3A_1080 = tpu.vector_load %arg4[%swap3A_1077, %swap3A_1078, %swap3A_1079] {strides = array<i32>} : memref<4x64x256xf32, #tpu.memory_space<vmem>>, vector<1x1x16xf32>,
        %swap3A_1081 = vector.shape_cast %swap3A_1080 : vector<1x1x16xf32> to vector<16xf32>
        %swap3A_1082 = vector.shape_cast %add3A_1075 : vector<16xf32> to vector<1x1x16xf32>
        tpu.vector_store %arg4[%swap3A_1077, %swap3A_1078, %swap3A_1079], %swap3A_1082 {strides = array<i32>} : memref<4x64x256xf32, #tpu.memory_space<vmem>>, vector<1x1x16xf32>,
        %get3A_1083 = arith.constant 2 : i32
        %get3A_1084 = arith.index_cast %get3A_1083 : i32 to index
        %get3A_1085 = arith.index_cast %scan3A_886 : i32 to index
        %get3A_1086 = arith.constant 208 : index
        %get3A_1087 = tpu.vector_load %arg4[%get3A_1084, %get3A_1085, %get3A_1086] {strides = array<i32>} : memref<4x64x256xf32, #tpu.memory_space<vmem>>, vector<1x1x16xf32>,
        %get3A_1088 = vector.shape_cast %get3A_1087 : vector<1x1x16xf32> to vector<16xf32>
        %add3A_1089 = arith.addf %scan3A_900, %get3A_1088 : vector<16xf32>
        %swap3A_1090 = arith.constant 2 : i32
        %swap3A_1091 = arith.index_cast %swap3A_1090 : i32 to index
        %swap3A_1092 = arith.index_cast %scan3A_886 : i32 to index
        %swap3A_1093 = arith.constant 208 : index
        %swap3A_1094 = tpu.vector_load %arg4[%swap3A_1091, %swap3A_1092, %swap3A_1093] {strides = array<i32>} : memref<4x64x256xf32, #tpu.memory_space<vmem>>, vector<1x1x16xf32>,
        %swap3A_1095 = vector.shape_cast %swap3A_1094 : vector<1x1x16xf32> to vector<16xf32>
        %swap3A_1096 = vector.shape_cast %add3A_1089 : vector<16xf32> to vector<1x1x16xf32>
        tpu.vector_store %arg4[%swap3A_1091, %swap3A_1092, %swap3A_1093], %swap3A_1096 {strides = array<i32>} : memref<4x64x256xf32, #tpu.memory_space<vmem>>, vector<1x1x16xf32>,
        %get3A_1097 = arith.constant 2 : i32
        %get3A_1098 = arith.index_cast %get3A_1097 : i32 to index
        %get3A_1099 = arith.index_cast %scan3A_886 : i32 to index
        %get3A_1100 = arith.constant 224 : index
        %get3A_1101 = tpu.vector_load %arg4[%get3A_1098, %get3A_1099, %get3A_1100] {strides = array<i32>} : memref<4x64x256xf32, #tpu.memory_space<vmem>>, vector<1x1x16xf32>,
        %get3A_1102 = vector.shape_cast %get3A_1101 : vector<1x1x16xf32> to vector<16xf32>
        %add3A_1103 = arith.addf %scan3A_901, %get3A_1102 : vector<16xf32>
        %swap3A_1104 = arith.constant 2 : i32
        %swap3A_1105 = arith.index_cast %swap3A_1104 : i32 to index
        %swap3A_1106 = arith.index_cast %scan3A_886 : i32 to index
        %swap3A_1107 = arith.constant 224 : index
        %swap3A_1108 = tpu.vector_load %arg4[%swap3A_1105, %swap3A_1106, %swap3A_1107] {strides = array<i32>} : memref<4x64x256xf32, #tpu.memory_space<vmem>>, vector<1x1x16xf32>,
        %swap3A_1109 = vector.shape_cast %swap3A_1108 : vector<1x1x16xf32> to vector<16xf32>
        %swap3A_1110 = vector.shape_cast %add3A_1103 : vector<16xf32> to vector<1x1x16xf32>
        tpu.vector_store %arg4[%swap3A_1105, %swap3A_1106, %swap3A_1107], %swap3A_1110 {strides = array<i32>} : memref<4x64x256xf32, #tpu.memory_space<vmem>>, vector<1x1x16xf32>,
        %get3A_1111 = arith.constant 2 : i32
        %get3A_1112 = arith.index_cast %get3A_1111 : i32 to index
        %get3A_1113 = arith.index_cast %scan3A_886 : i32 to index
        %get3A_1114 = arith.constant 240 : index
        %get3A_1115 = tpu.vector_load %arg4[%get3A_1112, %get3A_1113, %get3A_1114] {strides = array<i32>} : memref<4x64x256xf32, #tpu.memory_space<vmem>>, vector<1x1x16xf32>,
        %get3A_1116 = vector.shape_cast %get3A_1115 : vector<1x1x16xf32> to vector<16xf32>
        %add3A_1117 = arith.addf %scan3A_902, %get3A_1116 : vector<16xf32>
        %swap3A_1118 = arith.constant 2 : i32
        %swap3A_1119 = arith.index_cast %swap3A_1118 : i32 to index
        %swap3A_1120 = arith.index_cast %scan3A_886 : i32 to index
        %swap3A_1121 = arith.constant 240 : index
        %swap3A_1122 = tpu.vector_load %arg4[%swap3A_1119, %swap3A_1120, %swap3A_1121] {strides = array<i32>} : memref<4x64x256xf32, #tpu.memory_space<vmem>>, vector<1x1x16xf32>,
        %swap3A_1123 = vector.shape_cast %swap3A_1122 : vector<1x1x16xf32> to vector<16xf32>
        %swap3A_1124 = vector.shape_cast %add3A_1117 : vector<16xf32> to vector<1x1x16xf32>
        tpu.vector_store %arg4[%swap3A_1119, %swap3A_1120, %swap3A_1121], %swap3A_1124 {strides = array<i32>} : memref<4x64x256xf32, #tpu.memory_space<vmem>>, vector<1x1x16xf32>,
        scf.yield %add3A_908, %add3A_921, %add3A_935, %add3A_949, %add3A_963, %add3A_977, %add3A_991, %add3A_1005, %add3A_1019, %add3A_1033, %add3A_1047, %add3A_1061, %add3A_1075, %add3A_1089, %add3A_1103, %add3A_1117 : vector<16xf32>, vector<16xf32>, vector<16xf32>, vector<16xf32>, vector<16xf32>, vector<16xf32>, vector<16xf32>, vector<16xf32>, vector<16xf32>, vector<16xf32>, vector<16xf32>, vector<16xf32>, vector<16xf32>, vector<16xf32>, vector<16xf32>, vector<16xf32>
      }
      %scan3A_794 = arith.constant 64 : i32
      %mul3A_795 = arith.constant 64 : i32
      %mul3A_796 = arith.muli %add3A_737, %mul3A_795 : i32
      %dma_start3A_797 = arith.constant 2 : i32
      %dma_start3A_798 = arith.constant 0 : i32
      %dma_start3A_799 = arith.constant 0 : i32
      %dma_start3A_800 = tpu.memref_slice %arg4[%dma_start3A_797, %dma_start3A_798, %dma_start3A_799] : memref<4x64x256xf32, #tpu.memory_space<vmem>> -> memref<1x64x256xf32, #tpu.memory_space<vmem>>
      %dma_start3A_801 = tpu.memref_squeeze %dma_start3A_800 : memref<1x64x256xf32, #tpu.memory_space<vmem>> -> memref<64x256xf32, #tpu.memory_space<vmem>>
      %dma_start3A_802 = tpu.memref_slice %arg3[%select_n3A, %mul3A_796, %mul3A_32] : memref<4x4096x2048xf32, #tpu.memory_space<hbm>> -> memref<1x64x256xf32, #tpu.memory_space<hbm>>
      %dma_start3A_803 = tpu.memref_squeeze %dma_start3A_802 : memref<1x64x256xf32, #tpu.memory_space<hbm>> -> memref<64x256xf32, #tpu.memory_space<hbm>>
      %dma_start3A_804 = tpu.memref_slice %arg3[%select_n3A, %mul3A_796, %mul3A_32] : memref<4x4096x2048xf32, #tpu.memory_space<hbm>> -> memref<1x64x256xf32, #tpu.memory_space<hbm>>
      %dma_start3A_805 = tpu.memref_squeeze %dma_start3A_804 : memref<1x64x256xf32, #tpu.memory_space<hbm>> -> memref<64x256xf32, #tpu.memory_space<hbm>>
      %dma_start3A_806 = arith.constant 0 : i32
      %dma_start3A_807 = arith.constant 0 : i32
      %dma_start3A_808 = tpu.memref_slice %arg4[%dma_start3A_797, %dma_start3A_806, %dma_start3A_807] : memref<4x64x256xf32, #tpu.memory_space<vmem>> -> memref<1x64x256xf32, #tpu.memory_space<vmem>>
      %dma_start3A_809 = tpu.memref_squeeze %dma_start3A_808 : memref<1x64x256xf32, #tpu.memory_space<vmem>> -> memref<64x256xf32, #tpu.memory_space<vmem>>
      tpu.enqueue_dma source(%dma_start3A_809 : memref<64x256xf32, #tpu.memory_space<vmem>>) target(%dma_start3A_805 : memref<64x256xf32, #tpu.memory_space<hbm>>) target_semaphore(%arg11 : memref<!tpu.dma_semaphore, #tpu.memory_space<semaphore_mem>>)
      %mul3A_810 = arith.constant 4 : i32
      %mul3A_811 = arith.muli %scan3A_565, %mul3A_810 : i32
      %add3A_812 = arith.constant 3 : i32
      %add3A_813 = arith.addi %mul3A_811, %add3A_812 : i32
      %add3A_814 = arith.constant 1 : i32
      %add3A_815 = arith.addi %add3A_813, %add3A_814 : i32
      %sub3A_816 = arith.constant 4 : i32
      %sub3A_817 = arith.subi %add3A_815, %sub3A_816 : i32
      %mul3A_818 = arith.constant 64 : i32
      %mul3A_819 = arith.muli %sub3A_817, %mul3A_818 : i32
      %dma_wait3A_820 = arith.constant 0 : i32
      %dma_wait3A_821 = arith.constant 0 : i32
      %dma_wait3A_822 = arith.constant 0 : i32
      %dma_wait3A_823 = tpu.memref_slice %arg4[%dma_wait3A_820, %dma_wait3A_821, %dma_wait3A_822] : memref<4x64x256xf32, #tpu.memory_space<vmem>> -> memref<1x64x256xf32, #tpu.memory_space<vmem>>
      %dma_wait3A_824 = tpu.memref_squeeze %dma_wait3A_823 : memref<1x64x256xf32, #tpu.memory_space<vmem>> -> memref<64x256xf32, #tpu.memory_space<vmem>>
      %dma_wait3A_825 = tpu.memref_slice %arg3[%select_n3A, %mul3A_819, %mul3A_32] : memref<4x4096x2048xf32, #tpu.memory_space<hbm>> -> memref<1x64x256xf32, #tpu.memory_space<hbm>>
      %dma_wait3A_826 = tpu.memref_squeeze %dma_wait3A_825 : memref<1x64x256xf32, #tpu.memory_space<hbm>> -> memref<64x256xf32, #tpu.memory_space<hbm>>
      %dma_wait3A_827 = tpu.memref_slice %arg3[%select_n3A, %mul3A_819, %mul3A_32] : memref<4x4096x2048xf32, #tpu.memory_space<hbm>> -> memref<1x64x256xf32, #tpu.memory_space<hbm>>
      %dma_wait3A_828 = tpu.memref_squeeze %dma_wait3A_827 : memref<1x64x256xf32, #tpu.memory_space<hbm>> -> memref<64x256xf32, #tpu.memory_space<hbm>>
      %dma_wait3A_829 = arith.constant 0 : i32
      %dma_wait3A_830 = arith.constant 0 : i32
      %dma_wait3A_831 = tpu.memref_slice %arg4[%dma_wait3A_820, %dma_wait3A_829, %dma_wait3A_830] : memref<4x64x256xf32, #tpu.memory_space<vmem>> -> memref<1x64x256xf32, #tpu.memory_space<vmem>>
      %dma_wait3A_832 = tpu.memref_squeeze %dma_wait3A_831 : memref<1x64x256xf32, #tpu.memory_space<vmem>> -> memref<64x256xf32, #tpu.memory_space<vmem>>
      tpu.wait_dma2 semaphore(%arg9 : memref<!tpu.dma_semaphore, #tpu.memory_space<semaphore_mem>>) src(%dma_wait3A_832 : memref<64x256xf32, #tpu.memory_space<vmem>>) dst(%dma_wait3A_828 : memref<64x256xf32, #tpu.memory_space<hbm>>)
      %add3A_833 = arith.constant 1 : i32
      %add3A_834 = arith.addi %add3A_813, %add3A_833 : i32
      %mul3A_835 = arith.constant 64 : i32
      %mul3A_836 = arith.muli %add3A_834, %mul3A_835 : i32
      %dma_start3A_837 = arith.constant 0 : i32
      %dma_start3A_838 = arith.constant 0 : i32
      %dma_start3A_839 = arith.constant 0 : i32
      %dma_start3A_840 = tpu.memref_slice %arg4[%dma_start3A_837, %dma_start3A_838, %dma_start3A_839] : memref<4x64x256xf32, #tpu.memory_space<vmem>> -> memref<1x64x256xf32, #tpu.memory_space<vmem>>
      %dma_start3A_841 = tpu.memref_squeeze %dma_start3A_840 : memref<1x64x256xf32, #tpu.memory_space<vmem>> -> memref<64x256xf32, #tpu.memory_space<vmem>>
      %dma_start3A_842 = tpu.memref_slice %arg2[%select_n3A, %mul3A_836, %mul3A_32] : memref<4x4096x2048xf32, #tpu.memory_space<hbm>> -> memref<1x64x256xf32, #tpu.memory_space<hbm>>
      %dma_start3A_843 = tpu.memref_squeeze %dma_start3A_842 : memref<1x64x256xf32, #tpu.memory_space<hbm>> -> memref<64x256xf32, #tpu.memory_space<hbm>>
      %dma_start3A_844 = arith.constant 0 : i32
      %dma_start3A_845 = arith.constant 0 : i32
      %dma_start3A_846 = tpu.memref_slice %arg4[%dma_start3A_837, %dma_start3A_844, %dma_start3A_845] : memref<4x64x256xf32, #tpu.memory_space<vmem>> -> memref<1x64x256xf32, #tpu.memory_space<vmem>>
      %dma_start3A_847 = tpu.memref_squeeze %dma_start3A_846 : memref<1x64x256xf32, #tpu.memory_space<vmem>> -> memref<64x256xf32, #tpu.memory_space<vmem>>
      %dma_start3A_848 = tpu.memref_slice %arg2[%select_n3A, %mul3A_836, %mul3A_32] : memref<4x4096x2048xf32, #tpu.memory_space<hbm>> -> memref<1x64x256xf32, #tpu.memory_space<hbm>>
      %dma_start3A_849 = tpu.memref_squeeze %dma_start3A_848 : memref<1x64x256xf32, #tpu.memory_space<hbm>> -> memref<64x256xf32, #tpu.memory_space<hbm>>
      tpu.enqueue_dma source(%dma_start3A_849 : memref<64x256xf32, #tpu.memory_space<hbm>>) target(%dma_start3A_847 : memref<64x256xf32, #tpu.memory_space<vmem>>) target_semaphore(%arg5 : memref<!tpu.dma_semaphore, #tpu.memory_space<semaphore_mem>>)
      %mul3A_850 = arith.constant 64 : i32
      %mul3A_851 = arith.muli %add3A_813, %mul3A_850 : i32
      %dma_wait3A_852 = arith.constant 3 : i32
      %dma_wait3A_853 = arith.constant 0 : i32
      %dma_wait3A_854 = arith.constant 0 : i32
      %dma_wait3A_855 = tpu.memref_slice %arg4[%dma_wait3A_852, %dma_wait3A_853, %dma_wait3A_854] : memref<4x64x256xf32, #tpu.memory_space<vmem>> -> memref<1x64x256xf32, #tpu.memory_space<vmem>>
      %dma_wait3A_856 = tpu.memref_squeeze %dma_wait3A_855 : memref<1x64x256xf32, #tpu.memory_space<vmem>> -> memref<64x256xf32, #tpu.memory_space<vmem>>
      %dma_wait3A_857 = tpu.memref_slice %arg2[%select_n3A, %mul3A_851, %mul3A_32] : memref<4x4096x2048xf32, #tpu.memory_space<hbm>> -> memref<1x64x256xf32, #tpu.memory_space<hbm>>
      %dma_wait3A_858 = tpu.memref_squeeze %dma_wait3A_857 : memref<1x64x256xf32, #tpu.memory_space<hbm>> -> memref<64x256xf32, #tpu.memory_space<hbm>>
      %dma_wait3A_859 = arith.constant 0 : i32
      %dma_wait3A_860 = arith.constant 0 : i32
      %dma_wait3A_861 = tpu.memref_slice %arg4[%dma_wait3A_852, %dma_wait3A_859, %dma_wait3A_860] : memref<4x64x256xf32, #tpu.memory_space<vmem>> -> memref<1x64x256xf32, #tpu.memory_space<vmem>>
      %dma_wait3A_862 = tpu.memref_squeeze %dma_wait3A_861 : memref<1x64x256xf32, #tpu.memory_space<vmem>> -> memref<64x256xf32, #tpu.memory_space<vmem>>
      %dma_wait3A_863 = tpu.memref_slice %arg2[%select_n3A, %mul3A_851, %mul3A_32] : memref<4x4096x2048xf32, #tpu.memory_space<hbm>> -> memref<1x64x256xf32, #tpu.memory_space<hbm>>
      %dma_wait3A_864 = tpu.memref_squeeze %dma_wait3A_863 : memref<1x64x256xf32, #tpu.memory_space<hbm>> -> memref<64x256xf32, #tpu.memory_space<hbm>>
      tpu.wait_dma2 semaphore(%arg8 : memref<!tpu.dma_semaphore, #tpu.memory_space<semaphore_mem>>) src(%dma_wait3A_864 : memref<64x256xf32, #tpu.memory_space<hbm>>) dst(%dma_wait3A_862 : memref<64x256xf32, #tpu.memory_space<vmem>>)
      %scan3A_865 = arith.constant 0 : i32
      %scan3A_866 = arith.constant 64 : i32
      %scan3A_867 = arith.addi %scan3A_865, %scan3A_866 : i32
      %scan3A_868 = arith.constant 1 : i32
      %scan3A_869:16 = scf.for %scan3A_886 = %scan3A_865 to %scan3A_867 step %scan3A_868 iter_args(%scan3A_887 = %scan3A_793#0, %scan3A_888 = %scan3A_793#1, %scan3A_889 = %scan3A_793#2, %scan3A_890 = %scan3A_793#3, %scan3A_891 = %scan3A_793#4, %scan3A_892 = %scan3A_793#5, %scan3A_893 = %scan3A_793#6, %scan3A_894 = %scan3A_793#7, %scan3A_895 = %scan3A_793#8, %scan3A_896 = %scan3A_793#9, %scan3A_897 = %scan3A_793#10, %scan3A_898 = %scan3A_793#11, %scan3A_899 = %scan3A_793#12, %scan3A_900 = %scan3A_793#13, %scan3A_901 = %scan3A_793#14, %scan3A_902 = %scan3A_793#15) -> (vector<16xf32>, vector<16xf32>, vector<16xf32>, vector<16xf32>, vector<16xf32>, vector<16xf32>, vector<16xf32>, vector<16xf32>, vector<16xf32>, vector<16xf32>, vector<16xf32>, vector<16xf32>, vector<16xf32>, vector<16xf32>, vector<16xf32>, vector<16xf32>)  : i32 {
        %get3A = arith.constant 3 : i32
        %get3A_903 = arith.index_cast %get3A : i32 to index
        %get3A_904 = arith.index_cast %scan3A_886 : i32 to index
        %get3A_905 = arith.constant 0 : index
        %get3A_906 = tpu.vector_load %arg4[%get3A_903, %get3A_904, %get3A_905] {strides = array<i32>} : memref<4x64x256xf32, #tpu.memory_space<vmem>>, vector<1x1x16xf32>,
        %get3A_907 = vector.shape_cast %get3A_906 : vector<1x1x16xf32> to vector<16xf32>
        %add3A_908 = arith.addf %scan3A_887, %get3A_907 : vector<16xf32>
        %swap3A = arith.constant 3 : i32
        %swap3A_909 = arith.index_cast %swap3A : i32 to index
        %swap3A_910 = arith.index_cast %scan3A_886 : i32 to index
        %swap3A_911 = arith.constant 0 : index
        %swap3A_912 = tpu.vector_load %arg4[%swap3A_909, %swap3A_910, %swap3A_911] {strides = array<i32>} : memref<4x64x256xf32, #tpu.memory_space<vmem>>, vector<1x1x16xf32>,
        %swap3A_913 = vector.shape_cast %swap3A_912 : vector<1x1x16xf32> to vector<16xf32>
        %swap3A_914 = vector.shape_cast %add3A_908 : vector<16xf32> to vector<1x1x16xf32>
        tpu.vector_store %arg4[%swap3A_909, %swap3A_910, %swap3A_911], %swap3A_914 {strides = array<i32>} : memref<4x64x256xf32, #tpu.memory_space<vmem>>, vector<1x1x16xf32>,
        %get3A_915 = arith.constant 3 : i32
        %get3A_916 = arith.index_cast %get3A_915 : i32 to index
        %get3A_917 = arith.index_cast %scan3A_886 : i32 to index
        %get3A_918 = arith.constant 16 : index
        %get3A_919 = tpu.vector_load %arg4[%get3A_916, %get3A_917, %get3A_918] {strides = array<i32>} : memref<4x64x256xf32, #tpu.memory_space<vmem>>, vector<1x1x16xf32>,
        %get3A_920 = vector.shape_cast %get3A_919 : vector<1x1x16xf32> to vector<16xf32>
        %add3A_921 = arith.addf %scan3A_888, %get3A_920 : vector<16xf32>
        %swap3A_922 = arith.constant 3 : i32
        %swap3A_923 = arith.index_cast %swap3A_922 : i32 to index
        %swap3A_924 = arith.index_cast %scan3A_886 : i32 to index
        %swap3A_925 = arith.constant 16 : index
        %swap3A_926 = tpu.vector_load %arg4[%swap3A_923, %swap3A_924, %swap3A_925] {strides = array<i32>} : memref<4x64x256xf32, #tpu.memory_space<vmem>>, vector<1x1x16xf32>,
        %swap3A_927 = vector.shape_cast %swap3A_926 : vector<1x1x16xf32> to vector<16xf32>
        %swap3A_928 = vector.shape_cast %add3A_921 : vector<16xf32> to vector<1x1x16xf32>
        tpu.vector_store %arg4[%swap3A_923, %swap3A_924, %swap3A_925], %swap3A_928 {strides = array<i32>} : memref<4x64x256xf32, #tpu.memory_space<vmem>>, vector<1x1x16xf32>,
        %get3A_929 = arith.constant 3 : i32
        %get3A_930 = arith.index_cast %get3A_929 : i32 to index
        %get3A_931 = arith.index_cast %scan3A_886 : i32 to index
        %get3A_932 = arith.constant 32 : index
        %get3A_933 = tpu.vector_load %arg4[%get3A_930, %get3A_931, %get3A_932] {strides = array<i32>} : memref<4x64x256xf32, #tpu.memory_space<vmem>>, vector<1x1x16xf32>,
        %get3A_934 = vector.shape_cast %get3A_933 : vector<1x1x16xf32> to vector<16xf32>
        %add3A_935 = arith.addf %scan3A_889, %get3A_934 : vector<16xf32>
        %swap3A_936 = arith.constant 3 : i32
        %swap3A_937 = arith.index_cast %swap3A_936 : i32 to index
        %swap3A_938 = arith.index_cast %scan3A_886 : i32 to index
        %swap3A_939 = arith.constant 32 : index
        %swap3A_940 = tpu.vector_load %arg4[%swap3A_937, %swap3A_938, %swap3A_939] {strides = array<i32>} : memref<4x64x256xf32, #tpu.memory_space<vmem>>, vector<1x1x16xf32>,
        %swap3A_941 = vector.shape_cast %swap3A_940 : vector<1x1x16xf32> to vector<16xf32>
        %swap3A_942 = vector.shape_cast %add3A_935 : vector<16xf32> to vector<1x1x16xf32>
        tpu.vector_store %arg4[%swap3A_937, %swap3A_938, %swap3A_939], %swap3A_942 {strides = array<i32>} : memref<4x64x256xf32, #tpu.memory_space<vmem>>, vector<1x1x16xf32>,
        %get3A_943 = arith.constant 3 : i32
        %get3A_944 = arith.index_cast %get3A_943 : i32 to index
        %get3A_945 = arith.index_cast %scan3A_886 : i32 to index
        %get3A_946 = arith.constant 48 : index
        %get3A_947 = tpu.vector_load %arg4[%get3A_944, %get3A_945, %get3A_946] {strides = array<i32>} : memref<4x64x256xf32, #tpu.memory_space<vmem>>, vector<1x1x16xf32>,
        %get3A_948 = vector.shape_cast %get3A_947 : vector<1x1x16xf32> to vector<16xf32>
        %add3A_949 = arith.addf %scan3A_890, %get3A_948 : vector<16xf32>
        %swap3A_950 = arith.constant 3 : i32
        %swap3A_951 = arith.index_cast %swap3A_950 : i32 to index
        %swap3A_952 = arith.index_cast %scan3A_886 : i32 to index
        %swap3A_953 = arith.constant 48 : index
        %swap3A_954 = tpu.vector_load %arg4[%swap3A_951, %swap3A_952, %swap3A_953] {strides = array<i32>} : memref<4x64x256xf32, #tpu.memory_space<vmem>>, vector<1x1x16xf32>,
        %swap3A_955 = vector.shape_cast %swap3A_954 : vector<1x1x16xf32> to vector<16xf32>
        %swap3A_956 = vector.shape_cast %add3A_949 : vector<16xf32> to vector<1x1x16xf32>
        tpu.vector_store %arg4[%swap3A_951, %swap3A_952, %swap3A_953], %swap3A_956 {strides = array<i32>} : memref<4x64x256xf32, #tpu.memory_space<vmem>>, vector<1x1x16xf32>,
        %get3A_957 = arith.constant 3 : i32
        %get3A_958 = arith.index_cast %get3A_957 : i32 to index
        %get3A_959 = arith.index_cast %scan3A_886 : i32 to index
        %get3A_960 = arith.constant 64 : index
        %get3A_961 = tpu.vector_load %arg4[%get3A_958, %get3A_959, %get3A_960] {strides = array<i32>} : memref<4x64x256xf32, #tpu.memory_space<vmem>>, vector<1x1x16xf32>,
        %get3A_962 = vector.shape_cast %get3A_961 : vector<1x1x16xf32> to vector<16xf32>
        %add3A_963 = arith.addf %scan3A_891, %get3A_962 : vector<16xf32>
        %swap3A_964 = arith.constant 3 : i32
        %swap3A_965 = arith.index_cast %swap3A_964 : i32 to index
        %swap3A_966 = arith.index_cast %scan3A_886 : i32 to index
        %swap3A_967 = arith.constant 64 : index
        %swap3A_968 = tpu.vector_load %arg4[%swap3A_965, %swap3A_966, %swap3A_967] {strides = array<i32>} : memref<4x64x256xf32, #tpu.memory_space<vmem>>, vector<1x1x16xf32>,
        %swap3A_969 = vector.shape_cast %swap3A_968 : vector<1x1x16xf32> to vector<16xf32>
        %swap3A_970 = vector.shape_cast %add3A_963 : vector<16xf32> to vector<1x1x16xf32>
        tpu.vector_store %arg4[%swap3A_965, %swap3A_966, %swap3A_967], %swap3A_970 {strides = array<i32>} : memref<4x64x256xf32, #tpu.memory_space<vmem>>, vector<1x1x16xf32>,
        %get3A_971 = arith.constant 3 : i32
        %get3A_972 = arith.index_cast %get3A_971 : i32 to index
        %get3A_973 = arith.index_cast %scan3A_886 : i32 to index
        %get3A_974 = arith.constant 80 : index
        %get3A_975 = tpu.vector_load %arg4[%get3A_972, %get3A_973, %get3A_974] {strides = array<i32>} : memref<4x64x256xf32, #tpu.memory_space<vmem>>, vector<1x1x16xf32>,
        %get3A_976 = vector.shape_cast %get3A_975 : vector<1x1x16xf32> to vector<16xf32>
        %add3A_977 = arith.addf %scan3A_892, %get3A_976 : vector<16xf32>
        %swap3A_978 = arith.constant 3 : i32
        %swap3A_979 = arith.index_cast %swap3A_978 : i32 to index
        %swap3A_980 = arith.index_cast %scan3A_886 : i32 to index
        %swap3A_981 = arith.constant 80 : index
        %swap3A_982 = tpu.vector_load %arg4[%swap3A_979, %swap3A_980, %swap3A_981] {strides = array<i32>} : memref<4x64x256xf32, #tpu.memory_space<vmem>>, vector<1x1x16xf32>,
        %swap3A_983 = vector.shape_cast %swap3A_982 : vector<1x1x16xf32> to vector<16xf32>
        %swap3A_984 = vector.shape_cast %add3A_977 : vector<16xf32> to vector<1x1x16xf32>
        tpu.vector_store %arg4[%swap3A_979, %swap3A_980, %swap3A_981], %swap3A_984 {strides = array<i32>} : memref<4x64x256xf32, #tpu.memory_space<vmem>>, vector<1x1x16xf32>,
        %get3A_985 = arith.constant 3 : i32
        %get3A_986 = arith.index_cast %get3A_985 : i32 to index
        %get3A_987 = arith.index_cast %scan3A_886 : i32 to index
        %get3A_988 = arith.constant 96 : index
        %get3A_989 = tpu.vector_load %arg4[%get3A_986, %get3A_987, %get3A_988] {strides = array<i32>} : memref<4x64x256xf32, #tpu.memory_space<vmem>>, vector<1x1x16xf32>,
        %get3A_990 = vector.shape_cast %get3A_989 : vector<1x1x16xf32> to vector<16xf32>
        %add3A_991 = arith.addf %scan3A_893, %get3A_990 : vector<16xf32>
        %swap3A_992 = arith.constant 3 : i32
        %swap3A_993 = arith.index_cast %swap3A_992 : i32 to index
        %swap3A_994 = arith.index_cast %scan3A_886 : i32 to index
        %swap3A_995 = arith.constant 96 : index
        %swap3A_996 = tpu.vector_load %arg4[%swap3A_993, %swap3A_994, %swap3A_995] {strides = array<i32>} : memref<4x64x256xf32, #tpu.memory_space<vmem>>, vector<1x1x16xf32>,
        %swap3A_997 = vector.shape_cast %swap3A_996 : vector<1x1x16xf32> to vector<16xf32>
        %swap3A_998 = vector.shape_cast %add3A_991 : vector<16xf32> to vector<1x1x16xf32>
        tpu.vector_store %arg4[%swap3A_993, %swap3A_994, %swap3A_995], %swap3A_998 {strides = array<i32>} : memref<4x64x256xf32, #tpu.memory_space<vmem>>, vector<1x1x16xf32>,
        %get3A_999 = arith.constant 3 : i32
        %get3A_1000 = arith.index_cast %get3A_999 : i32 to index
        %get3A_1001 = arith.index_cast %scan3A_886 : i32 to index
        %get3A_1002 = arith.constant 112 : index
        %get3A_1003 = tpu.vector_load %arg4[%get3A_1000, %get3A_1001, %get3A_1002] {strides = array<i32>} : memref<4x64x256xf32, #tpu.memory_space<vmem>>, vector<1x1x16xf32>,
        %get3A_1004 = vector.shape_cast %get3A_1003 : vector<1x1x16xf32> to vector<16xf32>
        %add3A_1005 = arith.addf %scan3A_894, %get3A_1004 : vector<16xf32>
        %swap3A_1006 = arith.constant 3 : i32
        %swap3A_1007 = arith.index_cast %swap3A_1006 : i32 to index
        %swap3A_1008 = arith.index_cast %scan3A_886 : i32 to index
        %swap3A_1009 = arith.constant 112 : index
        %swap3A_1010 = tpu.vector_load %arg4[%swap3A_1007, %swap3A_1008, %swap3A_1009] {strides = array<i32>} : memref<4x64x256xf32, #tpu.memory_space<vmem>>, vector<1x1x16xf32>,
        %swap3A_1011 = vector.shape_cast %swap3A_1010 : vector<1x1x16xf32> to vector<16xf32>
        %swap3A_1012 = vector.shape_cast %add3A_1005 : vector<16xf32> to vector<1x1x16xf32>
        tpu.vector_store %arg4[%swap3A_1007, %swap3A_1008, %swap3A_1009], %swap3A_1012 {strides = array<i32>} : memref<4x64x256xf32, #tpu.memory_space<vmem>>, vector<1x1x16xf32>,
        %get3A_1013 = arith.constant 3 : i32
        %get3A_1014 = arith.index_cast %get3A_1013 : i32 to index
        %get3A_1015 = arith.index_cast %scan3A_886 : i32 to index
        %get3A_1016 = arith.constant 128 : index
        %get3A_1017 = tpu.vector_load %arg4[%get3A_1014, %get3A_1015, %get3A_1016] {strides = array<i32>} : memref<4x64x256xf32, #tpu.memory_space<vmem>>, vector<1x1x16xf32>,
        %get3A_1018 = vector.shape_cast %get3A_1017 : vector<1x1x16xf32> to vector<16xf32>
        %add3A_1019 = arith.addf %scan3A_895, %get3A_1018 : vector<16xf32>
        %swap3A_1020 = arith.constant 3 : i32
        %swap3A_1021 = arith.index_cast %swap3A_1020 : i32 to index
        %swap3A_1022 = arith.index_cast %scan3A_886 : i32 to index
        %swap3A_1023 = arith.constant 128 : index
        %swap3A_1024 = tpu.vector_load %arg4[%swap3A_1021, %swap3A_1022, %swap3A_1023] {strides = array<i32>} : memref<4x64x256xf32, #tpu.memory_space<vmem>>, vector<1x1x16xf32>,
        %swap3A_1025 = vector.shape_cast %swap3A_1024 : vector<1x1x16xf32> to vector<16xf32>
        %swap3A_1026 = vector.shape_cast %add3A_1019 : vector<16xf32> to vector<1x1x16xf32>
        tpu.vector_store %arg4[%swap3A_1021, %swap3A_1022, %swap3A_1023], %swap3A_1026 {strides = array<i32>} : memref<4x64x256xf32, #tpu.memory_space<vmem>>, vector<1x1x16xf32>,
        %get3A_1027 = arith.constant 3 : i32
        %get3A_1028 = arith.index_cast %get3A_1027 : i32 to index
        %get3A_1029 = arith.index_cast %scan3A_886 : i32 to index
        %get3A_1030 = arith.constant 144 : index
        %get3A_1031 = tpu.vector_load %arg4[%get3A_1028, %get3A_1029, %get3A_1030] {strides = array<i32>} : memref<4x64x256xf32, #tpu.memory_space<vmem>>, vector<1x1x16xf32>,
        %get3A_1032 = vector.shape_cast %get3A_1031 : vector<1x1x16xf32> to vector<16xf32>
        %add3A_1033 = arith.addf %scan3A_896, %get3A_1032 : vector<16xf32>
        %swap3A_1034 = arith.constant 3 : i32
        %swap3A_1035 = arith.index_cast %swap3A_1034 : i32 to index
        %swap3A_1036 = arith.index_cast %scan3A_886 : i32 to index
        %swap3A_1037 = arith.constant 144 : index
        %swap3A_1038 = tpu.vector_load %arg4[%swap3A_1035, %swap3A_1036, %swap3A_1037] {strides = array<i32>} : memref<4x64x256xf32, #tpu.memory_space<vmem>>, vector<1x1x16xf32>,
        %swap3A_1039 = vector.shape_cast %swap3A_1038 : vector<1x1x16xf32> to vector<16xf32>
        %swap3A_1040 = vector.shape_cast %add3A_1033 : vector<16xf32> to vector<1x1x16xf32>
        tpu.vector_store %arg4[%swap3A_1035, %swap3A_1036, %swap3A_1037], %swap3A_1040 {strides = array<i32>} : memref<4x64x256xf32, #tpu.memory_space<vmem>>, vector<1x1x16xf32>,
        %get3A_1041 = arith.constant 3 : i32
        %get3A_1042 = arith.index_cast %get3A_1041 : i32 to index
        %get3A_1043 = arith.index_cast %scan3A_886 : i32 to index
        %get3A_1044 = arith.constant 160 : index
        %get3A_1045 = tpu.vector_load %arg4[%get3A_1042, %get3A_1043, %get3A_1044] {strides = array<i32>} : memref<4x64x256xf32, #tpu.memory_space<vmem>>, vector<1x1x16xf32>,
        %get3A_1046 = vector.shape_cast %get3A_1045 : vector<1x1x16xf32> to vector<16xf32>
        %add3A_1047 = arith.addf %scan3A_897, %get3A_1046 : vector<16xf32>
        %swap3A_1048 = arith.constant 3 : i32
        %swap3A_1049 = arith.index_cast %swap3A_1048 : i32 to index
        %swap3A_1050 = arith.index_cast %scan3A_886 : i32 to index
        %swap3A_1051 = arith.constant 160 : index
        %swap3A_1052 = tpu.vector_load %arg4[%swap3A_1049, %swap3A_1050, %swap3A_1051] {strides = array<i32>} : memref<4x64x256xf32, #tpu.memory_space<vmem>>, vector<1x1x16xf32>,
        %swap3A_1053 = vector.shape_cast %swap3A_1052 : vector<1x1x16xf32> to vector<16xf32>
        %swap3A_1054 = vector.shape_cast %add3A_1047 : vector<16xf32> to vector<1x1x16xf32>
        tpu.vector_store %arg4[%swap3A_1049, %swap3A_1050, %swap3A_1051], %swap3A_1054 {strides = array<i32>} : memref<4x64x256xf32, #tpu.memory_space<vmem>>, vector<1x1x16xf32>,
        %get3A_1055 = arith.constant 3 : i32
        %get3A_1056 = arith.index_cast %get3A_1055 : i32 to index
        %get3A_1057 = arith.index_cast %scan3A_886 : i32 to index
        %get3A_1058 = arith.constant 176 : index
        %get3A_1059 = tpu.vector_load %arg4[%get3A_1056, %get3A_1057, %get3A_1058] {strides = array<i32>} : memref<4x64x256xf32, #tpu.memory_space<vmem>>, vector<1x1x16xf32>,
        %get3A_1060 = vector.shape_cast %get3A_1059 : vector<1x1x16xf32> to vector<16xf32>
        %add3A_1061 = arith.addf %scan3A_898, %get3A_1060 : vector<16xf32>
        %swap3A_1062 = arith.constant 3 : i32
        %swap3A_1063 = arith.index_cast %swap3A_1062 : i32 to index
        %swap3A_1064 = arith.index_cast %scan3A_886 : i32 to index
        %swap3A_1065 = arith.constant 176 : index
        %swap3A_1066 = tpu.vector_load %arg4[%swap3A_1063, %swap3A_1064, %swap3A_1065] {strides = array<i32>} : memref<4x64x256xf32, #tpu.memory_space<vmem>>, vector<1x1x16xf32>,
        %swap3A_1067 = vector.shape_cast %swap3A_1066 : vector<1x1x16xf32> to vector<16xf32>
        %swap3A_1068 = vector.shape_cast %add3A_1061 : vector<16xf32> to vector<1x1x16xf32>
        tpu.vector_store %arg4[%swap3A_1063, %swap3A_1064, %swap3A_1065], %swap3A_1068 {strides = array<i32>} : memref<4x64x256xf32, #tpu.memory_space<vmem>>, vector<1x1x16xf32>,
        %get3A_1069 = arith.constant 3 : i32
        %get3A_1070 = arith.index_cast %get3A_1069 : i32 to index
        %get3A_1071 = arith.index_cast %scan3A_886 : i32 to index
        %get3A_1072 = arith.constant 192 : index
        %get3A_1073 = tpu.vector_load %arg4[%get3A_1070, %get3A_1071, %get3A_1072] {strides = array<i32>} : memref<4x64x256xf32, #tpu.memory_space<vmem>>, vector<1x1x16xf32>,
        %get3A_1074 = vector.shape_cast %get3A_1073 : vector<1x1x16xf32> to vector<16xf32>
        %add3A_1075 = arith.addf %scan3A_899, %get3A_1074 : vector<16xf32>
        %swap3A_1076 = arith.constant 3 : i32
        %swap3A_1077 = arith.index_cast %swap3A_1076 : i32 to index
        %swap3A_1078 = arith.index_cast %scan3A_886 : i32 to index
        %swap3A_1079 = arith.constant 192 : index
        %swap3A_1080 = tpu.vector_load %arg4[%swap3A_1077, %swap3A_1078, %swap3A_1079] {strides = array<i32>} : memref<4x64x256xf32, #tpu.memory_space<vmem>>, vector<1x1x16xf32>,
        %swap3A_1081 = vector.shape_cast %swap3A_1080 : vector<1x1x16xf32> to vector<16xf32>
        %swap3A_1082 = vector.shape_cast %add3A_1075 : vector<16xf32> to vector<1x1x16xf32>
        tpu.vector_store %arg4[%swap3A_1077, %swap3A_1078, %swap3A_1079], %swap3A_1082 {strides = array<i32>} : memref<4x64x256xf32, #tpu.memory_space<vmem>>, vector<1x1x16xf32>,
        %get3A_1083 = arith.constant 3 : i32
        %get3A_1084 = arith.index_cast %get3A_1083 : i32 to index
        %get3A_1085 = arith.index_cast %scan3A_886 : i32 to index
        %get3A_1086 = arith.constant 208 : index
        %get3A_1087 = tpu.vector_load %arg4[%get3A_1084, %get3A_1085, %get3A_1086] {strides = array<i32>} : memref<4x64x256xf32, #tpu.memory_space<vmem>>, vector<1x1x16xf32>,
        %get3A_1088 = vector.shape_cast %get3A_1087 : vector<1x1x16xf32> to vector<16xf32>
        %add3A_1089 = arith.addf %scan3A_900, %get3A_1088 : vector<16xf32>
        %swap3A_1090 = arith.constant 3 : i32
        %swap3A_1091 = arith.index_cast %swap3A_1090 : i32 to index
        %swap3A_1092 = arith.index_cast %scan3A_886 : i32 to index
        %swap3A_1093 = arith.constant 208 : index
        %swap3A_1094 = tpu.vector_load %arg4[%swap3A_1091, %swap3A_1092, %swap3A_1093] {strides = array<i32>} : memref<4x64x256xf32, #tpu.memory_space<vmem>>, vector<1x1x16xf32>,
        %swap3A_1095 = vector.shape_cast %swap3A_1094 : vector<1x1x16xf32> to vector<16xf32>
        %swap3A_1096 = vector.shape_cast %add3A_1089 : vector<16xf32> to vector<1x1x16xf32>
        tpu.vector_store %arg4[%swap3A_1091, %swap3A_1092, %swap3A_1093], %swap3A_1096 {strides = array<i32>} : memref<4x64x256xf32, #tpu.memory_space<vmem>>, vector<1x1x16xf32>,
        %get3A_1097 = arith.constant 3 : i32
        %get3A_1098 = arith.index_cast %get3A_1097 : i32 to index
        %get3A_1099 = arith.index_cast %scan3A_886 : i32 to index
        %get3A_1100 = arith.constant 224 : index
        %get3A_1101 = tpu.vector_load %arg4[%get3A_1098, %get3A_1099, %get3A_1100] {strides = array<i32>} : memref<4x64x256xf32, #tpu.memory_space<vmem>>, vector<1x1x16xf32>,
        %get3A_1102 = vector.shape_cast %get3A_1101 : vector<1x1x16xf32> to vector<16xf32>
        %add3A_1103 = arith.addf %scan3A_901, %get3A_1102 : vector<16xf32>
        %swap3A_1104 = arith.constant 3 : i32
        %swap3A_1105 = arith.index_cast %swap3A_1104 : i32 to index
        %swap3A_1106 = arith.index_cast %scan3A_886 : i32 to index
        %swap3A_1107 = arith.constant 224 : index
        %swap3A_1108 = tpu.vector_load %arg4[%swap3A_1105, %swap3A_1106, %swap3A_1107] {strides = array<i32>} : memref<4x64x256xf32, #tpu.memory_space<vmem>>, vector<1x1x16xf32>,
        %swap3A_1109 = vector.shape_cast %swap3A_1108 : vector<1x1x16xf32> to vector<16xf32>
        %swap3A_1110 = vector.shape_cast %add3A_1103 : vector<16xf32> to vector<1x1x16xf32>
        tpu.vector_store %arg4[%swap3A_1105, %swap3A_1106, %swap3A_1107], %swap3A_1110 {strides = array<i32>} : memref<4x64x256xf32, #tpu.memory_space<vmem>>, vector<1x1x16xf32>,
        %get3A_1111 = arith.constant 3 : i32
        %get3A_1112 = arith.index_cast %get3A_1111 : i32 to index
        %get3A_1113 = arith.index_cast %scan3A_886 : i32 to index
        %get3A_1114 = arith.constant 240 : index
        %get3A_1115 = tpu.vector_load %arg4[%get3A_1112, %get3A_1113, %get3A_1114] {strides = array<i32>} : memref<4x64x256xf32, #tpu.memory_space<vmem>>, vector<1x1x16xf32>,
        %get3A_1116 = vector.shape_cast %get3A_1115 : vector<1x1x16xf32> to vector<16xf32>
        %add3A_1117 = arith.addf %scan3A_902, %get3A_1116 : vector<16xf32>
        %swap3A_1118 = arith.constant 3 : i32
        %swap3A_1119 = arith.index_cast %swap3A_1118 : i32 to index
        %swap3A_1120 = arith.index_cast %scan3A_886 : i32 to index
        %swap3A_1121 = arith.constant 240 : index
        %swap3A_1122 = tpu.vector_load %arg4[%swap3A_1119, %swap3A_1120, %swap3A_1121] {strides = array<i32>} : memref<4x64x256xf32, #tpu.memory_space<vmem>>, vector<1x1x16xf32>,
        %swap3A_1123 = vector.shape_cast %swap3A_1122 : vector<1x1x16xf32> to vector<16xf32>
        %swap3A_1124 = vector.shape_cast %add3A_1117 : vector<16xf32> to vector<1x1x16xf32>
        tpu.vector_store %arg4[%swap3A_1119, %swap3A_1120, %swap3A_1121], %swap3A_1124 {strides = array<i32>} : memref<4x64x256xf32, #tpu.memory_space<vmem>>, vector<1x1x16xf32>,
        scf.yield %add3A_908, %add3A_921, %add3A_935, %add3A_949, %add3A_963, %add3A_977, %add3A_991, %add3A_1005, %add3A_1019, %add3A_1033, %add3A_1047, %add3A_1061, %add3A_1075, %add3A_1089, %add3A_1103, %add3A_1117 : vector<16xf32>, vector<16xf32>, vector<16xf32>, vector<16xf32>, vector<16xf32>, vector<16xf32>, vector<16xf32>, vector<16xf32>, vector<16xf32>, vector<16xf32>, vector<16xf32>, vector<16xf32>, vector<16xf32>, vector<16xf32>, vector<16xf32>, vector<16xf32>
      }
      %scan3A_870 = arith.constant 64 : i32
      %mul3A_871 = arith.constant 64 : i32
      %mul3A_872 = arith.muli %add3A_813, %mul3A_871 : i32
      %dma_start3A_873 = arith.constant 3 : i32
      %dma_start3A_874 = arith.constant 0 : i32
      %dma_start3A_875 = arith.constant 0 : i32
      %dma_start3A_876 = tpu.memref_slice %arg4[%dma_start3A_873, %dma_start3A_874, %dma_start3A_875] : memref<4x64x256xf32, #tpu.memory_space<vmem>> -> memref<1x64x256xf32, #tpu.memory_space<vmem>>
      %dma_start3A_877 = tpu.memref_squeeze %dma_start3A_876 : memref<1x64x256xf32, #tpu.memory_space<vmem>> -> memref<64x256xf32, #tpu.memory_space<vmem>>
      %dma_start3A_878 = tpu.memref_slice %arg3[%select_n3A, %mul3A_872, %mul3A_32] : memref<4x4096x2048xf32, #tpu.memory_space<hbm>> -> memref<1x64x256xf32, #tpu.memory_space<hbm>>
      %dma_start3A_879 = tpu.memref_squeeze %dma_start3A_878 : memref<1x64x256xf32, #tpu.memory_space<hbm>> -> memref<64x256xf32, #tpu.memory_space<hbm>>
      %dma_start3A_880 = tpu.memref_slice %arg3[%select_n3A, %mul3A_872, %mul3A_32] : memref<4x4096x2048xf32, #tpu.memory_space<hbm>> -> memref<1x64x256xf32, #tpu.memory_space<hbm>>
      %dma_start3A_881 = tpu.memref_squeeze %dma_start3A_880 : memref<1x64x256xf32, #tpu.memory_space<hbm>> -> memref<64x256xf32, #tpu.memory_space<hbm>>
      %dma_start3A_882 = arith.constant 0 : i32
      %dma_start3A_883 = arith.constant 0 : i32
      %dma_start3A_884 = tpu.memref_slice %arg4[%dma_start3A_873, %dma_start3A_882, %dma_start3A_883] : memref<4x64x256xf32, #tpu.memory_space<vmem>> -> memref<1x64x256xf32, #tpu.memory_space<vmem>>
      %dma_start3A_885 = tpu.memref_squeeze %dma_start3A_884 : memref<1x64x256xf32, #tpu.memory_space<vmem>> -> memref<64x256xf32, #tpu.memory_space<vmem>>
      tpu.enqueue_dma source(%dma_start3A_885 : memref<64x256xf32, #tpu.memory_space<vmem>>) target(%dma_start3A_881 : memref<64x256xf32, #tpu.memory_space<hbm>>) target_semaphore(%arg12 : memref<!tpu.dma_semaphore, #tpu.memory_space<semaphore_mem>>)
      scf.yield %scan3A_869#0, %scan3A_869#1, %scan3A_869#2, %scan3A_869#3, %scan3A_869#4, %scan3A_869#5, %scan3A_869#6, %scan3A_869#7, %scan3A_869#8, %scan3A_869#9, %scan3A_869#10, %scan3A_869#11, %scan3A_869#12, %scan3A_869#13, %scan3A_869#14, %scan3A_869#15 : vector<16xf32>, vector<16xf32>, vector<16xf32>, vector<16xf32>, vector<16xf32>, vector<16xf32>, vector<16xf32>, vector<16xf32>, vector<16xf32>, vector<16xf32>, vector<16xf32>, vector<16xf32>, vector<16xf32>, vector<16xf32>, vector<16xf32>, vector<16xf32>
    }
    %scan3A_270 = arith.constant 14 : i32
    %dma_wait3A_271 = arith.constant 1 : i32
    %dma_wait3A_272 = arith.constant 0 : i32
    %dma_wait3A_273 = arith.constant 0 : i32
    %dma_wait3A_274 = tpu.memref_slice %arg4[%dma_wait3A_271, %dma_wait3A_272, %dma_wait3A_273] : memref<4x64x256xf32, #tpu.memory_space<vmem>> -> memref<1x64x256xf32, #tpu.memory_space<vmem>>
    %dma_wait3A_275 = tpu.memref_squeeze %dma_wait3A_274 : memref<1x64x256xf32, #tpu.memory_space<vmem>> -> memref<64x256xf32, #tpu.memory_space<vmem>>
    %dma_wait3A_276 = arith.constant 3648 : i32
    %dma_wait3A_277 = tpu.memref_slice %arg3[%select_n3A, %dma_wait3A_276, %mul3A_32] : memref<4x4096x2048xf32, #tpu.memory_space<hbm>> -> memref<1x64x256xf32, #tpu.memory_space<hbm>>
    %dma_wait3A_278 = tpu.memref_squeeze %dma_wait3A_277 : memref<1x64x256xf32, #tpu.memory_space<hbm>> -> memref<64x256xf32, #tpu.memory_space<hbm>>
    %dma_wait3A_279 = arith.constant 3648 : i32
    %dma_wait3A_280 = tpu.memref_slice %arg3[%select_n3A, %dma_wait3A_279, %mul3A_32] : memref<4x4096x2048xf32, #tpu.memory_space<hbm>> -> memref<1x64x256xf32, #tpu.memory_space<hbm>>
    %dma_wait3A_281 = tpu.memref_squeeze %dma_wait3A_280 : memref<1x64x256xf32, #tpu.memory_space<hbm>> -> memref<64x256xf32, #tpu.memory_space<hbm>>
    %dma_wait3A_282 = arith.constant 0 : i32
    %dma_wait3A_283 = arith.constant 0 : i32
    %dma_wait3A_284 = tpu.memref_slice %arg4[%dma_wait3A_271, %dma_wait3A_282, %dma_wait3A_283] : memref<4x64x256xf32, #tpu.memory_space<vmem>> -> memref<1x64x256xf32, #tpu.memory_space<vmem>>
    %dma_wait3A_285 = tpu.memref_squeeze %dma_wait3A_284 : memref<1x64x256xf32, #tpu.memory_space<vmem>> -> memref<64x256xf32, #tpu.memory_space<vmem>>
    tpu.wait_dma2 semaphore(%arg10 : memref<!tpu.dma_semaphore, #tpu.memory_space<semaphore_mem>>) src(%dma_wait3A_285 : memref<64x256xf32, #tpu.memory_space<vmem>>) dst(%dma_wait3A_281 : memref<64x256xf32, #tpu.memory_space<hbm>>)
    %dma_start3A_286 = arith.constant 1 : i32
    %dma_start3A_287 = arith.constant 0 : i32
    %dma_start3A_288 = arith.constant 0 : i32
    %dma_start3A_289 = tpu.memref_slice %arg4[%dma_start3A_286, %dma_start3A_287, %dma_start3A_288] : memref<4x64x256xf32, #tpu.memory_space<vmem>> -> memref<1x64x256xf32, #tpu.memory_space<vmem>>
    %dma_start3A_290 = tpu.memref_squeeze %dma_start3A_289 : memref<1x64x256xf32, #tpu.memory_space<vmem>> -> memref<64x256xf32, #tpu.memory_space<vmem>>
    %dma_start3A_291 = arith.constant 3904 : i32
    %dma_start3A_292 = tpu.memref_slice %arg2[%select_n3A, %dma_start3A_291, %mul3A_32] : memref<4x4096x2048xf32, #tpu.memory_space<hbm>> -> memref<1x64x256xf32, #tpu.memory_space<hbm>>
    %dma_start3A_293 = tpu.memref_squeeze %dma_start3A_292 : memref<1x64x256xf32, #tpu.memory_space<hbm>> -> memref<64x256xf32, #tpu.memory_space<hbm>>
    %dma_start3A_294 = arith.constant 0 : i32
    %dma_start3A_295 = arith.constant 0 : i32
    %dma_start3A_296 = tpu.memref_slice %arg4[%dma_start3A_286, %dma_start3A_294, %dma_start3A_295] : memref<4x64x256xf32, #tpu.memory_space<vmem>> -> memref<1x64x256xf32, #tpu.memory_space<vmem>>
    %dma_start3A_297 = tpu.memref_squeeze %dma_start3A_296 : memref<1x64x256xf32, #tpu.memory_space<vmem>> -> memref<64x256xf32, #tpu.memory_space<vmem>>
    %dma_start3A_298 = arith.constant 3904 : i32
    %dma_start3A_299 = tpu.memref_slice %arg2[%select_n3A, %dma_start3A_298, %mul3A_32] : memref<4x4096x2048xf32, #tpu.memory_space<hbm>> -> memref<1x64x256xf32, #tpu.memory_space<hbm>>
    %dma_start3A_300 = tpu.memref_squeeze %dma_start3A_299 : memref<1x64x256xf32, #tpu.memory_space<hbm>> -> memref<64x256xf32, #tpu.memory_space<hbm>>
    tpu.enqueue_dma source(%dma_start3A_300 : memref<64x256xf32, #tpu.memory_space<hbm>>) target(%dma_start3A_297 : memref<64x256xf32, #tpu.memory_space<vmem>>) target_semaphore(%arg6 : memref<!tpu.dma_semaphore, #tpu.memory_space<semaphore_mem>>)
    %dma_wait3A_301 = arith.constant 0 : i32
    %dma_wait3A_302 = arith.constant 0 : i32
    %dma_wait3A_303 = arith.constant 0 : i32
    %dma_wait3A_304 = tpu.memref_slice %arg4[%dma_wait3A_301, %dma_wait3A_302, %dma_wait3A_303] : memref<4x64x256xf32, #tpu.memory_space<vmem>> -> memref<1x64x256xf32, #tpu.memory_space<vmem>>
    %dma_wait3A_305 = tpu.memref_squeeze %dma_wait3A_304 : memref<1x64x256xf32, #tpu.memory_space<vmem>> -> memref<64x256xf32, #tpu.memory_space<vmem>>
    %dma_wait3A_306 = arith.constant 3840 : i32
    %dma_wait3A_307 = tpu.memref_slice %arg2[%select_n3A, %dma_wait3A_306, %mul3A_32] : memref<4x4096x2048xf32, #tpu.memory_space<hbm>> -> memref<1x64x256xf32, #tpu.memory_space<hbm>>
    %dma_wait3A_308 = tpu.memref_squeeze %dma_wait3A_307 : memref<1x64x256xf32, #tpu.memory_space<hbm>> -> memref<64x256xf32, #tpu.memory_space<hbm>>
    %dma_wait3A_309 = arith.constant 0 : i32
    %dma_wait3A_310 = arith.constant 0 : i32
    %dma_wait3A_311 = tpu.memref_slice %arg4[%dma_wait3A_301, %dma_wait3A_309, %dma_wait3A_310] : memref<4x64x256xf32, #tpu.memory_space<vmem>> -> memref<1x64x256xf32, #tpu.memory_space<vmem>>
    %dma_wait3A_312 = tpu.memref_squeeze %dma_wait3A_311 : memref<1x64x256xf32, #tpu.memory_space<vmem>> -> memref<64x256xf32, #tpu.memory_space<vmem>>
    %dma_wait3A_313 = arith.constant 3840 : i32
    %dma_wait3A_314 = tpu.memref_slice %arg2[%select_n3A, %dma_wait3A_313, %mul3A_32] : memref<4x4096x2048xf32, #tpu.memory_space<hbm>> -> memref<1x64x256xf32, #tpu.memory_space<hbm>>
    %dma_wait3A_315 = tpu.memref_squeeze %dma_wait3A_314 : memref<1x64x256xf32, #tpu.memory_space<hbm>> -> memref<64x256xf32, #tpu.memory_space<hbm>>
    tpu.wait_dma2 semaphore(%arg5 : memref<!tpu.dma_semaphore, #tpu.memory_space<semaphore_mem>>) src(%dma_wait3A_315 : memref<64x256xf32, #tpu.memory_space<hbm>>) dst(%dma_wait3A_312 : memref<64x256xf32, #tpu.memory_space<vmem>>)
    %scan3A_316 = arith.constant 0 : i32
    %scan3A_317 = arith.constant 64 : i32
    %scan3A_318 = arith.addi %scan3A_316, %scan3A_317 : i32
    %scan3A_319 = arith.constant 1 : i32
    %scan3A_320:16 = scf.for %scan3A_565 = %scan3A_316 to %scan3A_318 step %scan3A_319 iter_args(%scan3A_566 = %scan3A_269#0, %scan3A_567 = %scan3A_269#1, %scan3A_568 = %scan3A_269#2, %scan3A_569 = %scan3A_269#3, %scan3A_570 = %scan3A_269#4, %scan3A_571 = %scan3A_269#5, %scan3A_572 = %scan3A_269#6, %scan3A_573 = %scan3A_269#7, %scan3A_574 = %scan3A_269#8, %scan3A_575 = %scan3A_269#9, %scan3A_576 = %scan3A_269#10, %scan3A_577 = %scan3A_269#11, %scan3A_578 = %scan3A_269#12, %scan3A_579 = %scan3A_269#13, %scan3A_580 = %scan3A_269#14, %scan3A_581 = %scan3A_269#15) -> (vector<16xf32>, vector<16xf32>, vector<16xf32>, vector<16xf32>, vector<16xf32>, vector<16xf32>, vector<16xf32>, vector<16xf32>, vector<16xf32>, vector<16xf32>, vector<16xf32>, vector<16xf32>, vector<16xf32>, vector<16xf32>, vector<16xf32>, vector<16xf32>)  : i32 {
      %get3A = arith.constant 0 : i32
      %get3A_582 = arith.index_cast %get3A : i32 to index
      %get3A_583 = arith.index_cast %scan3A_565 : i32 to index
      %get3A_584 = arith.constant 0 : index
      %get3A_585 = tpu.vector_load %arg4[%get3A_582, %get3A_583, %get3A_584] {strides = array<i32>} : memref<4x64x256xf32, #tpu.memory_space<vmem>>, vector<1x1x16xf32>,
      %get3A_586 = vector.shape_cast %get3A_585 : vector<1x1x16xf32> to vector<16xf32>
      %add3A_587 = arith.addf %scan3A_566, %get3A_586 : vector<16xf32>
      %swap3A = arith.constant 0 : i32
      %swap3A_588 = arith.index_cast %swap3A : i32 to index
      %swap3A_589 = arith.index_cast %scan3A_565 : i32 to index
      %swap3A_590 = arith.constant 0 : index
      %swap3A_591 = tpu.vector_load %arg4[%swap3A_588, %swap3A_589, %swap3A_590] {strides = array<i32>} : memref<4x64x256xf32, #tpu.memory_space<vmem>>, vector<1x1x16xf32>,
      %swap3A_592 = vector.shape_cast %swap3A_591 : vector<1x1x16xf32> to vector<16xf32>
      %swap3A_593 = vector.shape_cast %add3A_587 : vector<16xf32> to vector<1x1x16xf32>
      tpu.vector_store %arg4[%swap3A_588, %swap3A_589, %swap3A_590], %swap3A_593 {strides = array<i32>} : memref<4x64x256xf32, #tpu.memory_space<vmem>>, vector<1x1x16xf32>,
      %get3A_594 = arith.constant 0 : i32
      %get3A_595 = arith.index_cast %get3A_594 : i32 to index
      %get3A_596 = arith.index_cast %scan3A_565 : i32 to index
      %get3A_597 = arith.constant 16 : index
      %get3A_598 = tpu.vector_load %arg4[%get3A_595, %get3A_596, %get3A_597] {strides = array<i32>} : memref<4x64x256xf32, #tpu.memory_space<vmem>>, vector<1x1x16xf32>,
      %get3A_599 = vector.shape_cast %get3A_598 : vector<1x1x16xf32> to vector<16xf32>
      %add3A_600 = arith.addf %scan3A_567, %get3A_599 : vector<16xf32>
      %swap3A_601 = arith.constant 0 : i32
      %swap3A_602 = arith.index_cast %swap3A_601 : i32 to index
      %swap3A_603 = arith.index_cast %scan3A_565 : i32 to index
      %swap3A_604 = arith.constant 16 : index
      %swap3A_605 = tpu.vector_load %arg4[%swap3A_602, %swap3A_603, %swap3A_604] {strides = array<i32>} : memref<4x64x256xf32, #tpu.memory_space<vmem>>, vector<1x1x16xf32>,
      %swap3A_606 = vector.shape_cast %swap3A_605 : vector<1x1x16xf32> to vector<16xf32>
      %swap3A_607 = vector.shape_cast %add3A_600 : vector<16xf32> to vector<1x1x16xf32>
      tpu.vector_store %arg4[%swap3A_602, %swap3A_603, %swap3A_604], %swap3A_607 {strides = array<i32>} : memref<4x64x256xf32, #tpu.memory_space<vmem>>, vector<1x1x16xf32>,
      %get3A_608 = arith.constant 0 : i32
      %get3A_609 = arith.index_cast %get3A_608 : i32 to index
      %get3A_610 = arith.index_cast %scan3A_565 : i32 to index
      %get3A_611 = arith.constant 32 : index
      %get3A_612 = tpu.vector_load %arg4[%get3A_609, %get3A_610, %get3A_611] {strides = array<i32>} : memref<4x64x256xf32, #tpu.memory_space<vmem>>, vector<1x1x16xf32>,
      %get3A_613 = vector.shape_cast %get3A_612 : vector<1x1x16xf32> to vector<16xf32>
      %add3A_614 = arith.addf %scan3A_568, %get3A_613 : vector<16xf32>
      %swap3A_615 = arith.constant 0 : i32
      %swap3A_616 = arith.index_cast %swap3A_615 : i32 to index
      %swap3A_617 = arith.index_cast %scan3A_565 : i32 to index
      %swap3A_618 = arith.constant 32 : index
      %swap3A_619 = tpu.vector_load %arg4[%swap3A_616, %swap3A_617, %swap3A_618] {strides = array<i32>} : memref<4x64x256xf32, #tpu.memory_space<vmem>>, vector<1x1x16xf32>,
      %swap3A_620 = vector.shape_cast %swap3A_619 : vector<1x1x16xf32> to vector<16xf32>
      %swap3A_621 = vector.shape_cast %add3A_614 : vector<16xf32> to vector<1x1x16xf32>
      tpu.vector_store %arg4[%swap3A_616, %swap3A_617, %swap3A_618], %swap3A_621 {strides = array<i32>} : memref<4x64x256xf32, #tpu.memory_space<vmem>>, vector<1x1x16xf32>,
      %get3A_622 = arith.constant 0 : i32
      %get3A_623 = arith.index_cast %get3A_622 : i32 to index
      %get3A_624 = arith.index_cast %scan3A_565 : i32 to index
      %get3A_625 = arith.constant 48 : index
      %get3A_626 = tpu.vector_load %arg4[%get3A_623, %get3A_624, %get3A_625] {strides = array<i32>} : memref<4x64x256xf32, #tpu.memory_space<vmem>>, vector<1x1x16xf32>,
      %get3A_627 = vector.shape_cast %get3A_626 : vector<1x1x16xf32> to vector<16xf32>
      %add3A_628 = arith.addf %scan3A_569, %get3A_627 : vector<16xf32>
      %swap3A_629 = arith.constant 0 : i32
      %swap3A_630 = arith.index_cast %swap3A_629 : i32 to index
      %swap3A_631 = arith.index_cast %scan3A_565 : i32 to index
      %swap3A_632 = arith.constant 48 : index
      %swap3A_633 = tpu.vector_load %arg4[%swap3A_630, %swap3A_631, %swap3A_632] {strides = array<i32>} : memref<4x64x256xf32, #tpu.memory_space<vmem>>, vector<1x1x16xf32>,
      %swap3A_634 = vector.shape_cast %swap3A_633 : vector<1x1x16xf32> to vector<16xf32>
      %swap3A_635 = vector.shape_cast %add3A_628 : vector<16xf32> to vector<1x1x16xf32>
      tpu.vector_store %arg4[%swap3A_630, %swap3A_631, %swap3A_632], %swap3A_635 {strides = array<i32>} : memref<4x64x256xf32, #tpu.memory_space<vmem>>, vector<1x1x16xf32>,
      %get3A_636 = arith.constant 0 : i32
      %get3A_637 = arith.index_cast %get3A_636 : i32 to index
      %get3A_638 = arith.index_cast %scan3A_565 : i32 to index
      %get3A_639 = arith.constant 64 : index
      %get3A_640 = tpu.vector_load %arg4[%get3A_637, %get3A_638, %get3A_639] {strides = array<i32>} : memref<4x64x256xf32, #tpu.memory_space<vmem>>, vector<1x1x16xf32>,
      %get3A_641 = vector.shape_cast %get3A_640 : vector<1x1x16xf32> to vector<16xf32>
      %add3A_642 = arith.addf %scan3A_570, %get3A_641 : vector<16xf32>
      %swap3A_643 = arith.constant 0 : i32
      %swap3A_644 = arith.index_cast %swap3A_643 : i32 to index
      %swap3A_645 = arith.index_cast %scan3A_565 : i32 to index
      %swap3A_646 = arith.constant 64 : index
      %swap3A_647 = tpu.vector_load %arg4[%swap3A_644, %swap3A_645, %swap3A_646] {strides = array<i32>} : memref<4x64x256xf32, #tpu.memory_space<vmem>>, vector<1x1x16xf32>,
      %swap3A_648 = vector.shape_cast %swap3A_647 : vector<1x1x16xf32> to vector<16xf32>
      %swap3A_649 = vector.shape_cast %add3A_642 : vector<16xf32> to vector<1x1x16xf32>
      tpu.vector_store %arg4[%swap3A_644, %swap3A_645, %swap3A_646], %swap3A_649 {strides = array<i32>} : memref<4x64x256xf32, #tpu.memory_space<vmem>>, vector<1x1x16xf32>,
      %get3A_650 = arith.constant 0 : i32
      %get3A_651 = arith.index_cast %get3A_650 : i32 to index
      %get3A_652 = arith.index_cast %scan3A_565 : i32 to index
      %get3A_653 = arith.constant 80 : index
      %get3A_654 = tpu.vector_load %arg4[%get3A_651, %get3A_652, %get3A_653] {strides = array<i32>} : memref<4x64x256xf32, #tpu.memory_space<vmem>>, vector<1x1x16xf32>,
      %get3A_655 = vector.shape_cast %get3A_654 : vector<1x1x16xf32> to vector<16xf32>
      %add3A_656 = arith.addf %scan3A_571, %get3A_655 : vector<16xf32>
      %swap3A_657 = arith.constant 0 : i32
      %swap3A_658 = arith.index_cast %swap3A_657 : i32 to index
      %swap3A_659 = arith.index_cast %scan3A_565 : i32 to index
      %swap3A_660 = arith.constant 80 : index
      %swap3A_661 = tpu.vector_load %arg4[%swap3A_658, %swap3A_659, %swap3A_660] {strides = array<i32>} : memref<4x64x256xf32, #tpu.memory_space<vmem>>, vector<1x1x16xf32>,
      %swap3A_662 = vector.shape_cast %swap3A_661 : vector<1x1x16xf32> to vector<16xf32>
      %swap3A_663 = vector.shape_cast %add3A_656 : vector<16xf32> to vector<1x1x16xf32>
      tpu.vector_store %arg4[%swap3A_658, %swap3A_659, %swap3A_660], %swap3A_663 {strides = array<i32>} : memref<4x64x256xf32, #tpu.memory_space<vmem>>, vector<1x1x16xf32>,
      %get3A_664 = arith.constant 0 : i32
      %get3A_665 = arith.index_cast %get3A_664 : i32 to index
      %get3A_666 = arith.index_cast %scan3A_565 : i32 to index
      %get3A_667 = arith.constant 96 : index
      %get3A_668 = tpu.vector_load %arg4[%get3A_665, %get3A_666, %get3A_667] {strides = array<i32>} : memref<4x64x256xf32, #tpu.memory_space<vmem>>, vector<1x1x16xf32>,
      %get3A_669 = vector.shape_cast %get3A_668 : vector<1x1x16xf32> to vector<16xf32>
      %add3A_670 = arith.addf %scan3A_572, %get3A_669 : vector<16xf32>
      %swap3A_671 = arith.constant 0 : i32
      %swap3A_672 = arith.index_cast %swap3A_671 : i32 to index
      %swap3A_673 = arith.index_cast %scan3A_565 : i32 to index
      %swap3A_674 = arith.constant 96 : index
      %swap3A_675 = tpu.vector_load %arg4[%swap3A_672, %swap3A_673, %swap3A_674] {strides = array<i32>} : memref<4x64x256xf32, #tpu.memory_space<vmem>>, vector<1x1x16xf32>,
      %swap3A_676 = vector.shape_cast %swap3A_675 : vector<1x1x16xf32> to vector<16xf32>
      %swap3A_677 = vector.shape_cast %add3A_670 : vector<16xf32> to vector<1x1x16xf32>
      tpu.vector_store %arg4[%swap3A_672, %swap3A_673, %swap3A_674], %swap3A_677 {strides = array<i32>} : memref<4x64x256xf32, #tpu.memory_space<vmem>>, vector<1x1x16xf32>,
      %get3A_678 = arith.constant 0 : i32
      %get3A_679 = arith.index_cast %get3A_678 : i32 to index
      %get3A_680 = arith.index_cast %scan3A_565 : i32 to index
      %get3A_681 = arith.constant 112 : index
      %get3A_682 = tpu.vector_load %arg4[%get3A_679, %get3A_680, %get3A_681] {strides = array<i32>} : memref<4x64x256xf32, #tpu.memory_space<vmem>>, vector<1x1x16xf32>,
      %get3A_683 = vector.shape_cast %get3A_682 : vector<1x1x16xf32> to vector<16xf32>
      %add3A_684 = arith.addf %scan3A_573, %get3A_683 : vector<16xf32>
      %swap3A_685 = arith.constant 0 : i32
      %swap3A_686 = arith.index_cast %swap3A_685 : i32 to index
      %swap3A_687 = arith.index_cast %scan3A_565 : i32 to index
      %swap3A_688 = arith.constant 112 : index
      %swap3A_689 = tpu.vector_load %arg4[%swap3A_686, %swap3A_687, %swap3A_688] {strides = array<i32>} : memref<4x64x256xf32, #tpu.memory_space<vmem>>, vector<1x1x16xf32>,
      %swap3A_690 = vector.shape_cast %swap3A_689 : vector<1x1x16xf32> to vector<16xf32>
      %swap3A_691 = vector.shape_cast %add3A_684 : vector<16xf32> to vector<1x1x16xf32>
      tpu.vector_store %arg4[%swap3A_686, %swap3A_687, %swap3A_688], %swap3A_691 {strides = array<i32>} : memref<4x64x256xf32, #tpu.memory_space<vmem>>, vector<1x1x16xf32>,
      %get3A_692 = arith.constant 0 : i32
      %get3A_693 = arith.index_cast %get3A_692 : i32 to index
      %get3A_694 = arith.index_cast %scan3A_565 : i32 to index
      %get3A_695 = arith.constant 128 : index
      %get3A_696 = tpu.vector_load %arg4[%get3A_693, %get3A_694, %get3A_695] {strides = array<i32>} : memref<4x64x256xf32, #tpu.memory_space<vmem>>, vector<1x1x16xf32>,
      %get3A_697 = vector.shape_cast %get3A_696 : vector<1x1x16xf32> to vector<16xf32>
      %add3A_698 = arith.addf %scan3A_574, %get3A_697 : vector<16xf32>
      %swap3A_699 = arith.constant 0 : i32
      %swap3A_700 = arith.index_cast %swap3A_699 : i32 to index
      %swap3A_701 = arith.index_cast %scan3A_565 : i32 to index
      %swap3A_702 = arith.constant 128 : index
      %swap3A_703 = tpu.vector_load %arg4[%swap3A_700, %swap3A_701, %swap3A_702] {strides = array<i32>} : memref<4x64x256xf32, #tpu.memory_space<vmem>>, vector<1x1x16xf32>,
      %swap3A_704 = vector.shape_cast %swap3A_703 : vector<1x1x16xf32> to vector<16xf32>
      %swap3A_705 = vector.shape_cast %add3A_698 : vector<16xf32> to vector<1x1x16xf32>
      tpu.vector_store %arg4[%swap3A_700, %swap3A_701, %swap3A_702], %swap3A_705 {strides = array<i32>} : memref<4x64x256xf32, #tpu.memory_space<vmem>>, vector<1x1x16xf32>,
      %get3A_706 = arith.constant 0 : i32
      %get3A_707 = arith.index_cast %get3A_706 : i32 to index
      %get3A_708 = arith.index_cast %scan3A_565 : i32 to index
      %get3A_709 = arith.constant 144 : index
      %get3A_710 = tpu.vector_load %arg4[%get3A_707, %get3A_708, %get3A_709] {strides = array<i32>} : memref<4x64x256xf32, #tpu.memory_space<vmem>>, vector<1x1x16xf32>,
      %get3A_711 = vector.shape_cast %get3A_710 : vector<1x1x16xf32> to vector<16xf32>
      %add3A_712 = arith.addf %scan3A_575, %get3A_711 : vector<16xf32>
      %swap3A_713 = arith.constant 0 : i32
      %swap3A_714 = arith.index_cast %swap3A_713 : i32 to index
      %swap3A_715 = arith.index_cast %scan3A_565 : i32 to index
      %swap3A_716 = arith.constant 144 : index
      %swap3A_717 = tpu.vector_load %arg4[%swap3A_714, %swap3A_715, %swap3A_716] {strides = array<i32>} : memref<4x64x256xf32, #tpu.memory_space<vmem>>, vector<1x1x16xf32>,
      %swap3A_718 = vector.shape_cast %swap3A_717 : vector<1x1x16xf32> to vector<16xf32>
      %swap3A_719 = vector.shape_cast %add3A_712 : vector<16xf32> to vector<1x1x16xf32>
      tpu.vector_store %arg4[%swap3A_714, %swap3A_715, %swap3A_716], %swap3A_719 {strides = array<i32>} : memref<4x64x256xf32, #tpu.memory_space<vmem>>, vector<1x1x16xf32>,
      %get3A_720 = arith.constant 0 : i32
      %get3A_721 = arith.index_cast %get3A_720 : i32 to index
      %get3A_722 = arith.index_cast %scan3A_565 : i32 to index
      %get3A_723 = arith.constant 160 : index
      %get3A_724 = tpu.vector_load %arg4[%get3A_721, %get3A_722, %get3A_723] {strides = array<i32>} : memref<4x64x256xf32, #tpu.memory_space<vmem>>, vector<1x1x16xf32>,
      %get3A_725 = vector.shape_cast %get3A_724 : vector<1x1x16xf32> to vector<16xf32>
      %add3A_726 = arith.addf %scan3A_576, %get3A_725 : vector<16xf32>
      %swap3A_727 = arith.constant 0 : i32
      %swap3A_728 = arith.index_cast %swap3A_727 : i32 to index
      %swap3A_729 = arith.index_cast %scan3A_565 : i32 to index
      %swap3A_730 = arith.constant 160 : index
      %swap3A_731 = tpu.vector_load %arg4[%swap3A_728, %swap3A_729, %swap3A_730] {strides = array<i32>} : memref<4x64x256xf32, #tpu.memory_space<vmem>>, vector<1x1x16xf32>,
      %swap3A_732 = vector.shape_cast %swap3A_731 : vector<1x1x16xf32> to vector<16xf32>
      %swap3A_733 = vector.shape_cast %add3A_726 : vector<16xf32> to vector<1x1x16xf32>
      tpu.vector_store %arg4[%swap3A_728, %swap3A_729, %swap3A_730], %swap3A_733 {strides = array<i32>} : memref<4x64x256xf32, #tpu.memory_space<vmem>>, vector<1x1x16xf32>,
      %get3A_734 = arith.constant 0 : i32
      %get3A_735 = arith.index_cast %get3A_734 : i32 to index
      %get3A_736 = arith.index_cast %scan3A_565 : i32 to index
      %get3A_737 = arith.constant 176 : index
      %get3A_738 = tpu.vector_load %arg4[%get3A_735, %get3A_736, %get3A_737] {strides = array<i32>} : memref<4x64x256xf32, #tpu.memory_space<vmem>>, vector<1x1x16xf32>,
      %get3A_739 = vector.shape_cast %get3A_738 : vector<1x1x16xf32> to vector<16xf32>
      %add3A_740 = arith.addf %scan3A_577, %get3A_739 : vector<16xf32>
      %swap3A_741 = arith.constant 0 : i32
      %swap3A_742 = arith.index_cast %swap3A_741 : i32 to index
      %swap3A_743 = arith.index_cast %scan3A_565 : i32 to index
      %swap3A_744 = arith.constant 176 : index
      %swap3A_745 = tpu.vector_load %arg4[%swap3A_742, %swap3A_743, %swap3A_744] {strides = array<i32>} : memref<4x64x256xf32, #tpu.memory_space<vmem>>, vector<1x1x16xf32>,
      %swap3A_746 = vector.shape_cast %swap3A_745 : vector<1x1x16xf32> to vector<16xf32>
      %swap3A_747 = vector.shape_cast %add3A_740 : vector<16xf32> to vector<1x1x16xf32>
      tpu.vector_store %arg4[%swap3A_742, %swap3A_743, %swap3A_744], %swap3A_747 {strides = array<i32>} : memref<4x64x256xf32, #tpu.memory_space<vmem>>, vector<1x1x16xf32>,
      %get3A_748 = arith.constant 0 : i32
      %get3A_749 = arith.index_cast %get3A_748 : i32 to index
      %get3A_750 = arith.index_cast %scan3A_565 : i32 to index
      %get3A_751 = arith.constant 192 : index
      %get3A_752 = tpu.vector_load %arg4[%get3A_749, %get3A_750, %get3A_751] {strides = array<i32>} : memref<4x64x256xf32, #tpu.memory_space<vmem>>, vector<1x1x16xf32>,
      %get3A_753 = vector.shape_cast %get3A_752 : vector<1x1x16xf32> to vector<16xf32>
      %add3A_754 = arith.addf %scan3A_578, %get3A_753 : vector<16xf32>
      %swap3A_755 = arith.constant 0 : i32
      %swap3A_756 = arith.index_cast %swap3A_755 : i32 to index
      %swap3A_757 = arith.index_cast %scan3A_565 : i32 to index
      %swap3A_758 = arith.constant 192 : index
      %swap3A_759 = tpu.vector_load %arg4[%swap3A_756, %swap3A_757, %swap3A_758] {strides = array<i32>} : memref<4x64x256xf32, #tpu.memory_space<vmem>>, vector<1x1x16xf32>,
      %swap3A_760 = vector.shape_cast %swap3A_759 : vector<1x1x16xf32> to vector<16xf32>
      %swap3A_761 = vector.shape_cast %add3A_754 : vector<16xf32> to vector<1x1x16xf32>
      tpu.vector_store %arg4[%swap3A_756, %swap3A_757, %swap3A_758], %swap3A_761 {strides = array<i32>} : memref<4x64x256xf32, #tpu.memory_space<vmem>>, vector<1x1x16xf32>,
      %get3A_762 = arith.constant 0 : i32
      %get3A_763 = arith.index_cast %get3A_762 : i32 to index
      %get3A_764 = arith.index_cast %scan3A_565 : i32 to index
      %get3A_765 = arith.constant 208 : index
      %get3A_766 = tpu.vector_load %arg4[%get3A_763, %get3A_764, %get3A_765] {strides = array<i32>} : memref<4x64x256xf32, #tpu.memory_space<vmem>>, vector<1x1x16xf32>,
      %get3A_767 = vector.shape_cast %get3A_766 : vector<1x1x16xf32> to vector<16xf32>
      %add3A_768 = arith.addf %scan3A_579, %get3A_767 : vector<16xf32>
      %swap3A_769 = arith.constant 0 : i32
      %swap3A_770 = arith.index_cast %swap3A_769 : i32 to index
      %swap3A_771 = arith.index_cast %scan3A_565 : i32 to index
      %swap3A_772 = arith.constant 208 : index
      %swap3A_773 = tpu.vector_load %arg4[%swap3A_770, %swap3A_771, %swap3A_772] {strides = array<i32>} : memref<4x64x256xf32, #tpu.memory_space<vmem>>, vector<1x1x16xf32>,
      %swap3A_774 = vector.shape_cast %swap3A_773 : vector<1x1x16xf32> to vector<16xf32>
      %swap3A_775 = vector.shape_cast %add3A_768 : vector<16xf32> to vector<1x1x16xf32>
      tpu.vector_store %arg4[%swap3A_770, %swap3A_771, %swap3A_772], %swap3A_775 {strides = array<i32>} : memref<4x64x256xf32, #tpu.memory_space<vmem>>, vector<1x1x16xf32>,
      %get3A_776 = arith.constant 0 : i32
      %get3A_777 = arith.index_cast %get3A_776 : i32 to index
      %get3A_778 = arith.index_cast %scan3A_565 : i32 to index
      %get3A_779 = arith.constant 224 : index
      %get3A_780 = tpu.vector_load %arg4[%get3A_777, %get3A_778, %get3A_779] {strides = array<i32>} : memref<4x64x256xf32, #tpu.memory_space<vmem>>, vector<1x1x16xf32>,
      %get3A_781 = vector.shape_cast %get3A_780 : vector<1x1x16xf32> to vector<16xf32>
      %add3A_782 = arith.addf %scan3A_580, %get3A_781 : vector<16xf32>
      %swap3A_783 = arith.constant 0 : i32
      %swap3A_784 = arith.index_cast %swap3A_783 : i32 to index
      %swap3A_785 = arith.index_cast %scan3A_565 : i32 to index
      %swap3A_786 = arith.constant 224 : index
      %swap3A_787 = tpu.vector_load %arg4[%swap3A_784, %swap3A_785, %swap3A_786] {strides = array<i32>} : memref<4x64x256xf32, #tpu.memory_space<vmem>>, vector<1x1x16xf32>,
      %swap3A_788 = vector.shape_cast %swap3A_787 : vector<1x1x16xf32> to vector<16xf32>
      %swap3A_789 = vector.shape_cast %add3A_782 : vector<16xf32> to vector<1x1x16xf32>
      tpu.vector_store %arg4[%swap3A_784, %swap3A_785, %swap3A_786], %swap3A_789 {strides = array<i32>} : memref<4x64x256xf32, #tpu.memory_space<vmem>>, vector<1x1x16xf32>,
      %get3A_790 = arith.constant 0 : i32
      %get3A_791 = arith.index_cast %get3A_790 : i32 to index
      %get3A_792 = arith.index_cast %scan3A_565 : i32 to index
      %get3A_793 = arith.constant 240 : index
      %get3A_794 = tpu.vector_load %arg4[%get3A_791, %get3A_792, %get3A_793] {strides = array<i32>} : memref<4x64x256xf32, #tpu.memory_space<vmem>>, vector<1x1x16xf32>,
      %get3A_795 = vector.shape_cast %get3A_794 : vector<1x1x16xf32> to vector<16xf32>
      %add3A_796 = arith.addf %scan3A_581, %get3A_795 : vector<16xf32>
      %swap3A_797 = arith.constant 0 : i32
      %swap3A_798 = arith.index_cast %swap3A_797 : i32 to index
      %swap3A_799 = arith.index_cast %scan3A_565 : i32 to index
      %swap3A_800 = arith.constant 240 : index
      %swap3A_801 = tpu.vector_load %arg4[%swap3A_798, %swap3A_799, %swap3A_800] {strides = array<i32>} : memref<4x64x256xf32, #tpu.memory_space<vmem>>, vector<1x1x16xf32>,
      %swap3A_802 = vector.shape_cast %swap3A_801 : vector<1x1x16xf32> to vector<16xf32>
      %swap3A_803 = vector.shape_cast %add3A_796 : vector<16xf32> to vector<1x1x16xf32>
      tpu.vector_store %arg4[%swap3A_798, %swap3A_799, %swap3A_800], %swap3A_803 {strides = array<i32>} : memref<4x64x256xf32, #tpu.memory_space<vmem>>, vector<1x1x16xf32>,
      scf.yield %add3A_587, %add3A_600, %add3A_614, %add3A_628, %add3A_642, %add3A_656, %add3A_670, %add3A_684, %add3A_698, %add3A_712, %add3A_726, %add3A_740, %add3A_754, %add3A_768, %add3A_782, %add3A_796 : vector<16xf32>, vector<16xf32>, vector<16xf32>, vector<16xf32>, vector<16xf32>, vector<16xf32>, vector<16xf32>, vector<16xf32>, vector<16xf32>, vector<16xf32>, vector<16xf32>, vector<16xf32>, vector<16xf32>, vector<16xf32>, vector<16xf32>, vector<16xf32>
    }
    %scan3A_321 = arith.constant 64 : i32
    %dma_start3A_322 = arith.constant 0 : i32
    %dma_start3A_323 = arith.constant 0 : i32
    %dma_start3A_324 = arith.constant 0 : i32
    %dma_start3A_325 = tpu.memref_slice %arg4[%dma_start3A_322, %dma_start3A_323, %dma_start3A_324] : memref<4x64x256xf32, #tpu.memory_space<vmem>> -> memref<1x64x256xf32, #tpu.memory_space<vmem>>
    %dma_start3A_326 = tpu.memref_squeeze %dma_start3A_325 : memref<1x64x256xf32, #tpu.memory_space<vmem>> -> memref<64x256xf32, #tpu.memory_space<vmem>>
    %dma_start3A_327 = arith.constant 3840 : i32
    %dma_start3A_328 = tpu.memref_slice %arg3[%select_n3A, %dma_start3A_327, %mul3A_32] : memref<4x4096x2048xf32, #tpu.memory_space<hbm>> -> memref<1x64x256xf32, #tpu.memory_space<hbm>>
    %dma_start3A_329 = tpu.memref_squeeze %dma_start3A_328 : memref<1x64x256xf32, #tpu.memory_space<hbm>> -> memref<64x256xf32, #tpu.memory_space<hbm>>
    %dma_start3A_330 = arith.constant 3840 : i32
    %dma_start3A_331 = tpu.memref_slice %arg3[%select_n3A, %dma_start3A_330, %mul3A_32] : memref<4x4096x2048xf32, #tpu.memory_space<hbm>> -> memref<1x64x256xf32, #tpu.memory_space<hbm>>
    %dma_start3A_332 = tpu.memref_squeeze %dma_start3A_331 : memref<1x64x256xf32, #tpu.memory_space<hbm>> -> memref<64x256xf32, #tpu.memory_space<hbm>>
    %dma_start3A_333 = arith.constant 0 : i32
    %dma_start3A_334 = arith.constant 0 : i32
    %dma_start3A_335 = tpu.memref_slice %arg4[%dma_start3A_322, %dma_start3A_333, %dma_start3A_334] : memref<4x64x256xf32, #tpu.memory_space<vmem>> -> memref<1x64x256xf32, #tpu.memory_space<vmem>>
    %dma_start3A_336 = tpu.memref_squeeze %dma_start3A_335 : memref<1x64x256xf32, #tpu.memory_space<vmem>> -> memref<64x256xf32, #tpu.memory_space<vmem>>
    tpu.enqueue_dma source(%dma_start3A_336 : memref<64x256xf32, #tpu.memory_space<vmem>>) target(%dma_start3A_332 : memref<64x256xf32, #tpu.memory_space<hbm>>) target_semaphore(%arg9 : memref<!tpu.dma_semaphore, #tpu.memory_space<semaphore_mem>>)
    %dma_wait3A_337 = arith.constant 2 : i32
    %dma_wait3A_338 = arith.constant 0 : i32
    %dma_wait3A_339 = arith.constant 0 : i32
    %dma_wait3A_340 = tpu.memref_slice %arg4[%dma_wait3A_337, %dma_wait3A_338, %dma_wait3A_339] : memref<4x64x256xf32, #tpu.memory_space<vmem>> -> memref<1x64x256xf32, #tpu.memory_space<vmem>>
    %dma_wait3A_341 = tpu.memref_squeeze %dma_wait3A_340 : memref<1x64x256xf32, #tpu.memory_space<vmem>> -> memref<64x256xf32, #tpu.memory_space<vmem>>
    %dma_wait3A_342 = arith.constant 3712 : i32
    %dma_wait3A_343 = tpu.memref_slice %arg3[%select_n3A, %dma_wait3A_342, %mul3A_32] : memref<4x4096x2048xf32, #tpu.memory_space<hbm>> -> memref<1x64x256xf32, #tpu.memory_space<hbm>>
    %dma_wait3A_344 = tpu.memref_squeeze %dma_wait3A_343 : memref<1x64x256xf32, #tpu.memory_space<hbm>> -> memref<64x256xf32, #tpu.memory_space<hbm>>
    %dma_wait3A_345 = arith.constant 3712 : i32
    %dma_wait3A_346 = tpu.memref_slice %arg3[%select_n3A, %dma_wait3A_345, %mul3A_32] : memref<4x4096x2048xf32, #tpu.memory_space<hbm>> -> memref<1x64x256xf32, #tpu.memory_space<hbm>>
    %dma_wait3A_347 = tpu.memref_squeeze %dma_wait3A_346 : memref<1x64x256xf32, #tpu.memory_space<hbm>> -> memref<64x256xf32, #tpu.memory_space<hbm>>
    %dma_wait3A_348 = arith.constant 0 : i32
    %dma_wait3A_349 = arith.constant 0 : i32
    %dma_wait3A_350 = tpu.memref_slice %arg4[%dma_wait3A_337, %dma_wait3A_348, %dma_wait3A_349] : memref<4x64x256xf32, #tpu.memory_space<vmem>> -> memref<1x64x256xf32, #tpu.memory_space<vmem>>
    %dma_wait3A_351 = tpu.memref_squeeze %dma_wait3A_350 : memref<1x64x256xf32, #tpu.memory_space<vmem>> -> memref<64x256xf32, #tpu.memory_space<vmem>>
    tpu.wait_dma2 semaphore(%arg11 : memref<!tpu.dma_semaphore, #tpu.memory_space<semaphore_mem>>) src(%dma_wait3A_351 : memref<64x256xf32, #tpu.memory_space<vmem>>) dst(%dma_wait3A_347 : memref<64x256xf32, #tpu.memory_space<hbm>>)
    %dma_start3A_352 = arith.constant 2 : i32
    %dma_start3A_353 = arith.constant 0 : i32
    %dma_start3A_354 = arith.constant 0 : i32
    %dma_start3A_355 = tpu.memref_slice %arg4[%dma_start3A_352, %dma_start3A_353, %dma_start3A_354] : memref<4x64x256xf32, #tpu.memory_space<vmem>> -> memref<1x64x256xf32, #tpu.memory_space<vmem>>
    %dma_start3A_356 = tpu.memref_squeeze %dma_start3A_355 : memref<1x64x256xf32, #tpu.memory_space<vmem>> -> memref<64x256xf32, #tpu.memory_space<vmem>>
    %dma_start3A_357 = arith.constant 3968 : i32
    %dma_start3A_358 = tpu.memref_slice %arg2[%select_n3A, %dma_start3A_357, %mul3A_32] : memref<4x4096x2048xf32, #tpu.memory_space<hbm>> -> memref<1x64x256xf32, #tpu.memory_space<hbm>>
    %dma_start3A_359 = tpu.memref_squeeze %dma_start3A_358 : memref<1x64x256xf32, #tpu.memory_space<hbm>> -> memref<64x256xf32, #tpu.memory_space<hbm>>
    %dma_start3A_360 = arith.constant 0 : i32
    %dma_start3A_361 = arith.constant 0 : i32
    %dma_start3A_362 = tpu.memref_slice %arg4[%dma_start3A_352, %dma_start3A_360, %dma_start3A_361] : memref<4x64x256xf32, #tpu.memory_space<vmem>> -> memref<1x64x256xf32, #tpu.memory_space<vmem>>
    %dma_start3A_363 = tpu.memref_squeeze %dma_start3A_362 : memref<1x64x256xf32, #tpu.memory_space<vmem>> -> memref<64x256xf32, #tpu.memory_space<vmem>>
    %dma_start3A_364 = arith.constant 3968 : i32
    %dma_start3A_365 = tpu.memref_slice %arg2[%select_n3A, %dma_start3A_364, %mul3A_32] : memref<4x4096x2048xf32, #tpu.memory_space<hbm>> -> memref<1x64x256xf32, #tpu.memory_space<hbm>>
    %dma_start3A_366 = tpu.memref_squeeze %dma_start3A_365 : memref<1x64x256xf32, #tpu.memory_space<hbm>> -> memref<64x256xf32, #tpu.memory_space<hbm>>
    tpu.enqueue_dma source(%dma_start3A_366 : memref<64x256xf32, #tpu.memory_space<hbm>>) target(%dma_start3A_363 : memref<64x256xf32, #tpu.memory_space<vmem>>) target_semaphore(%arg7 : memref<!tpu.dma_semaphore, #tpu.memory_space<semaphore_mem>>)
    %dma_wait3A_367 = arith.constant 1 : i32
    %dma_wait3A_368 = arith.constant 0 : i32
    %dma_wait3A_369 = arith.constant 0 : i32
    %dma_wait3A_370 = tpu.memref_slice %arg4[%dma_wait3A_367, %dma_wait3A_368, %dma_wait3A_369] : memref<4x64x256xf32, #tpu.memory_space<vmem>> -> memref<1x64x256xf32, #tpu.memory_space<vmem>>
    %dma_wait3A_371 = tpu.memref_squeeze %dma_wait3A_370 : memref<1x64x256xf32, #tpu.memory_space<vmem>> -> memref<64x256xf32, #tpu.memory_space<vmem>>
    %dma_wait3A_372 = arith.constant 3904 : i32
    %dma_wait3A_373 = tpu.memref_slice %arg2[%select_n3A, %dma_wait3A_372, %mul3A_32] : memref<4x4096x2048xf32, #tpu.memory_space<hbm>> -> memref<1x64x256xf32, #tpu.memory_space<hbm>>
    %dma_wait3A_374 = tpu.memref_squeeze %dma_wait3A_373 : memref<1x64x256xf32, #tpu.memory_space<hbm>> -> memref<64x256xf32, #tpu.memory_space<hbm>>
    %dma_wait3A_375 = arith.constant 0 : i32
    %dma_wait3A_376 = arith.constant 0 : i32
    %dma_wait3A_377 = tpu.memref_slice %arg4[%dma_wait3A_367, %dma_wait3A_375, %dma_wait3A_376] : memref<4x64x256xf32, #tpu.memory_space<vmem>> -> memref<1x64x256xf32, #tpu.memory_space<vmem>>
    %dma_wait3A_378 = tpu.memref_squeeze %dma_wait3A_377 : memref<1x64x256xf32, #tpu.memory_space<vmem>> -> memref<64x256xf32, #tpu.memory_space<vmem>>
    %dma_wait3A_379 = arith.constant 3904 : i32
    %dma_wait3A_380 = tpu.memref_slice %arg2[%select_n3A, %dma_wait3A_379, %mul3A_32] : memref<4x4096x2048xf32, #tpu.memory_space<hbm>> -> memref<1x64x256xf32, #tpu.memory_space<hbm>>
    %dma_wait3A_381 = tpu.memref_squeeze %dma_wait3A_380 : memref<1x64x256xf32, #tpu.memory_space<hbm>> -> memref<64x256xf32, #tpu.memory_space<hbm>>
    tpu.wait_dma2 semaphore(%arg6 : memref<!tpu.dma_semaphore, #tpu.memory_space<semaphore_mem>>) src(%dma_wait3A_381 : memref<64x256xf32, #tpu.memory_space<hbm>>) dst(%dma_wait3A_378 : memref<64x256xf32, #tpu.memory_space<vmem>>)
    %scan3A_382 = arith.constant 0 : i32
    %scan3A_383 = arith.constant 64 : i32
    %scan3A_384 = arith.addi %scan3A_382, %scan3A_383 : i32
    %scan3A_385 = arith.constant 1 : i32
    %scan3A_386:16 = scf.for %scan3A_565 = %scan3A_382 to %scan3A_384 step %scan3A_385 iter_args(%scan3A_566 = %scan3A_320#0, %scan3A_567 = %scan3A_320#1, %scan3A_568 = %scan3A_320#2, %scan3A_569 = %scan3A_320#3, %scan3A_570 = %scan3A_320#4, %scan3A_571 = %scan3A_320#5, %scan3A_572 = %scan3A_320#6, %scan3A_573 = %scan3A_320#7, %scan3A_574 = %scan3A_320#8, %scan3A_575 = %scan3A_320#9, %scan3A_576 = %scan3A_320#10, %scan3A_577 = %scan3A_320#11, %scan3A_578 = %scan3A_320#12, %scan3A_579 = %scan3A_320#13, %scan3A_580 = %scan3A_320#14, %scan3A_581 = %scan3A_320#15) -> (vector<16xf32>, vector<16xf32>, vector<16xf32>, vector<16xf32>, vector<16xf32>, vector<16xf32>, vector<16xf32>, vector<16xf32>, vector<16xf32>, vector<16xf32>, vector<16xf32>, vector<16xf32>, vector<16xf32>, vector<16xf32>, vector<16xf32>, vector<16xf32>)  : i32 {
      %get3A = arith.constant 1 : i32
      %get3A_582 = arith.index_cast %get3A : i32 to index
      %get3A_583 = arith.index_cast %scan3A_565 : i32 to index
      %get3A_584 = arith.constant 0 : index
      %get3A_585 = tpu.vector_load %arg4[%get3A_582, %get3A_583, %get3A_584] {strides = array<i32>} : memref<4x64x256xf32, #tpu.memory_space<vmem>>, vector<1x1x16xf32>,
      %get3A_586 = vector.shape_cast %get3A_585 : vector<1x1x16xf32> to vector<16xf32>
      %add3A_587 = arith.addf %scan3A_566, %get3A_586 : vector<16xf32>
      %swap3A = arith.constant 1 : i32
      %swap3A_588 = arith.index_cast %swap3A : i32 to index
      %swap3A_589 = arith.index_cast %scan3A_565 : i32 to index
      %swap3A_590 = arith.constant 0 : index
      %swap3A_591 = tpu.vector_load %arg4[%swap3A_588, %swap3A_589, %swap3A_590] {strides = array<i32>} : memref<4x64x256xf32, #tpu.memory_space<vmem>>, vector<1x1x16xf32>,
      %swap3A_592 = vector.shape_cast %swap3A_591 : vector<1x1x16xf32> to vector<16xf32>
      %swap3A_593 = vector.shape_cast %add3A_587 : vector<16xf32> to vector<1x1x16xf32>
      tpu.vector_store %arg4[%swap3A_588, %swap3A_589, %swap3A_590], %swap3A_593 {strides = array<i32>} : memref<4x64x256xf32, #tpu.memory_space<vmem>>, vector<1x1x16xf32>,
      %get3A_594 = arith.constant 1 : i32
      %get3A_595 = arith.index_cast %get3A_594 : i32 to index
      %get3A_596 = arith.index_cast %scan3A_565 : i32 to index
      %get3A_597 = arith.constant 16 : index
      %get3A_598 = tpu.vector_load %arg4[%get3A_595, %get3A_596, %get3A_597] {strides = array<i32>} : memref<4x64x256xf32, #tpu.memory_space<vmem>>, vector<1x1x16xf32>,
      %get3A_599 = vector.shape_cast %get3A_598 : vector<1x1x16xf32> to vector<16xf32>
      %add3A_600 = arith.addf %scan3A_567, %get3A_599 : vector<16xf32>
      %swap3A_601 = arith.constant 1 : i32
      %swap3A_602 = arith.index_cast %swap3A_601 : i32 to index
      %swap3A_603 = arith.index_cast %scan3A_565 : i32 to index
      %swap3A_604 = arith.constant 16 : index
      %swap3A_605 = tpu.vector_load %arg4[%swap3A_602, %swap3A_603, %swap3A_604] {strides = array<i32>} : memref<4x64x256xf32, #tpu.memory_space<vmem>>, vector<1x1x16xf32>,
      %swap3A_606 = vector.shape_cast %swap3A_605 : vector<1x1x16xf32> to vector<16xf32>
      %swap3A_607 = vector.shape_cast %add3A_600 : vector<16xf32> to vector<1x1x16xf32>
      tpu.vector_store %arg4[%swap3A_602, %swap3A_603, %swap3A_604], %swap3A_607 {strides = array<i32>} : memref<4x64x256xf32, #tpu.memory_space<vmem>>, vector<1x1x16xf32>,
      %get3A_608 = arith.constant 1 : i32
      %get3A_609 = arith.index_cast %get3A_608 : i32 to index
      %get3A_610 = arith.index_cast %scan3A_565 : i32 to index
      %get3A_611 = arith.constant 32 : index
      %get3A_612 = tpu.vector_load %arg4[%get3A_609, %get3A_610, %get3A_611] {strides = array<i32>} : memref<4x64x256xf32, #tpu.memory_space<vmem>>, vector<1x1x16xf32>,
      %get3A_613 = vector.shape_cast %get3A_612 : vector<1x1x16xf32> to vector<16xf32>
      %add3A_614 = arith.addf %scan3A_568, %get3A_613 : vector<16xf32>
      %swap3A_615 = arith.constant 1 : i32
      %swap3A_616 = arith.index_cast %swap3A_615 : i32 to index
      %swap3A_617 = arith.index_cast %scan3A_565 : i32 to index
      %swap3A_618 = arith.constant 32 : index
      %swap3A_619 = tpu.vector_load %arg4[%swap3A_616, %swap3A_617, %swap3A_618] {strides = array<i32>} : memref<4x64x256xf32, #tpu.memory_space<vmem>>, vector<1x1x16xf32>,
      %swap3A_620 = vector.shape_cast %swap3A_619 : vector<1x1x16xf32> to vector<16xf32>
      %swap3A_621 = vector.shape_cast %add3A_614 : vector<16xf32> to vector<1x1x16xf32>
      tpu.vector_store %arg4[%swap3A_616, %swap3A_617, %swap3A_618], %swap3A_621 {strides = array<i32>} : memref<4x64x256xf32, #tpu.memory_space<vmem>>, vector<1x1x16xf32>,
      %get3A_622 = arith.constant 1 : i32
      %get3A_623 = arith.index_cast %get3A_622 : i32 to index
      %get3A_624 = arith.index_cast %scan3A_565 : i32 to index
      %get3A_625 = arith.constant 48 : index
      %get3A_626 = tpu.vector_load %arg4[%get3A_623, %get3A_624, %get3A_625] {strides = array<i32>} : memref<4x64x256xf32, #tpu.memory_space<vmem>>, vector<1x1x16xf32>,
      %get3A_627 = vector.shape_cast %get3A_626 : vector<1x1x16xf32> to vector<16xf32>
      %add3A_628 = arith.addf %scan3A_569, %get3A_627 : vector<16xf32>
      %swap3A_629 = arith.constant 1 : i32
      %swap3A_630 = arith.index_cast %swap3A_629 : i32 to index
      %swap3A_631 = arith.index_cast %scan3A_565 : i32 to index
      %swap3A_632 = arith.constant 48 : index
      %swap3A_633 = tpu.vector_load %arg4[%swap3A_630, %swap3A_631, %swap3A_632] {strides = array<i32>} : memref<4x64x256xf32, #tpu.memory_space<vmem>>, vector<1x1x16xf32>,
      %swap3A_634 = vector.shape_cast %swap3A_633 : vector<1x1x16xf32> to vector<16xf32>
      %swap3A_635 = vector.shape_cast %add3A_628 : vector<16xf32> to vector<1x1x16xf32>
      tpu.vector_store %arg4[%swap3A_630, %swap3A_631, %swap3A_632], %swap3A_635 {strides = array<i32>} : memref<4x64x256xf32, #tpu.memory_space<vmem>>, vector<1x1x16xf32>,
      %get3A_636 = arith.constant 1 : i32
      %get3A_637 = arith.index_cast %get3A_636 : i32 to index
      %get3A_638 = arith.index_cast %scan3A_565 : i32 to index
      %get3A_639 = arith.constant 64 : index
      %get3A_640 = tpu.vector_load %arg4[%get3A_637, %get3A_638, %get3A_639] {strides = array<i32>} : memref<4x64x256xf32, #tpu.memory_space<vmem>>, vector<1x1x16xf32>,
      %get3A_641 = vector.shape_cast %get3A_640 : vector<1x1x16xf32> to vector<16xf32>
      %add3A_642 = arith.addf %scan3A_570, %get3A_641 : vector<16xf32>
      %swap3A_643 = arith.constant 1 : i32
      %swap3A_644 = arith.index_cast %swap3A_643 : i32 to index
      %swap3A_645 = arith.index_cast %scan3A_565 : i32 to index
      %swap3A_646 = arith.constant 64 : index
      %swap3A_647 = tpu.vector_load %arg4[%swap3A_644, %swap3A_645, %swap3A_646] {strides = array<i32>} : memref<4x64x256xf32, #tpu.memory_space<vmem>>, vector<1x1x16xf32>,
      %swap3A_648 = vector.shape_cast %swap3A_647 : vector<1x1x16xf32> to vector<16xf32>
      %swap3A_649 = vector.shape_cast %add3A_642 : vector<16xf32> to vector<1x1x16xf32>
      tpu.vector_store %arg4[%swap3A_644, %swap3A_645, %swap3A_646], %swap3A_649 {strides = array<i32>} : memref<4x64x256xf32, #tpu.memory_space<vmem>>, vector<1x1x16xf32>,
      %get3A_650 = arith.constant 1 : i32
      %get3A_651 = arith.index_cast %get3A_650 : i32 to index
      %get3A_652 = arith.index_cast %scan3A_565 : i32 to index
      %get3A_653 = arith.constant 80 : index
      %get3A_654 = tpu.vector_load %arg4[%get3A_651, %get3A_652, %get3A_653] {strides = array<i32>} : memref<4x64x256xf32, #tpu.memory_space<vmem>>, vector<1x1x16xf32>,
      %get3A_655 = vector.shape_cast %get3A_654 : vector<1x1x16xf32> to vector<16xf32>
      %add3A_656 = arith.addf %scan3A_571, %get3A_655 : vector<16xf32>
      %swap3A_657 = arith.constant 1 : i32
      %swap3A_658 = arith.index_cast %swap3A_657 : i32 to index
      %swap3A_659 = arith.index_cast %scan3A_565 : i32 to index
      %swap3A_660 = arith.constant 80 : index
      %swap3A_661 = tpu.vector_load %arg4[%swap3A_658, %swap3A_659, %swap3A_660] {strides = array<i32>} : memref<4x64x256xf32, #tpu.memory_space<vmem>>, vector<1x1x16xf32>,
      %swap3A_662 = vector.shape_cast %swap3A_661 : vector<1x1x16xf32> to vector<16xf32>
      %swap3A_663 = vector.shape_cast %add3A_656 : vector<16xf32> to vector<1x1x16xf32>
      tpu.vector_store %arg4[%swap3A_658, %swap3A_659, %swap3A_660], %swap3A_663 {strides = array<i32>} : memref<4x64x256xf32, #tpu.memory_space<vmem>>, vector<1x1x16xf32>,
      %get3A_664 = arith.constant 1 : i32
      %get3A_665 = arith.index_cast %get3A_664 : i32 to index
      %get3A_666 = arith.index_cast %scan3A_565 : i32 to index
      %get3A_667 = arith.constant 96 : index
      %get3A_668 = tpu.vector_load %arg4[%get3A_665, %get3A_666, %get3A_667] {strides = array<i32>} : memref<4x64x256xf32, #tpu.memory_space<vmem>>, vector<1x1x16xf32>,
      %get3A_669 = vector.shape_cast %get3A_668 : vector<1x1x16xf32> to vector<16xf32>
      %add3A_670 = arith.addf %scan3A_572, %get3A_669 : vector<16xf32>
      %swap3A_671 = arith.constant 1 : i32
      %swap3A_672 = arith.index_cast %swap3A_671 : i32 to index
      %swap3A_673 = arith.index_cast %scan3A_565 : i32 to index
      %swap3A_674 = arith.constant 96 : index
      %swap3A_675 = tpu.vector_load %arg4[%swap3A_672, %swap3A_673, %swap3A_674] {strides = array<i32>} : memref<4x64x256xf32, #tpu.memory_space<vmem>>, vector<1x1x16xf32>,
      %swap3A_676 = vector.shape_cast %swap3A_675 : vector<1x1x16xf32> to vector<16xf32>
      %swap3A_677 = vector.shape_cast %add3A_670 : vector<16xf32> to vector<1x1x16xf32>
      tpu.vector_store %arg4[%swap3A_672, %swap3A_673, %swap3A_674], %swap3A_677 {strides = array<i32>} : memref<4x64x256xf32, #tpu.memory_space<vmem>>, vector<1x1x16xf32>,
      %get3A_678 = arith.constant 1 : i32
      %get3A_679 = arith.index_cast %get3A_678 : i32 to index
      %get3A_680 = arith.index_cast %scan3A_565 : i32 to index
      %get3A_681 = arith.constant 112 : index
      %get3A_682 = tpu.vector_load %arg4[%get3A_679, %get3A_680, %get3A_681] {strides = array<i32>} : memref<4x64x256xf32, #tpu.memory_space<vmem>>, vector<1x1x16xf32>,
      %get3A_683 = vector.shape_cast %get3A_682 : vector<1x1x16xf32> to vector<16xf32>
      %add3A_684 = arith.addf %scan3A_573, %get3A_683 : vector<16xf32>
      %swap3A_685 = arith.constant 1 : i32
      %swap3A_686 = arith.index_cast %swap3A_685 : i32 to index
      %swap3A_687 = arith.index_cast %scan3A_565 : i32 to index
      %swap3A_688 = arith.constant 112 : index
      %swap3A_689 = tpu.vector_load %arg4[%swap3A_686, %swap3A_687, %swap3A_688] {strides = array<i32>} : memref<4x64x256xf32, #tpu.memory_space<vmem>>, vector<1x1x16xf32>,
      %swap3A_690 = vector.shape_cast %swap3A_689 : vector<1x1x16xf32> to vector<16xf32>
      %swap3A_691 = vector.shape_cast %add3A_684 : vector<16xf32> to vector<1x1x16xf32>
      tpu.vector_store %arg4[%swap3A_686, %swap3A_687, %swap3A_688], %swap3A_691 {strides = array<i32>} : memref<4x64x256xf32, #tpu.memory_space<vmem>>, vector<1x1x16xf32>,
      %get3A_692 = arith.constant 1 : i32
      %get3A_693 = arith.index_cast %get3A_692 : i32 to index
      %get3A_694 = arith.index_cast %scan3A_565 : i32 to index
      %get3A_695 = arith.constant 128 : index
      %get3A_696 = tpu.vector_load %arg4[%get3A_693, %get3A_694, %get3A_695] {strides = array<i32>} : memref<4x64x256xf32, #tpu.memory_space<vmem>>, vector<1x1x16xf32>,
      %get3A_697 = vector.shape_cast %get3A_696 : vector<1x1x16xf32> to vector<16xf32>
      %add3A_698 = arith.addf %scan3A_574, %get3A_697 : vector<16xf32>
      %swap3A_699 = arith.constant 1 : i32
      %swap3A_700 = arith.index_cast %swap3A_699 : i32 to index
      %swap3A_701 = arith.index_cast %scan3A_565 : i32 to index
      %swap3A_702 = arith.constant 128 : index
      %swap3A_703 = tpu.vector_load %arg4[%swap3A_700, %swap3A_701, %swap3A_702] {strides = array<i32>} : memref<4x64x256xf32, #tpu.memory_space<vmem>>, vector<1x1x16xf32>,
      %swap3A_704 = vector.shape_cast %swap3A_703 : vector<1x1x16xf32> to vector<16xf32>
      %swap3A_705 = vector.shape_cast %add3A_698 : vector<16xf32> to vector<1x1x16xf32>
      tpu.vector_store %arg4[%swap3A_700, %swap3A_701, %swap3A_702], %swap3A_705 {strides = array<i32>} : memref<4x64x256xf32, #tpu.memory_space<vmem>>, vector<1x1x16xf32>,
      %get3A_706 = arith.constant 1 : i32
      %get3A_707 = arith.index_cast %get3A_706 : i32 to index
      %get3A_708 = arith.index_cast %scan3A_565 : i32 to index
      %get3A_709 = arith.constant 144 : index
      %get3A_710 = tpu.vector_load %arg4[%get3A_707, %get3A_708, %get3A_709] {strides = array<i32>} : memref<4x64x256xf32, #tpu.memory_space<vmem>>, vector<1x1x16xf32>,
      %get3A_711 = vector.shape_cast %get3A_710 : vector<1x1x16xf32> to vector<16xf32>
      %add3A_712 = arith.addf %scan3A_575, %get3A_711 : vector<16xf32>
      %swap3A_713 = arith.constant 1 : i32
      %swap3A_714 = arith.index_cast %swap3A_713 : i32 to index
      %swap3A_715 = arith.index_cast %scan3A_565 : i32 to index
      %swap3A_716 = arith.constant 144 : index
      %swap3A_717 = tpu.vector_load %arg4[%swap3A_714, %swap3A_715, %swap3A_716] {strides = array<i32>} : memref<4x64x256xf32, #tpu.memory_space<vmem>>, vector<1x1x16xf32>,
      %swap3A_718 = vector.shape_cast %swap3A_717 : vector<1x1x16xf32> to vector<16xf32>
      %swap3A_719 = vector.shape_cast %add3A_712 : vector<16xf32> to vector<1x1x16xf32>
      tpu.vector_store %arg4[%swap3A_714, %swap3A_715, %swap3A_716], %swap3A_719 {strides = array<i32>} : memref<4x64x256xf32, #tpu.memory_space<vmem>>, vector<1x1x16xf32>,
      %get3A_720 = arith.constant 1 : i32
      %get3A_721 = arith.index_cast %get3A_720 : i32 to index
      %get3A_722 = arith.index_cast %scan3A_565 : i32 to index
      %get3A_723 = arith.constant 160 : index
      %get3A_724 = tpu.vector_load %arg4[%get3A_721, %get3A_722, %get3A_723] {strides = array<i32>} : memref<4x64x256xf32, #tpu.memory_space<vmem>>, vector<1x1x16xf32>,
      %get3A_725 = vector.shape_cast %get3A_724 : vector<1x1x16xf32> to vector<16xf32>
      %add3A_726 = arith.addf %scan3A_576, %get3A_725 : vector<16xf32>
      %swap3A_727 = arith.constant 1 : i32
      %swap3A_728 = arith.index_cast %swap3A_727 : i32 to index
      %swap3A_729 = arith.index_cast %scan3A_565 : i32 to index
      %swap3A_730 = arith.constant 160 : index
      %swap3A_731 = tpu.vector_load %arg4[%swap3A_728, %swap3A_729, %swap3A_730] {strides = array<i32>} : memref<4x64x256xf32, #tpu.memory_space<vmem>>, vector<1x1x16xf32>,
      %swap3A_732 = vector.shape_cast %swap3A_731 : vector<1x1x16xf32> to vector<16xf32>
      %swap3A_733 = vector.shape_cast %add3A_726 : vector<16xf32> to vector<1x1x16xf32>
      tpu.vector_store %arg4[%swap3A_728, %swap3A_729, %swap3A_730], %swap3A_733 {strides = array<i32>} : memref<4x64x256xf32, #tpu.memory_space<vmem>>, vector<1x1x16xf32>,
      %get3A_734 = arith.constant 1 : i32
      %get3A_735 = arith.index_cast %get3A_734 : i32 to index
      %get3A_736 = arith.index_cast %scan3A_565 : i32 to index
      %get3A_737 = arith.constant 176 : index
      %get3A_738 = tpu.vector_load %arg4[%get3A_735, %get3A_736, %get3A_737] {strides = array<i32>} : memref<4x64x256xf32, #tpu.memory_space<vmem>>, vector<1x1x16xf32>,
      %get3A_739 = vector.shape_cast %get3A_738 : vector<1x1x16xf32> to vector<16xf32>
      %add3A_740 = arith.addf %scan3A_577, %get3A_739 : vector<16xf32>
      %swap3A_741 = arith.constant 1 : i32
      %swap3A_742 = arith.index_cast %swap3A_741 : i32 to index
      %swap3A_743 = arith.index_cast %scan3A_565 : i32 to index
      %swap3A_744 = arith.constant 176 : index
      %swap3A_745 = tpu.vector_load %arg4[%swap3A_742, %swap3A_743, %swap3A_744] {strides = array<i32>} : memref<4x64x256xf32, #tpu.memory_space<vmem>>, vector<1x1x16xf32>,
      %swap3A_746 = vector.shape_cast %swap3A_745 : vector<1x1x16xf32> to vector<16xf32>
      %swap3A_747 = vector.shape_cast %add3A_740 : vector<16xf32> to vector<1x1x16xf32>
      tpu.vector_store %arg4[%swap3A_742, %swap3A_743, %swap3A_744], %swap3A_747 {strides = array<i32>} : memref<4x64x256xf32, #tpu.memory_space<vmem>>, vector<1x1x16xf32>,
      %get3A_748 = arith.constant 1 : i32
      %get3A_749 = arith.index_cast %get3A_748 : i32 to index
      %get3A_750 = arith.index_cast %scan3A_565 : i32 to index
      %get3A_751 = arith.constant 192 : index
      %get3A_752 = tpu.vector_load %arg4[%get3A_749, %get3A_750, %get3A_751] {strides = array<i32>} : memref<4x64x256xf32, #tpu.memory_space<vmem>>, vector<1x1x16xf32>,
      %get3A_753 = vector.shape_cast %get3A_752 : vector<1x1x16xf32> to vector<16xf32>
      %add3A_754 = arith.addf %scan3A_578, %get3A_753 : vector<16xf32>
      %swap3A_755 = arith.constant 1 : i32
      %swap3A_756 = arith.index_cast %swap3A_755 : i32 to index
      %swap3A_757 = arith.index_cast %scan3A_565 : i32 to index
      %swap3A_758 = arith.constant 192 : index
      %swap3A_759 = tpu.vector_load %arg4[%swap3A_756, %swap3A_757, %swap3A_758] {strides = array<i32>} : memref<4x64x256xf32, #tpu.memory_space<vmem>>, vector<1x1x16xf32>,
      %swap3A_760 = vector.shape_cast %swap3A_759 : vector<1x1x16xf32> to vector<16xf32>
      %swap3A_761 = vector.shape_cast %add3A_754 : vector<16xf32> to vector<1x1x16xf32>
      tpu.vector_store %arg4[%swap3A_756, %swap3A_757, %swap3A_758], %swap3A_761 {strides = array<i32>} : memref<4x64x256xf32, #tpu.memory_space<vmem>>, vector<1x1x16xf32>,
      %get3A_762 = arith.constant 1 : i32
      %get3A_763 = arith.index_cast %get3A_762 : i32 to index
      %get3A_764 = arith.index_cast %scan3A_565 : i32 to index
      %get3A_765 = arith.constant 208 : index
      %get3A_766 = tpu.vector_load %arg4[%get3A_763, %get3A_764, %get3A_765] {strides = array<i32>} : memref<4x64x256xf32, #tpu.memory_space<vmem>>, vector<1x1x16xf32>,
      %get3A_767 = vector.shape_cast %get3A_766 : vector<1x1x16xf32> to vector<16xf32>
      %add3A_768 = arith.addf %scan3A_579, %get3A_767 : vector<16xf32>
      %swap3A_769 = arith.constant 1 : i32
      %swap3A_770 = arith.index_cast %swap3A_769 : i32 to index
      %swap3A_771 = arith.index_cast %scan3A_565 : i32 to index
      %swap3A_772 = arith.constant 208 : index
      %swap3A_773 = tpu.vector_load %arg4[%swap3A_770, %swap3A_771, %swap3A_772] {strides = array<i32>} : memref<4x64x256xf32, #tpu.memory_space<vmem>>, vector<1x1x16xf32>,
      %swap3A_774 = vector.shape_cast %swap3A_773 : vector<1x1x16xf32> to vector<16xf32>
      %swap3A_775 = vector.shape_cast %add3A_768 : vector<16xf32> to vector<1x1x16xf32>
      tpu.vector_store %arg4[%swap3A_770, %swap3A_771, %swap3A_772], %swap3A_775 {strides = array<i32>} : memref<4x64x256xf32, #tpu.memory_space<vmem>>, vector<1x1x16xf32>,
      %get3A_776 = arith.constant 1 : i32
      %get3A_777 = arith.index_cast %get3A_776 : i32 to index
      %get3A_778 = arith.index_cast %scan3A_565 : i32 to index
      %get3A_779 = arith.constant 224 : index
      %get3A_780 = tpu.vector_load %arg4[%get3A_777, %get3A_778, %get3A_779] {strides = array<i32>} : memref<4x64x256xf32, #tpu.memory_space<vmem>>, vector<1x1x16xf32>,
      %get3A_781 = vector.shape_cast %get3A_780 : vector<1x1x16xf32> to vector<16xf32>
      %add3A_782 = arith.addf %scan3A_580, %get3A_781 : vector<16xf32>
      %swap3A_783 = arith.constant 1 : i32
      %swap3A_784 = arith.index_cast %swap3A_783 : i32 to index
      %swap3A_785 = arith.index_cast %scan3A_565 : i32 to index
      %swap3A_786 = arith.constant 224 : index
      %swap3A_787 = tpu.vector_load %arg4[%swap3A_784, %swap3A_785, %swap3A_786] {strides = array<i32>} : memref<4x64x256xf32, #tpu.memory_space<vmem>>, vector<1x1x16xf32>,
      %swap3A_788 = vector.shape_cast %swap3A_787 : vector<1x1x16xf32> to vector<16xf32>
      %swap3A_789 = vector.shape_cast %add3A_782 : vector<16xf32> to vector<1x1x16xf32>
      tpu.vector_store %arg4[%swap3A_784, %swap3A_785, %swap3A_786], %swap3A_789 {strides = array<i32>} : memref<4x64x256xf32, #tpu.memory_space<vmem>>, vector<1x1x16xf32>,
      %get3A_790 = arith.constant 1 : i32
      %get3A_791 = arith.index_cast %get3A_790 : i32 to index
      %get3A_792 = arith.index_cast %scan3A_565 : i32 to index
      %get3A_793 = arith.constant 240 : index
      %get3A_794 = tpu.vector_load %arg4[%get3A_791, %get3A_792, %get3A_793] {strides = array<i32>} : memref<4x64x256xf32, #tpu.memory_space<vmem>>, vector<1x1x16xf32>,
      %get3A_795 = vector.shape_cast %get3A_794 : vector<1x1x16xf32> to vector<16xf32>
      %add3A_796 = arith.addf %scan3A_581, %get3A_795 : vector<16xf32>
      %swap3A_797 = arith.constant 1 : i32
      %swap3A_798 = arith.index_cast %swap3A_797 : i32 to index
      %swap3A_799 = arith.index_cast %scan3A_565 : i32 to index
      %swap3A_800 = arith.constant 240 : index
      %swap3A_801 = tpu.vector_load %arg4[%swap3A_798, %swap3A_799, %swap3A_800] {strides = array<i32>} : memref<4x64x256xf32, #tpu.memory_space<vmem>>, vector<1x1x16xf32>,
      %swap3A_802 = vector.shape_cast %swap3A_801 : vector<1x1x16xf32> to vector<16xf32>
      %swap3A_803 = vector.shape_cast %add3A_796 : vector<16xf32> to vector<1x1x16xf32>
      tpu.vector_store %arg4[%swap3A_798, %swap3A_799, %swap3A_800], %swap3A_803 {strides = array<i32>} : memref<4x64x256xf32, #tpu.memory_space<vmem>>, vector<1x1x16xf32>,
      scf.yield %add3A_587, %add3A_600, %add3A_614, %add3A_628, %add3A_642, %add3A_656, %add3A_670, %add3A_684, %add3A_698, %add3A_712, %add3A_726, %add3A_740, %add3A_754, %add3A_768, %add3A_782, %add3A_796 : vector<16xf32>, vector<16xf32>, vector<16xf32>, vector<16xf32>, vector<16xf32>, vector<16xf32>, vector<16xf32>, vector<16xf32>, vector<16xf32>, vector<16xf32>, vector<16xf32>, vector<16xf32>, vector<16xf32>, vector<16xf32>, vector<16xf32>, vector<16xf32>
    }
    %scan3A_387 = arith.constant 64 : i32
    %dma_start3A_388 = arith.constant 1 : i32
    %dma_start3A_389 = arith.constant 0 : i32
    %dma_start3A_390 = arith.constant 0 : i32
    %dma_start3A_391 = tpu.memref_slice %arg4[%dma_start3A_388, %dma_start3A_389, %dma_start3A_390] : memref<4x64x256xf32, #tpu.memory_space<vmem>> -> memref<1x64x256xf32, #tpu.memory_space<vmem>>
    %dma_start3A_392 = tpu.memref_squeeze %dma_start3A_391 : memref<1x64x256xf32, #tpu.memory_space<vmem>> -> memref<64x256xf32, #tpu.memory_space<vmem>>
    %dma_start3A_393 = arith.constant 3904 : i32
    %dma_start3A_394 = tpu.memref_slice %arg3[%select_n3A, %dma_start3A_393, %mul3A_32] : memref<4x4096x2048xf32, #tpu.memory_space<hbm>> -> memref<1x64x256xf32, #tpu.memory_space<hbm>>
    %dma_start3A_395 = tpu.memref_squeeze %dma_start3A_394 : memref<1x64x256xf32, #tpu.memory_space<hbm>> -> memref<64x256xf32, #tpu.memory_space<hbm>>
    %dma_start3A_396 = arith.constant 3904 : i32
    %dma_start3A_397 = tpu.memref_slice %arg3[%select_n3A, %dma_start3A_396, %mul3A_32] : memref<4x4096x2048xf32, #tpu.memory_space<hbm>> -> memref<1x64x256xf32, #tpu.memory_space<hbm>>
    %dma_start3A_398 = tpu.memref_squeeze %dma_start3A_397 : memref<1x64x256xf32, #tpu.memory_space<hbm>> -> memref<64x256xf32, #tpu.memory_space<hbm>>
    %dma_start3A_399 = arith.constant 0 : i32
    %dma_start3A_400 = arith.constant 0 : i32
    %dma_start3A_401 = tpu.memref_slice %arg4[%dma_start3A_388, %dma_start3A_399, %dma_start3A_400] : memref<4x64x256xf32, #tpu.memory_space<vmem>> -> memref<1x64x256xf32, #tpu.memory_space<vmem>>
    %dma_start3A_402 = tpu.memref_squeeze %dma_start3A_401 : memref<1x64x256xf32, #tpu.memory_space<vmem>> -> memref<64x256xf32, #tpu.memory_space<vmem>>
    tpu.enqueue_dma source(%dma_start3A_402 : memref<64x256xf32, #tpu.memory_space<vmem>>) target(%dma_start3A_398 : memref<64x256xf32, #tpu.memory_space<hbm>>) target_semaphore(%arg10 : memref<!tpu.dma_semaphore, #tpu.memory_space<semaphore_mem>>)
    %dma_wait3A_403 = arith.constant 3 : i32
    %dma_wait3A_404 = arith.constant 0 : i32
    %dma_wait3A_405 = arith.constant 0 : i32
    %dma_wait3A_406 = tpu.memref_slice %arg4[%dma_wait3A_403, %dma_wait3A_404, %dma_wait3A_405] : memref<4x64x256xf32, #tpu.memory_space<vmem>> -> memref<1x64x256xf32, #tpu.memory_space<vmem>>
    %dma_wait3A_407 = tpu.memref_squeeze %dma_wait3A_406 : memref<1x64x256xf32, #tpu.memory_space<vmem>> -> memref<64x256xf32, #tpu.memory_space<vmem>>
    %dma_wait3A_408 = arith.constant 3776 : i32
    %dma_wait3A_409 = tpu.memref_slice %arg3[%select_n3A, %dma_wait3A_408, %mul3A_32] : memref<4x4096x2048xf32, #tpu.memory_space<hbm>> -> memref<1x64x256xf32, #tpu.memory_space<hbm>>
    %dma_wait3A_410 = tpu.memref_squeeze %dma_wait3A_409 : memref<1x64x256xf32, #tpu.memory_space<hbm>> -> memref<64x256xf32, #tpu.memory_space<hbm>>
    %dma_wait3A_411 = arith.constant 3776 : i32
    %dma_wait3A_412 = tpu.memref_slice %arg3[%select_n3A, %dma_wait3A_411, %mul3A_32] : memref<4x4096x2048xf32, #tpu.memory_space<hbm>> -> memref<1x64x256xf32, #tpu.memory_space<hbm>>
    %dma_wait3A_413 = tpu.memref_squeeze %dma_wait3A_412 : memref<1x64x256xf32, #tpu.memory_space<hbm>> -> memref<64x256xf32, #tpu.memory_space<hbm>>
    %dma_wait3A_414 = arith.constant 0 : i32
    %dma_wait3A_415 = arith.constant 0 : i32
    %dma_wait3A_416 = tpu.memref_slice %arg4[%dma_wait3A_403, %dma_wait3A_414, %dma_wait3A_415] : memref<4x64x256xf32, #tpu.memory_space<vmem>> -> memref<1x64x256xf32, #tpu.memory_space<vmem>>
    %dma_wait3A_417 = tpu.memref_squeeze %dma_wait3A_416 : memref<1x64x256xf32, #tpu.memory_space<vmem>> -> memref<64x256xf32, #tpu.memory_space<vmem>>
    tpu.wait_dma2 semaphore(%arg12 : memref<!tpu.dma_semaphore, #tpu.memory_space<semaphore_mem>>) src(%dma_wait3A_417 : memref<64x256xf32, #tpu.memory_space<vmem>>) dst(%dma_wait3A_413 : memref<64x256xf32, #tpu.memory_space<hbm>>)
    %dma_start3A_418 = arith.constant 3 : i32
    %dma_start3A_419 = arith.constant 0 : i32
    %dma_start3A_420 = arith.constant 0 : i32
    %dma_start3A_421 = tpu.memref_slice %arg4[%dma_start3A_418, %dma_start3A_419, %dma_start3A_420] : memref<4x64x256xf32, #tpu.memory_space<vmem>> -> memref<1x64x256xf32, #tpu.memory_space<vmem>>
    %dma_start3A_422 = tpu.memref_squeeze %dma_start3A_421 : memref<1x64x256xf32, #tpu.memory_space<vmem>> -> memref<64x256xf32, #tpu.memory_space<vmem>>
    %dma_start3A_423 = arith.constant 4032 : i32
    %dma_start3A_424 = tpu.memref_slice %arg2[%select_n3A, %dma_start3A_423, %mul3A_32] : memref<4x4096x2048xf32, #tpu.memory_space<hbm>> -> memref<1x64x256xf32, #tpu.memory_space<hbm>>
    %dma_start3A_425 = tpu.memref_squeeze %dma_start3A_424 : memref<1x64x256xf32, #tpu.memory_space<hbm>> -> memref<64x256xf32, #tpu.memory_space<hbm>>
    %dma_start3A_426 = arith.constant 0 : i32
    %dma_start3A_427 = arith.constant 0 : i32
    %dma_start3A_428 = tpu.memref_slice %arg4[%dma_start3A_418, %dma_start3A_426, %dma_start3A_427] : memref<4x64x256xf32, #tpu.memory_space<vmem>> -> memref<1x64x256xf32, #tpu.memory_space<vmem>>
    %dma_start3A_429 = tpu.memref_squeeze %dma_start3A_428 : memref<1x64x256xf32, #tpu.memory_space<vmem>> -> memref<64x256xf32, #tpu.memory_space<vmem>>
    %dma_start3A_430 = arith.constant 4032 : i32
    %dma_start3A_431 = tpu.memref_slice %arg2[%select_n3A, %dma_start3A_430, %mul3A_32] : memref<4x4096x2048xf32, #tpu.memory_space<hbm>> -> memref<1x64x256xf32, #tpu.memory_space<hbm>>
    %dma_start3A_432 = tpu.memref_squeeze %dma_start3A_431 : memref<1x64x256xf32, #tpu.memory_space<hbm>> -> memref<64x256xf32, #tpu.memory_space<hbm>>
    tpu.enqueue_dma source(%dma_start3A_432 : memref<64x256xf32, #tpu.memory_space<hbm>>) target(%dma_start3A_429 : memref<64x256xf32, #tpu.memory_space<vmem>>) target_semaphore(%arg8 : memref<!tpu.dma_semaphore, #tpu.memory_space<semaphore_mem>>)
    %dma_wait3A_433 = arith.constant 2 : i32
    %dma_wait3A_434 = arith.constant 0 : i32
    %dma_wait3A_435 = arith.constant 0 : i32
    %dma_wait3A_436 = tpu.memref_slice %arg4[%dma_wait3A_433, %dma_wait3A_434, %dma_wait3A_435] : memref<4x64x256xf32, #tpu.memory_space<vmem>> -> memref<1x64x256xf32, #tpu.memory_space<vmem>>
    %dma_wait3A_437 = tpu.memref_squeeze %dma_wait3A_436 : memref<1x64x256xf32, #tpu.memory_space<vmem>> -> memref<64x256xf32, #tpu.memory_space<vmem>>
    %dma_wait3A_438 = arith.constant 3968 : i32
    %dma_wait3A_439 = tpu.memref_slice %arg2[%select_n3A, %dma_wait3A_438, %mul3A_32] : memref<4x4096x2048xf32, #tpu.memory_space<hbm>> -> memref<1x64x256xf32, #tpu.memory_space<hbm>>
    %dma_wait3A_440 = tpu.memref_squeeze %dma_wait3A_439 : memref<1x64x256xf32, #tpu.memory_space<hbm>> -> memref<64x256xf32, #tpu.memory_space<hbm>>
    %dma_wait3A_441 = arith.constant 0 : i32
    %dma_wait3A_442 = arith.constant 0 : i32
    %dma_wait3A_443 = tpu.memref_slice %arg4[%dma_wait3A_433, %dma_wait3A_441, %dma_wait3A_442] : memref<4x64x256xf32, #tpu.memory_space<vmem>> -> memref<1x64x256xf32, #tpu.memory_space<vmem>>
    %dma_wait3A_444 = tpu.memref_squeeze %dma_wait3A_443 : memref<1x64x256xf32, #tpu.memory_space<vmem>> -> memref<64x256xf32, #tpu.memory_space<vmem>>
    %dma_wait3A_445 = arith.constant 3968 : i32
    %dma_wait3A_446 = tpu.memref_slice %arg2[%select_n3A, %dma_wait3A_445, %mul3A_32] : memref<4x4096x2048xf32, #tpu.memory_space<hbm>> -> memref<1x64x256xf32, #tpu.memory_space<hbm>>
    %dma_wait3A_447 = tpu.memref_squeeze %dma_wait3A_446 : memref<1x64x256xf32, #tpu.memory_space<hbm>> -> memref<64x256xf32, #tpu.memory_space<hbm>>
    tpu.wait_dma2 semaphore(%arg7 : memref<!tpu.dma_semaphore, #tpu.memory_space<semaphore_mem>>) src(%dma_wait3A_447 : memref<64x256xf32, #tpu.memory_space<hbm>>) dst(%dma_wait3A_444 : memref<64x256xf32, #tpu.memory_space<vmem>>)
    %scan3A_448 = arith.constant 0 : i32
    %scan3A_449 = arith.constant 64 : i32
    %scan3A_450 = arith.addi %scan3A_448, %scan3A_449 : i32
    %scan3A_451 = arith.constant 1 : i32
    %scan3A_452:16 = scf.for %scan3A_565 = %scan3A_448 to %scan3A_450 step %scan3A_451 iter_args(%scan3A_566 = %scan3A_386#0, %scan3A_567 = %scan3A_386#1, %scan3A_568 = %scan3A_386#2, %scan3A_569 = %scan3A_386#3, %scan3A_570 = %scan3A_386#4, %scan3A_571 = %scan3A_386#5, %scan3A_572 = %scan3A_386#6, %scan3A_573 = %scan3A_386#7, %scan3A_574 = %scan3A_386#8, %scan3A_575 = %scan3A_386#9, %scan3A_576 = %scan3A_386#10, %scan3A_577 = %scan3A_386#11, %scan3A_578 = %scan3A_386#12, %scan3A_579 = %scan3A_386#13, %scan3A_580 = %scan3A_386#14, %scan3A_581 = %scan3A_386#15) -> (vector<16xf32>, vector<16xf32>, vector<16xf32>, vector<16xf32>, vector<16xf32>, vector<16xf32>, vector<16xf32>, vector<16xf32>, vector<16xf32>, vector<16xf32>, vector<16xf32>, vector<16xf32>, vector<16xf32>, vector<16xf32>, vector<16xf32>, vector<16xf32>)  : i32 {
      %get3A = arith.constant 2 : i32
      %get3A_582 = arith.index_cast %get3A : i32 to index
      %get3A_583 = arith.index_cast %scan3A_565 : i32 to index
      %get3A_584 = arith.constant 0 : index
      %get3A_585 = tpu.vector_load %arg4[%get3A_582, %get3A_583, %get3A_584] {strides = array<i32>} : memref<4x64x256xf32, #tpu.memory_space<vmem>>, vector<1x1x16xf32>,
      %get3A_586 = vector.shape_cast %get3A_585 : vector<1x1x16xf32> to vector<16xf32>
      %add3A_587 = arith.addf %scan3A_566, %get3A_586 : vector<16xf32>
      %swap3A = arith.constant 2 : i32
      %swap3A_588 = arith.index_cast %swap3A : i32 to index
      %swap3A_589 = arith.index_cast %scan3A_565 : i32 to index
      %swap3A_590 = arith.constant 0 : index
      %swap3A_591 = tpu.vector_load %arg4[%swap3A_588, %swap3A_589, %swap3A_590] {strides = array<i32>} : memref<4x64x256xf32, #tpu.memory_space<vmem>>, vector<1x1x16xf32>,
      %swap3A_592 = vector.shape_cast %swap3A_591 : vector<1x1x16xf32> to vector<16xf32>
      %swap3A_593 = vector.shape_cast %add3A_587 : vector<16xf32> to vector<1x1x16xf32>
      tpu.vector_store %arg4[%swap3A_588, %swap3A_589, %swap3A_590], %swap3A_593 {strides = array<i32>} : memref<4x64x256xf32, #tpu.memory_space<vmem>>, vector<1x1x16xf32>,
      %get3A_594 = arith.constant 2 : i32
      %get3A_595 = arith.index_cast %get3A_594 : i32 to index
      %get3A_596 = arith.index_cast %scan3A_565 : i32 to index
      %get3A_597 = arith.constant 16 : index
      %get3A_598 = tpu.vector_load %arg4[%get3A_595, %get3A_596, %get3A_597] {strides = array<i32>} : memref<4x64x256xf32, #tpu.memory_space<vmem>>, vector<1x1x16xf32>,
      %get3A_599 = vector.shape_cast %get3A_598 : vector<1x1x16xf32> to vector<16xf32>
      %add3A_600 = arith.addf %scan3A_567, %get3A_599 : vector<16xf32>
      %swap3A_601 = arith.constant 2 : i32
      %swap3A_602 = arith.index_cast %swap3A_601 : i32 to index
      %swap3A_603 = arith.index_cast %scan3A_565 : i32 to index
      %swap3A_604 = arith.constant 16 : index
      %swap3A_605 = tpu.vector_load %arg4[%swap3A_602, %swap3A_603, %swap3A_604] {strides = array<i32>} : memref<4x64x256xf32, #tpu.memory_space<vmem>>, vector<1x1x16xf32>,
      %swap3A_606 = vector.shape_cast %swap3A_605 : vector<1x1x16xf32> to vector<16xf32>
      %swap3A_607 = vector.shape_cast %add3A_600 : vector<16xf32> to vector<1x1x16xf32>
      tpu.vector_store %arg4[%swap3A_602, %swap3A_603, %swap3A_604], %swap3A_607 {strides = array<i32>} : memref<4x64x256xf32, #tpu.memory_space<vmem>>, vector<1x1x16xf32>,
      %get3A_608 = arith.constant 2 : i32
      %get3A_609 = arith.index_cast %get3A_608 : i32 to index
      %get3A_610 = arith.index_cast %scan3A_565 : i32 to index
      %get3A_611 = arith.constant 32 : index
      %get3A_612 = tpu.vector_load %arg4[%get3A_609, %get3A_610, %get3A_611] {strides = array<i32>} : memref<4x64x256xf32, #tpu.memory_space<vmem>>, vector<1x1x16xf32>,
      %get3A_613 = vector.shape_cast %get3A_612 : vector<1x1x16xf32> to vector<16xf32>
      %add3A_614 = arith.addf %scan3A_568, %get3A_613 : vector<16xf32>
      %swap3A_615 = arith.constant 2 : i32
      %swap3A_616 = arith.index_cast %swap3A_615 : i32 to index
      %swap3A_617 = arith.index_cast %scan3A_565 : i32 to index
      %swap3A_618 = arith.constant 32 : index
      %swap3A_619 = tpu.vector_load %arg4[%swap3A_616, %swap3A_617, %swap3A_618] {strides = array<i32>} : memref<4x64x256xf32, #tpu.memory_space<vmem>>, vector<1x1x16xf32>,
      %swap3A_620 = vector.shape_cast %swap3A_619 : vector<1x1x16xf32> to vector<16xf32>
      %swap3A_621 = vector.shape_cast %add3A_614 : vector<16xf32> to vector<1x1x16xf32>
      tpu.vector_store %arg4[%swap3A_616, %swap3A_617, %swap3A_618], %swap3A_621 {strides = array<i32>} : memref<4x64x256xf32, #tpu.memory_space<vmem>>, vector<1x1x16xf32>,
      %get3A_622 = arith.constant 2 : i32
      %get3A_623 = arith.index_cast %get3A_622 : i32 to index
      %get3A_624 = arith.index_cast %scan3A_565 : i32 to index
      %get3A_625 = arith.constant 48 : index
      %get3A_626 = tpu.vector_load %arg4[%get3A_623, %get3A_624, %get3A_625] {strides = array<i32>} : memref<4x64x256xf32, #tpu.memory_space<vmem>>, vector<1x1x16xf32>,
      %get3A_627 = vector.shape_cast %get3A_626 : vector<1x1x16xf32> to vector<16xf32>
      %add3A_628 = arith.addf %scan3A_569, %get3A_627 : vector<16xf32>
      %swap3A_629 = arith.constant 2 : i32
      %swap3A_630 = arith.index_cast %swap3A_629 : i32 to index
      %swap3A_631 = arith.index_cast %scan3A_565 : i32 to index
      %swap3A_632 = arith.constant 48 : index
      %swap3A_633 = tpu.vector_load %arg4[%swap3A_630, %swap3A_631, %swap3A_632] {strides = array<i32>} : memref<4x64x256xf32, #tpu.memory_space<vmem>>, vector<1x1x16xf32>,
      %swap3A_634 = vector.shape_cast %swap3A_633 : vector<1x1x16xf32> to vector<16xf32>
      %swap3A_635 = vector.shape_cast %add3A_628 : vector<16xf32> to vector<1x1x16xf32>
      tpu.vector_store %arg4[%swap3A_630, %swap3A_631, %swap3A_632], %swap3A_635 {strides = array<i32>} : memref<4x64x256xf32, #tpu.memory_space<vmem>>, vector<1x1x16xf32>,
      %get3A_636 = arith.constant 2 : i32
      %get3A_637 = arith.index_cast %get3A_636 : i32 to index
      %get3A_638 = arith.index_cast %scan3A_565 : i32 to index
      %get3A_639 = arith.constant 64 : index
      %get3A_640 = tpu.vector_load %arg4[%get3A_637, %get3A_638, %get3A_639] {strides = array<i32>} : memref<4x64x256xf32, #tpu.memory_space<vmem>>, vector<1x1x16xf32>,
      %get3A_641 = vector.shape_cast %get3A_640 : vector<1x1x16xf32> to vector<16xf32>
      %add3A_642 = arith.addf %scan3A_570, %get3A_641 : vector<16xf32>
      %swap3A_643 = arith.constant 2 : i32
      %swap3A_644 = arith.index_cast %swap3A_643 : i32 to index
      %swap3A_645 = arith.index_cast %scan3A_565 : i32 to index
      %swap3A_646 = arith.constant 64 : index
      %swap3A_647 = tpu.vector_load %arg4[%swap3A_644, %swap3A_645, %swap3A_646] {strides = array<i32>} : memref<4x64x256xf32, #tpu.memory_space<vmem>>, vector<1x1x16xf32>,
      %swap3A_648 = vector.shape_cast %swap3A_647 : vector<1x1x16xf32> to vector<16xf32>
      %swap3A_649 = vector.shape_cast %add3A_642 : vector<16xf32> to vector<1x1x16xf32>
      tpu.vector_store %arg4[%swap3A_644, %swap3A_645, %swap3A_646], %swap3A_649 {strides = array<i32>} : memref<4x64x256xf32, #tpu.memory_space<vmem>>, vector<1x1x16xf32>,
      %get3A_650 = arith.constant 2 : i32
      %get3A_651 = arith.index_cast %get3A_650 : i32 to index
      %get3A_652 = arith.index_cast %scan3A_565 : i32 to index
      %get3A_653 = arith.constant 80 : index
      %get3A_654 = tpu.vector_load %arg4[%get3A_651, %get3A_652, %get3A_653] {strides = array<i32>} : memref<4x64x256xf32, #tpu.memory_space<vmem>>, vector<1x1x16xf32>,
      %get3A_655 = vector.shape_cast %get3A_654 : vector<1x1x16xf32> to vector<16xf32>
      %add3A_656 = arith.addf %scan3A_571, %get3A_655 : vector<16xf32>
      %swap3A_657 = arith.constant 2 : i32
      %swap3A_658 = arith.index_cast %swap3A_657 : i32 to index
      %swap3A_659 = arith.index_cast %scan3A_565 : i32 to index
      %swap3A_660 = arith.constant 80 : index
      %swap3A_661 = tpu.vector_load %arg4[%swap3A_658, %swap3A_659, %swap3A_660] {strides = array<i32>} : memref<4x64x256xf32, #tpu.memory_space<vmem>>, vector<1x1x16xf32>,
      %swap3A_662 = vector.shape_cast %swap3A_661 : vector<1x1x16xf32> to vector<16xf32>
      %swap3A_663 = vector.shape_cast %add3A_656 : vector<16xf32> to vector<1x1x16xf32>
      tpu.vector_store %arg4[%swap3A_658, %swap3A_659, %swap3A_660], %swap3A_663 {strides = array<i32>} : memref<4x64x256xf32, #tpu.memory_space<vmem>>, vector<1x1x16xf32>,
      %get3A_664 = arith.constant 2 : i32
      %get3A_665 = arith.index_cast %get3A_664 : i32 to index
      %get3A_666 = arith.index_cast %scan3A_565 : i32 to index
      %get3A_667 = arith.constant 96 : index
      %get3A_668 = tpu.vector_load %arg4[%get3A_665, %get3A_666, %get3A_667] {strides = array<i32>} : memref<4x64x256xf32, #tpu.memory_space<vmem>>, vector<1x1x16xf32>,
      %get3A_669 = vector.shape_cast %get3A_668 : vector<1x1x16xf32> to vector<16xf32>
      %add3A_670 = arith.addf %scan3A_572, %get3A_669 : vector<16xf32>
      %swap3A_671 = arith.constant 2 : i32
      %swap3A_672 = arith.index_cast %swap3A_671 : i32 to index
      %swap3A_673 = arith.index_cast %scan3A_565 : i32 to index
      %swap3A_674 = arith.constant 96 : index
      %swap3A_675 = tpu.vector_load %arg4[%swap3A_672, %swap3A_673, %swap3A_674] {strides = array<i32>} : memref<4x64x256xf32, #tpu.memory_space<vmem>>, vector<1x1x16xf32>,
      %swap3A_676 = vector.shape_cast %swap3A_675 : vector<1x1x16xf32> to vector<16xf32>
      %swap3A_677 = vector.shape_cast %add3A_670 : vector<16xf32> to vector<1x1x16xf32>
      tpu.vector_store %arg4[%swap3A_672, %swap3A_673, %swap3A_674], %swap3A_677 {strides = array<i32>} : memref<4x64x256xf32, #tpu.memory_space<vmem>>, vector<1x1x16xf32>,
      %get3A_678 = arith.constant 2 : i32
      %get3A_679 = arith.index_cast %get3A_678 : i32 to index
      %get3A_680 = arith.index_cast %scan3A_565 : i32 to index
      %get3A_681 = arith.constant 112 : index
      %get3A_682 = tpu.vector_load %arg4[%get3A_679, %get3A_680, %get3A_681] {strides = array<i32>} : memref<4x64x256xf32, #tpu.memory_space<vmem>>, vector<1x1x16xf32>,
      %get3A_683 = vector.shape_cast %get3A_682 : vector<1x1x16xf32> to vector<16xf32>
      %add3A_684 = arith.addf %scan3A_573, %get3A_683 : vector<16xf32>
      %swap3A_685 = arith.constant 2 : i32
      %swap3A_686 = arith.index_cast %swap3A_685 : i32 to index
      %swap3A_687 = arith.index_cast %scan3A_565 : i32 to index
      %swap3A_688 = arith.constant 112 : index
      %swap3A_689 = tpu.vector_load %arg4[%swap3A_686, %swap3A_687, %swap3A_688] {strides = array<i32>} : memref<4x64x256xf32, #tpu.memory_space<vmem>>, vector<1x1x16xf32>,
      %swap3A_690 = vector.shape_cast %swap3A_689 : vector<1x1x16xf32> to vector<16xf32>
      %swap3A_691 = vector.shape_cast %add3A_684 : vector<16xf32> to vector<1x1x16xf32>
      tpu.vector_store %arg4[%swap3A_686, %swap3A_687, %swap3A_688], %swap3A_691 {strides = array<i32>} : memref<4x64x256xf32, #tpu.memory_space<vmem>>, vector<1x1x16xf32>,
      %get3A_692 = arith.constant 2 : i32
      %get3A_693 = arith.index_cast %get3A_692 : i32 to index
      %get3A_694 = arith.index_cast %scan3A_565 : i32 to index
      %get3A_695 = arith.constant 128 : index
      %get3A_696 = tpu.vector_load %arg4[%get3A_693, %get3A_694, %get3A_695] {strides = array<i32>} : memref<4x64x256xf32, #tpu.memory_space<vmem>>, vector<1x1x16xf32>,
      %get3A_697 = vector.shape_cast %get3A_696 : vector<1x1x16xf32> to vector<16xf32>
      %add3A_698 = arith.addf %scan3A_574, %get3A_697 : vector<16xf32>
      %swap3A_699 = arith.constant 2 : i32
      %swap3A_700 = arith.index_cast %swap3A_699 : i32 to index
      %swap3A_701 = arith.index_cast %scan3A_565 : i32 to index
      %swap3A_702 = arith.constant 128 : index
      %swap3A_703 = tpu.vector_load %arg4[%swap3A_700, %swap3A_701, %swap3A_702] {strides = array<i32>} : memref<4x64x256xf32, #tpu.memory_space<vmem>>, vector<1x1x16xf32>,
      %swap3A_704 = vector.shape_cast %swap3A_703 : vector<1x1x16xf32> to vector<16xf32>
      %swap3A_705 = vector.shape_cast %add3A_698 : vector<16xf32> to vector<1x1x16xf32>
      tpu.vector_store %arg4[%swap3A_700, %swap3A_701, %swap3A_702], %swap3A_705 {strides = array<i32>} : memref<4x64x256xf32, #tpu.memory_space<vmem>>, vector<1x1x16xf32>,
      %get3A_706 = arith.constant 2 : i32
      %get3A_707 = arith.index_cast %get3A_706 : i32 to index
      %get3A_708 = arith.index_cast %scan3A_565 : i32 to index
      %get3A_709 = arith.constant 144 : index
      %get3A_710 = tpu.vector_load %arg4[%get3A_707, %get3A_708, %get3A_709] {strides = array<i32>} : memref<4x64x256xf32, #tpu.memory_space<vmem>>, vector<1x1x16xf32>,
      %get3A_711 = vector.shape_cast %get3A_710 : vector<1x1x16xf32> to vector<16xf32>
      %add3A_712 = arith.addf %scan3A_575, %get3A_711 : vector<16xf32>
      %swap3A_713 = arith.constant 2 : i32
      %swap3A_714 = arith.index_cast %swap3A_713 : i32 to index
      %swap3A_715 = arith.index_cast %scan3A_565 : i32 to index
      %swap3A_716 = arith.constant 144 : index
      %swap3A_717 = tpu.vector_load %arg4[%swap3A_714, %swap3A_715, %swap3A_716] {strides = array<i32>} : memref<4x64x256xf32, #tpu.memory_space<vmem>>, vector<1x1x16xf32>,
      %swap3A_718 = vector.shape_cast %swap3A_717 : vector<1x1x16xf32> to vector<16xf32>
      %swap3A_719 = vector.shape_cast %add3A_712 : vector<16xf32> to vector<1x1x16xf32>
      tpu.vector_store %arg4[%swap3A_714, %swap3A_715, %swap3A_716], %swap3A_719 {strides = array<i32>} : memref<4x64x256xf32, #tpu.memory_space<vmem>>, vector<1x1x16xf32>,
      %get3A_720 = arith.constant 2 : i32
      %get3A_721 = arith.index_cast %get3A_720 : i32 to index
      %get3A_722 = arith.index_cast %scan3A_565 : i32 to index
      %get3A_723 = arith.constant 160 : index
      %get3A_724 = tpu.vector_load %arg4[%get3A_721, %get3A_722, %get3A_723] {strides = array<i32>} : memref<4x64x256xf32, #tpu.memory_space<vmem>>, vector<1x1x16xf32>,
      %get3A_725 = vector.shape_cast %get3A_724 : vector<1x1x16xf32> to vector<16xf32>
      %add3A_726 = arith.addf %scan3A_576, %get3A_725 : vector<16xf32>
      %swap3A_727 = arith.constant 2 : i32
      %swap3A_728 = arith.index_cast %swap3A_727 : i32 to index
      %swap3A_729 = arith.index_cast %scan3A_565 : i32 to index
      %swap3A_730 = arith.constant 160 : index
      %swap3A_731 = tpu.vector_load %arg4[%swap3A_728, %swap3A_729, %swap3A_730] {strides = array<i32>} : memref<4x64x256xf32, #tpu.memory_space<vmem>>, vector<1x1x16xf32>,
      %swap3A_732 = vector.shape_cast %swap3A_731 : vector<1x1x16xf32> to vector<16xf32>
      %swap3A_733 = vector.shape_cast %add3A_726 : vector<16xf32> to vector<1x1x16xf32>
      tpu.vector_store %arg4[%swap3A_728, %swap3A_729, %swap3A_730], %swap3A_733 {strides = array<i32>} : memref<4x64x256xf32, #tpu.memory_space<vmem>>, vector<1x1x16xf32>,
      %get3A_734 = arith.constant 2 : i32
      %get3A_735 = arith.index_cast %get3A_734 : i32 to index
      %get3A_736 = arith.index_cast %scan3A_565 : i32 to index
      %get3A_737 = arith.constant 176 : index
      %get3A_738 = tpu.vector_load %arg4[%get3A_735, %get3A_736, %get3A_737] {strides = array<i32>} : memref<4x64x256xf32, #tpu.memory_space<vmem>>, vector<1x1x16xf32>,
      %get3A_739 = vector.shape_cast %get3A_738 : vector<1x1x16xf32> to vector<16xf32>
      %add3A_740 = arith.addf %scan3A_577, %get3A_739 : vector<16xf32>
      %swap3A_741 = arith.constant 2 : i32
      %swap3A_742 = arith.index_cast %swap3A_741 : i32 to index
      %swap3A_743 = arith.index_cast %scan3A_565 : i32 to index
      %swap3A_744 = arith.constant 176 : index
      %swap3A_745 = tpu.vector_load %arg4[%swap3A_742, %swap3A_743, %swap3A_744] {strides = array<i32>} : memref<4x64x256xf32, #tpu.memory_space<vmem>>, vector<1x1x16xf32>,
      %swap3A_746 = vector.shape_cast %swap3A_745 : vector<1x1x16xf32> to vector<16xf32>
      %swap3A_747 = vector.shape_cast %add3A_740 : vector<16xf32> to vector<1x1x16xf32>
      tpu.vector_store %arg4[%swap3A_742, %swap3A_743, %swap3A_744], %swap3A_747 {strides = array<i32>} : memref<4x64x256xf32, #tpu.memory_space<vmem>>, vector<1x1x16xf32>,
      %get3A_748 = arith.constant 2 : i32
      %get3A_749 = arith.index_cast %get3A_748 : i32 to index
      %get3A_750 = arith.index_cast %scan3A_565 : i32 to index
      %get3A_751 = arith.constant 192 : index
      %get3A_752 = tpu.vector_load %arg4[%get3A_749, %get3A_750, %get3A_751] {strides = array<i32>} : memref<4x64x256xf32, #tpu.memory_space<vmem>>, vector<1x1x16xf32>,
      %get3A_753 = vector.shape_cast %get3A_752 : vector<1x1x16xf32> to vector<16xf32>
      %add3A_754 = arith.addf %scan3A_578, %get3A_753 : vector<16xf32>
      %swap3A_755 = arith.constant 2 : i32
      %swap3A_756 = arith.index_cast %swap3A_755 : i32 to index
      %swap3A_757 = arith.index_cast %scan3A_565 : i32 to index
      %swap3A_758 = arith.constant 192 : index
      %swap3A_759 = tpu.vector_load %arg4[%swap3A_756, %swap3A_757, %swap3A_758] {strides = array<i32>} : memref<4x64x256xf32, #tpu.memory_space<vmem>>, vector<1x1x16xf32>,
      %swap3A_760 = vector.shape_cast %swap3A_759 : vector<1x1x16xf32> to vector<16xf32>
      %swap3A_761 = vector.shape_cast %add3A_754 : vector<16xf32> to vector<1x1x16xf32>
      tpu.vector_store %arg4[%swap3A_756, %swap3A_757, %swap3A_758], %swap3A_761 {strides = array<i32>} : memref<4x64x256xf32, #tpu.memory_space<vmem>>, vector<1x1x16xf32>,
      %get3A_762 = arith.constant 2 : i32
      %get3A_763 = arith.index_cast %get3A_762 : i32 to index
      %get3A_764 = arith.index_cast %scan3A_565 : i32 to index
      %get3A_765 = arith.constant 208 : index
      %get3A_766 = tpu.vector_load %arg4[%get3A_763, %get3A_764, %get3A_765] {strides = array<i32>} : memref<4x64x256xf32, #tpu.memory_space<vmem>>, vector<1x1x16xf32>,
      %get3A_767 = vector.shape_cast %get3A_766 : vector<1x1x16xf32> to vector<16xf32>
      %add3A_768 = arith.addf %scan3A_579, %get3A_767 : vector<16xf32>
      %swap3A_769 = arith.constant 2 : i32
      %swap3A_770 = arith.index_cast %swap3A_769 : i32 to index
      %swap3A_771 = arith.index_cast %scan3A_565 : i32 to index
      %swap3A_772 = arith.constant 208 : index
      %swap3A_773 = tpu.vector_load %arg4[%swap3A_770, %swap3A_771, %swap3A_772] {strides = array<i32>} : memref<4x64x256xf32, #tpu.memory_space<vmem>>, vector<1x1x16xf32>,
      %swap3A_774 = vector.shape_cast %swap3A_773 : vector<1x1x16xf32> to vector<16xf32>
      %swap3A_775 = vector.shape_cast %add3A_768 : vector<16xf32> to vector<1x1x16xf32>
      tpu.vector_store %arg4[%swap3A_770, %swap3A_771, %swap3A_772], %swap3A_775 {strides = array<i32>} : memref<4x64x256xf32, #tpu.memory_space<vmem>>, vector<1x1x16xf32>,
      %get3A_776 = arith.constant 2 : i32
      %get3A_777 = arith.index_cast %get3A_776 : i32 to index
      %get3A_778 = arith.index_cast %scan3A_565 : i32 to index
      %get3A_779 = arith.constant 224 : index
      %get3A_780 = tpu.vector_load %arg4[%get3A_777, %get3A_778, %get3A_779] {strides = array<i32>} : memref<4x64x256xf32, #tpu.memory_space<vmem>>, vector<1x1x16xf32>,
      %get3A_781 = vector.shape_cast %get3A_780 : vector<1x1x16xf32> to vector<16xf32>
      %add3A_782 = arith.addf %scan3A_580, %get3A_781 : vector<16xf32>
      %swap3A_783 = arith.constant 2 : i32
      %swap3A_784 = arith.index_cast %swap3A_783 : i32 to index
      %swap3A_785 = arith.index_cast %scan3A_565 : i32 to index
      %swap3A_786 = arith.constant 224 : index
      %swap3A_787 = tpu.vector_load %arg4[%swap3A_784, %swap3A_785, %swap3A_786] {strides = array<i32>} : memref<4x64x256xf32, #tpu.memory_space<vmem>>, vector<1x1x16xf32>,
      %swap3A_788 = vector.shape_cast %swap3A_787 : vector<1x1x16xf32> to vector<16xf32>
      %swap3A_789 = vector.shape_cast %add3A_782 : vector<16xf32> to vector<1x1x16xf32>
      tpu.vector_store %arg4[%swap3A_784, %swap3A_785, %swap3A_786], %swap3A_789 {strides = array<i32>} : memref<4x64x256xf32, #tpu.memory_space<vmem>>, vector<1x1x16xf32>,
      %get3A_790 = arith.constant 2 : i32
      %get3A_791 = arith.index_cast %get3A_790 : i32 to index
      %get3A_792 = arith.index_cast %scan3A_565 : i32 to index
      %get3A_793 = arith.constant 240 : index
      %get3A_794 = tpu.vector_load %arg4[%get3A_791, %get3A_792, %get3A_793] {strides = array<i32>} : memref<4x64x256xf32, #tpu.memory_space<vmem>>, vector<1x1x16xf32>,
      %get3A_795 = vector.shape_cast %get3A_794 : vector<1x1x16xf32> to vector<16xf32>
      %add3A_796 = arith.addf %scan3A_581, %get3A_795 : vector<16xf32>
      %swap3A_797 = arith.constant 2 : i32
      %swap3A_798 = arith.index_cast %swap3A_797 : i32 to index
      %swap3A_799 = arith.index_cast %scan3A_565 : i32 to index
      %swap3A_800 = arith.constant 240 : index
      %swap3A_801 = tpu.vector_load %arg4[%swap3A_798, %swap3A_799, %swap3A_800] {strides = array<i32>} : memref<4x64x256xf32, #tpu.memory_space<vmem>>, vector<1x1x16xf32>,
      %swap3A_802 = vector.shape_cast %swap3A_801 : vector<1x1x16xf32> to vector<16xf32>
      %swap3A_803 = vector.shape_cast %add3A_796 : vector<16xf32> to vector<1x1x16xf32>
      tpu.vector_store %arg4[%swap3A_798, %swap3A_799, %swap3A_800], %swap3A_803 {strides = array<i32>} : memref<4x64x256xf32, #tpu.memory_space<vmem>>, vector<1x1x16xf32>,
      scf.yield %add3A_587, %add3A_600, %add3A_614, %add3A_628, %add3A_642, %add3A_656, %add3A_670, %add3A_684, %add3A_698, %add3A_712, %add3A_726, %add3A_740, %add3A_754, %add3A_768, %add3A_782, %add3A_796 : vector<16xf32>, vector<16xf32>, vector<16xf32>, vector<16xf32>, vector<16xf32>, vector<16xf32>, vector<16xf32>, vector<16xf32>, vector<16xf32>, vector<16xf32>, vector<16xf32>, vector<16xf32>, vector<16xf32>, vector<16xf32>, vector<16xf32>, vector<16xf32>
    }
    %scan3A_453 = arith.constant 64 : i32
    %dma_start3A_454 = arith.constant 2 : i32
    %dma_start3A_455 = arith.constant 0 : i32
    %dma_start3A_456 = arith.constant 0 : i32
    %dma_start3A_457 = tpu.memref_slice %arg4[%dma_start3A_454, %dma_start3A_455, %dma_start3A_456] : memref<4x64x256xf32, #tpu.memory_space<vmem>> -> memref<1x64x256xf32, #tpu.memory_space<vmem>>
    %dma_start3A_458 = tpu.memref_squeeze %dma_start3A_457 : memref<1x64x256xf32, #tpu.memory_space<vmem>> -> memref<64x256xf32, #tpu.memory_space<vmem>>
    %dma_start3A_459 = arith.constant 3968 : i32
    %dma_start3A_460 = tpu.memref_slice %arg3[%select_n3A, %dma_start3A_459, %mul3A_32] : memref<4x4096x2048xf32, #tpu.memory_space<hbm>> -> memref<1x64x256xf32, #tpu.memory_space<hbm>>
    %dma_start3A_461 = tpu.memref_squeeze %dma_start3A_460 : memref<1x64x256xf32, #tpu.memory_space<hbm>> -> memref<64x256xf32, #tpu.memory_space<hbm>>
    %dma_start3A_462 = arith.constant 3968 : i32
    %dma_start3A_463 = tpu.memref_slice %arg3[%select_n3A, %dma_start3A_462, %mul3A_32] : memref<4x4096x2048xf32, #tpu.memory_space<hbm>> -> memref<1x64x256xf32, #tpu.memory_space<hbm>>
    %dma_start3A_464 = tpu.memref_squeeze %dma_start3A_463 : memref<1x64x256xf32, #tpu.memory_space<hbm>> -> memref<64x256xf32, #tpu.memory_space<hbm>>
    %dma_start3A_465 = arith.constant 0 : i32
    %dma_start3A_466 = arith.constant 0 : i32
    %dma_start3A_467 = tpu.memref_slice %arg4[%dma_start3A_454, %dma_start3A_465, %dma_start3A_466] : memref<4x64x256xf32, #tpu.memory_space<vmem>> -> memref<1x64x256xf32, #tpu.memory_space<vmem>>
    %dma_start3A_468 = tpu.memref_squeeze %dma_start3A_467 : memref<1x64x256xf32, #tpu.memory_space<vmem>> -> memref<64x256xf32, #tpu.memory_space<vmem>>
    tpu.enqueue_dma source(%dma_start3A_468 : memref<64x256xf32, #tpu.memory_space<vmem>>) target(%dma_start3A_464 : memref<64x256xf32, #tpu.memory_space<hbm>>) target_semaphore(%arg11 : memref<!tpu.dma_semaphore, #tpu.memory_space<semaphore_mem>>)
    %dma_wait3A_469 = arith.constant 0 : i32
    %dma_wait3A_470 = arith.constant 0 : i32
    %dma_wait3A_471 = arith.constant 0 : i32
    %dma_wait3A_472 = tpu.memref_slice %arg4[%dma_wait3A_469, %dma_wait3A_470, %dma_wait3A_471] : memref<4x64x256xf32, #tpu.memory_space<vmem>> -> memref<1x64x256xf32, #tpu.memory_space<vmem>>
    %dma_wait3A_473 = tpu.memref_squeeze %dma_wait3A_472 : memref<1x64x256xf32, #tpu.memory_space<vmem>> -> memref<64x256xf32, #tpu.memory_space<vmem>>
    %dma_wait3A_474 = arith.constant 3840 : i32
    %dma_wait3A_475 = tpu.memref_slice %arg3[%select_n3A, %dma_wait3A_474, %mul3A_32] : memref<4x4096x2048xf32, #tpu.memory_space<hbm>> -> memref<1x64x256xf32, #tpu.memory_space<hbm>>
    %dma_wait3A_476 = tpu.memref_squeeze %dma_wait3A_475 : memref<1x64x256xf32, #tpu.memory_space<hbm>> -> memref<64x256xf32, #tpu.memory_space<hbm>>
    %dma_wait3A_477 = arith.constant 3840 : i32
    %dma_wait3A_478 = tpu.memref_slice %arg3[%select_n3A, %dma_wait3A_477, %mul3A_32] : memref<4x4096x2048xf32, #tpu.memory_space<hbm>> -> memref<1x64x256xf32, #tpu.memory_space<hbm>>
    %dma_wait3A_479 = tpu.memref_squeeze %dma_wait3A_478 : memref<1x64x256xf32, #tpu.memory_space<hbm>> -> memref<64x256xf32, #tpu.memory_space<hbm>>
    %dma_wait3A_480 = arith.constant 0 : i32
    %dma_wait3A_481 = arith.constant 0 : i32
    %dma_wait3A_482 = tpu.memref_slice %arg4[%dma_wait3A_469, %dma_wait3A_480, %dma_wait3A_481] : memref<4x64x256xf32, #tpu.memory_space<vmem>> -> memref<1x64x256xf32, #tpu.memory_space<vmem>>
    %dma_wait3A_483 = tpu.memref_squeeze %dma_wait3A_482 : memref<1x64x256xf32, #tpu.memory_space<vmem>> -> memref<64x256xf32, #tpu.memory_space<vmem>>
    tpu.wait_dma2 semaphore(%arg9 : memref<!tpu.dma_semaphore, #tpu.memory_space<semaphore_mem>>) src(%dma_wait3A_483 : memref<64x256xf32, #tpu.memory_space<vmem>>) dst(%dma_wait3A_479 : memref<64x256xf32, #tpu.memory_space<hbm>>)
    %dma_wait3A_484 = arith.constant 3 : i32
    %dma_wait3A_485 = arith.constant 0 : i32
    %dma_wait3A_486 = arith.constant 0 : i32
    %dma_wait3A_487 = tpu.memref_slice %arg4[%dma_wait3A_484, %dma_wait3A_485, %dma_wait3A_486] : memref<4x64x256xf32, #tpu.memory_space<vmem>> -> memref<1x64x256xf32, #tpu.memory_space<vmem>>
    %dma_wait3A_488 = tpu.memref_squeeze %dma_wait3A_487 : memref<1x64x256xf32, #tpu.memory_space<vmem>> -> memref<64x256xf32, #tpu.memory_space<vmem>>
    %dma_wait3A_489 = arith.constant 4032 : i32
    %dma_wait3A_490 = tpu.memref_slice %arg2[%select_n3A, %dma_wait3A_489, %mul3A_32] : memref<4x4096x2048xf32, #tpu.memory_space<hbm>> -> memref<1x64x256xf32, #tpu.memory_space<hbm>>
    %dma_wait3A_491 = tpu.memref_squeeze %dma_wait3A_490 : memref<1x64x256xf32, #tpu.memory_space<hbm>> -> memref<64x256xf32, #tpu.memory_space<hbm>>
    %dma_wait3A_492 = arith.constant 0 : i32
    %dma_wait3A_493 = arith.constant 0 : i32
    %dma_wait3A_494 = tpu.memref_slice %arg4[%dma_wait3A_484, %dma_wait3A_492, %dma_wait3A_493] : memref<4x64x256xf32, #tpu.memory_space<vmem>> -> memref<1x64x256xf32, #tpu.memory_space<vmem>>
    %dma_wait3A_495 = tpu.memref_squeeze %dma_wait3A_494 : memref<1x64x256xf32, #tpu.memory_space<vmem>> -> memref<64x256xf32, #tpu.memory_space<vmem>>
    %dma_wait3A_496 = arith.constant 4032 : i32
    %dma_wait3A_497 = tpu.memref_slice %arg2[%select_n3A, %dma_wait3A_496, %mul3A_32] : memref<4x4096x2048xf32, #tpu.memory_space<hbm>> -> memref<1x64x256xf32, #tpu.memory_space<hbm>>
    %dma_wait3A_498 = tpu.memref_squeeze %dma_wait3A_497 : memref<1x64x256xf32, #tpu.memory_space<hbm>> -> memref<64x256xf32, #tpu.memory_space<hbm>>
    tpu.wait_dma2 semaphore(%arg8 : memref<!tpu.dma_semaphore, #tpu.memory_space<semaphore_mem>>) src(%dma_wait3A_498 : memref<64x256xf32, #tpu.memory_space<hbm>>) dst(%dma_wait3A_495 : memref<64x256xf32, #tpu.memory_space<vmem>>)
    %scan3A_499 = arith.constant 0 : i32
    %scan3A_500 = arith.constant 64 : i32
    %scan3A_501 = arith.addi %scan3A_499, %scan3A_500 : i32
    %scan3A_502 = arith.constant 1 : i32
    %scan3A_503:16 = scf.for %scan3A_565 = %scan3A_499 to %scan3A_501 step %scan3A_502 iter_args(%scan3A_566 = %scan3A_452#0, %scan3A_567 = %scan3A_452#1, %scan3A_568 = %scan3A_452#2, %scan3A_569 = %scan3A_452#3, %scan3A_570 = %scan3A_452#4, %scan3A_571 = %scan3A_452#5, %scan3A_572 = %scan3A_452#6, %scan3A_573 = %scan3A_452#7, %scan3A_574 = %scan3A_452#8, %scan3A_575 = %scan3A_452#9, %scan3A_576 = %scan3A_452#10, %scan3A_577 = %scan3A_452#11, %scan3A_578 = %scan3A_452#12, %scan3A_579 = %scan3A_452#13, %scan3A_580 = %scan3A_452#14, %scan3A_581 = %scan3A_452#15) -> (vector<16xf32>, vector<16xf32>, vector<16xf32>, vector<16xf32>, vector<16xf32>, vector<16xf32>, vector<16xf32>, vector<16xf32>, vector<16xf32>, vector<16xf32>, vector<16xf32>, vector<16xf32>, vector<16xf32>, vector<16xf32>, vector<16xf32>, vector<16xf32>)  : i32 {
      %get3A = arith.constant 3 : i32
      %get3A_582 = arith.index_cast %get3A : i32 to index
      %get3A_583 = arith.index_cast %scan3A_565 : i32 to index
      %get3A_584 = arith.constant 0 : index
      %get3A_585 = tpu.vector_load %arg4[%get3A_582, %get3A_583, %get3A_584] {strides = array<i32>} : memref<4x64x256xf32, #tpu.memory_space<vmem>>, vector<1x1x16xf32>,
      %get3A_586 = vector.shape_cast %get3A_585 : vector<1x1x16xf32> to vector<16xf32>
      %add3A_587 = arith.addf %scan3A_566, %get3A_586 : vector<16xf32>
      %swap3A = arith.constant 3 : i32
      %swap3A_588 = arith.index_cast %swap3A : i32 to index
      %swap3A_589 = arith.index_cast %scan3A_565 : i32 to index
      %swap3A_590 = arith.constant 0 : index
      %swap3A_591 = tpu.vector_load %arg4[%swap3A_588, %swap3A_589, %swap3A_590] {strides = array<i32>} : memref<4x64x256xf32, #tpu.memory_space<vmem>>, vector<1x1x16xf32>,
      %swap3A_592 = vector.shape_cast %swap3A_591 : vector<1x1x16xf32> to vector<16xf32>
      %swap3A_593 = vector.shape_cast %add3A_587 : vector<16xf32> to vector<1x1x16xf32>
      tpu.vector_store %arg4[%swap3A_588, %swap3A_589, %swap3A_590], %swap3A_593 {strides = array<i32>} : memref<4x64x256xf32, #tpu.memory_space<vmem>>, vector<1x1x16xf32>,
      %get3A_594 = arith.constant 3 : i32
      %get3A_595 = arith.index_cast %get3A_594 : i32 to index
      %get3A_596 = arith.index_cast %scan3A_565 : i32 to index
      %get3A_597 = arith.constant 16 : index
      %get3A_598 = tpu.vector_load %arg4[%get3A_595, %get3A_596, %get3A_597] {strides = array<i32>} : memref<4x64x256xf32, #tpu.memory_space<vmem>>, vector<1x1x16xf32>,
      %get3A_599 = vector.shape_cast %get3A_598 : vector<1x1x16xf32> to vector<16xf32>
      %add3A_600 = arith.addf %scan3A_567, %get3A_599 : vector<16xf32>
      %swap3A_601 = arith.constant 3 : i32
      %swap3A_602 = arith.index_cast %swap3A_601 : i32 to index
      %swap3A_603 = arith.index_cast %scan3A_565 : i32 to index
      %swap3A_604 = arith.constant 16 : index
      %swap3A_605 = tpu.vector_load %arg4[%swap3A_602, %swap3A_603, %swap3A_604] {strides = array<i32>} : memref<4x64x256xf32, #tpu.memory_space<vmem>>, vector<1x1x16xf32>,
      %swap3A_606 = vector.shape_cast %swap3A_605 : vector<1x1x16xf32> to vector<16xf32>
      %swap3A_607 = vector.shape_cast %add3A_600 : vector<16xf32> to vector<1x1x16xf32>
      tpu.vector_store %arg4[%swap3A_602, %swap3A_603, %swap3A_604], %swap3A_607 {strides = array<i32>} : memref<4x64x256xf32, #tpu.memory_space<vmem>>, vector<1x1x16xf32>,
      %get3A_608 = arith.constant 3 : i32
      %get3A_609 = arith.index_cast %get3A_608 : i32 to index
      %get3A_610 = arith.index_cast %scan3A_565 : i32 to index
      %get3A_611 = arith.constant 32 : index
      %get3A_612 = tpu.vector_load %arg4[%get3A_609, %get3A_610, %get3A_611] {strides = array<i32>} : memref<4x64x256xf32, #tpu.memory_space<vmem>>, vector<1x1x16xf32>,
      %get3A_613 = vector.shape_cast %get3A_612 : vector<1x1x16xf32> to vector<16xf32>
      %add3A_614 = arith.addf %scan3A_568, %get3A_613 : vector<16xf32>
      %swap3A_615 = arith.constant 3 : i32
      %swap3A_616 = arith.index_cast %swap3A_615 : i32 to index
      %swap3A_617 = arith.index_cast %scan3A_565 : i32 to index
      %swap3A_618 = arith.constant 32 : index
      %swap3A_619 = tpu.vector_load %arg4[%swap3A_616, %swap3A_617, %swap3A_618] {strides = array<i32>} : memref<4x64x256xf32, #tpu.memory_space<vmem>>, vector<1x1x16xf32>,
      %swap3A_620 = vector.shape_cast %swap3A_619 : vector<1x1x16xf32> to vector<16xf32>
      %swap3A_621 = vector.shape_cast %add3A_614 : vector<16xf32> to vector<1x1x16xf32>
      tpu.vector_store %arg4[%swap3A_616, %swap3A_617, %swap3A_618], %swap3A_621 {strides = array<i32>} : memref<4x64x256xf32, #tpu.memory_space<vmem>>, vector<1x1x16xf32>,
      %get3A_622 = arith.constant 3 : i32
      %get3A_623 = arith.index_cast %get3A_622 : i32 to index
      %get3A_624 = arith.index_cast %scan3A_565 : i32 to index
      %get3A_625 = arith.constant 48 : index
      %get3A_626 = tpu.vector_load %arg4[%get3A_623, %get3A_624, %get3A_625] {strides = array<i32>} : memref<4x64x256xf32, #tpu.memory_space<vmem>>, vector<1x1x16xf32>,
      %get3A_627 = vector.shape_cast %get3A_626 : vector<1x1x16xf32> to vector<16xf32>
      %add3A_628 = arith.addf %scan3A_569, %get3A_627 : vector<16xf32>
      %swap3A_629 = arith.constant 3 : i32
      %swap3A_630 = arith.index_cast %swap3A_629 : i32 to index
      %swap3A_631 = arith.index_cast %scan3A_565 : i32 to index
      %swap3A_632 = arith.constant 48 : index
      %swap3A_633 = tpu.vector_load %arg4[%swap3A_630, %swap3A_631, %swap3A_632] {strides = array<i32>} : memref<4x64x256xf32, #tpu.memory_space<vmem>>, vector<1x1x16xf32>,
      %swap3A_634 = vector.shape_cast %swap3A_633 : vector<1x1x16xf32> to vector<16xf32>
      %swap3A_635 = vector.shape_cast %add3A_628 : vector<16xf32> to vector<1x1x16xf32>
      tpu.vector_store %arg4[%swap3A_630, %swap3A_631, %swap3A_632], %swap3A_635 {strides = array<i32>} : memref<4x64x256xf32, #tpu.memory_space<vmem>>, vector<1x1x16xf32>,
      %get3A_636 = arith.constant 3 : i32
      %get3A_637 = arith.index_cast %get3A_636 : i32 to index
      %get3A_638 = arith.index_cast %scan3A_565 : i32 to index
      %get3A_639 = arith.constant 64 : index
      %get3A_640 = tpu.vector_load %arg4[%get3A_637, %get3A_638, %get3A_639] {strides = array<i32>} : memref<4x64x256xf32, #tpu.memory_space<vmem>>, vector<1x1x16xf32>,
      %get3A_641 = vector.shape_cast %get3A_640 : vector<1x1x16xf32> to vector<16xf32>
      %add3A_642 = arith.addf %scan3A_570, %get3A_641 : vector<16xf32>
      %swap3A_643 = arith.constant 3 : i32
      %swap3A_644 = arith.index_cast %swap3A_643 : i32 to index
      %swap3A_645 = arith.index_cast %scan3A_565 : i32 to index
      %swap3A_646 = arith.constant 64 : index
      %swap3A_647 = tpu.vector_load %arg4[%swap3A_644, %swap3A_645, %swap3A_646] {strides = array<i32>} : memref<4x64x256xf32, #tpu.memory_space<vmem>>, vector<1x1x16xf32>,
      %swap3A_648 = vector.shape_cast %swap3A_647 : vector<1x1x16xf32> to vector<16xf32>
      %swap3A_649 = vector.shape_cast %add3A_642 : vector<16xf32> to vector<1x1x16xf32>
      tpu.vector_store %arg4[%swap3A_644, %swap3A_645, %swap3A_646], %swap3A_649 {strides = array<i32>} : memref<4x64x256xf32, #tpu.memory_space<vmem>>, vector<1x1x16xf32>,
      %get3A_650 = arith.constant 3 : i32
      %get3A_651 = arith.index_cast %get3A_650 : i32 to index
      %get3A_652 = arith.index_cast %scan3A_565 : i32 to index
      %get3A_653 = arith.constant 80 : index
      %get3A_654 = tpu.vector_load %arg4[%get3A_651, %get3A_652, %get3A_653] {strides = array<i32>} : memref<4x64x256xf32, #tpu.memory_space<vmem>>, vector<1x1x16xf32>,
      %get3A_655 = vector.shape_cast %get3A_654 : vector<1x1x16xf32> to vector<16xf32>
      %add3A_656 = arith.addf %scan3A_571, %get3A_655 : vector<16xf32>
      %swap3A_657 = arith.constant 3 : i32
      %swap3A_658 = arith.index_cast %swap3A_657 : i32 to index
      %swap3A_659 = arith.index_cast %scan3A_565 : i32 to index
      %swap3A_660 = arith.constant 80 : index
      %swap3A_661 = tpu.vector_load %arg4[%swap3A_658, %swap3A_659, %swap3A_660] {strides = array<i32>} : memref<4x64x256xf32, #tpu.memory_space<vmem>>, vector<1x1x16xf32>,
      %swap3A_662 = vector.shape_cast %swap3A_661 : vector<1x1x16xf32> to vector<16xf32>
      %swap3A_663 = vector.shape_cast %add3A_656 : vector<16xf32> to vector<1x1x16xf32>
      tpu.vector_store %arg4[%swap3A_658, %swap3A_659, %swap3A_660], %swap3A_663 {strides = array<i32>} : memref<4x64x256xf32, #tpu.memory_space<vmem>>, vector<1x1x16xf32>,
      %get3A_664 = arith.constant 3 : i32
      %get3A_665 = arith.index_cast %get3A_664 : i32 to index
      %get3A_666 = arith.index_cast %scan3A_565 : i32 to index
      %get3A_667 = arith.constant 96 : index
      %get3A_668 = tpu.vector_load %arg4[%get3A_665, %get3A_666, %get3A_667] {strides = array<i32>} : memref<4x64x256xf32, #tpu.memory_space<vmem>>, vector<1x1x16xf32>,
      %get3A_669 = vector.shape_cast %get3A_668 : vector<1x1x16xf32> to vector<16xf32>
      %add3A_670 = arith.addf %scan3A_572, %get3A_669 : vector<16xf32>
      %swap3A_671 = arith.constant 3 : i32
      %swap3A_672 = arith.index_cast %swap3A_671 : i32 to index
      %swap3A_673 = arith.index_cast %scan3A_565 : i32 to index
      %swap3A_674 = arith.constant 96 : index
      %swap3A_675 = tpu.vector_load %arg4[%swap3A_672, %swap3A_673, %swap3A_674] {strides = array<i32>} : memref<4x64x256xf32, #tpu.memory_space<vmem>>, vector<1x1x16xf32>,
      %swap3A_676 = vector.shape_cast %swap3A_675 : vector<1x1x16xf32> to vector<16xf32>
      %swap3A_677 = vector.shape_cast %add3A_670 : vector<16xf32> to vector<1x1x16xf32>
      tpu.vector_store %arg4[%swap3A_672, %swap3A_673, %swap3A_674], %swap3A_677 {strides = array<i32>} : memref<4x64x256xf32, #tpu.memory_space<vmem>>, vector<1x1x16xf32>,
      %get3A_678 = arith.constant 3 : i32
      %get3A_679 = arith.index_cast %get3A_678 : i32 to index
      %get3A_680 = arith.index_cast %scan3A_565 : i32 to index
      %get3A_681 = arith.constant 112 : index
      %get3A_682 = tpu.vector_load %arg4[%get3A_679, %get3A_680, %get3A_681] {strides = array<i32>} : memref<4x64x256xf32, #tpu.memory_space<vmem>>, vector<1x1x16xf32>,
      %get3A_683 = vector.shape_cast %get3A_682 : vector<1x1x16xf32> to vector<16xf32>
      %add3A_684 = arith.addf %scan3A_573, %get3A_683 : vector<16xf32>
      %swap3A_685 = arith.constant 3 : i32
      %swap3A_686 = arith.index_cast %swap3A_685 : i32 to index
      %swap3A_687 = arith.index_cast %scan3A_565 : i32 to index
      %swap3A_688 = arith.constant 112 : index
      %swap3A_689 = tpu.vector_load %arg4[%swap3A_686, %swap3A_687, %swap3A_688] {strides = array<i32>} : memref<4x64x256xf32, #tpu.memory_space<vmem>>, vector<1x1x16xf32>,
      %swap3A_690 = vector.shape_cast %swap3A_689 : vector<1x1x16xf32> to vector<16xf32>
      %swap3A_691 = vector.shape_cast %add3A_684 : vector<16xf32> to vector<1x1x16xf32>
      tpu.vector_store %arg4[%swap3A_686, %swap3A_687, %swap3A_688], %swap3A_691 {strides = array<i32>} : memref<4x64x256xf32, #tpu.memory_space<vmem>>, vector<1x1x16xf32>,
      %get3A_692 = arith.constant 3 : i32
      %get3A_693 = arith.index_cast %get3A_692 : i32 to index
      %get3A_694 = arith.index_cast %scan3A_565 : i32 to index
      %get3A_695 = arith.constant 128 : index
      %get3A_696 = tpu.vector_load %arg4[%get3A_693, %get3A_694, %get3A_695] {strides = array<i32>} : memref<4x64x256xf32, #tpu.memory_space<vmem>>, vector<1x1x16xf32>,
      %get3A_697 = vector.shape_cast %get3A_696 : vector<1x1x16xf32> to vector<16xf32>
      %add3A_698 = arith.addf %scan3A_574, %get3A_697 : vector<16xf32>
      %swap3A_699 = arith.constant 3 : i32
      %swap3A_700 = arith.index_cast %swap3A_699 : i32 to index
      %swap3A_701 = arith.index_cast %scan3A_565 : i32 to index
      %swap3A_702 = arith.constant 128 : index
      %swap3A_703 = tpu.vector_load %arg4[%swap3A_700, %swap3A_701, %swap3A_702] {strides = array<i32>} : memref<4x64x256xf32, #tpu.memory_space<vmem>>, vector<1x1x16xf32>,
      %swap3A_704 = vector.shape_cast %swap3A_703 : vector<1x1x16xf32> to vector<16xf32>
      %swap3A_705 = vector.shape_cast %add3A_698 : vector<16xf32> to vector<1x1x16xf32>
      tpu.vector_store %arg4[%swap3A_700, %swap3A_701, %swap3A_702], %swap3A_705 {strides = array<i32>} : memref<4x64x256xf32, #tpu.memory_space<vmem>>, vector<1x1x16xf32>,
      %get3A_706 = arith.constant 3 : i32
      %get3A_707 = arith.index_cast %get3A_706 : i32 to index
      %get3A_708 = arith.index_cast %scan3A_565 : i32 to index
      %get3A_709 = arith.constant 144 : index
      %get3A_710 = tpu.vector_load %arg4[%get3A_707, %get3A_708, %get3A_709] {strides = array<i32>} : memref<4x64x256xf32, #tpu.memory_space<vmem>>, vector<1x1x16xf32>,
      %get3A_711 = vector.shape_cast %get3A_710 : vector<1x1x16xf32> to vector<16xf32>
      %add3A_712 = arith.addf %scan3A_575, %get3A_711 : vector<16xf32>
      %swap3A_713 = arith.constant 3 : i32
      %swap3A_714 = arith.index_cast %swap3A_713 : i32 to index
      %swap3A_715 = arith.index_cast %scan3A_565 : i32 to index
      %swap3A_716 = arith.constant 144 : index
      %swap3A_717 = tpu.vector_load %arg4[%swap3A_714, %swap3A_715, %swap3A_716] {strides = array<i32>} : memref<4x64x256xf32, #tpu.memory_space<vmem>>, vector<1x1x16xf32>,
      %swap3A_718 = vector.shape_cast %swap3A_717 : vector<1x1x16xf32> to vector<16xf32>
      %swap3A_719 = vector.shape_cast %add3A_712 : vector<16xf32> to vector<1x1x16xf32>
      tpu.vector_store %arg4[%swap3A_714, %swap3A_715, %swap3A_716], %swap3A_719 {strides = array<i32>} : memref<4x64x256xf32, #tpu.memory_space<vmem>>, vector<1x1x16xf32>,
      %get3A_720 = arith.constant 3 : i32
      %get3A_721 = arith.index_cast %get3A_720 : i32 to index
      %get3A_722 = arith.index_cast %scan3A_565 : i32 to index
      %get3A_723 = arith.constant 160 : index
      %get3A_724 = tpu.vector_load %arg4[%get3A_721, %get3A_722, %get3A_723] {strides = array<i32>} : memref<4x64x256xf32, #tpu.memory_space<vmem>>, vector<1x1x16xf32>,
      %get3A_725 = vector.shape_cast %get3A_724 : vector<1x1x16xf32> to vector<16xf32>
      %add3A_726 = arith.addf %scan3A_576, %get3A_725 : vector<16xf32>
      %swap3A_727 = arith.constant 3 : i32
      %swap3A_728 = arith.index_cast %swap3A_727 : i32 to index
      %swap3A_729 = arith.index_cast %scan3A_565 : i32 to index
      %swap3A_730 = arith.constant 160 : index
      %swap3A_731 = tpu.vector_load %arg4[%swap3A_728, %swap3A_729, %swap3A_730] {strides = array<i32>} : memref<4x64x256xf32, #tpu.memory_space<vmem>>, vector<1x1x16xf32>,
      %swap3A_732 = vector.shape_cast %swap3A_731 : vector<1x1x16xf32> to vector<16xf32>
      %swap3A_733 = vector.shape_cast %add3A_726 : vector<16xf32> to vector<1x1x16xf32>
      tpu.vector_store %arg4[%swap3A_728, %swap3A_729, %swap3A_730], %swap3A_733 {strides = array<i32>} : memref<4x64x256xf32, #tpu.memory_space<vmem>>, vector<1x1x16xf32>,
      %get3A_734 = arith.constant 3 : i32
      %get3A_735 = arith.index_cast %get3A_734 : i32 to index
      %get3A_736 = arith.index_cast %scan3A_565 : i32 to index
      %get3A_737 = arith.constant 176 : index
      %get3A_738 = tpu.vector_load %arg4[%get3A_735, %get3A_736, %get3A_737] {strides = array<i32>} : memref<4x64x256xf32, #tpu.memory_space<vmem>>, vector<1x1x16xf32>,
      %get3A_739 = vector.shape_cast %get3A_738 : vector<1x1x16xf32> to vector<16xf32>
      %add3A_740 = arith.addf %scan3A_577, %get3A_739 : vector<16xf32>
      %swap3A_741 = arith.constant 3 : i32
      %swap3A_742 = arith.index_cast %swap3A_741 : i32 to index
      %swap3A_743 = arith.index_cast %scan3A_565 : i32 to index
      %swap3A_744 = arith.constant 176 : index
      %swap3A_745 = tpu.vector_load %arg4[%swap3A_742, %swap3A_743, %swap3A_744] {strides = array<i32>} : memref<4x64x256xf32, #tpu.memory_space<vmem>>, vector<1x1x16xf32>,
      %swap3A_746 = vector.shape_cast %swap3A_745 : vector<1x1x16xf32> to vector<16xf32>
      %swap3A_747 = vector.shape_cast %add3A_740 : vector<16xf32> to vector<1x1x16xf32>
      tpu.vector_store %arg4[%swap3A_742, %swap3A_743, %swap3A_744], %swap3A_747 {strides = array<i32>} : memref<4x64x256xf32, #tpu.memory_space<vmem>>, vector<1x1x16xf32>,
      %get3A_748 = arith.constant 3 : i32
      %get3A_749 = arith.index_cast %get3A_748 : i32 to index
      %get3A_750 = arith.index_cast %scan3A_565 : i32 to index
      %get3A_751 = arith.constant 192 : index
      %get3A_752 = tpu.vector_load %arg4[%get3A_749, %get3A_750, %get3A_751] {strides = array<i32>} : memref<4x64x256xf32, #tpu.memory_space<vmem>>, vector<1x1x16xf32>,
      %get3A_753 = vector.shape_cast %get3A_752 : vector<1x1x16xf32> to vector<16xf32>
      %add3A_754 = arith.addf %scan3A_578, %get3A_753 : vector<16xf32>
      %swap3A_755 = arith.constant 3 : i32
      %swap3A_756 = arith.index_cast %swap3A_755 : i32 to index
      %swap3A_757 = arith.index_cast %scan3A_565 : i32 to index
      %swap3A_758 = arith.constant 192 : index
      %swap3A_759 = tpu.vector_load %arg4[%swap3A_756, %swap3A_757, %swap3A_758] {strides = array<i32>} : memref<4x64x256xf32, #tpu.memory_space<vmem>>, vector<1x1x16xf32>,
      %swap3A_760 = vector.shape_cast %swap3A_759 : vector<1x1x16xf32> to vector<16xf32>
      %swap3A_761 = vector.shape_cast %add3A_754 : vector<16xf32> to vector<1x1x16xf32>
      tpu.vector_store %arg4[%swap3A_756, %swap3A_757, %swap3A_758], %swap3A_761 {strides = array<i32>} : memref<4x64x256xf32, #tpu.memory_space<vmem>>, vector<1x1x16xf32>,
      %get3A_762 = arith.constant 3 : i32
      %get3A_763 = arith.index_cast %get3A_762 : i32 to index
      %get3A_764 = arith.index_cast %scan3A_565 : i32 to index
      %get3A_765 = arith.constant 208 : index
      %get3A_766 = tpu.vector_load %arg4[%get3A_763, %get3A_764, %get3A_765] {strides = array<i32>} : memref<4x64x256xf32, #tpu.memory_space<vmem>>, vector<1x1x16xf32>,
      %get3A_767 = vector.shape_cast %get3A_766 : vector<1x1x16xf32> to vector<16xf32>
      %add3A_768 = arith.addf %scan3A_579, %get3A_767 : vector<16xf32>
      %swap3A_769 = arith.constant 3 : i32
      %swap3A_770 = arith.index_cast %swap3A_769 : i32 to index
      %swap3A_771 = arith.index_cast %scan3A_565 : i32 to index
      %swap3A_772 = arith.constant 208 : index
      %swap3A_773 = tpu.vector_load %arg4[%swap3A_770, %swap3A_771, %swap3A_772] {strides = array<i32>} : memref<4x64x256xf32, #tpu.memory_space<vmem>>, vector<1x1x16xf32>,
      %swap3A_774 = vector.shape_cast %swap3A_773 : vector<1x1x16xf32> to vector<16xf32>
      %swap3A_775 = vector.shape_cast %add3A_768 : vector<16xf32> to vector<1x1x16xf32>
      tpu.vector_store %arg4[%swap3A_770, %swap3A_771, %swap3A_772], %swap3A_775 {strides = array<i32>} : memref<4x64x256xf32, #tpu.memory_space<vmem>>, vector<1x1x16xf32>,
      %get3A_776 = arith.constant 3 : i32
      %get3A_777 = arith.index_cast %get3A_776 : i32 to index
      %get3A_778 = arith.index_cast %scan3A_565 : i32 to index
      %get3A_779 = arith.constant 224 : index
      %get3A_780 = tpu.vector_load %arg4[%get3A_777, %get3A_778, %get3A_779] {strides = array<i32>} : memref<4x64x256xf32, #tpu.memory_space<vmem>>, vector<1x1x16xf32>,
      %get3A_781 = vector.shape_cast %get3A_780 : vector<1x1x16xf32> to vector<16xf32>
      %add3A_782 = arith.addf %scan3A_580, %get3A_781 : vector<16xf32>
      %swap3A_783 = arith.constant 3 : i32
      %swap3A_784 = arith.index_cast %swap3A_783 : i32 to index
      %swap3A_785 = arith.index_cast %scan3A_565 : i32 to index
      %swap3A_786 = arith.constant 224 : index
      %swap3A_787 = tpu.vector_load %arg4[%swap3A_784, %swap3A_785, %swap3A_786] {strides = array<i32>} : memref<4x64x256xf32, #tpu.memory_space<vmem>>, vector<1x1x16xf32>,
      %swap3A_788 = vector.shape_cast %swap3A_787 : vector<1x1x16xf32> to vector<16xf32>
      %swap3A_789 = vector.shape_cast %add3A_782 : vector<16xf32> to vector<1x1x16xf32>
      tpu.vector_store %arg4[%swap3A_784, %swap3A_785, %swap3A_786], %swap3A_789 {strides = array<i32>} : memref<4x64x256xf32, #tpu.memory_space<vmem>>, vector<1x1x16xf32>,
      %get3A_790 = arith.constant 3 : i32
      %get3A_791 = arith.index_cast %get3A_790 : i32 to index
      %get3A_792 = arith.index_cast %scan3A_565 : i32 to index
      %get3A_793 = arith.constant 240 : index
      %get3A_794 = tpu.vector_load %arg4[%get3A_791, %get3A_792, %get3A_793] {strides = array<i32>} : memref<4x64x256xf32, #tpu.memory_space<vmem>>, vector<1x1x16xf32>,
      %get3A_795 = vector.shape_cast %get3A_794 : vector<1x1x16xf32> to vector<16xf32>
      %add3A_796 = arith.addf %scan3A_581, %get3A_795 : vector<16xf32>
      %swap3A_797 = arith.constant 3 : i32
      %swap3A_798 = arith.index_cast %swap3A_797 : i32 to index
      %swap3A_799 = arith.index_cast %scan3A_565 : i32 to index
      %swap3A_800 = arith.constant 240 : index
      %swap3A_801 = tpu.vector_load %arg4[%swap3A_798, %swap3A_799, %swap3A_800] {strides = array<i32>} : memref<4x64x256xf32, #tpu.memory_space<vmem>>, vector<1x1x16xf32>,
      %swap3A_802 = vector.shape_cast %swap3A_801 : vector<1x1x16xf32> to vector<16xf32>
      %swap3A_803 = vector.shape_cast %add3A_796 : vector<16xf32> to vector<1x1x16xf32>
      tpu.vector_store %arg4[%swap3A_798, %swap3A_799, %swap3A_800], %swap3A_803 {strides = array<i32>} : memref<4x64x256xf32, #tpu.memory_space<vmem>>, vector<1x1x16xf32>,
      scf.yield %add3A_587, %add3A_600, %add3A_614, %add3A_628, %add3A_642, %add3A_656, %add3A_670, %add3A_684, %add3A_698, %add3A_712, %add3A_726, %add3A_740, %add3A_754, %add3A_768, %add3A_782, %add3A_796 : vector<16xf32>, vector<16xf32>, vector<16xf32>, vector<16xf32>, vector<16xf32>, vector<16xf32>, vector<16xf32>, vector<16xf32>, vector<16xf32>, vector<16xf32>, vector<16xf32>, vector<16xf32>, vector<16xf32>, vector<16xf32>, vector<16xf32>, vector<16xf32>
    }
    %scan3A_504 = arith.constant 64 : i32
    %dma_start3A_505 = arith.constant 3 : i32
    %dma_start3A_506 = arith.constant 0 : i32
    %dma_start3A_507 = arith.constant 0 : i32
    %dma_start3A_508 = tpu.memref_slice %arg4[%dma_start3A_505, %dma_start3A_506, %dma_start3A_507] : memref<4x64x256xf32, #tpu.memory_space<vmem>> -> memref<1x64x256xf32, #tpu.memory_space<vmem>>
    %dma_start3A_509 = tpu.memref_squeeze %dma_start3A_508 : memref<1x64x256xf32, #tpu.memory_space<vmem>> -> memref<64x256xf32, #tpu.memory_space<vmem>>
    %dma_start3A_510 = arith.constant 4032 : i32
    %dma_start3A_511 = tpu.memref_slice %arg3[%select_n3A, %dma_start3A_510, %mul3A_32] : memref<4x4096x2048xf32, #tpu.memory_space<hbm>> -> memref<1x64x256xf32, #tpu.memory_space<hbm>>
    %dma_start3A_512 = tpu.memref_squeeze %dma_start3A_511 : memref<1x64x256xf32, #tpu.memory_space<hbm>> -> memref<64x256xf32, #tpu.memory_space<hbm>>
    %dma_start3A_513 = arith.constant 4032 : i32
    %dma_start3A_514 = tpu.memref_slice %arg3[%select_n3A, %dma_start3A_513, %mul3A_32] : memref<4x4096x2048xf32, #tpu.memory_space<hbm>> -> memref<1x64x256xf32, #tpu.memory_space<hbm>>
    %dma_start3A_515 = tpu.memref_squeeze %dma_start3A_514 : memref<1x64x256xf32, #tpu.memory_space<hbm>> -> memref<64x256xf32, #tpu.memory_space<hbm>>
    %dma_start3A_516 = arith.constant 0 : i32
    %dma_start3A_517 = arith.constant 0 : i32
    %dma_start3A_518 = tpu.memref_slice %arg4[%dma_start3A_505, %dma_start3A_516, %dma_start3A_517] : memref<4x64x256xf32, #tpu.memory_space<vmem>> -> memref<1x64x256xf32, #tpu.memory_space<vmem>>
    %dma_start3A_519 = tpu.memref_squeeze %dma_start3A_518 : memref<1x64x256xf32, #tpu.memory_space<vmem>> -> memref<64x256xf32, #tpu.memory_space<vmem>>
    tpu.enqueue_dma source(%dma_start3A_519 : memref<64x256xf32, #tpu.memory_space<vmem>>) target(%dma_start3A_515 : memref<64x256xf32, #tpu.memory_space<hbm>>) target_semaphore(%arg12 : memref<!tpu.dma_semaphore, #tpu.memory_space<semaphore_mem>>)
    %dma_wait3A_520 = arith.constant 1 : i32
    %dma_wait3A_521 = arith.constant 0 : i32
    %dma_wait3A_522 = arith.constant 0 : i32
    %dma_wait3A_523 = tpu.memref_slice %arg4[%dma_wait3A_520, %dma_wait3A_521, %dma_wait3A_522] : memref<4x64x256xf32, #tpu.memory_space<vmem>> -> memref<1x64x256xf32, #tpu.memory_space<vmem>>
    %dma_wait3A_524 = tpu.memref_squeeze %dma_wait3A_523 : memref<1x64x256xf32, #tpu.memory_space<vmem>> -> memref<64x256xf32, #tpu.memory_space<vmem>>
    %dma_wait3A_525 = arith.constant 3904 : i32
    %dma_wait3A_526 = tpu.memref_slice %arg3[%select_n3A, %dma_wait3A_525, %mul3A_32] : memref<4x4096x2048xf32, #tpu.memory_space<hbm>> -> memref<1x64x256xf32, #tpu.memory_space<hbm>>
    %dma_wait3A_527 = tpu.memref_squeeze %dma_wait3A_526 : memref<1x64x256xf32, #tpu.memory_space<hbm>> -> memref<64x256xf32, #tpu.memory_space<hbm>>
    %dma_wait3A_528 = arith.constant 3904 : i32
    %dma_wait3A_529 = tpu.memref_slice %arg3[%select_n3A, %dma_wait3A_528, %mul3A_32] : memref<4x4096x2048xf32, #tpu.memory_space<hbm>> -> memref<1x64x256xf32, #tpu.memory_space<hbm>>
    %dma_wait3A_530 = tpu.memref_squeeze %dma_wait3A_529 : memref<1x64x256xf32, #tpu.memory_space<hbm>> -> memref<64x256xf32, #tpu.memory_space<hbm>>
    %dma_wait3A_531 = arith.constant 0 : i32
    %dma_wait3A_532 = arith.constant 0 : i32
    %dma_wait3A_533 = tpu.memref_slice %arg4[%dma_wait3A_520, %dma_wait3A_531, %dma_wait3A_532] : memref<4x64x256xf32, #tpu.memory_space<vmem>> -> memref<1x64x256xf32, #tpu.memory_space<vmem>>
    %dma_wait3A_534 = tpu.memref_squeeze %dma_wait3A_533 : memref<1x64x256xf32, #tpu.memory_space<vmem>> -> memref<64x256xf32, #tpu.memory_space<vmem>>
    tpu.wait_dma2 semaphore(%arg10 : memref<!tpu.dma_semaphore, #tpu.memory_space<semaphore_mem>>) src(%dma_wait3A_534 : memref<64x256xf32, #tpu.memory_space<vmem>>) dst(%dma_wait3A_530 : memref<64x256xf32, #tpu.memory_space<hbm>>)
    %dma_wait3A_535 = arith.constant 2 : i32
    %dma_wait3A_536 = arith.constant 0 : i32
    %dma_wait3A_537 = arith.constant 0 : i32
    %dma_wait3A_538 = tpu.memref_slice %arg4[%dma_wait3A_535, %dma_wait3A_536, %dma_wait3A_537] : memref<4x64x256xf32, #tpu.memory_space<vmem>> -> memref<1x64x256xf32, #tpu.memory_space<vmem>>
    %dma_wait3A_539 = tpu.memref_squeeze %dma_wait3A_538 : memref<1x64x256xf32, #tpu.memory_space<vmem>> -> memref<64x256xf32, #tpu.memory_space<vmem>>
    %dma_wait3A_540 = arith.constant 3968 : i32
    %dma_wait3A_541 = tpu.memref_slice %arg3[%select_n3A, %dma_wait3A_540, %mul3A_32] : memref<4x4096x2048xf32, #tpu.memory_space<hbm>> -> memref<1x64x256xf32, #tpu.memory_space<hbm>>
    %dma_wait3A_542 = tpu.memref_squeeze %dma_wait3A_541 : memref<1x64x256xf32, #tpu.memory_space<hbm>> -> memref<64x256xf32, #tpu.memory_space<hbm>>
    %dma_wait3A_543 = arith.constant 3968 : i32
    %dma_wait3A_544 = tpu.memref_slice %arg3[%select_n3A, %dma_wait3A_543, %mul3A_32] : memref<4x4096x2048xf32, #tpu.memory_space<hbm>> -> memref<1x64x256xf32, #tpu.memory_space<hbm>>
    %dma_wait3A_545 = tpu.memref_squeeze %dma_wait3A_544 : memref<1x64x256xf32, #tpu.memory_space<hbm>> -> memref<64x256xf32, #tpu.memory_space<hbm>>
    %dma_wait3A_546 = arith.constant 0 : i32
    %dma_wait3A_547 = arith.constant 0 : i32
    %dma_wait3A_548 = tpu.memref_slice %arg4[%dma_wait3A_535, %dma_wait3A_546, %dma_wait3A_547] : memref<4x64x256xf32, #tpu.memory_space<vmem>> -> memref<1x64x256xf32, #tpu.memory_space<vmem>>
    %dma_wait3A_549 = tpu.memref_squeeze %dma_wait3A_548 : memref<1x64x256xf32, #tpu.memory_space<vmem>> -> memref<64x256xf32, #tpu.memory_space<vmem>>
    tpu.wait_dma2 semaphore(%arg11 : memref<!tpu.dma_semaphore, #tpu.memory_space<semaphore_mem>>) src(%dma_wait3A_549 : memref<64x256xf32, #tpu.memory_space<vmem>>) dst(%dma_wait3A_545 : memref<64x256xf32, #tpu.memory_space<hbm>>)
    %dma_wait3A_550 = arith.constant 3 : i32
    %dma_wait3A_551 = arith.constant 0 : i32
    %dma_wait3A_552 = arith.constant 0 : i32
    %dma_wait3A_553 = tpu.memref_slice %arg4[%dma_wait3A_550, %dma_wait3A_551, %dma_wait3A_552] : memref<4x64x256xf32, #tpu.memory_space<vmem>> -> memref<1x64x256xf32, #tpu.memory_space<vmem>>
    %dma_wait3A_554 = tpu.memref_squeeze %dma_wait3A_553 : memref<1x64x256xf32, #tpu.memory_space<vmem>> -> memref<64x256xf32, #tpu.memory_space<vmem>>
    %dma_wait3A_555 = arith.constant 4032 : i32
    %dma_wait3A_556 = tpu.memref_slice %arg3[%select_n3A, %dma_wait3A_555, %mul3A_32] : memref<4x4096x2048xf32, #tpu.memory_space<hbm>> -> memref<1x64x256xf32, #tpu.memory_space<hbm>>
    %dma_wait3A_557 = tpu.memref_squeeze %dma_wait3A_556 : memref<1x64x256xf32, #tpu.memory_space<hbm>> -> memref<64x256xf32, #tpu.memory_space<hbm>>
    %dma_wait3A_558 = arith.constant 4032 : i32
    %dma_wait3A_559 = tpu.memref_slice %arg3[%select_n3A, %dma_wait3A_558, %mul3A_32] : memref<4x4096x2048xf32, #tpu.memory_space<hbm>> -> memref<1x64x256xf32, #tpu.memory_space<hbm>>
    %dma_wait3A_560 = tpu.memref_squeeze %dma_wait3A_559 : memref<1x64x256xf32, #tpu.memory_space<hbm>> -> memref<64x256xf32, #tpu.memory_space<hbm>>
    %dma_wait3A_561 = arith.constant 0 : i32
    %dma_wait3A_562 = arith.constant 0 : i32
    %dma_wait3A_563 = tpu.memref_slice %arg4[%dma_wait3A_550, %dma_wait3A_561, %dma_wait3A_562] : memref<4x64x256xf32, #tpu.memory_space<vmem>> -> memref<1x64x256xf32, #tpu.memory_space<vmem>>
    %dma_wait3A_564 = tpu.memref_squeeze %dma_wait3A_563 : memref<1x64x256xf32, #tpu.memory_space<vmem>> -> memref<64x256xf32, #tpu.memory_space<vmem>>
    tpu.wait_dma2 semaphore(%arg12 : memref<!tpu.dma_semaphore, #tpu.memory_space<semaphore_mem>>) src(%dma_wait3A_564 : memref<64x256xf32, #tpu.memory_space<vmem>>) dst(%dma_wait3A_560 : memref<64x256xf32, #tpu.memory_space<hbm>>)
    return
  }
}

</mosaic_0001>

<sc_bundles>
// kernel: kernel.3.cloned.1.call-start
scs
__scs_entry_jumppad:
0x0: {  	(pc) =	sbr.rel $0x88, $3  }
0x1: {  	(tag) =	ssettag $0x0;
	lr =	simm.s32 $0x1  }
0x2: {  	[smem:$0x3FA0] =	sst lr;
	_ =	strace $0xD0000000  }
0x3: {  	_ = 	snop  }
0x4: {  	_ = 	snop  }
0x5: {  	_ = 	snop  }
0x6: {  	_ = 	snop  }
0x7: {  	_ = 	snop  }
__scs_overlays_trampoline_lowered:
0x8: {  	[smem:$0x3FAF] =	sst s0  }
0x9: {  	[smem:$0x3FB0] =	sst s1  }
0xa: {  	[smem:$0x3FB1] =	sst s2  }
0xb: {  	[smem:$0x3FB2] =	sst s3  }
0xc: {  	[smem:$0x3FB3] =	sst s4  }
0xd: {  	[smem:$0x3FB4] =	sst s5  }
0xe: {  	[smem:$0x3FB5] =	sst s6  }
0xf: {  	[smem:$0x3FB6] =	sst s7  }
0x10: {  	[smem:$0x3FB7] =	sst s8  }
0x11: {  	[smem:$0x3FB8] =	sst s9;
	s0 =	simm.s32 @!p0 $0x0  }
0x12: {  	s1 =	sld [smem:$0x3F9E];
	s0 =	simm.s32 @p0 $0x1  }
0x13: {  	[smem:$0x3FB9] =	sst s0;
	s0 =	simm.s32 @!p1 $0x0  }
0x14: {  	s2 =	sld [smem:$0x3F9D];
	s0 =	simm.s32 @p1 $0x1  }
0x15: {  	[smem:$0x3FBA] =	sst s0;
	s0 =	simm.s32 @!p2 $0x0  }
0x16: {  	s3 =	sld [smem:$0x3FDB];
	s0 =	simm.s32 @p2 $0x1  }
0x17: {  	s4 =	simm.s32 $0x1BF5;
	[smem:$0x3FBC] =	sst s0  }
0x18: {  	s0 =	sld [smem:$0x3F9F];
	_ =	swait.ge [sflag:s4], $0x0  }
0x19: {  	s7 =	sld [smem:$0x3FA0]  }
0x1a: {  	s8 =	sadd.s32 $0xFFFFE003, lr  }
0x1b: {  	s9 =	sadd.s32 $0xFFFFFEF7, lr;
	s5 =	simm.s32 $0xFFFFFFFF;
	p2 =	slt.u32 s8, $0xFFFFF086  }
0x1c: {  	p1 =	slt.u32 s9, $0xF7A;
	s5 =	simm.s32 @!p2 $0x0  }
0x1d: {  	s5 =	simm.s32 @p1 $0x1;
	p0 =	seq.s32 s7, s2  }
0x1e: {  	s7 =	smul.u32 @!p0 $0xF7A, s2;
	p2 =	seq.s32 @!p0 s5, $0x0  }
0x1f: {  	s9 =	smul.u32 $0xF7A, s1;
	s8 =	simm.s32 @!p0 $0x1BF5;
	p2 =	por !p2, p0  }
0x20: {  	[sflag:s8] =	ssyncset.s32 @!p0 $0xFFFFF086;
	s6 =	sadd.s32 @!p0 s3, s7;
	s7 =	simm.s32 @!p0 $0x108  }
0x21: {  	s3 =	sadd.s32 s3, s9;
	s6 =	sadd.s32 @!p0 $0x88, s6;
	s7 =	simm.s32 @p2 $0x1082  }
0x22: {  	[simem:s7], [sflag:s8] =	dma.local @!p0 [hbm:s6], $0xF7A  }
0x23: {  	s9 =	sor.u32 $0xD0000000, s2;
	s6 =	simm.s32 $0x108;
	_ =	swait.ge @!p0 [sflag:s8], $0x0  }
0x24: {  	s3 =	sadd.s32 $0x88, s3;
	s6 =	simm.s32 @!p1 $0x1082;
	[sflag:s4] =	ssyncset.s32 $0xFFFFF086  }
0x25: {  	[simem:s6], [sflag:s4] =	dma.local [hbm:s3], $0xF7A  }
0x26: {  	[smem:$0x3FA0] =	sst s1;
	(tag) =	ssettag s2;
	_ =	strace s9  }
0x27: {  	s1 =	sld [smem:$0x3FB0]  }
0x28: {  	s2 =	sld [smem:$0x3FB1]  }
0x29: {  	s4 =	sld [smem:$0x3FB3]  }
0x2a: {  	p0 =	seq.s32 s5, $0x0;
	s5 =	sld [smem:$0x3FB4]  }
0x2b: {  	s6 =	sld [smem:$0x3FB5]  }
0x2c: {  	s7 =	sld [smem:$0x3FB6]  }
0x2d: {  	s3 =	simm.s32 $0x108;
	s8 =	sld [smem:$0x3FB7]  }
0x2e: {  	s3 =	simm.s32 @!p0 $0x1082;
	s9 =	sld [smem:$0x3FB8]  }
0x2f: {  	lr =	sadd.s32 s0, s3;
	s0 =	sld [smem:$0x3FAF]  }
0x30: {  	s3 =	sld [smem:$0x3FB2]  }
0x31: {  	[smem:$0x3FBB] =	sst s10  }
0x32: {  	s10 =	sld [smem:$0x3FB9];
	_ =	sdelay $0x3  }
0x33: {  	p0 =	seq.s32 s10, $0x1;
	s10 =	sld [smem:$0x3FBB];
	_ =	sdelay $0x3  }
0x34: {  	[smem:$0x3FBB] =	sst s10  }
0x35: {  	s10 =	sld [smem:$0x3FBA];
	_ =	sdelay $0x3  }
0x36: {  	p1 =	seq.s32 s10, $0x1;
	s10 =	sld [smem:$0x3FBB];
	_ =	sdelay $0x3  }
0x37: {  	[smem:$0x3FBB] =	sst s10  }
0x38: {  	s10 =	sld [smem:$0x3FBC]  }
0x39: {  	_ = 	snop;
	(pc) =	sbr.ind lr, $3  }
0x3a: {  	_ = 	snop  }
0x3b: {  	_ = 	snop  }
0x3c: {  	p2 =	seq.s32 s10, $0x1;
	s10 =	sld [smem:$0x3FBB]  }
0x3d: {  	_ =	shalt  }
0x3e: {  	_ =	shalt  }
0x3f: {  	_ =	shalt  }
0x40: {  	_ =	shalt  }
0x41: {  	_ =	shalt  }
0x42: {  	_ =	shalt  }
0x43: {  	_ =	shalt  }
0x44: {  	_ =	shalt  }
0x45: {  	_ =	shalt  }
0x46: {  	_ =	shalt  }
0x47: {  	_ =	shalt  }
0x48: {  	_ =	shalt  }
0x49: {  	_ =	shalt  }
0x4a: {  	_ =	shalt  }
0x4b: {  	_ =	shalt  }
0x4c: {  	_ =	shalt  }
0x4d: {  	_ =	shalt  }
0x4e: {  	_ =	shalt  }
0x4f: {  	_ =	shalt  }
0x50: {  	_ =	shalt  }
0x51: {  	_ =	shalt  }
0x52: {  	_ =	shalt  }
0x53: {  	_ =	shalt  }
0x54: {  	_ =	shalt  }
0x55: {  	_ =	shalt  }
0x56: {  	_ =	shalt  }
0x57: {  	_ =	shalt  }
0x58: {  	_ =	shalt  }
0x59: {  	_ =	shalt  }
0x5a: {  	_ =	shalt  }
0x5b: {  	_ =	shalt  }
0x5c: {  	_ =	shalt  }
0x5d: {  	_ =	shalt  }
0x5e: {  	_ =	shalt  }
0x5f: {  	_ =	shalt  }
0x60: {  	_ =	shalt  }
0x61: {  	_ =	shalt  }
0x62: {  	_ =	shalt  }
0x63: {  	_ =	shalt  }
0x64: {  	_ =	shalt  }
0x65: {  	_ =	shalt  }
0x66: {  	_ =	shalt  }
0x67: {  	_ =	shalt  }
0x68: {  	_ =	shalt  }
0x69: {  	_ =	shalt  }
0x6a: {  	_ =	shalt  }
0x6b: {  	_ =	shalt  }
0x6c: {  	_ =	shalt  }
0x6d: {  	_ =	shalt  }
0x6e: {  	_ =	shalt  }
0x6f: {  	_ =	shalt  }
0x70: {  	_ =	shalt  }
0x71: {  	_ =	shalt  }
0x72: {  	_ =	shalt  }
0x73: {  	_ =	shalt  }
0x74: {  	_ =	shalt  }
0x75: {  	_ =	shalt  }
0x76: {  	_ =	shalt  }
0x77: {  	_ =	shalt  }
0x78: {  	_ =	shalt  }
0x79: {  	_ =	shalt  }
0x7a: {  	_ =	shalt  }
0x7b: {  	_ =	shalt  }
0x7c: {  	_ =	shalt  }
0x7d: {  	_ =	shalt  }
0x7e: {  	_ =	shalt  }
0x7f: {  	_ =	shalt  }
0x80: {  	_ =	shalt  }
0x81: {  	_ =	shalt  }
0x82: {  	_ =	shalt  }
0x83: {  	_ =	shalt  }
0x84: {  	_ =	shalt  }
0x85: {  	_ =	shalt  }
0x86: {  	_ =	shalt  }
0x87: {  	_ =	shalt  }
.Lfunc_end0:
.L_simem_size_0:
called_computation_lowered:
.L_overlay_start_0:
0x88: {  	s2 =	sld [smem:$0x3FD9]  }
0x89: {  	s3 =	sld [smem:$0x3FFE];
	_ =	sdelay $0x1  }
0x8a: {  	s1 =	srdreg.scid  }
0x8b: {  	s0 =	sand.u32 $0x1, s1  }
0x8c: {  	s18 =	sshll.u32 s0, $0xA;
	s2 =	sadd.s32 s3, s2  }
0x8d: {  	s2 =	sadd.s32 s2, s18  }
0x8e: {  	[smem:$0x3FC7] =	sst s2  }
0x8f: {  	_ = 	snop  }
0x90: {  	s2 =	sld [smem:$0x3FC9]  }
0x91: {  	s19 =	sld [smem:$0x3FD0];
	(tm) =	ssettm $0x1  }
0x92: {  	s4 =	sld [smem:$0x3FFB];
	_ =	sdelay $0x3  }
0x93: {  	_ =	strace s4  }
0x94: {  	s4 =	sld [smem:$0x3FFC];
	_ =	sdelay $0x3  }
0x95: {  	_ =	strace s4  }
0x96: {  	s4 =	sld [smem:$0x3FFD];
	_ =	sdelay $0x3  }
0x97: {  	_ =	strace s4  }
0x98: {  	_ =	strace $0x8FFFFFFF  }
0x99: {  	s20 =	sld [smem:$0x3FDB];
	_ =	sdelay $0x1  }
0x9a: {  	s5 =	simm.s32 $_scs_section_size  }
0x9b: {  	s6 =	simm.s32 $_size__tile_overlayer_lowered;
	s7 =	simm.s32 $_tile_overlayer_lowered  }
0x9c: {  	s23 =	simm.s32 $0x1BFF;
	s22 =	sshll.u32 s7, $0x1;
	s4 =	sadd.s32 s5, s20  }
0x9d: {  	s8 =	simm.s32 $0x0;
	s21 =	sshll.u32 s6, $0x1;
	s6 =	sadd.s32 s22, s4  }
0x9e: {  	[timem:s8], [sflag:s23] =	dma.local [hbm:s6], s21  }
0x9f: {  	_ =	swait.ge [sflag:s23], s21  }
0xa0: {  	s5 =	ssub.s32 $0x0, s21;
	[sflag:s23] =	ssyncset.done $0x0  }
0xa1: {  	[sflag:s23] =	ssyncadd.s32 s5;
	_ =	sdelay $0x1  }
0xa2: {  	s24 =	simm.s32 $0x1B8B  }
0xa3: {  	_ =	swait.ge [sflag:s24], $0x1  }
0xa4: {  	[sflag:s24] =	ssyncset.done $0x0  }
0xa5: {  	s25 =	simm.s32 $0x1B8E;
	[sflag:s24] =	ssyncadd.s32 $0xFFFFFFFF  }
0xa6: {  	s26 =	simm.s32 $execute0_lowered;
	[smem:$0x3FD2] =	sst s25  }
0xa7: {  	s5 =	sshll.u32 s26, $0x1;
	_ =	strace $0x80000046;
	[dreg:$0x1] =	wrdreg $0xFFFFFFFF  }
0xa8: {  	s28 =	simm.s32 $_size_execute0_lowered;
	s4 =	sadd.s32 s4, s5;
	[dreg:$0x0] =	wrdreg $0x0  }
0xa9: {  	s5 =	sshll.u32 s28, $0x1;
	[dreg:$0x2] =	wrdreg s4  }
0xaa: {  	[dreg:$0x3] =	wrdreg s5  }
0xab: {  	[dreg:$0x4] =	wrdreg $0xC0  }
0xac: {  	_ =	task [dreg:s8], $0x5FFFF  }
0xad: {  	[dreg:$0x1] =	wrdreg $0xFFFFFFFF  }
0xae: {  	[dreg:$0x0] =	wrdreg $0x60  }
0xaf: {  	[dreg:$0x2] =	wrdreg s2  }
0xb0: {  	[dreg:$0x3] =	wrdreg s19  }
0xb1: {  	[dreg:$0x4] =	wrdreg $0x9  }
0xb2: {  	_ =	task.clear_ibuf [dreg:s8], $0x5FFFF;
	_ =	strace $0x90000046  }
0xb3: {  	s29 =	simm.s32 $0x9;
	_ =	strace $0x80000048  }
0xb4: {  	_ =	swait.ge [sflag:s29], $0x1  }
0xb5: {  	[sflag:s29] =	ssyncadd.s32 $0xFFFFFFFF  }
0xb6: {  	_ =	strace $0x90000048  }
0xb7: {  	_ =	sfence  }
0xb8: {  	s30 =	sld [smem:$0x0];
	_ =	sdelay $0x2  }
0xb9: {  	s31 =	sshll.u32 s1, $0xD;
	s1 =	sshrl.u32 s1, $0x2  }
0xba: {  	s3 =	sand.u32 $0x4000, s31;
	s1 =	sadd.s32 s1, s30  }
0xbb: {  	s0 =	sor.u32 s3, s0;
	s1 =	sshll.u32 s1, $0x11  }
0xbc: {  	s0 =	sor.u32 s1, s0  }
0xbd: {  	s0 =	sadd.s32 $0x8F2B, s0  }
0xbe: {  	[sflag:s0] =	ssyncadd.remote.s32 $0x1  }
0xbf: {  	_ =	sfence.sel $0xFFFF  }
0xc0: {  	[dreg:$0x0] =	wrdreg $0xFFFFFFFF;
	(pc) =	sbr.abs _section_cstart, $3  }
0xc1: {  	[dreg:$0x1] =	wrdreg $0xFFFFFFFF  }
0xc2: {  	_ =	task.clear_ibuf [dreg:s8], $0x2FFFF;
	_ =	strace $0x9FFFFFFF  }
0xc3: {  	(tm) =	ssettm $0x7FFFFFFF  }
tec
execute0_lowered:
.L_overlay_start_1:
0x0: {  	(tag) =	ssettag $0x1  }
0x1: {  	s4 =	stileid.u32  }
0x2: {  	s0 =	srdreg.scid;
	s2 =	rddreg [dreg:$0x0];
	s1 =	sshll.u32 s4, $0x1  }
0x3: {  	s3 =	rddreg [dreg:$0x1];
	s0 =	sand.u32 $0x1, s0;
	s1 =	sand.u32 $0x6, s1  }
0x4: {  	s28 =	simm.s32 $0x8000;
	s4 =	sshll.u32 s4, $0x15;
	s1 =	sor.u32 s0, s1  }
0x5: {  	s29 =	simm.s32 $0x2;
	s5 =	sand.u32 $0x1800000, s4;
	s1 =	sshll.u32 s1, $0xB  }
0x6: {  	s30 =	simm.s32 $0xC000;
	s31 =	simm.s32 $0x3;
	s5 =	sor.u32 s5, s1  }
0x7: {  	s11 =	simm.s32 $0x0;
	s4 =	simm.s32 $0x0;
	s7 =	sshrl.u32 s5, $0x3  }
0x8: {  	s0 =	ssub.s32 $0x2, s0;
	[smem:$0x7FF] =	sst s4;
	s13 =	sor.u32 $0x4000, s7  }
0x9: {  	s12 =	sshrl.u32 s0, $0x1;
	s9 =	sor.u32 $0x8000, s7;
	s8 =	sadd.s32 s2, s13  }
0xa: {  	_ =	strace $0x80000047;
	s10 =	sadd.s32 s2, s9;
	[dreg:$0x3] =	wrdreg s8  }
0xb: {  	s14 =	sor.u32 $0xC000, s7;
	s1 =	sadd.s32 s3, s13;
	[dreg:$0x4] =	wrdreg s10  }
0xc: {  	s0 =	ssub.s32 s0, s12;
	s15 =	sadd.s32 s2, s14;
	[dreg:$0x5] =	wrdreg s1  }
0xd: {  	s6 =	sadd.s32 s2, s7;
	s16 =	sadd.s32 s3, s9;
	[dreg:$0x6] =	wrdreg s15  }
0xe: {  	s19 =	sor.u32 $0xF4000, s7;
	s17 =	sadd.s32 $0x10000, s6;
	[dreg:$0x7] =	wrdreg s16  }
0xf: {  	s21 =	sor.u32 $0xF8000, s7;
	s18 =	sadd.s32 s3, s14;
	[dreg:$0x8] =	wrdreg s17  }
0x10: {  	s20 =	sadd.s32 s2, s19;
	s23 =	sadd.s32 s2, s21;
	[dreg:$0x9] =	wrdreg s18  }
0x11: {  	s25 =	sadd.s32 s3, s21;
	s9 =	simm.s32 $0x7;
	[dreg:$0xa] =	wrdreg s20  }
0x12: {  	s8 =	sadd.s32 s3, s7;
	s15 =	sor.u32 $0x80000, s5;
	[dreg:$0xc] =	wrdreg s23  }
0x13: {  	s7 =	sor.u32 $0xFC000, s7;
	s1 =	sadd.s32 s3, s19;
	[dreg:$0xf] =	wrdreg s25  }
0x14: {  	s23 =	smax.u32 s0, $0x1;
	s25 =	simm.s32 $0x4000;
	s0 =	simm.s32 $0x4  }
0x15: {  	s10 =	simm.s32 $0x8;
	s22 =	sadd.s32 $0xF0000, s8;
	[dreg:$0xd] =	wrdreg s1  }
0x16: {  	s24 =	sadd.s32 s2, s7;
	s26 =	sadd.s32 s3, s7;
	[dreg:$0xb] =	wrdreg s22  }
0x17: {  	s1 =	simm.s32 $0x5;
	s7 =	simm.s32 $0x6;
	[dreg:$0xe] =	wrdreg s24  }
0x18: {  	[dreg:$0x10] =	wrdreg s26;
	s24 =	simm.s32 $0x800;
	s26 =	simm.s32 $0x1  }
.LBB2_1:
0x19: {  	[tilespmem:s4], [sflag:$0x1] =	stream.strided.gather [hbm4b:s6+s24], $0x4000, s25, s24, $0x38;
	[tilespmem:$0x10000] =	vst v63  }
0x1a: {  	s12 =	rddreg [dreg:$0x3]  }
0x1b: {  	[tilespmem:s25], [sflag:$0x2] =	stream.strided.gather [hbm4b:s12+s24], $0x4000, s25, s24, $0x38;
	[tilespmem:$0x10000] =	vst v63  }
0x1c: {  	_ =	swait.ge [sflag:s26], $0x4000  }
0x1d: {  	s22 =	sand.u32 $0x3800, s4;
	s13 =	sand.u32 $0x380, s4;
	[sflag:s26] =	ssyncset.done $0x0  }
0x1e: {  	s12 =	sor.u32 s13, s22;
	[sflag:s26] =	ssyncadd.s32 $0xFFFFC000  }
0x1f: {  	v0 =	vld [tilespmem:s12+$0x0]  }
0x20: {  	v1 =	vld [tilespmem:s12+$0x10]  }
0x21: {  	v2 =	vld [tilespmem:s12+$0x20]  }
0x22: {  	v3 =	vld [tilespmem:s12+$0x30]  }
0x23: {  	v9 =	vimm.f32 $0.0e+00;
	v4 =	vld [tilespmem:s12+$0x40]  }
0x24: {  	v10 =	vld [tilespmem:s12+$0x50];
	v6 =	vadd.f32 v0, v9  }
0x25: {  	v11 =	vld [tilespmem:s12+$0x60];
	v7 =	vadd.f32 v1, v9  }
0x26: {  	v0 =	vld [tilespmem:s12+$0x70];
	v8 =	vadd.f32 v2, v9;
	[tilespmem:s12+$0x0] =	vst v6  }
0x27: {  	v12 =	vld [tilespmem:s12+$0x400];
	v5 =	vadd.f32 v3, v9;
	[tilespmem:s12+$0x10] =	vst v7  }
0x28: {  	v18 =	vld [tilespmem:s12+$0x410];
	v3 =	vadd.f32 v4, v9;
	[tilespmem:s12+$0x20] =	vst v8  }
0x29: {  	v17 =	vld [tilespmem:s12+$0x420];
	v4 =	vadd.f32 v10, v9;
	[tilespmem:s12+$0x30] =	vst v5  }
0x2a: {  	v13 =	vimm.f32 $0.0e+00;
	v14 =	vimm.f32 $0.0e+00;
	v16 =	vld [tilespmem:s12+$0x430];
	v2 =	vadd.f32 v11, v9;
	[tilespmem:s12+$0x40] =	vst v3  }
0x2b: {  	v15 =	vimm.f32 $0.0e+00;
	v19 =	vld [tilespmem:s12+$0x440];
	v10 =	vimm.f32 $0.0e+00;
	[tilespmem:s12+$0x50] =	vst v4;
	v1 =	vadd.f32 v0, v9  }
0x2c: {  	s14 =	simm.s32 $0x100;
	s13 =	simm.s32 $0x80;
	v20 =	vld [tilespmem:s12+$0x450];
	v11 =	vimm.f32 $0.0e+00;
	[tilespmem:s12+$0x60] =	vst v2;
	v0 =	vadd.f32 v12, v9;
	v12 =	vimm.f32 $0.0e+00  }
.LBB2_2:
0x2d: {  	s16 =	sand.u32 $0x3800, s14;
	s17 =	sand.u32 $0x380, s13;
	p0 =	sne.s32 s14, $0x3F00;
	[tilespmem:s12+$0x70] =	vst v1;
	v9 =	vadd.f32 v18, v9;
	v18 =	vld [tilespmem:s12+$0x460]  }
0x2e: {  	s16 =	sor.u32 s17, s16;
	[tilespmem:s12+$0x400] =	vst v0;
	v10 =	vadd.f32 v17, v10;
	v17 =	vld [tilespmem:s12+$0x470]  }
0x2f: {  	v21 =	vld [tilespmem:s16+$0x0];
	[tilespmem:s12+$0x410] =	vst v9;
	v11 =	vadd.f32 v16, v11  }
0x30: {  	v16 =	vld [tilespmem:s16+$0x10];
	[tilespmem:s12+$0x420] =	vst v10;
	v12 =	vadd.f32 v19, v12  }
0x31: {  	v19 =	vld [tilespmem:s16+$0x20];
	[tilespmem:s12+$0x430] =	vst v11;
	v13 =	vadd.f32 v20, v13  }
0x32: {  	v20 =	vld [tilespmem:s16+$0x30];
	[tilespmem:s12+$0x440] =	vst v12;
	v14 =	vadd.f32 v18, v14  }
0x33: {  	v18 =	vld [tilespmem:s16+$0x40];
	[tilespmem:s12+$0x450] =	vst v13;
	v15 =	vadd.f32 v17, v15  }
0x34: {  	v6 =	vadd.f32 v21, v6;
	v17 =	vld [tilespmem:s16+$0x50];
	[tilespmem:s12+$0x460] =	vst v14  }
0x35: {  	v7 =	vadd.f32 v16, v7;
	v16 =	vld [tilespmem:s16+$0x60];
	[tilespmem:s12+$0x470] =	vst v15;
	s12 =	smov.u32 s16  }
0x36: {  	[tilespmem:s12+$0x0] =	vst v6;
	v8 =	vadd.f32 v19, v8;
	v19 =	vld [tilespmem:s12+$0x70]  }
0x37: {  	[tilespmem:s12+$0x10] =	vst v7;
	v5 =	vadd.f32 v20, v5;
	v20 =	vld [tilespmem:s12+$0x400]  }
.Ltmp0:
0x38: {  	[tilespmem:s12+$0x20] =	vst v8;
	v3 =	vadd.f32 v18, v3;
	v18 =	vld [tilespmem:s12+$0x410];
	(pc) =	sbr.rel @p0 .LBB2_2-.Ltmp0, $4  }
0x39: {  	[tilespmem:s12+$0x30] =	vst v5;
	v4 =	vadd.f32 v17, v4;
	v17 =	vld [tilespmem:s12+$0x420]  }
0x3a: {  	[tilespmem:s12+$0x40] =	vst v3;
	v2 =	vadd.f32 v16, v2;
	v16 =	vld [tilespmem:s12+$0x430]  }
0x3b: {  	[tilespmem:s12+$0x50] =	vst v4;
	v1 =	vadd.f32 v19, v1;
	v19 =	vld [tilespmem:s12+$0x440]  }
0x3c: {  	s13 =	sadd.s32 $0x80, s13;
	s14 =	sadd.s32 $0x100, s14;
	[tilespmem:s12+$0x60] =	vst v2;
	v0 =	vadd.f32 v20, v0;
	v20 =	vld [tilespmem:s12+$0x450]  }
0x3d: {  	[tilespmem:s12+$0x70] =	vst v1;
	v9 =	vadd.f32 v18, v9;
	v18 =	vld [tilespmem:s12+$0x460]  }
0x3e: {  	[tilespmem:s12+$0x400] =	vst v0;
	v10 =	vadd.f32 v17, v10;
	v17 =	vld [tilespmem:s12+$0x470]  }
0x3f: {  	[tilespmem:s12+$0x410] =	vst v9;
	v11 =	vadd.f32 v16, v11  }
0x40: {  	[tilespmem:s12+$0x420] =	vst v10;
	v12 =	vadd.f32 v19, v12  }
0x41: {  	[tilespmem:s12+$0x430] =	vst v11;
	v13 =	vadd.f32 v20, v13  }
0x42: {  	[tilespmem:s12+$0x440] =	vst v12;
	v14 =	vadd.f32 v18, v14  }
0x43: {  	[tilespmem:s12+$0x450] =	vst v13;
	v15 =	vadd.f32 v17, v15  }
0x44: {  	[tilespmem:s12+$0x460] =	vst v14  }
0x45: {  	s21 =	simm.s32 $0x0;
	[tilespmem:s12+$0x470] =	vst v15  }
0x46: {  	[hbm4b:s8+s24] =	stream.strided.scatter [tilespmem:s21], [sflag:$0x5], $0x4000, s25, s24, $0x38;
	[tilespmem:$0x10000] =	vst v63  }
0x47: {  	s13 =	rddreg [dreg:$0x4]  }
0x48: {  	[tilespmem:s28], [sflag:$0x3] =	stream.strided.gather [hbm4b:s13+s24], $0x4000, s25, s24, $0x38;
	[tilespmem:$0x10000] =	vst v63  }
0x49: {  	_ =	swait.ge [sflag:s29], $0x4000  }
0x4a: {  	s22 =	sand.u32 $0x3800, s21;
	s12 =	sand.u32 $0x380, s21;
	[sflag:s29] =	ssyncset.done $0x0  }
0x4b: {  	s12 =	sor.u32 s12, s22;
	[sflag:s29] =	ssyncadd.s32 $0xFFFFC000  }
0x4c: {  	v16 =	vld [tilespmem:s12+$0x4000]  }
0x4d: {  	v17 =	vld [tilespmem:s12+$0x4010]  }
0x4e: {  	v18 =	vld [tilespmem:s12+$0x4020]  }
0x4f: {  	v19 =	vld [tilespmem:s12+$0x4030]  }
0x50: {  	v20 =	vld [tilespmem:s12+$0x4040]  }
0x51: {  	v22 =	vld [tilespmem:s12+$0x4060]  }
0x52: {  	v16 =	vadd.f32 v16, v6;
	v6 =	vld [tilespmem:s12+$0x4050]  }
0x53: {  	v7 =	vadd.f32 v17, v7  }
0x54: {  	v23 =	vld [tilespmem:s12+$0x4070];
	v8 =	vadd.f32 v18, v8;
	[tilespmem:s12+$0x4000] =	vst v16  }
0x55: {  	v24 =	vld [tilespmem:s12+$0x4400];
	v17 =	vadd.f32 v19, v5;
	[tilespmem:s12+$0x4010] =	vst v7  }
0x56: {  	v21 =	vld [tilespmem:s12+$0x4410];
	v18 =	vadd.f32 v20, v3;
	[tilespmem:s12+$0x4020] =	vst v8  }
0x57: {  	v20 =	vadd.f32 v22, v2;
	[tilespmem:s12+$0x4030] =	vst v17;
	v19 =	vadd.f32 v6, v4;
	v4 =	vld [tilespmem:s12+$0x4420]  }
0x58: {  	v2 =	vld [tilespmem:s12+$0x4430];
	[tilespmem:s12+$0x4040] =	vst v18  }
0x59: {  	v3 =	vld [tilespmem:s12+$0x4440];
	v5 =	vadd.f32 v23, v1;
	[tilespmem:s12+$0x4060] =	vst v20  }
0x5a: {  	s14 =	simm.s32 $0x100;
	s13 =	simm.s32 $0x80;
	v6 =	vadd.f32 v24, v0;
	v0 =	vld [tilespmem:s12+$0x4450];
	[tilespmem:s12+$0x4050] =	vst v19  }
.LBB2_4:
0x5b: {  	s16 =	sand.u32 $0x3800, s14;
	s17 =	sand.u32 $0x380, s13;
	p0 =	sne.s32 s14, $0x3F00;
	[tilespmem:s12+$0x4070] =	vst v5;
	v9 =	vadd.f32 v21, v9;
	v1 =	vld [tilespmem:s12+$0x4460]  }
0x5c: {  	s16 =	sor.u32 s17, s16;
	[tilespmem:s12+$0x4400] =	vst v6;
	v10 =	vadd.f32 v4, v10;
	v4 =	vld [tilespmem:s12+$0x4470]  }
0x5d: {  	v21 =	vld [tilespmem:s16+$0x4000];
	[tilespmem:s12+$0x4410] =	vst v9;
	v11 =	vadd.f32 v2, v11  }
0x5e: {  	v2 =	vld [tilespmem:s16+$0x4010];
	[tilespmem:s12+$0x4420] =	vst v10;
	v12 =	vadd.f32 v3, v12  }
0x5f: {  	v3 =	vld [tilespmem:s16+$0x4020];
	[tilespmem:s12+$0x4430] =	vst v11;
	v13 =	vadd.f32 v0, v13  }
0x60: {  	v0 =	vld [tilespmem:s16+$0x4030];
	[tilespmem:s12+$0x4440] =	vst v12;
	v14 =	vadd.f32 v1, v14  }
0x61: {  	v1 =	vld [tilespmem:s16+$0x4040];
	[tilespmem:s12+$0x4450] =	vst v13;
	v15 =	vadd.f32 v4, v15  }
0x62: {  	v16 =	vadd.f32 v21, v16;
	v4 =	vld [tilespmem:s16+$0x4050];
	[tilespmem:s12+$0x4460] =	vst v14  }
0x63: {  	v7 =	vadd.f32 v2, v7;
	v2 =	vld [tilespmem:s16+$0x4060];
	[tilespmem:s12+$0x4470] =	vst v15;
	s12 =	smov.u32 s16  }
0x64: {  	[tilespmem:s12+$0x4000] =	vst v16;
	v8 =	vadd.f32 v3, v8;
	v3 =	vld [tilespmem:s12+$0x4070]  }
0x65: {  	[tilespmem:s12+$0x4010] =	vst v7;
	v17 =	vadd.f32 v0, v17;
	v0 =	vld [tilespmem:s12+$0x4400]  }
.Ltmp1:
0x66: {  	[tilespmem:s12+$0x4020] =	vst v8;
	v18 =	vadd.f32 v1, v18;
	v21 =	vld [tilespmem:s12+$0x4410];
	(pc) =	sbr.rel @p0 .LBB2_4-.Ltmp1, $4  }
0x67: {  	[tilespmem:s12+$0x4030] =	vst v17;
	v19 =	vadd.f32 v4, v19;
	v4 =	vld [tilespmem:s12+$0x4420]  }
0x68: {  	[tilespmem:s12+$0x4040] =	vst v18;
	v20 =	vadd.f32 v2, v20;
	v2 =	vld [tilespmem:s12+$0x4430]  }
0x69: {  	[tilespmem:s12+$0x4050] =	vst v19;
	v5 =	vadd.f32 v3, v5;
	v3 =	vld [tilespmem:s12+$0x4440]  }
0x6a: {  	s13 =	sadd.s32 $0x80, s13;
	s14 =	sadd.s32 $0x100, s14;
	[tilespmem:s12+$0x4060] =	vst v20;
	v6 =	vadd.f32 v0, v6;
	v0 =	vld [tilespmem:s12+$0x4450]  }
0x6b: {  	[tilespmem:s12+$0x4070] =	vst v5;
	v21 =	vadd.f32 v21, v9;
	v1 =	vld [tilespmem:s12+$0x4460]  }
0x6c: {  	[tilespmem:s12+$0x4400] =	vst v6;
	v22 =	vadd.f32 v4, v10;
	v4 =	vld [tilespmem:s12+$0x4470]  }
0x6d: {  	[tilespmem:s12+$0x4410] =	vst v21;
	v23 =	vadd.f32 v2, v11  }
0x6e: {  	[tilespmem:s12+$0x4420] =	vst v22;
	v24 =	vadd.f32 v3, v12  }
0x6f: {  	[tilespmem:s12+$0x4430] =	vst v23;
	v25 =	vadd.f32 v0, v13  }
0x70: {  	[tilespmem:s12+$0x4440] =	vst v24;
	v26 =	vadd.f32 v1, v14  }
0x71: {  	[tilespmem:s12+$0x4450] =	vst v25;
	v27 =	vadd.f32 v4, v15  }
0x72: {  	[tilespmem:s12+$0x4460] =	vst v26  }
0x73: {  	s20 =	rddreg [dreg:$0x5];
	[tilespmem:s12+$0x4470] =	vst v27  }
0x74: {  	[hbm4b:s20+s24] =	stream.strided.scatter [tilespmem:s25], [sflag:$0x6], $0x4000, s25, s24, $0x38;
	[tilespmem:$0x10000] =	vst v63  }
0x75: {  	s21 =	rddreg [dreg:$0x6]  }
0x76: {  	[tilespmem:s30], [sflag:$0x4] =	stream.strided.gather [hbm4b:s21+s24], $0x4000, s25, s24, $0x38;
	[tilespmem:$0x10000] =	vst v63  }
0x77: {  	s22 =	simm.s32 $0x0;
	_ =	swait.ge [sflag:s31], $0x4000  }
0x78: {  	s13 =	sand.u32 $0x3800, s22;
	s12 =	sand.u32 $0x380, s22;
	[sflag:s31] =	ssyncset.done $0x0  }
0x79: {  	s12 =	sor.u32 s12, s13;
	[sflag:s31] =	ssyncadd.s32 $0xFFFFC000  }
0x7a: {  	v0 =	vld [tilespmem:s12+$0x8000]  }
0x7b: {  	v2 =	vld [tilespmem:s12+$0x8010]  }
0x7c: {  	v3 =	vld [tilespmem:s12+$0x8020]  }
0x7d: {  	v4 =	vld [tilespmem:s12+$0x8030]  }
0x7e: {  	v9 =	vld [tilespmem:s12+$0x8040]  }
0x7f: {  	v1 =	vadd.f32 v0, v16;
	v0 =	vld [tilespmem:s12+$0x8050]  }
0x80: {  	v2 =	vadd.f32 v2, v7;
	v7 =	vld [tilespmem:s12+$0x8060]  }
0x81: {  	v15 =	vld [tilespmem:s12+$0x8070];
	v3 =	vadd.f32 v3, v8;
	[tilespmem:s12+$0x8000] =	vst v1  }
0x82: {  	v63 =	vld [tilespmem:s12+$0x8400];
	v4 =	vadd.f32 v4, v17;
	[tilespmem:s12+$0x8010] =	vst v2  }
0x83: {  	v13 =	vld [tilespmem:s12+$0x8410];
	v10 =	vadd.f32 v9, v18;
	[tilespmem:s12+$0x8020] =	vst v3  }
0x84: {  	v14 =	vld [tilespmem:s12+$0x8420];
	[tilespmem:s12+$0x8030] =	vst v4;
	v11 =	vadd.f32 v0, v19  }
0x85: {  	[tilespmem:s12+$0x8040] =	vst v10;
	v12 =	vadd.f32 v7, v20;
	v7 =	vld [tilespmem:s12+$0x8430]  }
0x86: {  	v8 =	vld [tilespmem:s12+$0x8440];
	v0 =	vadd.f32 v15, v5;
	[tilespmem:s12+$0x8050] =	vst v11  }
0x87: {  	s14 =	simm.s32 $0x100;
	s13 =	simm.s32 $0x80;
	v9 =	vadd.f32 v63, v6;
	v5 =	vld [tilespmem:s12+$0x8450];
	[tilespmem:s12+$0x8060] =	vst v12  }
.LBB2_6:
0x88: {  	s16 =	sand.u32 $0x3800, s14;
	s17 =	sand.u32 $0x380, s13;
	p0 =	sne.s32 s14, $0x3F00;
	[tilespmem:s12+$0x8070] =	vst v0;
	v21 =	vadd.f32 v13, v21;
	v6 =	vld [tilespmem:s12+$0x8460]  }
0x89: {  	s16 =	sor.u32 s17, s16;
	[tilespmem:s12+$0x8400] =	vst v9;
	v22 =	vadd.f32 v14, v22;
	v13 =	vld [tilespmem:s12+$0x8470]  }
0x8a: {  	v14 =	vld [tilespmem:s16+$0x8000];
	[tilespmem:s12+$0x8410] =	vst v21;
	v23 =	vadd.f32 v7, v23  }
0x8b: {  	v7 =	vld [tilespmem:s16+$0x8010];
	[tilespmem:s12+$0x8420] =	vst v22;
	v24 =	vadd.f32 v8, v24  }
0x8c: {  	v8 =	vld [tilespmem:s16+$0x8020];
	[tilespmem:s12+$0x8430] =	vst v23;
	v25 =	vadd.f32 v5, v25  }
0x8d: {  	v5 =	vld [tilespmem:s16+$0x8030];
	[tilespmem:s12+$0x8440] =	vst v24;
	v26 =	vadd.f32 v6, v26  }
0x8e: {  	v6 =	vld [tilespmem:s16+$0x8040];
	[tilespmem:s12+$0x8450] =	vst v25;
	v27 =	vadd.f32 v13, v27  }
0x8f: {  	v1 =	vadd.f32 v14, v1;
	v14 =	vld [tilespmem:s16+$0x8050];
	[tilespmem:s12+$0x8460] =	vst v26  }
0x90: {  	v2 =	vadd.f32 v7, v2;
	v7 =	vld [tilespmem:s16+$0x8060];
	[tilespmem:s12+$0x8470] =	vst v27;
	s12 =	smov.u32 s16  }
0x91: {  	[tilespmem:s12+$0x8000] =	vst v1;
	v3 =	vadd.f32 v8, v3;
	v8 =	vld [tilespmem:s12+$0x8070]  }
0x92: {  	[tilespmem:s12+$0x8010] =	vst v2;
	v4 =	vadd.f32 v5, v4;
	v5 =	vld [tilespmem:s12+$0x8400]  }
.Ltmp2:
0x93: {  	[tilespmem:s12+$0x8020] =	vst v3;
	v10 =	vadd.f32 v6, v10;
	v13 =	vld [tilespmem:s12+$0x8410];
	(pc) =	sbr.rel @p0 .LBB2_6-.Ltmp2, $4  }
0x94: {  	[tilespmem:s12+$0x8030] =	vst v4;
	v11 =	vadd.f32 v14, v11;
	v14 =	vld [tilespmem:s12+$0x8420]  }
0x95: {  	[tilespmem:s12+$0x8040] =	vst v10;
	v12 =	vadd.f32 v7, v12;
	v7 =	vld [tilespmem:s12+$0x8430]  }
0x96: {  	[tilespmem:s12+$0x8050] =	vst v11;
	v0 =	vadd.f32 v8, v0;
	v8 =	vld [tilespmem:s12+$0x8440]  }
0x97: {  	s13 =	sadd.s32 $0x80, s13;
	s14 =	sadd.s32 $0x100, s14;
	[tilespmem:s12+$0x8060] =	vst v12;
	v9 =	vadd.f32 v5, v9;
	v5 =	vld [tilespmem:s12+$0x8450]  }
0x98: {  	[tilespmem:s12+$0x8070] =	vst v0;
	v13 =	vadd.f32 v13, v21;
	v6 =	vld [tilespmem:s12+$0x8460]  }
0x99: {  	v19 =	vld [tilespmem:s12+$0x8470];
	[tilespmem:s12+$0x8400] =	vst v9;
	v14 =	vadd.f32 v14, v22  }
0x9a: {  	[tilespmem:s12+$0x8410] =	vst v13;
	v15 =	vadd.f32 v7, v23  }
0x9b: {  	[tilespmem:s12+$0x8420] =	vst v14;
	v16 =	vadd.f32 v8, v24  }
0x9c: {  	[tilespmem:s12+$0x8430] =	vst v15;
	v17 =	vadd.f32 v5, v25  }
0x9d: {  	[tilespmem:s12+$0x8440] =	vst v16;
	v18 =	vadd.f32 v6, v26  }
0x9e: {  	v19 =	vadd.f32 v19, v27;
	[tilespmem:s12+$0x8450] =	vst v17  }
0x9f: {  	[tilespmem:s12+$0x8460] =	vst v18  }
0xa0: {  	s20 =	rddreg [dreg:$0x7];
	[tilespmem:s12+$0x8470] =	vst v19  }
0xa1: {  	[hbm4b:s20+s24] =	stream.strided.scatter [tilespmem:s28], [sflag:$0x7], $0x4000, s25, s24, $0x38;
	[tilespmem:$0x10000] =	vst v63  }
0xa2: {  	_ =	swait.ge [sflag:s1], $0x4000  }
0xa3: {  	[sflag:s1] =	ssyncset.done $0x0  }
0xa4: {  	s21 =	simm.s32 $0x0;
	s13 =	rddreg [dreg:$0x8];
	[sflag:s1] =	ssyncadd.s32 $0xFFFFC000  }
0xa5: {  	[tilespmem:s21], [sflag:$0x1] =	stream.strided.gather [hbm4b:s13+s24], $0x4000, s25, s24, $0x38;
	[tilespmem:$0x10000] =	vst v63  }
0xa6: {  	_ =	swait.ge [sflag:s0], $0x4000  }
0xa7: {  	s22 =	sand.u32 $0x3800, s21;
	s12 =	sand.u32 $0x380, s21;
	[sflag:s0] =	ssyncset.done $0x0  }
0xa8: {  	s12 =	sor.u32 s12, s22;
	[sflag:s0] =	ssyncadd.s32 $0xFFFFC000  }
0xa9: {  	v5 =	vld [tilespmem:s12+$0xC000]  }
0xaa: {  	v6 =	vld [tilespmem:s12+$0xC010]  }
0xab: {  	v20 =	vld [tilespmem:s12+$0xC020]  }
0xac: {  	v21 =	vld [tilespmem:s12+$0xC030]  }
0xad: {  	v22 =	vld [tilespmem:s12+$0xC040]  }
0xae: {  	v8 =	vadd.f32 v5, v1;
	v1 =	vld [tilespmem:s12+$0xC050]  }
0xaf: {  	v7 =	vadd.f32 v6, v2;
	v2 =	vld [tilespmem:s12+$0xC060]  }
0xb0: {  	v23 =	vld [tilespmem:s12+$0xC070];
	v6 =	vadd.f32 v20, v3;
	[tilespmem:s12+$0xC000] =	vst v8  }
0xb1: {  	v5 =	vadd.f32 v21, v4;
	v21 =	vld [tilespmem:s12+$0xC400];
	[tilespmem:s12+$0xC010] =	vst v7  }
0xb2: {  	v4 =	vadd.f32 v22, v10;
	v20 =	vld [tilespmem:s12+$0xC410];
	[tilespmem:s12+$0xC020] =	vst v6  }
0xb3: {  	v10 =	vld [tilespmem:s12+$0xC420];
	[tilespmem:s12+$0xC030] =	vst v5;
	v3 =	vadd.f32 v1, v11  }
0xb4: {  	[tilespmem:s12+$0xC040] =	vst v4;
	v2 =	vadd.f32 v2, v12;
	v11 =	vld [tilespmem:s12+$0xC430]  }
0xb5: {  	v12 =	vld [tilespmem:s12+$0xC440];
	v1 =	vadd.f32 v23, v0;
	[tilespmem:s12+$0xC050] =	vst v3  }
0xb6: {  	s14 =	simm.s32 $0x100;
	s13 =	simm.s32 $0x80;
	v0 =	vadd.f32 v21, v9;
	v21 =	vld [tilespmem:s12+$0xC450];
	[tilespmem:s12+$0xC060] =	vst v2  }
.LBB2_8:
0xb7: {  	s16 =	sand.u32 $0x3800, s14;
	s17 =	sand.u32 $0x380, s13;
	p0 =	sne.s32 s14, $0x3F00;
	[tilespmem:s12+$0xC070] =	vst v1;
	v13 =	vadd.f32 v20, v13;
	v9 =	vld [tilespmem:s12+$0xC460]  }
0xb8: {  	s16 =	sor.u32 s17, s16;
	[tilespmem:s12+$0xC400] =	vst v0;
	v14 =	vadd.f32 v10, v14;
	v10 =	vld [tilespmem:s12+$0xC470]  }
0xb9: {  	v20 =	vld [tilespmem:s16+$0xC000];
	[tilespmem:s12+$0xC410] =	vst v13;
	v15 =	vadd.f32 v11, v15  }
0xba: {  	v11 =	vld [tilespmem:s16+$0xC010];
	[tilespmem:s12+$0xC420] =	vst v14;
	v16 =	vadd.f32 v12, v16  }
0xbb: {  	v12 =	vld [tilespmem:s16+$0xC020];
	[tilespmem:s12+$0xC430] =	vst v15;
	v17 =	vadd.f32 v21, v17  }
0xbc: {  	v21 =	vld [tilespmem:s16+$0xC030];
	[tilespmem:s12+$0xC440] =	vst v16;
	v18 =	vadd.f32 v9, v18  }
0xbd: {  	v9 =	vld [tilespmem:s16+$0xC040];
	[tilespmem:s12+$0xC450] =	vst v17;
	v19 =	vadd.f32 v10, v19  }
0xbe: {  	v8 =	vadd.f32 v20, v8;
	v10 =	vld [tilespmem:s16+$0xC050];
	[tilespmem:s12+$0xC460] =	vst v18  }
0xbf: {  	v7 =	vadd.f32 v11, v7;
	v11 =	vld [tilespmem:s16+$0xC060];
	[tilespmem:s12+$0xC470] =	vst v19;
	s12 =	smov.u32 s16  }
0xc0: {  	[tilespmem:s12+$0xC000] =	vst v8;
	v6 =	vadd.f32 v12, v6;
	v12 =	vld [tilespmem:s12+$0xC070]  }
0xc1: {  	[tilespmem:s12+$0xC010] =	vst v7;
	v5 =	vadd.f32 v21, v5;
	v21 =	vld [tilespmem:s12+$0xC400]  }
.Ltmp3:
0xc2: {  	[tilespmem:s12+$0xC020] =	vst v6;
	v4 =	vadd.f32 v9, v4;
	v20 =	vld [tilespmem:s12+$0xC410];
	(pc) =	sbr.rel @p0 .LBB2_8-.Ltmp3, $4  }
0xc3: {  	[tilespmem:s12+$0xC030] =	vst v5;
	v3 =	vadd.f32 v10, v3;
	v10 =	vld [tilespmem:s12+$0xC420]  }
0xc4: {  	[tilespmem:s12+$0xC040] =	vst v4;
	v2 =	vadd.f32 v11, v2;
	v11 =	vld [tilespmem:s12+$0xC430]  }
0xc5: {  	[tilespmem:s12+$0xC050] =	vst v3;
	v1 =	vadd.f32 v12, v1;
	v12 =	vld [tilespmem:s12+$0xC440]  }
0xc6: {  	s13 =	sadd.s32 $0x80, s13;
	s14 =	sadd.s32 $0x100, s14;
	[tilespmem:s12+$0xC060] =	vst v2;
	v0 =	vadd.f32 v21, v0;
	v21 =	vld [tilespmem:s12+$0xC450]  }
0xc7: {  	[tilespmem:s12+$0xC070] =	vst v1;
	v9 =	vadd.f32 v20, v13;
	v63 =	vld [tilespmem:s12+$0xC460]  }
0xc8: {  	v22 =	vld [tilespmem:s12+$0xC470];
	[tilespmem:s12+$0xC400] =	vst v0;
	v10 =	vadd.f32 v10, v14  }
0xc9: {  	[tilespmem:s12+$0xC410] =	vst v9;
	v11 =	vadd.f32 v11, v15  }
0xca: {  	[tilespmem:s12+$0xC420] =	vst v10;
	v12 =	vadd.f32 v12, v16  }
0xcb: {  	[tilespmem:s12+$0xC430] =	vst v11;
	v13 =	vadd.f32 v21, v17  }
0xcc: {  	[tilespmem:s12+$0xC440] =	vst v12;
	v14 =	vadd.f32 v63, v18  }
0xcd: {  	v15 =	vadd.f32 v22, v19;
	[tilespmem:s12+$0xC450] =	vst v13  }
0xce: {  	[tilespmem:s12+$0xC460] =	vst v14  }
0xcf: {  	s22 =	rddreg [dreg:$0x9];
	[tilespmem:s12+$0xC470] =	vst v15;
	s12 =	simm.s32 $0x1  }
0xd0: {  	[hbm4b:s22+s24] =	stream.strided.scatter [tilespmem:s30], [sflag:$0x8], $0x4000, s25, s24, $0x38;
	[tilespmem:$0x10000] =	vst v63  }
.LBB2_10:
0xd1: {  	s13 =	sshll.u32 s12, $0x13  }
0xd2: {  	s14 =	sor.u32 s13, s5  }
0xd3: {  	_ =	swait.ge [sflag:s7], $0x4000;
	s14 =	sshrl.u32 s14, $0x3  }
0xd4: {  	[sflag:s7] =	ssyncset.done $0x0;
	s16 =	sor.u32 $0x4000, s14  }
0xd5: {  	[sflag:s7] =	ssyncadd.s32 $0xFFFFC000;
	s17 =	sadd.s32 s2, s16  }
0xd6: {  	[tilespmem:s25], [sflag:$0x2] =	stream.strided.gather [hbm4b:s17+s24], $0x4000, s25, s24, $0x38;
	[tilespmem:$0x10000] =	vst v63  }
0xd7: {  	s22 =	simm.s32 $0x0;
	_ =	swait.ge [sflag:s26], $0x4000  }
0xd8: {  	s18 =	sand.u32 $0x3800, s22;
	s17 =	sand.u32 $0x380, s22;
	[sflag:s26] =	ssyncset.done $0x0  }
0xd9: {  	s17 =	sor.u32 s17, s18;
	[sflag:s26] =	ssyncadd.s32 $0xFFFFC000  }
0xda: {  	v16 =	vld [tilespmem:s17+$0x0]  }
0xdb: {  	v17 =	vld [tilespmem:s17+$0x10]  }
0xdc: {  	v18 =	vld [tilespmem:s17+$0x20]  }
0xdd: {  	v19 =	vld [tilespmem:s17+$0x30]  }
0xde: {  	v20 =	vld [tilespmem:s17+$0x40]  }
0xdf: {  	v8 =	vadd.f32 v16, v8;
	v16 =	vld [tilespmem:s17+$0x50]  }
0xe0: {  	v7 =	vadd.f32 v17, v7;
	v17 =	vld [tilespmem:s17+$0x60]  }
0xe1: {  	v21 =	vld [tilespmem:s17+$0x70];
	v6 =	vadd.f32 v18, v6;
	[tilespmem:s17+$0x0] =	vst v8  }
0xe2: {  	v22 =	vld [tilespmem:s17+$0x400];
	v5 =	vadd.f32 v19, v5;
	[tilespmem:s17+$0x10] =	vst v7  }
0xe3: {  	v4 =	vadd.f32 v20, v4;
	v19 =	vld [tilespmem:s17+$0x410];
	[tilespmem:s17+$0x20] =	vst v6  }
0xe4: {  	v18 =	vld [tilespmem:s17+$0x420];
	[tilespmem:s17+$0x30] =	vst v5;
	v3 =	vadd.f32 v16, v3  }
0xe5: {  	[tilespmem:s17+$0x40] =	vst v4;
	v2 =	vadd.f32 v17, v2;
	v16 =	vld [tilespmem:s17+$0x430]  }
0xe6: {  	v1 =	vadd.f32 v21, v1;
	v17 =	vld [tilespmem:s17+$0x440];
	[tilespmem:s17+$0x50] =	vst v3  }
0xe7: {  	s19 =	simm.s32 $0x100;
	s18 =	simm.s32 $0x80;
	v0 =	vadd.f32 v22, v0;
	v20 =	vld [tilespmem:s17+$0x450];
	[tilespmem:s17+$0x60] =	vst v2  }
.LBB2_11:
0xe8: {  	s20 =	sand.u32 $0x3800, s19;
	s21 =	sand.u32 $0x380, s18;
	p0 =	sne.s32 s19, $0x3F00;
	[tilespmem:s17+$0x70] =	vst v1;
	v9 =	vadd.f32 v19, v9;
	v19 =	vld [tilespmem:s17+$0x460]  }
0xe9: {  	s20 =	sor.u32 s21, s20;
	[tilespmem:s17+$0x400] =	vst v0;
	v10 =	vadd.f32 v18, v10;
	v18 =	vld [tilespmem:s17+$0x470]  }
0xea: {  	v21 =	vld [tilespmem:s20+$0x0];
	[tilespmem:s17+$0x410] =	vst v9;
	v11 =	vadd.f32 v16, v11  }
0xeb: {  	v16 =	vld [tilespmem:s20+$0x10];
	[tilespmem:s17+$0x420] =	vst v10;
	v12 =	vadd.f32 v17, v12  }
0xec: {  	v17 =	vld [tilespmem:s20+$0x20];
	[tilespmem:s17+$0x430] =	vst v11;
	v13 =	vadd.f32 v20, v13  }
0xed: {  	v20 =	vld [tilespmem:s20+$0x30];
	[tilespmem:s17+$0x440] =	vst v12;
	v14 =	vadd.f32 v19, v14  }
0xee: {  	v19 =	vld [tilespmem:s20+$0x40];
	[tilespmem:s17+$0x450] =	vst v13;
	v15 =	vadd.f32 v18, v15  }
0xef: {  	v8 =	vadd.f32 v21, v8;
	v18 =	vld [tilespmem:s20+$0x50];
	[tilespmem:s17+$0x460] =	vst v14  }
0xf0: {  	v7 =	vadd.f32 v16, v7;
	v16 =	vld [tilespmem:s20+$0x60];
	[tilespmem:s17+$0x470] =	vst v15;
	s17 =	smov.u32 s20  }
0xf1: {  	[tilespmem:s17+$0x0] =	vst v8;
	v6 =	vadd.f32 v17, v6;
	v17 =	vld [tilespmem:s17+$0x70]  }
0xf2: {  	[tilespmem:s17+$0x10] =	vst v7;
	v5 =	vadd.f32 v20, v5;
	v20 =	vld [tilespmem:s17+$0x400]  }
.Ltmp4:
0xf3: {  	[tilespmem:s17+$0x20] =	vst v6;
	v4 =	vadd.f32 v19, v4;
	v19 =	vld [tilespmem:s17+$0x410];
	(pc) =	sbr.rel @p0 .LBB2_11-.Ltmp4, $4  }
0xf4: {  	[tilespmem:s17+$0x30] =	vst v5;
	v3 =	vadd.f32 v18, v3;
	v18 =	vld [tilespmem:s17+$0x420]  }
0xf5: {  	[tilespmem:s17+$0x40] =	vst v4;
	v2 =	vadd.f32 v16, v2;
	v16 =	vld [tilespmem:s17+$0x430]  }
0xf6: {  	[tilespmem:s17+$0x50] =	vst v3;
	v1 =	vadd.f32 v17, v1;
	v17 =	vld [tilespmem:s17+$0x440]  }
0xf7: {  	s18 =	sadd.s32 $0x80, s18;
	s19 =	sadd.s32 $0x100, s19;
	[tilespmem:s17+$0x60] =	vst v2;
	v0 =	vadd.f32 v20, v0;
	v20 =	vld [tilespmem:s17+$0x450]  }
0xf8: {  	[tilespmem:s17+$0x70] =	vst v1;
	v9 =	vadd.f32 v19, v9;
	v19 =	vld [tilespmem:s17+$0x460]  }
0xf9: {  	[tilespmem:s17+$0x400] =	vst v0;
	v10 =	vadd.f32 v18, v10;
	v18 =	vld [tilespmem:s17+$0x470]  }
0xfa: {  	[tilespmem:s17+$0x410] =	vst v9;
	v11 =	vadd.f32 v16, v11  }
0xfb: {  	[tilespmem:s17+$0x420] =	vst v10;
	v12 =	vadd.f32 v17, v12  }
0xfc: {  	[tilespmem:s17+$0x430] =	vst v11;
	v13 =	vadd.f32 v20, v13  }
0xfd: {  	[tilespmem:s17+$0x440] =	vst v12;
	v14 =	vadd.f32 v19, v14  }
0xfe: {  	[tilespmem:s17+$0x450] =	vst v13;
	v15 =	vadd.f32 v18, v15  }
0xff: {  	[tilespmem:s17+$0x460] =	vst v14  }
0x100: {  	s21 =	sadd.s32 s3, s14;
	s18 =	simm.s32 $0x0;
	[tilespmem:s17+$0x470] =	vst v15  }
0x101: {  	[hbm4b:s21+s24] =	stream.strided.scatter [tilespmem:s18], [sflag:$0x5], $0x4000, s25, s24, $0x38;
	[tilespmem:$0x10000] =	vst v63  }
0x102: {  	_ =	swait.ge [sflag:s9], $0x4000  }
0x103: {  	s17 =	sor.u32 $0x8000, s14;
	[sflag:s9] =	ssyncset.done $0x0  }
0x104: {  	s19 =	sadd.s32 s2, s17;
	[sflag:s9] =	ssyncadd.s32 $0xFFFFC000  }
0x105: {  	[tilespmem:s28], [sflag:$0x3] =	stream.strided.gather [hbm4b:s19+s24], $0x4000, s25, s24, $0x38;
	[tilespmem:$0x10000] =	vst v63  }
0x106: {  	_ =	swait.ge [sflag:s29], $0x4000  }
0x107: {  	s22 =	sand.u32 $0x3800, s18;
	s18 =	sand.u32 $0x380, s18;
	[sflag:s29] =	ssyncset.done $0x0  }
0x108: {  	s18 =	sor.u32 s18, s22;
	[sflag:s29] =	ssyncadd.s32 $0xFFFFC000  }
0x109: {  	v16 =	vld [tilespmem:s18+$0x4000]  }
0x10a: {  	v17 =	vld [tilespmem:s18+$0x4010]  }
0x10b: {  	v18 =	vld [tilespmem:s18+$0x4020]  }
0x10c: {  	v19 =	vld [tilespmem:s18+$0x4030]  }
0x10d: {  	v20 =	vld [tilespmem:s18+$0x4040]  }
0x10e: {  	v22 =	vld [tilespmem:s18+$0x4050];
	v8 =	vadd.f32 v16, v8  }
0x10f: {  	v23 =	vld [tilespmem:s18+$0x4060];
	v7 =	vadd.f32 v17, v7  }
0x110: {  	v16 =	vadd.f32 v18, v6;
	v6 =	vld [tilespmem:s18+$0x4070];
	[tilespmem:s18+$0x4000] =	vst v8  }
0x111: {  	v24 =	vld [tilespmem:s18+$0x4400];
	v17 =	vadd.f32 v19, v5;
	[tilespmem:s18+$0x4010] =	vst v7  }
0x112: {  	v21 =	vld [tilespmem:s18+$0x4410];
	v18 =	vadd.f32 v20, v4;
	[tilespmem:s18+$0x4020] =	vst v16  }
0x113: {  	v19 =	vadd.f32 v22, v3;
	v4 =	vld [tilespmem:s18+$0x4420];
	[tilespmem:s18+$0x4030] =	vst v17  }
0x114: {  	v20 =	vadd.f32 v23, v2;
	v2 =	vld [tilespmem:s18+$0x4430];
	[tilespmem:s18+$0x4040] =	vst v18  }
0x115: {  	v3 =	vld [tilespmem:s18+$0x4440];
	[tilespmem:s18+$0x4050] =	vst v19;
	v5 =	vadd.f32 v6, v1  }
0x116: {  	s20 =	simm.s32 $0x100;
	s19 =	simm.s32 $0x80;
	[tilespmem:s18+$0x4060] =	vst v20;
	v6 =	vadd.f32 v24, v0;
	v0 =	vld [tilespmem:s18+$0x4450]  }
.LBB2_13:
0x117: {  	s21 =	sand.u32 $0x3800, s20;
	s22 =	sand.u32 $0x380, s19;
	p0 =	sne.s32 s20, $0x3F00;
	[tilespmem:s18+$0x4070] =	vst v5;
	v9 =	vadd.f32 v21, v9;
	v1 =	vld [tilespmem:s18+$0x4460]  }
0x118: {  	s21 =	sor.u32 s22, s21;
	[tilespmem:s18+$0x4400] =	vst v6;
	v10 =	vadd.f32 v4, v10;
	v4 =	vld [tilespmem:s18+$0x4470]  }
0x119: {  	v21 =	vld [tilespmem:s21+$0x4000];
	[tilespmem:s18+$0x4410] =	vst v9;
	v11 =	vadd.f32 v2, v11  }
0x11a: {  	v2 =	vld [tilespmem:s21+$0x4010];
	[tilespmem:s18+$0x4420] =	vst v10;
	v12 =	vadd.f32 v3, v12  }
0x11b: {  	v3 =	vld [tilespmem:s21+$0x4020];
	[tilespmem:s18+$0x4430] =	vst v11;
	v13 =	vadd.f32 v0, v13  }
0x11c: {  	v0 =	vld [tilespmem:s21+$0x4030];
	[tilespmem:s18+$0x4440] =	vst v12;
	v14 =	vadd.f32 v1, v14  }
0x11d: {  	v1 =	vld [tilespmem:s21+$0x4040];
	[tilespmem:s18+$0x4450] =	vst v13;
	v15 =	vadd.f32 v4, v15  }
0x11e: {  	v8 =	vadd.f32 v21, v8;
	v4 =	vld [tilespmem:s21+$0x4050];
	[tilespmem:s18+$0x4460] =	vst v14  }
0x11f: {  	v7 =	vadd.f32 v2, v7;
	v2 =	vld [tilespmem:s21+$0x4060];
	[tilespmem:s18+$0x4470] =	vst v15;
	s18 =	smov.u32 s21  }
0x120: {  	[tilespmem:s18+$0x4000] =	vst v8;
	v16 =	vadd.f32 v3, v16;
	v3 =	vld [tilespmem:s18+$0x4070]  }
0x121: {  	[tilespmem:s18+$0x4010] =	vst v7;
	v17 =	vadd.f32 v0, v17;
	v0 =	vld [tilespmem:s18+$0x4400]  }
.Ltmp5:
0x122: {  	[tilespmem:s18+$0x4020] =	vst v16;
	v18 =	vadd.f32 v1, v18;
	v21 =	vld [tilespmem:s18+$0x4410];
	(pc) =	sbr.rel @p0 .LBB2_13-.Ltmp5, $4  }
0x123: {  	[tilespmem:s18+$0x4030] =	vst v17;
	v19 =	vadd.f32 v4, v19;
	v4 =	vld [tilespmem:s18+$0x4420]  }
0x124: {  	[tilespmem:s18+$0x4040] =	vst v18;
	v20 =	vadd.f32 v2, v20;
	v2 =	vld [tilespmem:s18+$0x4430]  }
0x125: {  	[tilespmem:s18+$0x4050] =	vst v19;
	v5 =	vadd.f32 v3, v5;
	v3 =	vld [tilespmem:s18+$0x4440]  }
0x126: {  	s19 =	sadd.s32 $0x80, s19;
	s20 =	sadd.s32 $0x100, s20;
	[tilespmem:s18+$0x4060] =	vst v20;
	v6 =	vadd.f32 v0, v6;
	v0 =	vld [tilespmem:s18+$0x4450]  }
0x127: {  	[tilespmem:s18+$0x4070] =	vst v5;
	v21 =	vadd.f32 v21, v9;
	v1 =	vld [tilespmem:s18+$0x4460]  }
0x128: {  	[tilespmem:s18+$0x4400] =	vst v6;
	v22 =	vadd.f32 v4, v10;
	v4 =	vld [tilespmem:s18+$0x4470]  }
0x129: {  	[tilespmem:s18+$0x4410] =	vst v21;
	v23 =	vadd.f32 v2, v11  }
0x12a: {  	[tilespmem:s18+$0x4420] =	vst v22;
	v24 =	vadd.f32 v3, v12  }
0x12b: {  	[tilespmem:s18+$0x4430] =	vst v23;
	v25 =	vadd.f32 v0, v13  }
0x12c: {  	[tilespmem:s18+$0x4440] =	vst v24;
	v26 =	vadd.f32 v1, v14  }
0x12d: {  	[tilespmem:s18+$0x4450] =	vst v25;
	v27 =	vadd.f32 v4, v15  }
0x12e: {  	[tilespmem:s18+$0x4460] =	vst v26  }
0x12f: {  	s16 =	sadd.s32 s3, s16;
	[tilespmem:s18+$0x4470] =	vst v27  }
0x130: {  	[hbm4b:s16+s24] =	stream.strided.scatter [tilespmem:s25], [sflag:$0x6], $0x4000, s25, s24, $0x38;
	[tilespmem:$0x10000] =	vst v63  }
0x131: {  	_ =	swait.ge [sflag:s10], $0x4000  }
0x132: {  	s14 =	sor.u32 $0xC000, s14;
	[sflag:s10] =	ssyncset.done $0x0  }
0x133: {  	s20 =	sadd.s32 s2, s14;
	[sflag:s10] =	ssyncadd.s32 $0xFFFFC000  }
0x134: {  	[tilespmem:s30], [sflag:$0x4] =	stream.strided.gather [hbm4b:s20+s24], $0x4000, s25, s24, $0x38;
	[tilespmem:$0x10000] =	vst v63  }
0x135: {  	s21 =	simm.s32 $0x0;
	_ =	swait.ge [sflag:s31], $0x4000  }
0x136: {  	s22 =	sand.u32 $0x3800, s21;
	s16 =	sand.u32 $0x380, s21;
	[sflag:s31] =	ssyncset.done $0x0  }
0x137: {  	s16 =	sor.u32 s16, s22;
	[sflag:s31] =	ssyncadd.s32 $0xFFFFC000  }
0x138: {  	v0 =	vld [tilespmem:s16+$0x8000]  }
0x139: {  	v2 =	vld [tilespmem:s16+$0x8010]  }
0x13a: {  	v3 =	vld [tilespmem:s16+$0x8020]  }
0x13b: {  	v4 =	vld [tilespmem:s16+$0x8030]  }
0x13c: {  	v9 =	vld [tilespmem:s16+$0x8040]  }
0x13d: {  	v1 =	vadd.f32 v0, v8;
	v0 =	vld [tilespmem:s16+$0x8050]  }
0x13e: {  	v2 =	vadd.f32 v2, v7;
	v7 =	vld [tilespmem:s16+$0x8060]  }
0x13f: {  	v15 =	vld [tilespmem:s16+$0x8070];
	v3 =	vadd.f32 v3, v16;
	[tilespmem:s16+$0x8000] =	vst v1  }
0x140: {  	v63 =	vld [tilespmem:s16+$0x8400];
	v4 =	vadd.f32 v4, v17;
	[tilespmem:s16+$0x8010] =	vst v2  }
0x141: {  	v13 =	vld [tilespmem:s16+$0x8410];
	v10 =	vadd.f32 v9, v18;
	[tilespmem:s16+$0x8020] =	vst v3  }
0x142: {  	v14 =	vld [tilespmem:s16+$0x8420];
	[tilespmem:s16+$0x8030] =	vst v4;
	v11 =	vadd.f32 v0, v19  }
0x143: {  	[tilespmem:s16+$0x8040] =	vst v10;
	v12 =	vadd.f32 v7, v20;
	v7 =	vld [tilespmem:s16+$0x8430]  }
0x144: {  	v8 =	vld [tilespmem:s16+$0x8440];
	v0 =	vadd.f32 v15, v5;
	[tilespmem:s16+$0x8050] =	vst v11  }
0x145: {  	s19 =	simm.s32 $0x100;
	s18 =	simm.s32 $0x80;
	v9 =	vadd.f32 v63, v6;
	v5 =	vld [tilespmem:s16+$0x8450];
	[tilespmem:s16+$0x8060] =	vst v12  }
.LBB2_15:
0x146: {  	s20 =	sand.u32 $0x3800, s19;
	s21 =	sand.u32 $0x380, s18;
	p0 =	sne.s32 s19, $0x3F00;
	[tilespmem:s16+$0x8070] =	vst v0;
	v21 =	vadd.f32 v13, v21;
	v6 =	vld [tilespmem:s16+$0x8460]  }
0x147: {  	s20 =	sor.u32 s21, s20;
	[tilespmem:s16+$0x8400] =	vst v9;
	v22 =	vadd.f32 v14, v22;
	v13 =	vld [tilespmem:s16+$0x8470]  }
0x148: {  	v14 =	vld [tilespmem:s20+$0x8000];
	[tilespmem:s16+$0x8410] =	vst v21;
	v23 =	vadd.f32 v7, v23  }
0x149: {  	v7 =	vld [tilespmem:s20+$0x8010];
	[tilespmem:s16+$0x8420] =	vst v22;
	v24 =	vadd.f32 v8, v24  }
0x14a: {  	v8 =	vld [tilespmem:s20+$0x8020];
	[tilespmem:s16+$0x8430] =	vst v23;
	v25 =	vadd.f32 v5, v25  }
0x14b: {  	v5 =	vld [tilespmem:s20+$0x8030];
	[tilespmem:s16+$0x8440] =	vst v24;
	v26 =	vadd.f32 v6, v26  }
0x14c: {  	v6 =	vld [tilespmem:s20+$0x8040];
	[tilespmem:s16+$0x8450] =	vst v25;
	v27 =	vadd.f32 v13, v27  }
0x14d: {  	v1 =	vadd.f32 v14, v1;
	v14 =	vld [tilespmem:s20+$0x8050];
	[tilespmem:s16+$0x8460] =	vst v26  }
0x14e: {  	v2 =	vadd.f32 v7, v2;
	v7 =	vld [tilespmem:s20+$0x8060];
	[tilespmem:s16+$0x8470] =	vst v27;
	s16 =	smov.u32 s20  }
0x14f: {  	[tilespmem:s16+$0x8000] =	vst v1;
	v3 =	vadd.f32 v8, v3;
	v8 =	vld [tilespmem:s16+$0x8070]  }
0x150: {  	[tilespmem:s16+$0x8010] =	vst v2;
	v4 =	vadd.f32 v5, v4;
	v5 =	vld [tilespmem:s16+$0x8400]  }
.Ltmp6:
0x151: {  	[tilespmem:s16+$0x8020] =	vst v3;
	v10 =	vadd.f32 v6, v10;
	v13 =	vld [tilespmem:s16+$0x8410];
	(pc) =	sbr.rel @p0 .LBB2_15-.Ltmp6, $4  }
0x152: {  	[tilespmem:s16+$0x8030] =	vst v4;
	v11 =	vadd.f32 v14, v11;
	v14 =	vld [tilespmem:s16+$0x8420]  }
0x153: {  	[tilespmem:s16+$0x8040] =	vst v10;
	v12 =	vadd.f32 v7, v12;
	v7 =	vld [tilespmem:s16+$0x8430]  }
0x154: {  	[tilespmem:s16+$0x8050] =	vst v11;
	v0 =	vadd.f32 v8, v0;
	v8 =	vld [tilespmem:s16+$0x8440]  }
0x155: {  	s18 =	sadd.s32 $0x80, s18;
	s19 =	sadd.s32 $0x100, s19;
	[tilespmem:s16+$0x8060] =	vst v12;
	v9 =	vadd.f32 v5, v9;
	v5 =	vld [tilespmem:s16+$0x8450]  }
0x156: {  	[tilespmem:s16+$0x8070] =	vst v0;
	v13 =	vadd.f32 v13, v21;
	v6 =	vld [tilespmem:s16+$0x8460]  }
0x157: {  	v19 =	vld [tilespmem:s16+$0x8470];
	[tilespmem:s16+$0x8400] =	vst v9;
	v14 =	vadd.f32 v14, v22  }
0x158: {  	[tilespmem:s16+$0x8410] =	vst v13;
	v15 =	vadd.f32 v7, v23  }
0x159: {  	[tilespmem:s16+$0x8420] =	vst v14;
	v16 =	vadd.f32 v8, v24  }
0x15a: {  	[tilespmem:s16+$0x8430] =	vst v15;
	v17 =	vadd.f32 v5, v25  }
0x15b: {  	[tilespmem:s16+$0x8440] =	vst v16;
	v18 =	vadd.f32 v6, v26  }
0x15c: {  	v19 =	vadd.f32 v19, v27;
	[tilespmem:s16+$0x8450] =	vst v17  }
0x15d: {  	[tilespmem:s16+$0x8460] =	vst v18  }
0x15e: {  	s20 =	sadd.s32 s3, s17;
	[tilespmem:s16+$0x8470] =	vst v19  }
0x15f: {  	[hbm4b:s20+s24] =	stream.strided.scatter [tilespmem:s28], [sflag:$0x7], $0x4000, s25, s24, $0x38;
	[tilespmem:$0x10000] =	vst v63  }
0x160: {  	s13 =	sadd.s32 s13, s15;
	_ =	swait.ge [sflag:s1], $0x4000  }
0x161: {  	s13 =	sshrl.u32 s13, $0x3;
	[sflag:s1] =	ssyncset.done $0x0  }
0x162: {  	s21 =	simm.s32 $0x0;
	s13 =	sadd.s32 s2, s13;
	[sflag:s1] =	ssyncadd.s32 $0xFFFFC000  }
0x163: {  	[tilespmem:s21], [sflag:$0x1] =	stream.strided.gather [hbm4b:s13+s24], $0x4000, s25, s24, $0x38;
	[tilespmem:$0x10000] =	vst v63  }
0x164: {  	_ =	swait.ge [sflag:s0], $0x4000  }
0x165: {  	s22 =	sand.u32 $0x3800, s21;
	s16 =	sand.u32 $0x380, s21;
	[sflag:s0] =	ssyncset.done $0x0  }
0x166: {  	s13 =	sor.u32 s16, s22;
	[sflag:s0] =	ssyncadd.s32 $0xFFFFC000  }
0x167: {  	v5 =	vld [tilespmem:s13+$0xC000]  }
0x168: {  	v6 =	vld [tilespmem:s13+$0xC010]  }
0x169: {  	v20 =	vld [tilespmem:s13+$0xC020]  }
0x16a: {  	v21 =	vld [tilespmem:s13+$0xC030]  }
0x16b: {  	v22 =	vld [tilespmem:s13+$0xC040]  }
0x16c: {  	v8 =	vadd.f32 v5, v1;
	v1 =	vld [tilespmem:s13+$0xC050]  }
0x16d: {  	v7 =	vadd.f32 v6, v2;
	v2 =	vld [tilespmem:s13+$0xC060]  }
0x16e: {  	v23 =	vld [tilespmem:s13+$0xC070];
	v6 =	vadd.f32 v20, v3;
	[tilespmem:s13+$0xC000] =	vst v8  }
0x16f: {  	v5 =	vadd.f32 v21, v4;
	v21 =	vld [tilespmem:s13+$0xC400];
	[tilespmem:s13+$0xC010] =	vst v7  }
0x170: {  	v4 =	vadd.f32 v22, v10;
	v20 =	vld [tilespmem:s13+$0xC410];
	[tilespmem:s13+$0xC020] =	vst v6  }
0x171: {  	v10 =	vld [tilespmem:s13+$0xC420];
	[tilespmem:s13+$0xC030] =	vst v5;
	v3 =	vadd.f32 v1, v11  }
0x172: {  	[tilespmem:s13+$0xC040] =	vst v4;
	v2 =	vadd.f32 v2, v12;
	v11 =	vld [tilespmem:s13+$0xC430]  }
0x173: {  	v12 =	vld [tilespmem:s13+$0xC440];
	v1 =	vadd.f32 v23, v0;
	[tilespmem:s13+$0xC050] =	vst v3  }
0x174: {  	s17 =	simm.s32 $0x100;
	s16 =	simm.s32 $0x80;
	v0 =	vadd.f32 v21, v9;
	v21 =	vld [tilespmem:s13+$0xC450];
	[tilespmem:s13+$0xC060] =	vst v2  }
.LBB2_17:
0x175: {  	s18 =	sand.u32 $0x3800, s17;
	s19 =	sand.u32 $0x380, s16;
	p0 =	sne.s32 s17, $0x3F00;
	[tilespmem:s13+$0xC070] =	vst v1;
	v13 =	vadd.f32 v20, v13;
	v9 =	vld [tilespmem:s13+$0xC460]  }
0x176: {  	s18 =	sor.u32 s19, s18;
	[tilespmem:s13+$0xC400] =	vst v0;
	v14 =	vadd.f32 v10, v14;
	v10 =	vld [tilespmem:s13+$0xC470]  }
0x177: {  	v20 =	vld [tilespmem:s18+$0xC000];
	[tilespmem:s13+$0xC410] =	vst v13;
	v15 =	vadd.f32 v11, v15  }
0x178: {  	v11 =	vld [tilespmem:s18+$0xC010];
	[tilespmem:s13+$0xC420] =	vst v14;
	v16 =	vadd.f32 v12, v16  }
0x179: {  	v12 =	vld [tilespmem:s18+$0xC020];
	[tilespmem:s13+$0xC430] =	vst v15;
	v17 =	vadd.f32 v21, v17  }
0x17a: {  	v21 =	vld [tilespmem:s18+$0xC030];
	[tilespmem:s13+$0xC440] =	vst v16;
	v18 =	vadd.f32 v9, v18  }
0x17b: {  	v9 =	vld [tilespmem:s18+$0xC040];
	[tilespmem:s13+$0xC450] =	vst v17;
	v19 =	vadd.f32 v10, v19  }
0x17c: {  	v8 =	vadd.f32 v20, v8;
	v10 =	vld [tilespmem:s18+$0xC050];
	[tilespmem:s13+$0xC460] =	vst v18  }
0x17d: {  	v7 =	vadd.f32 v11, v7;
	v11 =	vld [tilespmem:s18+$0xC060];
	[tilespmem:s13+$0xC470] =	vst v19;
	s13 =	smov.u32 s18  }
0x17e: {  	[tilespmem:s13+$0xC000] =	vst v8;
	v6 =	vadd.f32 v12, v6;
	v12 =	vld [tilespmem:s13+$0xC070]  }
0x17f: {  	[tilespmem:s13+$0xC010] =	vst v7;
	v5 =	vadd.f32 v21, v5;
	v21 =	vld [tilespmem:s13+$0xC400]  }
.Ltmp7:
0x180: {  	[tilespmem:s13+$0xC020] =	vst v6;
	v4 =	vadd.f32 v9, v4;
	v20 =	vld [tilespmem:s13+$0xC410];
	(pc) =	sbr.rel @p0 .LBB2_17-.Ltmp7, $4  }
0x181: {  	[tilespmem:s13+$0xC030] =	vst v5;
	v3 =	vadd.f32 v10, v3;
	v10 =	vld [tilespmem:s13+$0xC420]  }
0x182: {  	[tilespmem:s13+$0xC040] =	vst v4;
	v2 =	vadd.f32 v11, v2;
	v11 =	vld [tilespmem:s13+$0xC430]  }
0x183: {  	[tilespmem:s13+$0xC050] =	vst v3;
	v1 =	vadd.f32 v12, v1;
	v12 =	vld [tilespmem:s13+$0xC440]  }
0x184: {  	s16 =	sadd.s32 $0x80, s16;
	s17 =	sadd.s32 $0x100, s17;
	[tilespmem:s13+$0xC060] =	vst v2;
	v0 =	vadd.f32 v21, v0;
	v21 =	vld [tilespmem:s13+$0xC450]  }
0x185: {  	[tilespmem:s13+$0xC070] =	vst v1;
	v9 =	vadd.f32 v20, v13;
	v63 =	vld [tilespmem:s13+$0xC460]  }
0x186: {  	v22 =	vld [tilespmem:s13+$0xC470];
	[tilespmem:s13+$0xC400] =	vst v0;
	v10 =	vadd.f32 v10, v14  }
0x187: {  	[tilespmem:s13+$0xC410] =	vst v9;
	v11 =	vadd.f32 v11, v15  }
0x188: {  	s12 =	sadd.s32 $0x1, s12;
	[tilespmem:s13+$0xC420] =	vst v10;
	v12 =	vadd.f32 v12, v16  }
0x189: {  	p0 =	sne.s32 s12, $0xF;
	[tilespmem:s13+$0xC430] =	vst v11;
	v13 =	vadd.f32 v21, v17  }
.Ltmp8:
0x18a: {  	[tilespmem:s13+$0xC440] =	vst v12;
	v14 =	vadd.f32 v63, v18;
	(pc) =	sbr.rel @p0 .LBB2_10-.Ltmp8, $4  }
0x18b: {  	v15 =	vadd.f32 v22, v19;
	[tilespmem:s13+$0xC450] =	vst v13  }
0x18c: {  	[tilespmem:s13+$0xC460] =	vst v14  }
0x18d: {  	s22 =	sadd.s32 s3, s14;
	[tilespmem:s13+$0xC470] =	vst v15  }
0x18e: {  	[hbm4b:s22+s24] =	stream.strided.scatter [tilespmem:s30], [sflag:$0x8], $0x4000, s25, s24, $0x38;
	[tilespmem:$0x10000] =	vst v63  }
0x18f: {  	_ =	swait.ge [sflag:s7], $0x4000  }
0x190: {  	[sflag:s7] =	ssyncset.done $0x0  }
0x191: {  	s12 =	rddreg [dreg:$0xa];
	[sflag:s7] =	ssyncadd.s32 $0xFFFFC000  }
0x192: {  	[tilespmem:s25], [sflag:$0x2] =	stream.strided.gather [hbm4b:s12+s24], $0x4000, s25, s24, $0x38;
	[tilespmem:$0x10000] =	vst v63  }
0x193: {  	s22 =	simm.s32 $0x0;
	_ =	swait.ge [sflag:s26], $0x4000  }
0x194: {  	s13 =	sand.u32 $0x3800, s22;
	s12 =	sand.u32 $0x380, s22;
	[sflag:s26] =	ssyncset.done $0x0  }
0x195: {  	s12 =	sor.u32 s12, s13;
	[sflag:s26] =	ssyncadd.s32 $0xFFFFC000  }
0x196: {  	v16 =	vld [tilespmem:s12+$0x0]  }
0x197: {  	v17 =	vld [tilespmem:s12+$0x10]  }
0x198: {  	v18 =	vld [tilespmem:s12+$0x20]  }
0x199: {  	v19 =	vld [tilespmem:s12+$0x30]  }
0x19a: {  	v20 =	vld [tilespmem:s12+$0x40]  }
0x19b: {  	v8 =	vadd.f32 v16, v8;
	v16 =	vld [tilespmem:s12+$0x50]  }
0x19c: {  	v7 =	vadd.f32 v17, v7;
	v17 =	vld [tilespmem:s12+$0x60]  }
0x19d: {  	v21 =	vld [tilespmem:s12+$0x70];
	v6 =	vadd.f32 v18, v6;
	[tilespmem:s12+$0x0] =	vst v8  }
0x19e: {  	v22 =	vld [tilespmem:s12+$0x400];
	v5 =	vadd.f32 v19, v5;
	[tilespmem:s12+$0x10] =	vst v7  }
0x19f: {  	v4 =	vadd.f32 v20, v4;
	v19 =	vld [tilespmem:s12+$0x410];
	[tilespmem:s12+$0x20] =	vst v6  }
0x1a0: {  	v18 =	vld [tilespmem:s12+$0x420];
	[tilespmem:s12+$0x30] =	vst v5;
	v3 =	vadd.f32 v16, v3  }
0x1a1: {  	[tilespmem:s12+$0x40] =	vst v4;
	v2 =	vadd.f32 v17, v2;
	v16 =	vld [tilespmem:s12+$0x430]  }
0x1a2: {  	v1 =	vadd.f32 v21, v1;
	v17 =	vld [tilespmem:s12+$0x440];
	[tilespmem:s12+$0x50] =	vst v3  }
0x1a3: {  	s14 =	simm.s32 $0x100;
	s13 =	simm.s32 $0x80;
	v0 =	vadd.f32 v22, v0;
	v20 =	vld [tilespmem:s12+$0x450];
	[tilespmem:s12+$0x60] =	vst v2  }
.LBB2_20:
0x1a4: {  	s16 =	sand.u32 $0x3800, s14;
	s17 =	sand.u32 $0x380, s13;
	p0 =	sne.s32 s14, $0x3F00;
	[tilespmem:s12+$0x70] =	vst v1;
	v9 =	vadd.f32 v19, v9;
	v19 =	vld [tilespmem:s12+$0x460]  }
0x1a5: {  	s16 =	sor.u32 s17, s16;
	[tilespmem:s12+$0x400] =	vst v0;
	v10 =	vadd.f32 v18, v10;
	v18 =	vld [tilespmem:s12+$0x470]  }
0x1a6: {  	v21 =	vld [tilespmem:s16+$0x0];
	[tilespmem:s12+$0x410] =	vst v9;
	v11 =	vadd.f32 v16, v11  }
0x1a7: {  	v16 =	vld [tilespmem:s16+$0x10];
	[tilespmem:s12+$0x420] =	vst v10;
	v12 =	vadd.f32 v17, v12  }
0x1a8: {  	v17 =	vld [tilespmem:s16+$0x20];
	[tilespmem:s12+$0x430] =	vst v11;
	v13 =	vadd.f32 v20, v13  }
0x1a9: {  	v20 =	vld [tilespmem:s16+$0x30];
	[tilespmem:s12+$0x440] =	vst v12;
	v14 =	vadd.f32 v19, v14  }
0x1aa: {  	v19 =	vld [tilespmem:s16+$0x40];
	[tilespmem:s12+$0x450] =	vst v13;
	v15 =	vadd.f32 v18, v15  }
0x1ab: {  	v8 =	vadd.f32 v21, v8;
	v18 =	vld [tilespmem:s16+$0x50];
	[tilespmem:s12+$0x460] =	vst v14  }
0x1ac: {  	v7 =	vadd.f32 v16, v7;
	v16 =	vld [tilespmem:s16+$0x60];
	[tilespmem:s12+$0x470] =	vst v15;
	s12 =	smov.u32 s16  }
0x1ad: {  	[tilespmem:s12+$0x0] =	vst v8;
	v6 =	vadd.f32 v17, v6;
	v17 =	vld [tilespmem:s12+$0x70]  }
0x1ae: {  	[tilespmem:s12+$0x10] =	vst v7;
	v5 =	vadd.f32 v20, v5;
	v20 =	vld [tilespmem:s12+$0x400]  }
.Ltmp9:
0x1af: {  	[tilespmem:s12+$0x20] =	vst v6;
	v4 =	vadd.f32 v19, v4;
	v19 =	vld [tilespmem:s12+$0x410];
	(pc) =	sbr.rel @p0 .LBB2_20-.Ltmp9, $4  }
0x1b0: {  	[tilespmem:s12+$0x30] =	vst v5;
	v3 =	vadd.f32 v18, v3;
	v18 =	vld [tilespmem:s12+$0x420]  }
0x1b1: {  	[tilespmem:s12+$0x40] =	vst v4;
	v2 =	vadd.f32 v16, v2;
	v16 =	vld [tilespmem:s12+$0x430]  }
0x1b2: {  	[tilespmem:s12+$0x50] =	vst v3;
	v1 =	vadd.f32 v17, v1;
	v17 =	vld [tilespmem:s12+$0x440]  }
0x1b3: {  	s13 =	sadd.s32 $0x80, s13;
	s14 =	sadd.s32 $0x100, s14;
	[tilespmem:s12+$0x60] =	vst v2;
	v0 =	vadd.f32 v20, v0;
	v20 =	vld [tilespmem:s12+$0x450]  }
0x1b4: {  	[tilespmem:s12+$0x70] =	vst v1;
	v9 =	vadd.f32 v19, v9;
	v19 =	vld [tilespmem:s12+$0x460]  }
0x1b5: {  	[tilespmem:s12+$0x400] =	vst v0;
	v10 =	vadd.f32 v18, v10;
	v18 =	vld [tilespmem:s12+$0x470]  }
0x1b6: {  	[tilespmem:s12+$0x410] =	vst v9;
	v11 =	vadd.f32 v16, v11  }
0x1b7: {  	[tilespmem:s12+$0x420] =	vst v10;
	v12 =	vadd.f32 v17, v12  }
0x1b8: {  	[tilespmem:s12+$0x430] =	vst v11;
	v13 =	vadd.f32 v20, v13  }
0x1b9: {  	[tilespmem:s12+$0x440] =	vst v12;
	v14 =	vadd.f32 v19, v14  }
0x1ba: {  	[tilespmem:s12+$0x450] =	vst v13;
	v15 =	vadd.f32 v18, v15  }
0x1bb: {  	[tilespmem:s12+$0x460] =	vst v14  }
0x1bc: {  	s20 =	simm.s32 $0x0;
	s13 =	rddreg [dreg:$0xb];
	[tilespmem:s12+$0x470] =	vst v15  }
0x1bd: {  	[hbm4b:s13+s24] =	stream.strided.scatter [tilespmem:s20], [sflag:$0x5], $0x4000, s25, s24, $0x38;
	[tilespmem:$0x10000] =	vst v63  }
0x1be: {  	_ =	swait.ge [sflag:s9], $0x4000  }
0x1bf: {  	[sflag:s9] =	ssyncset.done $0x0  }
0x1c0: {  	s21 =	rddreg [dreg:$0xc];
	[sflag:s9] =	ssyncadd.s32 $0xFFFFC000  }
0x1c1: {  	[tilespmem:s28], [sflag:$0x3] =	stream.strided.gather [hbm4b:s21+s24], $0x4000, s25, s24, $0x38;
	[tilespmem:$0x10000] =	vst v63  }
0x1c2: {  	_ =	swait.ge [sflag:s29], $0x4000  }
0x1c3: {  	s22 =	sand.u32 $0x3800, s20;
	s12 =	sand.u32 $0x380, s20;
	[sflag:s29] =	ssyncset.done $0x0  }
0x1c4: {  	s12 =	sor.u32 s12, s22;
	[sflag:s29] =	ssyncadd.s32 $0xFFFFC000  }
0x1c5: {  	v16 =	vld [tilespmem:s12+$0x4000]  }
0x1c6: {  	v17 =	vld [tilespmem:s12+$0x4010]  }
0x1c7: {  	v18 =	vld [tilespmem:s12+$0x4020]  }
0x1c8: {  	v19 =	vld [tilespmem:s12+$0x4030]  }
0x1c9: {  	v20 =	vld [tilespmem:s12+$0x4040]  }
0x1ca: {  	v8 =	vadd.f32 v16, v8;
	v16 =	vld [tilespmem:s12+$0x4050]  }
0x1cb: {  	v7 =	vadd.f32 v17, v7;
	v17 =	vld [tilespmem:s12+$0x4060]  }
0x1cc: {  	v21 =	vld [tilespmem:s12+$0x4070];
	v6 =	vadd.f32 v18, v6;
	[tilespmem:s12+$0x4000] =	vst v8  }
0x1cd: {  	v22 =	vld [tilespmem:s12+$0x4400];
	v5 =	vadd.f32 v19, v5;
	[tilespmem:s12+$0x4010] =	vst v7  }
0x1ce: {  	v4 =	vadd.f32 v20, v4;
	v19 =	vld [tilespmem:s12+$0x4410];
	[tilespmem:s12+$0x4020] =	vst v6  }
0x1cf: {  	v18 =	vld [tilespmem:s12+$0x4420];
	[tilespmem:s12+$0x4030] =	vst v5;
	v3 =	vadd.f32 v16, v3  }
0x1d0: {  	[tilespmem:s12+$0x4040] =	vst v4;
	v2 =	vadd.f32 v17, v2;
	v16 =	vld [tilespmem:s12+$0x4430]  }
0x1d1: {  	v1 =	vadd.f32 v21, v1;
	v17 =	vld [tilespmem:s12+$0x4440];
	[tilespmem:s12+$0x4050] =	vst v3  }
0x1d2: {  	s14 =	simm.s32 $0x100;
	s13 =	simm.s32 $0x80;
	v0 =	vadd.f32 v22, v0;
	v20 =	vld [tilespmem:s12+$0x4450];
	[tilespmem:s12+$0x4060] =	vst v2  }
.LBB2_22:
0x1d3: {  	s16 =	sand.u32 $0x3800, s14;
	s17 =	sand.u32 $0x380, s13;
	p0 =	sne.s32 s14, $0x3F00;
	[tilespmem:s12+$0x4070] =	vst v1;
	v9 =	vadd.f32 v19, v9;
	v19 =	vld [tilespmem:s12+$0x4460]  }
0x1d4: {  	s16 =	sor.u32 s17, s16;
	[tilespmem:s12+$0x4400] =	vst v0;
	v10 =	vadd.f32 v18, v10;
	v18 =	vld [tilespmem:s12+$0x4470]  }
0x1d5: {  	v21 =	vld [tilespmem:s16+$0x4000];
	[tilespmem:s12+$0x4410] =	vst v9;
	v11 =	vadd.f32 v16, v11  }
0x1d6: {  	v16 =	vld [tilespmem:s16+$0x4010];
	[tilespmem:s12+$0x4420] =	vst v10;
	v12 =	vadd.f32 v17, v12  }
0x1d7: {  	v17 =	vld [tilespmem:s16+$0x4020];
	[tilespmem:s12+$0x4430] =	vst v11;
	v13 =	vadd.f32 v20, v13  }
0x1d8: {  	v20 =	vld [tilespmem:s16+$0x4030];
	[tilespmem:s12+$0x4440] =	vst v12;
	v14 =	vadd.f32 v19, v14  }
0x1d9: {  	v19 =	vld [tilespmem:s16+$0x4040];
	[tilespmem:s12+$0x4450] =	vst v13;
	v15 =	vadd.f32 v18, v15  }
0x1da: {  	v8 =	vadd.f32 v21, v8;
	v18 =	vld [tilespmem:s16+$0x4050];
	[tilespmem:s12+$0x4460] =	vst v14  }
0x1db: {  	v7 =	vadd.f32 v16, v7;
	v16 =	vld [tilespmem:s16+$0x4060];
	[tilespmem:s12+$0x4470] =	vst v15;
	s12 =	smov.u32 s16  }
0x1dc: {  	[tilespmem:s12+$0x4000] =	vst v8;
	v6 =	vadd.f32 v17, v6;
	v17 =	vld [tilespmem:s12+$0x4070]  }
0x1dd: {  	[tilespmem:s12+$0x4010] =	vst v7;
	v5 =	vadd.f32 v20, v5;
	v20 =	vld [tilespmem:s12+$0x4400]  }
.Ltmp10:
0x1de: {  	[tilespmem:s12+$0x4020] =	vst v6;
	v4 =	vadd.f32 v19, v4;
	v19 =	vld [tilespmem:s12+$0x4410];
	(pc) =	sbr.rel @p0 .LBB2_22-.Ltmp10, $4  }
0x1df: {  	[tilespmem:s12+$0x4030] =	vst v5;
	v3 =	vadd.f32 v18, v3;
	v18 =	vld [tilespmem:s12+$0x4420]  }
0x1e0: {  	[tilespmem:s12+$0x4040] =	vst v4;
	v2 =	vadd.f32 v16, v2;
	v16 =	vld [tilespmem:s12+$0x4430]  }
0x1e1: {  	[tilespmem:s12+$0x4050] =	vst v3;
	v1 =	vadd.f32 v17, v1;
	v17 =	vld [tilespmem:s12+$0x4440]  }
0x1e2: {  	s13 =	sadd.s32 $0x80, s13;
	s14 =	sadd.s32 $0x100, s14;
	[tilespmem:s12+$0x4060] =	vst v2;
	v0 =	vadd.f32 v20, v0;
	v20 =	vld [tilespmem:s12+$0x4450]  }
0x1e3: {  	[tilespmem:s12+$0x4070] =	vst v1;
	v9 =	vadd.f32 v19, v9;
	v19 =	vld [tilespmem:s12+$0x4460]  }
0x1e4: {  	[tilespmem:s12+$0x4400] =	vst v0;
	v10 =	vadd.f32 v18, v10;
	v18 =	vld [tilespmem:s12+$0x4470]  }
0x1e5: {  	[tilespmem:s12+$0x4410] =	vst v9;
	v11 =	vadd.f32 v16, v11  }
0x1e6: {  	[tilespmem:s12+$0x4420] =	vst v10;
	v12 =	vadd.f32 v17, v12  }
0x1e7: {  	[tilespmem:s12+$0x4430] =	vst v11;
	v13 =	vadd.f32 v20, v13  }
0x1e8: {  	[tilespmem:s12+$0x4440] =	vst v12;
	v14 =	vadd.f32 v19, v14  }
0x1e9: {  	[tilespmem:s12+$0x4450] =	vst v13;
	v15 =	vadd.f32 v18, v15  }
0x1ea: {  	[tilespmem:s12+$0x4460] =	vst v14  }
0x1eb: {  	s20 =	rddreg [dreg:$0xd];
	[tilespmem:s12+$0x4470] =	vst v15  }
0x1ec: {  	[hbm4b:s20+s24] =	stream.strided.scatter [tilespmem:s25], [sflag:$0x6], $0x4000, s25, s24, $0x38;
	[tilespmem:$0x10000] =	vst v63  }
0x1ed: {  	_ =	swait.ge [sflag:s10], $0x4000  }
0x1ee: {  	[sflag:s10] =	ssyncset.done $0x0  }
0x1ef: {  	s21 =	rddreg [dreg:$0xe];
	[sflag:s10] =	ssyncadd.s32 $0xFFFFC000  }
0x1f0: {  	[tilespmem:s30], [sflag:$0x4] =	stream.strided.gather [hbm4b:s21+s24], $0x4000, s25, s24, $0x38;
	[tilespmem:$0x10000] =	vst v63  }
0x1f1: {  	s22 =	simm.s32 $0x0;
	_ =	swait.ge [sflag:s31], $0x4000  }
0x1f2: {  	s13 =	sand.u32 $0x3800, s22;
	s12 =	sand.u32 $0x380, s22;
	[sflag:s31] =	ssyncset.done $0x0  }
0x1f3: {  	s12 =	sor.u32 s12, s13;
	[sflag:s31] =	ssyncadd.s32 $0xFFFFC000  }
0x1f4: {  	v16 =	vld [tilespmem:s12+$0x8000]  }
0x1f5: {  	v17 =	vld [tilespmem:s12+$0x8010]  }
0x1f6: {  	v18 =	vld [tilespmem:s12+$0x8020]  }
0x1f7: {  	v19 =	vld [tilespmem:s12+$0x8030]  }
0x1f8: {  	v20 =	vld [tilespmem:s12+$0x8040]  }
0x1f9: {  	v8 =	vadd.f32 v16, v8;
	v16 =	vld [tilespmem:s12+$0x8050]  }
0x1fa: {  	v7 =	vadd.f32 v17, v7;
	v17 =	vld [tilespmem:s12+$0x8060]  }
0x1fb: {  	v21 =	vld [tilespmem:s12+$0x8070];
	v6 =	vadd.f32 v18, v6;
	[tilespmem:s12+$0x8000] =	vst v8  }
0x1fc: {  	v22 =	vld [tilespmem:s12+$0x8400];
	v5 =	vadd.f32 v19, v5;
	[tilespmem:s12+$0x8010] =	vst v7  }
0x1fd: {  	v4 =	vadd.f32 v20, v4;
	v19 =	vld [tilespmem:s12+$0x8410];
	[tilespmem:s12+$0x8020] =	vst v6  }
0x1fe: {  	v18 =	vld [tilespmem:s12+$0x8420];
	[tilespmem:s12+$0x8030] =	vst v5;
	v3 =	vadd.f32 v16, v3  }
0x1ff: {  	[tilespmem:s12+$0x8040] =	vst v4;
	v2 =	vadd.f32 v17, v2;
	v16 =	vld [tilespmem:s12+$0x8430]  }
0x200: {  	v1 =	vadd.f32 v21, v1;
	v17 =	vld [tilespmem:s12+$0x8440];
	[tilespmem:s12+$0x8050] =	vst v3  }
0x201: {  	s14 =	simm.s32 $0x100;
	s13 =	simm.s32 $0x80;
	v0 =	vadd.f32 v22, v0;
	v20 =	vld [tilespmem:s12+$0x8450];
	[tilespmem:s12+$0x8060] =	vst v2  }
.LBB2_24:
0x202: {  	s16 =	sand.u32 $0x3800, s14;
	s17 =	sand.u32 $0x380, s13;
	p0 =	sne.s32 s14, $0x3F00;
	[tilespmem:s12+$0x8070] =	vst v1;
	v9 =	vadd.f32 v19, v9;
	v19 =	vld [tilespmem:s12+$0x8460]  }
0x203: {  	s16 =	sor.u32 s17, s16;
	[tilespmem:s12+$0x8400] =	vst v0;
	v10 =	vadd.f32 v18, v10;
	v18 =	vld [tilespmem:s12+$0x8470]  }
0x204: {  	v21 =	vld [tilespmem:s16+$0x8000];
	[tilespmem:s12+$0x8410] =	vst v9;
	v11 =	vadd.f32 v16, v11  }
0x205: {  	v16 =	vld [tilespmem:s16+$0x8010];
	[tilespmem:s12+$0x8420] =	vst v10;
	v12 =	vadd.f32 v17, v12  }
0x206: {  	v17 =	vld [tilespmem:s16+$0x8020];
	[tilespmem:s12+$0x8430] =	vst v11;
	v13 =	vadd.f32 v20, v13  }
0x207: {  	v20 =	vld [tilespmem:s16+$0x8030];
	[tilespmem:s12+$0x8440] =	vst v12;
	v14 =	vadd.f32 v19, v14  }
0x208: {  	v19 =	vld [tilespmem:s16+$0x8040];
	[tilespmem:s12+$0x8450] =	vst v13;
	v15 =	vadd.f32 v18, v15  }
0x209: {  	v8 =	vadd.f32 v21, v8;
	v18 =	vld [tilespmem:s16+$0x8050];
	[tilespmem:s12+$0x8460] =	vst v14  }
0x20a: {  	v7 =	vadd.f32 v16, v7;
	v16 =	vld [tilespmem:s16+$0x8060];
	[tilespmem:s12+$0x8470] =	vst v15;
	s12 =	smov.u32 s16  }
0x20b: {  	[tilespmem:s12+$0x8000] =	vst v8;
	v6 =	vadd.f32 v17, v6;
	v17 =	vld [tilespmem:s12+$0x8070]  }
0x20c: {  	[tilespmem:s12+$0x8010] =	vst v7;
	v5 =	vadd.f32 v20, v5;
	v20 =	vld [tilespmem:s12+$0x8400]  }
.Ltmp11:
0x20d: {  	[tilespmem:s12+$0x8020] =	vst v6;
	v4 =	vadd.f32 v19, v4;
	v19 =	vld [tilespmem:s12+$0x8410];
	(pc) =	sbr.rel @p0 .LBB2_24-.Ltmp11, $4  }
0x20e: {  	[tilespmem:s12+$0x8030] =	vst v5;
	v3 =	vadd.f32 v18, v3;
	v18 =	vld [tilespmem:s12+$0x8420]  }
0x20f: {  	[tilespmem:s12+$0x8040] =	vst v4;
	v2 =	vadd.f32 v16, v2;
	v16 =	vld [tilespmem:s12+$0x8430]  }
0x210: {  	[tilespmem:s12+$0x8050] =	vst v3;
	v1 =	vadd.f32 v17, v1;
	v17 =	vld [tilespmem:s12+$0x8440]  }
0x211: {  	s13 =	sadd.s32 $0x80, s13;
	s14 =	sadd.s32 $0x100, s14;
	[tilespmem:s12+$0x8060] =	vst v2;
	v0 =	vadd.f32 v20, v0;
	v20 =	vld [tilespmem:s12+$0x8450]  }
0x212: {  	[tilespmem:s12+$0x8070] =	vst v1;
	v9 =	vadd.f32 v19, v9;
	v19 =	vld [tilespmem:s12+$0x8460]  }
0x213: {  	[tilespmem:s12+$0x8400] =	vst v0;
	v10 =	vadd.f32 v18, v10;
	v18 =	vld [tilespmem:s12+$0x8470]  }
0x214: {  	[tilespmem:s12+$0x8410] =	vst v9;
	v11 =	vadd.f32 v16, v11  }
0x215: {  	[tilespmem:s12+$0x8420] =	vst v10;
	v12 =	vadd.f32 v17, v12  }
0x216: {  	[tilespmem:s12+$0x8430] =	vst v11;
	v13 =	vadd.f32 v20, v13  }
0x217: {  	[tilespmem:s12+$0x8440] =	vst v12;
	v14 =	vadd.f32 v19, v14  }
0x218: {  	[tilespmem:s12+$0x8450] =	vst v13;
	v15 =	vadd.f32 v18, v15  }
0x219: {  	[tilespmem:s12+$0x8460] =	vst v14  }
0x21a: {  	s21 =	rddreg [dreg:$0xf];
	[tilespmem:s12+$0x8470] =	vst v15  }
0x21b: {  	[hbm4b:s21+s24] =	stream.strided.scatter [tilespmem:s28], [sflag:$0x7], $0x4000, s25, s24, $0x38;
	[tilespmem:$0x10000] =	vst v63  }
0x21c: {  	_ =	swait.ge [sflag:s1], $0x4000  }
0x21d: {  	[sflag:s1] =	ssyncset.done $0x0  }
0x21e: {  	[sflag:s1] =	ssyncadd.s32 $0xFFFFC000  }
0x21f: {  	s22 =	simm.s32 $0x0;
	_ =	swait.ge [sflag:s0], $0x4000  }
0x220: {  	s13 =	sand.u32 $0x3800, s22;
	s12 =	sand.u32 $0x380, s22;
	[sflag:s0] =	ssyncset.done $0x0  }
0x221: {  	s12 =	sor.u32 s12, s13;
	[sflag:s0] =	ssyncadd.s32 $0xFFFFC000  }
0x222: {  	v16 =	vld [tilespmem:s12+$0xC000]  }
0x223: {  	v17 =	vld [tilespmem:s12+$0xC010]  }
0x224: {  	v18 =	vld [tilespmem:s12+$0xC020]  }
0x225: {  	v19 =	vld [tilespmem:s12+$0xC030]  }
0x226: {  	v20 =	vld [tilespmem:s12+$0xC040]  }
0x227: {  	v8 =	vadd.f32 v16, v8;
	v16 =	vld [tilespmem:s12+$0xC050]  }
0x228: {  	v7 =	vadd.f32 v17, v7;
	v17 =	vld [tilespmem:s12+$0xC060]  }
0x229: {  	v21 =	vld [tilespmem:s12+$0xC070];
	v6 =	vadd.f32 v18, v6;
	[tilespmem:s12+$0xC000] =	vst v8  }
0x22a: {  	v22 =	vld [tilespmem:s12+$0xC400];
	v5 =	vadd.f32 v19, v5;
	[tilespmem:s12+$0xC010] =	vst v7  }
0x22b: {  	v4 =	vadd.f32 v20, v4;
	v19 =	vld [tilespmem:s12+$0xC410];
	[tilespmem:s12+$0xC020] =	vst v6  }
0x22c: {  	v18 =	vld [tilespmem:s12+$0xC420];
	[tilespmem:s12+$0xC030] =	vst v5;
	v3 =	vadd.f32 v16, v3  }
0x22d: {  	[tilespmem:s12+$0xC040] =	vst v4;
	v2 =	vadd.f32 v17, v2;
	v16 =	vld [tilespmem:s12+$0xC430]  }
0x22e: {  	v1 =	vadd.f32 v21, v1;
	v17 =	vld [tilespmem:s12+$0xC440];
	[tilespmem:s12+$0xC050] =	vst v3  }
0x22f: {  	s14 =	simm.s32 $0x100;
	s13 =	simm.s32 $0x80;
	v0 =	vadd.f32 v22, v0;
	v20 =	vld [tilespmem:s12+$0xC450];
	[tilespmem:s12+$0xC060] =	vst v2  }
.LBB2_26:
0x230: {  	s16 =	sand.u32 $0x3800, s14;
	s17 =	sand.u32 $0x380, s13;
	p0 =	sne.s32 s14, $0x3F00;
	[tilespmem:s12+$0xC070] =	vst v1;
	v9 =	vadd.f32 v19, v9;
	v19 =	vld [tilespmem:s12+$0xC460]  }
0x231: {  	s16 =	sor.u32 s17, s16;
	[tilespmem:s12+$0xC400] =	vst v0;
	v10 =	vadd.f32 v18, v10;
	v18 =	vld [tilespmem:s12+$0xC470]  }
0x232: {  	v21 =	vld [tilespmem:s16+$0xC000];
	[tilespmem:s12+$0xC410] =	vst v9;
	v11 =	vadd.f32 v16, v11  }
0x233: {  	v16 =	vld [tilespmem:s16+$0xC010];
	[tilespmem:s12+$0xC420] =	vst v10;
	v12 =	vadd.f32 v17, v12  }
0x234: {  	v17 =	vld [tilespmem:s16+$0xC020];
	[tilespmem:s12+$0xC430] =	vst v11;
	v13 =	vadd.f32 v20, v13  }
0x235: {  	v20 =	vld [tilespmem:s16+$0xC030];
	[tilespmem:s12+$0xC440] =	vst v12;
	v14 =	vadd.f32 v19, v14  }
0x236: {  	v19 =	vld [tilespmem:s16+$0xC040];
	[tilespmem:s12+$0xC450] =	vst v13;
	v15 =	vadd.f32 v18, v15  }
0x237: {  	v8 =	vadd.f32 v21, v8;
	v18 =	vld [tilespmem:s16+$0xC050];
	[tilespmem:s12+$0xC460] =	vst v14  }
0x238: {  	v7 =	vadd.f32 v16, v7;
	v16 =	vld [tilespmem:s16+$0xC060];
	[tilespmem:s12+$0xC470] =	vst v15;
	s12 =	smov.u32 s16  }
0x239: {  	[tilespmem:s12+$0xC000] =	vst v8;
	v6 =	vadd.f32 v17, v6;
	v17 =	vld [tilespmem:s12+$0xC070]  }
0x23a: {  	[tilespmem:s12+$0xC010] =	vst v7;
	v5 =	vadd.f32 v20, v5;
	v20 =	vld [tilespmem:s12+$0xC400]  }
.Ltmp12:
0x23b: {  	[tilespmem:s12+$0xC020] =	vst v6;
	v4 =	vadd.f32 v19, v4;
	v19 =	vld [tilespmem:s12+$0xC410];
	(pc) =	sbr.rel @p0 .LBB2_26-.Ltmp12, $4  }
0x23c: {  	[tilespmem:s12+$0xC030] =	vst v5;
	v3 =	vadd.f32 v18, v3;
	v18 =	vld [tilespmem:s12+$0xC420]  }
0x23d: {  	[tilespmem:s12+$0xC040] =	vst v4;
	v2 =	vadd.f32 v16, v2;
	v16 =	vld [tilespmem:s12+$0xC430]  }
0x23e: {  	[tilespmem:s12+$0xC050] =	vst v3;
	v1 =	vadd.f32 v17, v1;
	v17 =	vld [tilespmem:s12+$0xC440]  }
0x23f: {  	s13 =	sadd.s32 $0x80, s13;
	s14 =	sadd.s32 $0x100, s14;
	[tilespmem:s12+$0xC060] =	vst v2;
	v0 =	vadd.f32 v20, v0;
	v20 =	vld [tilespmem:s12+$0xC450]  }
0x240: {  	[tilespmem:s12+$0xC070] =	vst v1;
	v57 =	vadd.f32 v19, v9;
	v2 =	vld [tilespmem:s12+$0xC460]  }
0x241: {  	v3 =	vld [tilespmem:s12+$0xC470];
	[tilespmem:s12+$0xC400] =	vst v0;
	v58 =	vadd.f32 v18, v10  }
0x242: {  	[tilespmem:s12+$0xC410] =	vst v57;
	v59 =	vadd.f32 v16, v11  }
0x243: {  	[tilespmem:s12+$0xC420] =	vst v58;
	v60 =	vadd.f32 v17, v12  }
0x244: {  	[tilespmem:s12+$0xC430] =	vst v59;
	v61 =	vadd.f32 v20, v13  }
0x245: {  	[tilespmem:s12+$0xC440] =	vst v60;
	v62 =	vadd.f32 v2, v14  }
0x246: {  	v63 =	vadd.f32 v3, v15;
	[tilespmem:s12+$0xC450] =	vst v61  }
0x247: {  	[tilespmem:s12+$0xC460] =	vst v62  }
0x248: {  	s22 =	rddreg [dreg:$0x10];
	[tilespmem:s12+$0xC470] =	vst v63  }
0x249: {  	[hbm4b:s22+s24] =	stream.strided.scatter [tilespmem:s30], [sflag:$0x8], $0x4000, s25, s24, $0x38;
	[tilespmem:$0x10000] =	vst v63  }
0x24a: {  	_ =	swait.ge [sflag:s7], $0x4000  }
0x24b: {  	[sflag:s7] =	ssyncset.done $0x0  }
0x24c: {  	s11 =	sadd.s32 $0x1, s11;
	[sflag:s7] =	ssyncadd.s32 $0xFFFFC000  }
0x24d: {  	p0 =	sne.s32 s11, s23;
	_ =	swait.ge [sflag:s9], $0x4000  }
.Ltmp13:
0x24e: {  	[sflag:s9] =	ssyncset.done $0x0;
	(pc) =	sbr.rel @p0 .LBB2_1-.Ltmp13, $4  }
0x24f: {  	[sflag:s9] =	ssyncadd.s32 $0xFFFFC000  }
0x250: {  	_ =	swait.ge [sflag:s10], $0x4000  }
0x251: {  	[sflag:s10] =	ssyncset.done $0x0  }
0x252: {  	[sflag:s10] =	ssyncadd.s32 $0xFFFFC000  }
0x253: {  	_ =	sfence.sel $0x180000  }
0x254: {  	[bflag:$0x0] =	sbarrier.arrive $0xFFFF  }
0x255: {  	_ =	strace $0x90000047  }
0x256: {  	s0 =	stileid.u32;
	[bflag:$0x2] =	sbarrier.arrive $0xFFFF  }
0x257: {  	p0 =	sne.s32 s0, $0x0;
	s0 =	rddreg [dreg:$0x2]  }
0x258: {  	s0 =	sadd.s32 @!p0 $0x100000, s0  }
0x259: {  	[sflag:s0] =	ssyncadd.tile.s32 @!p0 $0x1;
	_ =	shalt  }
.Lfunc_end2:
_tile_overlayer_lowered:
.L_overlay_start_2:
0x25a: {  	(tag) =	ssettag $0x2  }
0x25b: {  	s0 =	rddreg [dreg:$0x0];
	s2 =	stileid.u32  }
0x25c: {  	s1 =	rddreg [dreg:$0x1];
	p0 =	sne.s32 s2, $0x0  }
0x25d: {  	s3 =	rddreg [dreg:$0x2];
	[bflag:$0x3] =	sbarrier.arrive $0xFFFF;
	s2 =	simm.s32 @!p0 $0x1C09  }
0x25e: {  	[timem:s3], [sflag:s2] =	dma.local @!p0 [hbm:s0], s1  }
0x25f: {  	s0 =	simm.s32 @!p0 $0x9  }
0x260: {  	_ =	swait.ge @!p0 [sflag:s0], s1  }
0x261: {  	s1 =	ssub.s32 @!p0 $0x0, s1;
	[sflag:s0] =	ssyncset.done @!p0 $0x0  }
0x262: {  	[sflag:s0] =	ssyncadd.s32 @!p0 s1  }
0x263: {  	[bflag:$0x3] =	sbarrier.arrive $0xFFFF  }
0x264: {  	_ =	shalt  }

</sc_bundles>
